<compile_context>
chip_gen: v7x
topology: tpu7x:2x2x1
jax: 0.10.2.dev20260603
libtpu: 0.0.44.dev20260713+nightly
codegen_flags: <defaults>
</compile_context>

<pallas_src>
import functools

import jax
import jax.numpy as jnp
from jax import lax
from jax.experimental import pallas as pl
from jax.experimental.pallas import tpu as pltpu
from jax.experimental.pallas import tpu_sc as plsc

B = 16384
D = 20
NC = 2
NS = 16
L = 16
NW = NC * NS
BPW = B // NW
CHUNK = 128
NCH = BPW // CHUNK
NR = 3
U_OOV = 1000000
UR8 = 2500002
IR8 = 2500000


def _make_kernel():
  mesh = plsc.VectorSubcoreMesh(core_axis_name="c", subcore_axis_name="s")

  @functools.partial(
      pl.kernel,
      mesh=mesh,
      compiler_params=pltpu.CompilerParams(
          needs_layout_passes=False, use_tc_tiling_on_sc=False),
      out_type=jax.ShapeDtypeStruct((B,), jnp.float32),
      scratch_types=[
          pltpu.VMEM((BPW,), jnp.int32),
          pltpu.VMEM((BPW,), jnp.int32),
          pltpu.VMEM((NCH * NR, CHUNK), jnp.int32),
          pltpu.VMEM((NCH * NR, CHUNK), jnp.int32),
          pltpu.VMEM((NCH * NR * CHUNK, 8), jnp.float32),
          pltpu.VMEM((NCH * NR * CHUNK, 8), jnp.float32),
          pltpu.VMEM((32,), jnp.float32),
          pltpu.VMEM((BPW,), jnp.float32),
          pltpu.SemaphoreType.DMA,
      ],
  )
  def k(uidx_hbm, iidx_hbm, ut8_hbm, it8_hbm, oov_hbm, out_hbm,
        uidx_v, iidx_v, uw_v, iw_v, ug_v, ig_v, oov_v, out_v, sem):
    wid = lax.axis_index("s") * NC + lax.axis_index("c")
    base = wid * BPW

    pltpu.sync_copy(uidx_hbm.at[pl.ds(base, BPW)], uidx_v)
    pltpu.sync_copy(iidx_hbm.at[pl.ds(base, BPW)], iidx_v)
    pltpu.sync_copy(oov_hbm, oov_v)

    for c in range(NCH):
      for l in range(CHUNK // L):
        uiv = uidx_v[pl.ds(c * CHUNK + l * L, L)]
        iiv = iidx_v[pl.ds(c * CHUNK + l * L, L)]
        uw = lax.shift_right_logical(uiv * 5, 1)
        iw = lax.shift_right_logical(iiv * 5, 1)
        for r in range(NR):
          uw_v[c * NR + r, pl.ds(l * L, L)] = jnp.minimum(uw + r, UR8 - 1)
          iw_v[c * NR + r, pl.ds(l * L, L)] = iw + r

    cps = []
    for m in range(NCH * NR):
      cps.append(pltpu.async_copy(
          ut8_hbm.at[uw_v.at[m]], ug_v.at[pl.ds(m * CHUNK, CHUNK)], sem))
      cps.append(pltpu.async_copy(
          it8_hbm.at[iw_v.at[m]], ig_v.at[pl.ds(m * CHUNK, CHUNK)], sem))
    for cp in cps:
      cp.wait()

    iot = lax.iota(jnp.int32, L)

    def body(g, carry):
      c = g // (CHUNK // L)
      t = (g % (CHUNK // L)) * L + iot
      uiv = uidx_v[pl.ds(g * L, L)]
      iiv = iidx_v[pl.ds(g * L, L)]
      uoff = (uiv & 1) * 4
      ioff = (iiv & 1) * 4
      ubase = c * (NR * CHUNK) + t
      sel = uiv == U_OOV
      acc = jnp.zeros((L,), jnp.float32)
      for d in range(D):
        ud = uoff + d
        idd = ioff + d
        uu = plsc.load_gather(
            ug_v, [lax.shift_right_logical(ud, 3) * CHUNK + ubase, ud & 7])
        vv = plsc.load_gather(
            ig_v, [lax.shift_right_logical(idd, 3) * CHUNK + ubase, idd & 7])
        ov = plsc.load_gather(oov_v, [jnp.full((L,), d, jnp.int32)])
        acc = acc + jnp.where(sel, ov, uu) * vv
      out_v[pl.ds(g * L, L)] = acc
      return carry

    lax.fori_loop(0, BPW // L, body, 0)

    pltpu.sync_copy(out_v, out_hbm.at[pl.ds(base, BPW)])

  return k


def kernel(user_idx, item_idx, user_table, item_table):
  uflat = jnp.reshape(user_table, (-1,))
  ut8 = jnp.reshape(lax.slice(uflat, (0,), (UR8 * 8,)), (UR8, 8))
  it8 = jnp.reshape(item_table, (IR8, 8))
  oov = jnp.pad(user_table[U_OOV], (0, 32 - D))
  out = _make_kernel()(
      user_idx.astype(jnp.int32), item_idx.astype(jnp.int32),
      ut8, it8, oov)
  return out[:, None]

# --- scband reference (transcript-rebuilt; emitter-appended) ---
"""Pipeline reference for scband-mfmodel-64166811402313 (READ-ONLY COPY).

The authoritative reference and input builder live on the scoring server;
editing this copy changes nothing except your own understanding.
"""

import jax, jax.numpy as jnp
import numpy as np

B = 16384
U = 1000000
I = 1000000
D = 20

def setup_inputs(seed: int = 0) -> dict:
    key = jax.random.key(seed)
    k1, k2, k3, k4 = jax.random.split(key, 4)
    user_idx = jax.random.randint(k1, (B,), 0, U)
    item_idx = jax.random.randint(k2, (B,), 0, I)
    # user Embedding has vocab len+1 (StringLookup OOV slot), item has vocab len (as in original)
    user_table = jax.random.normal(k3, (U + 1, D), dtype=jnp.float32) * 0.05
    item_table = jax.random.normal(k4, (I, D), dtype=jnp.float32) * 0.05
    return {"user_idx": user_idx, "item_idx": item_idx, "user_table": user_table, "item_table": item_table}

def reference(user_idx, item_idx, user_table, item_table):
    # StringLookup -> integer ids (modeled directly as int indices)
    user_embedding = jnp.take(user_table, user_idx, axis=0)          # [B, 20] (Flatten of [B,1,20])
    positive_item_embedding = jnp.take(item_table, item_idx, axis=0)  # [B, 20]
    # Dot(axes=1, normalize=False) -> [B, 1]
    positive_similarity = jnp.sum(user_embedding * positive_item_embedding, axis=1, keepdims=True)
    return positive_similarity

if __name__ == "__main__":
    import jax
    _d = setup_inputs()
    print(jax.jit(kernel)(*tuple(_d.values())))

</pallas_src>

<mosaic_0001>
#map = affine_map<(d0, d1) -> (0)>
#map1 = affine_map<(d0, d1) -> (0, 0)>
module attributes {stable_mosaic.version = 14 : i64} {
  func.func @k(%arg0: i32, %arg1: i32, %arg2: memref<16384xi32, #tpu.memory_space<hbm>>, %arg3: memref<16384xi32, #tpu.memory_space<hbm>>, %arg4: memref<2500002x8xf32, #tpu.memory_space<hbm>>, %arg5: memref<2500000x8xf32, #tpu.memory_space<hbm>>, %arg6: memref<32xf32, #tpu.memory_space<hbm>>, %arg7: memref<16384xf32, #tpu.memory_space<hbm>>, %arg8: memref<512xi32, #tpu.memory_space<vmem>>, %arg9: memref<512xi32, #tpu.memory_space<vmem>>, %arg10: memref<12x128xi32, #tpu.memory_space<vmem>>, %arg11: memref<12x128xi32, #tpu.memory_space<vmem>>, %arg12: memref<1536x8xf32, #tpu.memory_space<vmem>>, %arg13: memref<1536x8xf32, #tpu.memory_space<vmem>>, %arg14: memref<32xf32, #tpu.memory_space<vmem>>, %arg15: memref<512xf32, #tpu.memory_space<vmem>>, %arg16: memref<!tpu.dma_semaphore, #tpu.memory_space<semaphore_mem>>) attributes {dimension_semantics = [#tpu.dimension_semantics<core_parallel>, #tpu.dimension_semantics<subcore_parallel>], iteration_bounds = array<i64: 2, 16>, scalar_prefetch = 0 : i64, scratch_operands = 9 : i64, tpu.core_type = #tpu.core_type<sc_vector_subcore>, window_params = [{transform_indices = #map}, {transform_indices = #map}, {transform_indices = #map1}, {transform_indices = #map1}, {transform_indices = #map}, {transform_indices = #map}]} {
    %mul3A = arith.constant 2 : i32
    %mul3A_0 = arith.muli %arg1, %mul3A : i32
    %add3A = arith.addi %mul3A_0, %arg0 : i32
    %mul3A_1 = arith.constant 512 : i32
    %mul3A_2 = arith.muli %add3A, %mul3A_1 : i32
    "tpu.region"() ({
      %run_scoped3A = tpu.sem_alloc : memref<!tpu.dma_semaphore, #tpu.memory_space<semaphore_mem>>
      %dma_start3A_2626 = tpu.memref_slice %arg2[%mul3A_2] : memref<16384xi32, #tpu.memory_space<hbm>> -> memref<512xi32, #tpu.memory_space<hbm>>
      %dma_start3A_2627 = tpu.memref_slice %arg2[%mul3A_2] : memref<16384xi32, #tpu.memory_space<hbm>> -> memref<512xi32, #tpu.memory_space<hbm>>
      tpu.enqueue_dma source(%dma_start3A_2627 : memref<512xi32, #tpu.memory_space<hbm>>) target(%arg8 : memref<512xi32, #tpu.memory_space<vmem>>) target_semaphore(%run_scoped3A : memref<!tpu.dma_semaphore, #tpu.memory_space<semaphore_mem>>)
      %dma_wait3A_2628 = tpu.memref_slice %arg2[%mul3A_2] : memref<16384xi32, #tpu.memory_space<hbm>> -> memref<512xi32, #tpu.memory_space<hbm>>
      %dma_wait3A_2629 = tpu.memref_slice %arg2[%mul3A_2] : memref<16384xi32, #tpu.memory_space<hbm>> -> memref<512xi32, #tpu.memory_space<hbm>>
      tpu.wait_dma2 semaphore(%run_scoped3A : memref<!tpu.dma_semaphore, #tpu.memory_space<semaphore_mem>>) src(%dma_wait3A_2629 : memref<512xi32, #tpu.memory_space<hbm>>) dst(%arg8 : memref<512xi32, #tpu.memory_space<vmem>>)
      tpu.yield
    }) : () -> ()
    "tpu.region"() ({
      %run_scoped3A = tpu.sem_alloc : memref<!tpu.dma_semaphore, #tpu.memory_space<semaphore_mem>>
      %dma_start3A_2626 = tpu.memref_slice %arg3[%mul3A_2] : memref<16384xi32, #tpu.memory_space<hbm>> -> memref<512xi32, #tpu.memory_space<hbm>>
      %dma_start3A_2627 = tpu.memref_slice %arg3[%mul3A_2] : memref<16384xi32, #tpu.memory_space<hbm>> -> memref<512xi32, #tpu.memory_space<hbm>>
      tpu.enqueue_dma source(%dma_start3A_2627 : memref<512xi32, #tpu.memory_space<hbm>>) target(%arg9 : memref<512xi32, #tpu.memory_space<vmem>>) target_semaphore(%run_scoped3A : memref<!tpu.dma_semaphore, #tpu.memory_space<semaphore_mem>>)
      %dma_wait3A_2628 = tpu.memref_slice %arg3[%mul3A_2] : memref<16384xi32, #tpu.memory_space<hbm>> -> memref<512xi32, #tpu.memory_space<hbm>>
      %dma_wait3A_2629 = tpu.memref_slice %arg3[%mul3A_2] : memref<16384xi32, #tpu.memory_space<hbm>> -> memref<512xi32, #tpu.memory_space<hbm>>
      tpu.wait_dma2 semaphore(%run_scoped3A : memref<!tpu.dma_semaphore, #tpu.memory_space<semaphore_mem>>) src(%dma_wait3A_2629 : memref<512xi32, #tpu.memory_space<hbm>>) dst(%arg9 : memref<512xi32, #tpu.memory_space<vmem>>)
      tpu.yield
    }) : () -> ()
    "tpu.region"() ({
      %run_scoped3A = tpu.sem_alloc : memref<!tpu.dma_semaphore, #tpu.memory_space<semaphore_mem>>
      tpu.enqueue_dma source(%arg6 : memref<32xf32, #tpu.memory_space<hbm>>) target(%arg14 : memref<32xf32, #tpu.memory_space<vmem>>) target_semaphore(%run_scoped3A : memref<!tpu.dma_semaphore, #tpu.memory_space<semaphore_mem>>)
      tpu.wait_dma2 semaphore(%run_scoped3A : memref<!tpu.dma_semaphore, #tpu.memory_space<semaphore_mem>>) src(%arg6 : memref<32xf32, #tpu.memory_space<hbm>>) dst(%arg14 : memref<32xf32, #tpu.memory_space<vmem>>)
      tpu.yield
    }) : () -> ()
    %get3A = arith.constant 0 : index
    %get3A_3 = tpu.vector_load %arg8[%get3A] {strides = array<i32>} : memref<512xi32, #tpu.memory_space<vmem>>, vector<16xi32>,
    %get3A_4 = arith.constant 0 : index
    %get3A_5 = tpu.vector_load %arg9[%get3A_4] {strides = array<i32>} : memref<512xi32, #tpu.memory_space<vmem>>, vector<16xi32>,
    %mul3A_6 = arith.constant 5 : i32
    %mul3A_7 = vector.broadcast %mul3A_6 : i32 to vector<16xi32>
    %mul3A_8 = arith.muli %get3A_3, %mul3A_7 : vector<16xi32>
    %shift_right_logical3A = arith.constant 1 : i32
    %shift_right_logical3A_9 = vector.broadcast %shift_right_logical3A : i32 to vector<16xi32>
    %shift_right_logical3A_10 = arith.shrui %mul3A_8, %shift_right_logical3A_9 : vector<16xi32>
    %mul3A_11 = arith.constant 5 : i32
    %mul3A_12 = vector.broadcast %mul3A_11 : i32 to vector<16xi32>
    %mul3A_13 = arith.muli %get3A_5, %mul3A_12 : vector<16xi32>
    %shift_right_logical3A_14 = arith.constant 1 : i32
    %shift_right_logical3A_15 = vector.broadcast %shift_right_logical3A_14 : i32 to vector<16xi32>
    %shift_right_logical3A_16 = arith.shrui %mul3A_13, %shift_right_logical3A_15 : vector<16xi32>
    %add3A_17 = arith.constant 0 : i32
    %add3A_18 = vector.broadcast %add3A_17 : i32 to vector<16xi32>
    %add3A_19 = arith.addi %shift_right_logical3A_10, %add3A_18 : vector<16xi32>
    %min3A = arith.constant 2500001 : i32
    %min3A_20 = vector.broadcast %min3A : i32 to vector<16xi32>
    %min3A_21 = arith.minsi %add3A_19, %min3A_20 : vector<16xi32>
    %swap3A = arith.constant 0 : i32
    %swap3A_22 = arith.index_cast %swap3A : i32 to index
    %swap3A_23 = arith.constant 0 : index
    %swap3A_24 = tpu.vector_load %arg10[%swap3A_22, %swap3A_23] {strides = array<i32>} : memref<12x128xi32, #tpu.memory_space<vmem>>, vector<16xi32>,
    tpu.vector_store %arg10[%swap3A_22, %swap3A_23], %min3A_21 {strides = array<i32>} : memref<12x128xi32, #tpu.memory_space<vmem>>, vector<16xi32>,
    %add3A_25 = arith.constant 0 : i32
    %add3A_26 = vector.broadcast %add3A_25 : i32 to vector<16xi32>
    %add3A_27 = arith.addi %shift_right_logical3A_16, %add3A_26 : vector<16xi32>
    %swap3A_28 = arith.constant 0 : i32
    %swap3A_29 = arith.index_cast %swap3A_28 : i32 to index
    %swap3A_30 = arith.constant 0 : index
    %swap3A_31 = tpu.vector_load %arg11[%swap3A_29, %swap3A_30] {strides = array<i32>} : memref<12x128xi32, #tpu.memory_space<vmem>>, vector<16xi32>,
    tpu.vector_store %arg11[%swap3A_29, %swap3A_30], %add3A_27 {strides = array<i32>} : memref<12x128xi32, #tpu.memory_space<vmem>>, vector<16xi32>,
    %add3A_32 = arith.constant 1 : i32
    %add3A_33 = vector.broadcast %add3A_32 : i32 to vector<16xi32>
    %add3A_34 = arith.addi %shift_right_logical3A_10, %add3A_33 : vector<16xi32>
    %min3A_35 = arith.constant 2500001 : i32
    %min3A_36 = vector.broadcast %min3A_35 : i32 to vector<16xi32>
    %min3A_37 = arith.minsi %add3A_34, %min3A_36 : vector<16xi32>
    %swap3A_38 = arith.constant 1 : i32
    %swap3A_39 = arith.index_cast %swap3A_38 : i32 to index
    %swap3A_40 = arith.constant 0 : index
    %swap3A_41 = tpu.vector_load %arg10[%swap3A_39, %swap3A_40] {strides = array<i32>} : memref<12x128xi32, #tpu.memory_space<vmem>>, vector<16xi32>,
    tpu.vector_store %arg10[%swap3A_39, %swap3A_40], %min3A_37 {strides = array<i32>} : memref<12x128xi32, #tpu.memory_space<vmem>>, vector<16xi32>,
    %add3A_42 = arith.constant 1 : i32
    %add3A_43 = vector.broadcast %add3A_42 : i32 to vector<16xi32>
    %add3A_44 = arith.addi %shift_right_logical3A_16, %add3A_43 : vector<16xi32>
    %swap3A_45 = arith.constant 1 : i32
    %swap3A_46 = arith.index_cast %swap3A_45 : i32 to index
    %swap3A_47 = arith.constant 0 : index
    %swap3A_48 = tpu.vector_load %arg11[%swap3A_46, %swap3A_47] {strides = array<i32>} : memref<12x128xi32, #tpu.memory_space<vmem>>, vector<16xi32>,
    tpu.vector_store %arg11[%swap3A_46, %swap3A_47], %add3A_44 {strides = array<i32>} : memref<12x128xi32, #tpu.memory_space<vmem>>, vector<16xi32>,
    %add3A_49 = arith.constant 2 : i32
    %add3A_50 = vector.broadcast %add3A_49 : i32 to vector<16xi32>
    %add3A_51 = arith.addi %shift_right_logical3A_10, %add3A_50 : vector<16xi32>
    %min3A_52 = arith.constant 2500001 : i32
    %min3A_53 = vector.broadcast %min3A_52 : i32 to vector<16xi32>
    %min3A_54 = arith.minsi %add3A_51, %min3A_53 : vector<16xi32>
    %swap3A_55 = arith.constant 2 : i32
    %swap3A_56 = arith.index_cast %swap3A_55 : i32 to index
    %swap3A_57 = arith.constant 0 : index
    %swap3A_58 = tpu.vector_load %arg10[%swap3A_56, %swap3A_57] {strides = array<i32>} : memref<12x128xi32, #tpu.memory_space<vmem>>, vector<16xi32>,
    tpu.vector_store %arg10[%swap3A_56, %swap3A_57], %min3A_54 {strides = array<i32>} : memref<12x128xi32, #tpu.memory_space<vmem>>, vector<16xi32>,
    %add3A_59 = arith.constant 2 : i32
    %add3A_60 = vector.broadcast %add3A_59 : i32 to vector<16xi32>
    %add3A_61 = arith.addi %shift_right_logical3A_16, %add3A_60 : vector<16xi32>
    %swap3A_62 = arith.constant 2 : i32
    %swap3A_63 = arith.index_cast %swap3A_62 : i32 to index
    %swap3A_64 = arith.constant 0 : index
    %swap3A_65 = tpu.vector_load %arg11[%swap3A_63, %swap3A_64] {strides = array<i32>} : memref<12x128xi32, #tpu.memory_space<vmem>>, vector<16xi32>,
    tpu.vector_store %arg11[%swap3A_63, %swap3A_64], %add3A_61 {strides = array<i32>} : memref<12x128xi32, #tpu.memory_space<vmem>>, vector<16xi32>,
    %get3A_66 = arith.constant 16 : index
    %get3A_67 = tpu.vector_load %arg8[%get3A_66] {strides = array<i32>} : memref<512xi32, #tpu.memory_space<vmem>>, vector<16xi32>,
    %get3A_68 = arith.constant 16 : index
    %get3A_69 = tpu.vector_load %arg9[%get3A_68] {strides = array<i32>} : memref<512xi32, #tpu.memory_space<vmem>>, vector<16xi32>,
    %mul3A_70 = arith.constant 5 : i32
    %mul3A_71 = vector.broadcast %mul3A_70 : i32 to vector<16xi32>
    %mul3A_72 = arith.muli %get3A_67, %mul3A_71 : vector<16xi32>
    %shift_right_logical3A_73 = arith.constant 1 : i32
    %shift_right_logical3A_74 = vector.broadcast %shift_right_logical3A_73 : i32 to vector<16xi32>
    %shift_right_logical3A_75 = arith.shrui %mul3A_72, %shift_right_logical3A_74 : vector<16xi32>
    %mul3A_76 = arith.constant 5 : i32
    %mul3A_77 = vector.broadcast %mul3A_76 : i32 to vector<16xi32>
    %mul3A_78 = arith.muli %get3A_69, %mul3A_77 : vector<16xi32>
    %shift_right_logical3A_79 = arith.constant 1 : i32
    %shift_right_logical3A_80 = vector.broadcast %shift_right_logical3A_79 : i32 to vector<16xi32>
    %shift_right_logical3A_81 = arith.shrui %mul3A_78, %shift_right_logical3A_80 : vector<16xi32>
    %add3A_82 = arith.constant 0 : i32
    %add3A_83 = vector.broadcast %add3A_82 : i32 to vector<16xi32>
    %add3A_84 = arith.addi %shift_right_logical3A_75, %add3A_83 : vector<16xi32>
    %min3A_85 = arith.constant 2500001 : i32
    %min3A_86 = vector.broadcast %min3A_85 : i32 to vector<16xi32>
    %min3A_87 = arith.minsi %add3A_84, %min3A_86 : vector<16xi32>
    %swap3A_88 = arith.constant 0 : i32
    %swap3A_89 = arith.index_cast %swap3A_88 : i32 to index
    %swap3A_90 = arith.constant 16 : index
    %swap3A_91 = tpu.vector_load %arg10[%swap3A_89, %swap3A_90] {strides = array<i32>} : memref<12x128xi32, #tpu.memory_space<vmem>>, vector<16xi32>,
    tpu.vector_store %arg10[%swap3A_89, %swap3A_90], %min3A_87 {strides = array<i32>} : memref<12x128xi32, #tpu.memory_space<vmem>>, vector<16xi32>,
    %add3A_92 = arith.constant 0 : i32
    %add3A_93 = vector.broadcast %add3A_92 : i32 to vector<16xi32>
    %add3A_94 = arith.addi %shift_right_logical3A_81, %add3A_93 : vector<16xi32>
    %swap3A_95 = arith.constant 0 : i32
    %swap3A_96 = arith.index_cast %swap3A_95 : i32 to index
    %swap3A_97 = arith.constant 16 : index
    %swap3A_98 = tpu.vector_load %arg11[%swap3A_96, %swap3A_97] {strides = array<i32>} : memref<12x128xi32, #tpu.memory_space<vmem>>, vector<16xi32>,
    tpu.vector_store %arg11[%swap3A_96, %swap3A_97], %add3A_94 {strides = array<i32>} : memref<12x128xi32, #tpu.memory_space<vmem>>, vector<16xi32>,
    %add3A_99 = arith.constant 1 : i32
    %add3A_100 = vector.broadcast %add3A_99 : i32 to vector<16xi32>
    %add3A_101 = arith.addi %shift_right_logical3A_75, %add3A_100 : vector<16xi32>
    %min3A_102 = arith.constant 2500001 : i32
    %min3A_103 = vector.broadcast %min3A_102 : i32 to vector<16xi32>
    %min3A_104 = arith.minsi %add3A_101, %min3A_103 : vector<16xi32>
    %swap3A_105 = arith.constant 1 : i32
    %swap3A_106 = arith.index_cast %swap3A_105 : i32 to index
    %swap3A_107 = arith.constant 16 : index
    %swap3A_108 = tpu.vector_load %arg10[%swap3A_106, %swap3A_107] {strides = array<i32>} : memref<12x128xi32, #tpu.memory_space<vmem>>, vector<16xi32>,
    tpu.vector_store %arg10[%swap3A_106, %swap3A_107], %min3A_104 {strides = array<i32>} : memref<12x128xi32, #tpu.memory_space<vmem>>, vector<16xi32>,
    %add3A_109 = arith.constant 1 : i32
    %add3A_110 = vector.broadcast %add3A_109 : i32 to vector<16xi32>
    %add3A_111 = arith.addi %shift_right_logical3A_81, %add3A_110 : vector<16xi32>
    %swap3A_112 = arith.constant 1 : i32
    %swap3A_113 = arith.index_cast %swap3A_112 : i32 to index
    %swap3A_114 = arith.constant 16 : index
    %swap3A_115 = tpu.vector_load %arg11[%swap3A_113, %swap3A_114] {strides = array<i32>} : memref<12x128xi32, #tpu.memory_space<vmem>>, vector<16xi32>,
    tpu.vector_store %arg11[%swap3A_113, %swap3A_114], %add3A_111 {strides = array<i32>} : memref<12x128xi32, #tpu.memory_space<vmem>>, vector<16xi32>,
    %add3A_116 = arith.constant 2 : i32
    %add3A_117 = vector.broadcast %add3A_116 : i32 to vector<16xi32>
    %add3A_118 = arith.addi %shift_right_logical3A_75, %add3A_117 : vector<16xi32>
    %min3A_119 = arith.constant 2500001 : i32
    %min3A_120 = vector.broadcast %min3A_119 : i32 to vector<16xi32>
    %min3A_121 = arith.minsi %add3A_118, %min3A_120 : vector<16xi32>
    %swap3A_122 = arith.constant 2 : i32
    %swap3A_123 = arith.index_cast %swap3A_122 : i32 to index
    %swap3A_124 = arith.constant 16 : index
    %swap3A_125 = tpu.vector_load %arg10[%swap3A_123, %swap3A_124] {strides = array<i32>} : memref<12x128xi32, #tpu.memory_space<vmem>>, vector<16xi32>,
    tpu.vector_store %arg10[%swap3A_123, %swap3A_124], %min3A_121 {strides = array<i32>} : memref<12x128xi32, #tpu.memory_space<vmem>>, vector<16xi32>,
    %add3A_126 = arith.constant 2 : i32
    %add3A_127 = vector.broadcast %add3A_126 : i32 to vector<16xi32>
    %add3A_128 = arith.addi %shift_right_logical3A_81, %add3A_127 : vector<16xi32>
    %swap3A_129 = arith.constant 2 : i32
    %swap3A_130 = arith.index_cast %swap3A_129 : i32 to index
    %swap3A_131 = arith.constant 16 : index
    %swap3A_132 = tpu.vector_load %arg11[%swap3A_130, %swap3A_131] {strides = array<i32>} : memref<12x128xi32, #tpu.memory_space<vmem>>, vector<16xi32>,
    tpu.vector_store %arg11[%swap3A_130, %swap3A_131], %add3A_128 {strides = array<i32>} : memref<12x128xi32, #tpu.memory_space<vmem>>, vector<16xi32>,
    %get3A_133 = arith.constant 32 : index
    %get3A_134 = tpu.vector_load %arg8[%get3A_133] {strides = array<i32>} : memref<512xi32, #tpu.memory_space<vmem>>, vector<16xi32>,
    %get3A_135 = arith.constant 32 : index
    %get3A_136 = tpu.vector_load %arg9[%get3A_135] {strides = array<i32>} : memref<512xi32, #tpu.memory_space<vmem>>, vector<16xi32>,
    %mul3A_137 = arith.constant 5 : i32
    %mul3A_138 = vector.broadcast %mul3A_137 : i32 to vector<16xi32>
    %mul3A_139 = arith.muli %get3A_134, %mul3A_138 : vector<16xi32>
    %shift_right_logical3A_140 = arith.constant 1 : i32
    %shift_right_logical3A_141 = vector.broadcast %shift_right_logical3A_140 : i32 to vector<16xi32>
    %shift_right_logical3A_142 = arith.shrui %mul3A_139, %shift_right_logical3A_141 : vector<16xi32>
    %mul3A_143 = arith.constant 5 : i32
    %mul3A_144 = vector.broadcast %mul3A_143 : i32 to vector<16xi32>
    %mul3A_145 = arith.muli %get3A_136, %mul3A_144 : vector<16xi32>
    %shift_right_logical3A_146 = arith.constant 1 : i32
    %shift_right_logical3A_147 = vector.broadcast %shift_right_logical3A_146 : i32 to vector<16xi32>
    %shift_right_logical3A_148 = arith.shrui %mul3A_145, %shift_right_logical3A_147 : vector<16xi32>
    %add3A_149 = arith.constant 0 : i32
    %add3A_150 = vector.broadcast %add3A_149 : i32 to vector<16xi32>
    %add3A_151 = arith.addi %shift_right_logical3A_142, %add3A_150 : vector<16xi32>
    %min3A_152 = arith.constant 2500001 : i32
    %min3A_153 = vector.broadcast %min3A_152 : i32 to vector<16xi32>
    %min3A_154 = arith.minsi %add3A_151, %min3A_153 : vector<16xi32>
    %swap3A_155 = arith.constant 0 : i32
    %swap3A_156 = arith.index_cast %swap3A_155 : i32 to index
    %swap3A_157 = arith.constant 32 : index
    %swap3A_158 = tpu.vector_load %arg10[%swap3A_156, %swap3A_157] {strides = array<i32>} : memref<12x128xi32, #tpu.memory_space<vmem>>, vector<16xi32>,
    tpu.vector_store %arg10[%swap3A_156, %swap3A_157], %min3A_154 {strides = array<i32>} : memref<12x128xi32, #tpu.memory_space<vmem>>, vector<16xi32>,
    %add3A_159 = arith.constant 0 : i32
    %add3A_160 = vector.broadcast %add3A_159 : i32 to vector<16xi32>
    %add3A_161 = arith.addi %shift_right_logical3A_148, %add3A_160 : vector<16xi32>
    %swap3A_162 = arith.constant 0 : i32
    %swap3A_163 = arith.index_cast %swap3A_162 : i32 to index
    %swap3A_164 = arith.constant 32 : index
    %swap3A_165 = tpu.vector_load %arg11[%swap3A_163, %swap3A_164] {strides = array<i32>} : memref<12x128xi32, #tpu.memory_space<vmem>>, vector<16xi32>,
    tpu.vector_store %arg11[%swap3A_163, %swap3A_164], %add3A_161 {strides = array<i32>} : memref<12x128xi32, #tpu.memory_space<vmem>>, vector<16xi32>,
    %add3A_166 = arith.constant 1 : i32
    %add3A_167 = vector.broadcast %add3A_166 : i32 to vector<16xi32>
    %add3A_168 = arith.addi %shift_right_logical3A_142, %add3A_167 : vector<16xi32>
    %min3A_169 = arith.constant 2500001 : i32
    %min3A_170 = vector.broadcast %min3A_169 : i32 to vector<16xi32>
    %min3A_171 = arith.minsi %add3A_168, %min3A_170 : vector<16xi32>
    %swap3A_172 = arith.constant 1 : i32
    %swap3A_173 = arith.index_cast %swap3A_172 : i32 to index
    %swap3A_174 = arith.constant 32 : index
    %swap3A_175 = tpu.vector_load %arg10[%swap3A_173, %swap3A_174] {strides = array<i32>} : memref<12x128xi32, #tpu.memory_space<vmem>>, vector<16xi32>,
    tpu.vector_store %arg10[%swap3A_173, %swap3A_174], %min3A_171 {strides = array<i32>} : memref<12x128xi32, #tpu.memory_space<vmem>>, vector<16xi32>,
    %add3A_176 = arith.constant 1 : i32
    %add3A_177 = vector.broadcast %add3A_176 : i32 to vector<16xi32>
    %add3A_178 = arith.addi %shift_right_logical3A_148, %add3A_177 : vector<16xi32>
    %swap3A_179 = arith.constant 1 : i32
    %swap3A_180 = arith.index_cast %swap3A_179 : i32 to index
    %swap3A_181 = arith.constant 32 : index
    %swap3A_182 = tpu.vector_load %arg11[%swap3A_180, %swap3A_181] {strides = array<i32>} : memref<12x128xi32, #tpu.memory_space<vmem>>, vector<16xi32>,
    tpu.vector_store %arg11[%swap3A_180, %swap3A_181], %add3A_178 {strides = array<i32>} : memref<12x128xi32, #tpu.memory_space<vmem>>, vector<16xi32>,
    %add3A_183 = arith.constant 2 : i32
    %add3A_184 = vector.broadcast %add3A_183 : i32 to vector<16xi32>
    %add3A_185 = arith.addi %shift_right_logical3A_142, %add3A_184 : vector<16xi32>
    %min3A_186 = arith.constant 2500001 : i32
    %min3A_187 = vector.broadcast %min3A_186 : i32 to vector<16xi32>
    %min3A_188 = arith.minsi %add3A_185, %min3A_187 : vector<16xi32>
    %swap3A_189 = arith.constant 2 : i32
    %swap3A_190 = arith.index_cast %swap3A_189 : i32 to index
    %swap3A_191 = arith.constant 32 : index
    %swap3A_192 = tpu.vector_load %arg10[%swap3A_190, %swap3A_191] {strides = array<i32>} : memref<12x128xi32, #tpu.memory_space<vmem>>, vector<16xi32>,
    tpu.vector_store %arg10[%swap3A_190, %swap3A_191], %min3A_188 {strides = array<i32>} : memref<12x128xi32, #tpu.memory_space<vmem>>, vector<16xi32>,
    %add3A_193 = arith.constant 2 : i32
    %add3A_194 = vector.broadcast %add3A_193 : i32 to vector<16xi32>
    %add3A_195 = arith.addi %shift_right_logical3A_148, %add3A_194 : vector<16xi32>
    %swap3A_196 = arith.constant 2 : i32
    %swap3A_197 = arith.index_cast %swap3A_196 : i32 to index
    %swap3A_198 = arith.constant 32 : index
    %swap3A_199 = tpu.vector_load %arg11[%swap3A_197, %swap3A_198] {strides = array<i32>} : memref<12x128xi32, #tpu.memory_space<vmem>>, vector<16xi32>,
    tpu.vector_store %arg11[%swap3A_197, %swap3A_198], %add3A_195 {strides = array<i32>} : memref<12x128xi32, #tpu.memory_space<vmem>>, vector<16xi32>,
    %get3A_200 = arith.constant 48 : index
    %get3A_201 = tpu.vector_load %arg8[%get3A_200] {strides = array<i32>} : memref<512xi32, #tpu.memory_space<vmem>>, vector<16xi32>,
    %get3A_202 = arith.constant 48 : index
    %get3A_203 = tpu.vector_load %arg9[%get3A_202] {strides = array<i32>} : memref<512xi32, #tpu.memory_space<vmem>>, vector<16xi32>,
    %mul3A_204 = arith.constant 5 : i32
    %mul3A_205 = vector.broadcast %mul3A_204 : i32 to vector<16xi32>
    %mul3A_206 = arith.muli %get3A_201, %mul3A_205 : vector<16xi32>
    %shift_right_logical3A_207 = arith.constant 1 : i32
    %shift_right_logical3A_208 = vector.broadcast %shift_right_logical3A_207 : i32 to vector<16xi32>
    %shift_right_logical3A_209 = arith.shrui %mul3A_206, %shift_right_logical3A_208 : vector<16xi32>
    %mul3A_210 = arith.constant 5 : i32
    %mul3A_211 = vector.broadcast %mul3A_210 : i32 to vector<16xi32>
    %mul3A_212 = arith.muli %get3A_203, %mul3A_211 : vector<16xi32>
    %shift_right_logical3A_213 = arith.constant 1 : i32
    %shift_right_logical3A_214 = vector.broadcast %shift_right_logical3A_213 : i32 to vector<16xi32>
    %shift_right_logical3A_215 = arith.shrui %mul3A_212, %shift_right_logical3A_214 : vector<16xi32>
    %add3A_216 = arith.constant 0 : i32
    %add3A_217 = vector.broadcast %add3A_216 : i32 to vector<16xi32>
    %add3A_218 = arith.addi %shift_right_logical3A_209, %add3A_217 : vector<16xi32>
    %min3A_219 = arith.constant 2500001 : i32
    %min3A_220 = vector.broadcast %min3A_219 : i32 to vector<16xi32>
    %min3A_221 = arith.minsi %add3A_218, %min3A_220 : vector<16xi32>
    %swap3A_222 = arith.constant 0 : i32
    %swap3A_223 = arith.index_cast %swap3A_222 : i32 to index
    %swap3A_224 = arith.constant 48 : index
    %swap3A_225 = tpu.vector_load %arg10[%swap3A_223, %swap3A_224] {strides = array<i32>} : memref<12x128xi32, #tpu.memory_space<vmem>>, vector<16xi32>,
    tpu.vector_store %arg10[%swap3A_223, %swap3A_224], %min3A_221 {strides = array<i32>} : memref<12x128xi32, #tpu.memory_space<vmem>>, vector<16xi32>,
    %add3A_226 = arith.constant 0 : i32
    %add3A_227 = vector.broadcast %add3A_226 : i32 to vector<16xi32>
    %add3A_228 = arith.addi %shift_right_logical3A_215, %add3A_227 : vector<16xi32>
    %swap3A_229 = arith.constant 0 : i32
    %swap3A_230 = arith.index_cast %swap3A_229 : i32 to index
    %swap3A_231 = arith.constant 48 : index
    %swap3A_232 = tpu.vector_load %arg11[%swap3A_230, %swap3A_231] {strides = array<i32>} : memref<12x128xi32, #tpu.memory_space<vmem>>, vector<16xi32>,
    tpu.vector_store %arg11[%swap3A_230, %swap3A_231], %add3A_228 {strides = array<i32>} : memref<12x128xi32, #tpu.memory_space<vmem>>, vector<16xi32>,
    %add3A_233 = arith.constant 1 : i32
    %add3A_234 = vector.broadcast %add3A_233 : i32 to vector<16xi32>
    %add3A_235 = arith.addi %shift_right_logical3A_209, %add3A_234 : vector<16xi32>
    %min3A_236 = arith.constant 2500001 : i32
    %min3A_237 = vector.broadcast %min3A_236 : i32 to vector<16xi32>
    %min3A_238 = arith.minsi %add3A_235, %min3A_237 : vector<16xi32>
    %swap3A_239 = arith.constant 1 : i32
    %swap3A_240 = arith.index_cast %swap3A_239 : i32 to index
    %swap3A_241 = arith.constant 48 : index
    %swap3A_242 = tpu.vector_load %arg10[%swap3A_240, %swap3A_241] {strides = array<i32>} : memref<12x128xi32, #tpu.memory_space<vmem>>, vector<16xi32>,
    tpu.vector_store %arg10[%swap3A_240, %swap3A_241], %min3A_238 {strides = array<i32>} : memref<12x128xi32, #tpu.memory_space<vmem>>, vector<16xi32>,
    %add3A_243 = arith.constant 1 : i32
    %add3A_244 = vector.broadcast %add3A_243 : i32 to vector<16xi32>
    %add3A_245 = arith.addi %shift_right_logical3A_215, %add3A_244 : vector<16xi32>
    %swap3A_246 = arith.constant 1 : i32
    %swap3A_247 = arith.index_cast %swap3A_246 : i32 to index
    %swap3A_248 = arith.constant 48 : index
    %swap3A_249 = tpu.vector_load %arg11[%swap3A_247, %swap3A_248] {strides = array<i32>} : memref<12x128xi32, #tpu.memory_space<vmem>>, vector<16xi32>,
    tpu.vector_store %arg11[%swap3A_247, %swap3A_248], %add3A_245 {strides = array<i32>} : memref<12x128xi32, #tpu.memory_space<vmem>>, vector<16xi32>,
    %add3A_250 = arith.constant 2 : i32
    %add3A_251 = vector.broadcast %add3A_250 : i32 to vector<16xi32>
    %add3A_252 = arith.addi %shift_right_logical3A_209, %add3A_251 : vector<16xi32>
    %min3A_253 = arith.constant 2500001 : i32
    %min3A_254 = vector.broadcast %min3A_253 : i32 to vector<16xi32>
    %min3A_255 = arith.minsi %add3A_252, %min3A_254 : vector<16xi32>
    %swap3A_256 = arith.constant 2 : i32
    %swap3A_257 = arith.index_cast %swap3A_256 : i32 to index
    %swap3A_258 = arith.constant 48 : index
    %swap3A_259 = tpu.vector_load %arg10[%swap3A_257, %swap3A_258] {strides = array<i32>} : memref<12x128xi32, #tpu.memory_space<vmem>>, vector<16xi32>,
    tpu.vector_store %arg10[%swap3A_257, %swap3A_258], %min3A_255 {strides = array<i32>} : memref<12x128xi32, #tpu.memory_space<vmem>>, vector<16xi32>,
    %add3A_260 = arith.constant 2 : i32
    %add3A_261 = vector.broadcast %add3A_260 : i32 to vector<16xi32>
    %add3A_262 = arith.addi %shift_right_logical3A_215, %add3A_261 : vector<16xi32>
    %swap3A_263 = arith.constant 2 : i32
    %swap3A_264 = arith.index_cast %swap3A_263 : i32 to index
    %swap3A_265 = arith.constant 48 : index
    %swap3A_266 = tpu.vector_load %arg11[%swap3A_264, %swap3A_265] {strides = array<i32>} : memref<12x128xi32, #tpu.memory_space<vmem>>, vector<16xi32>,
    tpu.vector_store %arg11[%swap3A_264, %swap3A_265], %add3A_262 {strides = array<i32>} : memref<12x128xi32, #tpu.memory_space<vmem>>, vector<16xi32>,
    %get3A_267 = arith.constant 64 : index
    %get3A_268 = tpu.vector_load %arg8[%get3A_267] {strides = array<i32>} : memref<512xi32, #tpu.memory_space<vmem>>, vector<16xi32>,
    %get3A_269 = arith.constant 64 : index
    %get3A_270 = tpu.vector_load %arg9[%get3A_269] {strides = array<i32>} : memref<512xi32, #tpu.memory_space<vmem>>, vector<16xi32>,
    %mul3A_271 = arith.constant 5 : i32
    %mul3A_272 = vector.broadcast %mul3A_271 : i32 to vector<16xi32>
    %mul3A_273 = arith.muli %get3A_268, %mul3A_272 : vector<16xi32>
    %shift_right_logical3A_274 = arith.constant 1 : i32
    %shift_right_logical3A_275 = vector.broadcast %shift_right_logical3A_274 : i32 to vector<16xi32>
    %shift_right_logical3A_276 = arith.shrui %mul3A_273, %shift_right_logical3A_275 : vector<16xi32>
    %mul3A_277 = arith.constant 5 : i32
    %mul3A_278 = vector.broadcast %mul3A_277 : i32 to vector<16xi32>
    %mul3A_279 = arith.muli %get3A_270, %mul3A_278 : vector<16xi32>
    %shift_right_logical3A_280 = arith.constant 1 : i32
    %shift_right_logical3A_281 = vector.broadcast %shift_right_logical3A_280 : i32 to vector<16xi32>
    %shift_right_logical3A_282 = arith.shrui %mul3A_279, %shift_right_logical3A_281 : vector<16xi32>
    %add3A_283 = arith.constant 0 : i32
    %add3A_284 = vector.broadcast %add3A_283 : i32 to vector<16xi32>
    %add3A_285 = arith.addi %shift_right_logical3A_276, %add3A_284 : vector<16xi32>
    %min3A_286 = arith.constant 2500001 : i32
    %min3A_287 = vector.broadcast %min3A_286 : i32 to vector<16xi32>
    %min3A_288 = arith.minsi %add3A_285, %min3A_287 : vector<16xi32>
    %swap3A_289 = arith.constant 0 : i32
    %swap3A_290 = arith.index_cast %swap3A_289 : i32 to index
    %swap3A_291 = arith.constant 64 : index
    %swap3A_292 = tpu.vector_load %arg10[%swap3A_290, %swap3A_291] {strides = array<i32>} : memref<12x128xi32, #tpu.memory_space<vmem>>, vector<16xi32>,
    tpu.vector_store %arg10[%swap3A_290, %swap3A_291], %min3A_288 {strides = array<i32>} : memref<12x128xi32, #tpu.memory_space<vmem>>, vector<16xi32>,
    %add3A_293 = arith.constant 0 : i32
    %add3A_294 = vector.broadcast %add3A_293 : i32 to vector<16xi32>
    %add3A_295 = arith.addi %shift_right_logical3A_282, %add3A_294 : vector<16xi32>
    %swap3A_296 = arith.constant 0 : i32
    %swap3A_297 = arith.index_cast %swap3A_296 : i32 to index
    %swap3A_298 = arith.constant 64 : index
    %swap3A_299 = tpu.vector_load %arg11[%swap3A_297, %swap3A_298] {strides = array<i32>} : memref<12x128xi32, #tpu.memory_space<vmem>>, vector<16xi32>,
    tpu.vector_store %arg11[%swap3A_297, %swap3A_298], %add3A_295 {strides = array<i32>} : memref<12x128xi32, #tpu.memory_space<vmem>>, vector<16xi32>,
    %add3A_300 = arith.constant 1 : i32
    %add3A_301 = vector.broadcast %add3A_300 : i32 to vector<16xi32>
    %add3A_302 = arith.addi %shift_right_logical3A_276, %add3A_301 : vector<16xi32>
    %min3A_303 = arith.constant 2500001 : i32
    %min3A_304 = vector.broadcast %min3A_303 : i32 to vector<16xi32>
    %min3A_305 = arith.minsi %add3A_302, %min3A_304 : vector<16xi32>
    %swap3A_306 = arith.constant 1 : i32
    %swap3A_307 = arith.index_cast %swap3A_306 : i32 to index
    %swap3A_308 = arith.constant 64 : index
    %swap3A_309 = tpu.vector_load %arg10[%swap3A_307, %swap3A_308] {strides = array<i32>} : memref<12x128xi32, #tpu.memory_space<vmem>>, vector<16xi32>,
    tpu.vector_store %arg10[%swap3A_307, %swap3A_308], %min3A_305 {strides = array<i32>} : memref<12x128xi32, #tpu.memory_space<vmem>>, vector<16xi32>,
    %add3A_310 = arith.constant 1 : i32
    %add3A_311 = vector.broadcast %add3A_310 : i32 to vector<16xi32>
    %add3A_312 = arith.addi %shift_right_logical3A_282, %add3A_311 : vector<16xi32>
    %swap3A_313 = arith.constant 1 : i32
    %swap3A_314 = arith.index_cast %swap3A_313 : i32 to index
    %swap3A_315 = arith.constant 64 : index
    %swap3A_316 = tpu.vector_load %arg11[%swap3A_314, %swap3A_315] {strides = array<i32>} : memref<12x128xi32, #tpu.memory_space<vmem>>, vector<16xi32>,
    tpu.vector_store %arg11[%swap3A_314, %swap3A_315], %add3A_312 {strides = array<i32>} : memref<12x128xi32, #tpu.memory_space<vmem>>, vector<16xi32>,
    %add3A_317 = arith.constant 2 : i32
    %add3A_318 = vector.broadcast %add3A_317 : i32 to vector<16xi32>
    %add3A_319 = arith.addi %shift_right_logical3A_276, %add3A_318 : vector<16xi32>
    %min3A_320 = arith.constant 2500001 : i32
    %min3A_321 = vector.broadcast %min3A_320 : i32 to vector<16xi32>
    %min3A_322 = arith.minsi %add3A_319, %min3A_321 : vector<16xi32>
    %swap3A_323 = arith.constant 2 : i32
    %swap3A_324 = arith.index_cast %swap3A_323 : i32 to index
    %swap3A_325 = arith.constant 64 : index
    %swap3A_326 = tpu.vector_load %arg10[%swap3A_324, %swap3A_325] {strides = array<i32>} : memref<12x128xi32, #tpu.memory_space<vmem>>, vector<16xi32>,
    tpu.vector_store %arg10[%swap3A_324, %swap3A_325], %min3A_322 {strides = array<i32>} : memref<12x128xi32, #tpu.memory_space<vmem>>, vector<16xi32>,
    %add3A_327 = arith.constant 2 : i32
    %add3A_328 = vector.broadcast %add3A_327 : i32 to vector<16xi32>
    %add3A_329 = arith.addi %shift_right_logical3A_282, %add3A_328 : vector<16xi32>
    %swap3A_330 = arith.constant 2 : i32
    %swap3A_331 = arith.index_cast %swap3A_330 : i32 to index
    %swap3A_332 = arith.constant 64 : index
    %swap3A_333 = tpu.vector_load %arg11[%swap3A_331, %swap3A_332] {strides = array<i32>} : memref<12x128xi32, #tpu.memory_space<vmem>>, vector<16xi32>,
    tpu.vector_store %arg11[%swap3A_331, %swap3A_332], %add3A_329 {strides = array<i32>} : memref<12x128xi32, #tpu.memory_space<vmem>>, vector<16xi32>,
    %get3A_334 = arith.constant 80 : index
    %get3A_335 = tpu.vector_load %arg8[%get3A_334] {strides = array<i32>} : memref<512xi32, #tpu.memory_space<vmem>>, vector<16xi32>,
    %get3A_336 = arith.constant 80 : index
    %get3A_337 = tpu.vector_load %arg9[%get3A_336] {strides = array<i32>} : memref<512xi32, #tpu.memory_space<vmem>>, vector<16xi32>,
    %mul3A_338 = arith.constant 5 : i32
    %mul3A_339 = vector.broadcast %mul3A_338 : i32 to vector<16xi32>
    %mul3A_340 = arith.muli %get3A_335, %mul3A_339 : vector<16xi32>
    %shift_right_logical3A_341 = arith.constant 1 : i32
    %shift_right_logical3A_342 = vector.broadcast %shift_right_logical3A_341 : i32 to vector<16xi32>
    %shift_right_logical3A_343 = arith.shrui %mul3A_340, %shift_right_logical3A_342 : vector<16xi32>
    %mul3A_344 = arith.constant 5 : i32
    %mul3A_345 = vector.broadcast %mul3A_344 : i32 to vector<16xi32>
    %mul3A_346 = arith.muli %get3A_337, %mul3A_345 : vector<16xi32>
    %shift_right_logical3A_347 = arith.constant 1 : i32
    %shift_right_logical3A_348 = vector.broadcast %shift_right_logical3A_347 : i32 to vector<16xi32>
    %shift_right_logical3A_349 = arith.shrui %mul3A_346, %shift_right_logical3A_348 : vector<16xi32>
    %add3A_350 = arith.constant 0 : i32
    %add3A_351 = vector.broadcast %add3A_350 : i32 to vector<16xi32>
    %add3A_352 = arith.addi %shift_right_logical3A_343, %add3A_351 : vector<16xi32>
    %min3A_353 = arith.constant 2500001 : i32
    %min3A_354 = vector.broadcast %min3A_353 : i32 to vector<16xi32>
    %min3A_355 = arith.minsi %add3A_352, %min3A_354 : vector<16xi32>
    %swap3A_356 = arith.constant 0 : i32
    %swap3A_357 = arith.index_cast %swap3A_356 : i32 to index
    %swap3A_358 = arith.constant 80 : index
    %swap3A_359 = tpu.vector_load %arg10[%swap3A_357, %swap3A_358] {strides = array<i32>} : memref<12x128xi32, #tpu.memory_space<vmem>>, vector<16xi32>,
    tpu.vector_store %arg10[%swap3A_357, %swap3A_358], %min3A_355 {strides = array<i32>} : memref<12x128xi32, #tpu.memory_space<vmem>>, vector<16xi32>,
    %add3A_360 = arith.constant 0 : i32
    %add3A_361 = vector.broadcast %add3A_360 : i32 to vector<16xi32>
    %add3A_362 = arith.addi %shift_right_logical3A_349, %add3A_361 : vector<16xi32>
    %swap3A_363 = arith.constant 0 : i32
    %swap3A_364 = arith.index_cast %swap3A_363 : i32 to index
    %swap3A_365 = arith.constant 80 : index
    %swap3A_366 = tpu.vector_load %arg11[%swap3A_364, %swap3A_365] {strides = array<i32>} : memref<12x128xi32, #tpu.memory_space<vmem>>, vector<16xi32>,
    tpu.vector_store %arg11[%swap3A_364, %swap3A_365], %add3A_362 {strides = array<i32>} : memref<12x128xi32, #tpu.memory_space<vmem>>, vector<16xi32>,
    %add3A_367 = arith.constant 1 : i32
    %add3A_368 = vector.broadcast %add3A_367 : i32 to vector<16xi32>
    %add3A_369 = arith.addi %shift_right_logical3A_343, %add3A_368 : vector<16xi32>
    %min3A_370 = arith.constant 2500001 : i32
    %min3A_371 = vector.broadcast %min3A_370 : i32 to vector<16xi32>
    %min3A_372 = arith.minsi %add3A_369, %min3A_371 : vector<16xi32>
    %swap3A_373 = arith.constant 1 : i32
    %swap3A_374 = arith.index_cast %swap3A_373 : i32 to index
    %swap3A_375 = arith.constant 80 : index
    %swap3A_376 = tpu.vector_load %arg10[%swap3A_374, %swap3A_375] {strides = array<i32>} : memref<12x128xi32, #tpu.memory_space<vmem>>, vector<16xi32>,
    tpu.vector_store %arg10[%swap3A_374, %swap3A_375], %min3A_372 {strides = array<i32>} : memref<12x128xi32, #tpu.memory_space<vmem>>, vector<16xi32>,
    %add3A_377 = arith.constant 1 : i32
    %add3A_378 = vector.broadcast %add3A_377 : i32 to vector<16xi32>
    %add3A_379 = arith.addi %shift_right_logical3A_349, %add3A_378 : vector<16xi32>
    %swap3A_380 = arith.constant 1 : i32
    %swap3A_381 = arith.index_cast %swap3A_380 : i32 to index
    %swap3A_382 = arith.constant 80 : index
    %swap3A_383 = tpu.vector_load %arg11[%swap3A_381, %swap3A_382] {strides = array<i32>} : memref<12x128xi32, #tpu.memory_space<vmem>>, vector<16xi32>,
    tpu.vector_store %arg11[%swap3A_381, %swap3A_382], %add3A_379 {strides = array<i32>} : memref<12x128xi32, #tpu.memory_space<vmem>>, vector<16xi32>,
    %add3A_384 = arith.constant 2 : i32
    %add3A_385 = vector.broadcast %add3A_384 : i32 to vector<16xi32>
    %add3A_386 = arith.addi %shift_right_logical3A_343, %add3A_385 : vector<16xi32>
    %min3A_387 = arith.constant 2500001 : i32
    %min3A_388 = vector.broadcast %min3A_387 : i32 to vector<16xi32>
    %min3A_389 = arith.minsi %add3A_386, %min3A_388 : vector<16xi32>
    %swap3A_390 = arith.constant 2 : i32
    %swap3A_391 = arith.index_cast %swap3A_390 : i32 to index
    %swap3A_392 = arith.constant 80 : index
    %swap3A_393 = tpu.vector_load %arg10[%swap3A_391, %swap3A_392] {strides = array<i32>} : memref<12x128xi32, #tpu.memory_space<vmem>>, vector<16xi32>,
    tpu.vector_store %arg10[%swap3A_391, %swap3A_392], %min3A_389 {strides = array<i32>} : memref<12x128xi32, #tpu.memory_space<vmem>>, vector<16xi32>,
    %add3A_394 = arith.constant 2 : i32
    %add3A_395 = vector.broadcast %add3A_394 : i32 to vector<16xi32>
    %add3A_396 = arith.addi %shift_right_logical3A_349, %add3A_395 : vector<16xi32>
    %swap3A_397 = arith.constant 2 : i32
    %swap3A_398 = arith.index_cast %swap3A_397 : i32 to index
    %swap3A_399 = arith.constant 80 : index
    %swap3A_400 = tpu.vector_load %arg11[%swap3A_398, %swap3A_399] {strides = array<i32>} : memref<12x128xi32, #tpu.memory_space<vmem>>, vector<16xi32>,
    tpu.vector_store %arg11[%swap3A_398, %swap3A_399], %add3A_396 {strides = array<i32>} : memref<12x128xi32, #tpu.memory_space<vmem>>, vector<16xi32>,
    %get3A_401 = arith.constant 96 : index
    %get3A_402 = tpu.vector_load %arg8[%get3A_401] {strides = array<i32>} : memref<512xi32, #tpu.memory_space<vmem>>, vector<16xi32>,
    %get3A_403 = arith.constant 96 : index
    %get3A_404 = tpu.vector_load %arg9[%get3A_403] {strides = array<i32>} : memref<512xi32, #tpu.memory_space<vmem>>, vector<16xi32>,
    %mul3A_405 = arith.constant 5 : i32
    %mul3A_406 = vector.broadcast %mul3A_405 : i32 to vector<16xi32>
    %mul3A_407 = arith.muli %get3A_402, %mul3A_406 : vector<16xi32>
    %shift_right_logical3A_408 = arith.constant 1 : i32
    %shift_right_logical3A_409 = vector.broadcast %shift_right_logical3A_408 : i32 to vector<16xi32>
    %shift_right_logical3A_410 = arith.shrui %mul3A_407, %shift_right_logical3A_409 : vector<16xi32>
    %mul3A_411 = arith.constant 5 : i32
    %mul3A_412 = vector.broadcast %mul3A_411 : i32 to vector<16xi32>
    %mul3A_413 = arith.muli %get3A_404, %mul3A_412 : vector<16xi32>
    %shift_right_logical3A_414 = arith.constant 1 : i32
    %shift_right_logical3A_415 = vector.broadcast %shift_right_logical3A_414 : i32 to vector<16xi32>
    %shift_right_logical3A_416 = arith.shrui %mul3A_413, %shift_right_logical3A_415 : vector<16xi32>
    %add3A_417 = arith.constant 0 : i32
    %add3A_418 = vector.broadcast %add3A_417 : i32 to vector<16xi32>
    %add3A_419 = arith.addi %shift_right_logical3A_410, %add3A_418 : vector<16xi32>
    %min3A_420 = arith.constant 2500001 : i32
    %min3A_421 = vector.broadcast %min3A_420 : i32 to vector<16xi32>
    %min3A_422 = arith.minsi %add3A_419, %min3A_421 : vector<16xi32>
    %swap3A_423 = arith.constant 0 : i32
    %swap3A_424 = arith.index_cast %swap3A_423 : i32 to index
    %swap3A_425 = arith.constant 96 : index
    %swap3A_426 = tpu.vector_load %arg10[%swap3A_424, %swap3A_425] {strides = array<i32>} : memref<12x128xi32, #tpu.memory_space<vmem>>, vector<16xi32>,
    tpu.vector_store %arg10[%swap3A_424, %swap3A_425], %min3A_422 {strides = array<i32>} : memref<12x128xi32, #tpu.memory_space<vmem>>, vector<16xi32>,
    %add3A_427 = arith.constant 0 : i32
    %add3A_428 = vector.broadcast %add3A_427 : i32 to vector<16xi32>
    %add3A_429 = arith.addi %shift_right_logical3A_416, %add3A_428 : vector<16xi32>
    %swap3A_430 = arith.constant 0 : i32
    %swap3A_431 = arith.index_cast %swap3A_430 : i32 to index
    %swap3A_432 = arith.constant 96 : index
    %swap3A_433 = tpu.vector_load %arg11[%swap3A_431, %swap3A_432] {strides = array<i32>} : memref<12x128xi32, #tpu.memory_space<vmem>>, vector<16xi32>,
    tpu.vector_store %arg11[%swap3A_431, %swap3A_432], %add3A_429 {strides = array<i32>} : memref<12x128xi32, #tpu.memory_space<vmem>>, vector<16xi32>,
    %add3A_434 = arith.constant 1 : i32
    %add3A_435 = vector.broadcast %add3A_434 : i32 to vector<16xi32>
    %add3A_436 = arith.addi %shift_right_logical3A_410, %add3A_435 : vector<16xi32>
    %min3A_437 = arith.constant 2500001 : i32
    %min3A_438 = vector.broadcast %min3A_437 : i32 to vector<16xi32>
    %min3A_439 = arith.minsi %add3A_436, %min3A_438 : vector<16xi32>
    %swap3A_440 = arith.constant 1 : i32
    %swap3A_441 = arith.index_cast %swap3A_440 : i32 to index
    %swap3A_442 = arith.constant 96 : index
    %swap3A_443 = tpu.vector_load %arg10[%swap3A_441, %swap3A_442] {strides = array<i32>} : memref<12x128xi32, #tpu.memory_space<vmem>>, vector<16xi32>,
    tpu.vector_store %arg10[%swap3A_441, %swap3A_442], %min3A_439 {strides = array<i32>} : memref<12x128xi32, #tpu.memory_space<vmem>>, vector<16xi32>,
    %add3A_444 = arith.constant 1 : i32
    %add3A_445 = vector.broadcast %add3A_444 : i32 to vector<16xi32>
    %add3A_446 = arith.addi %shift_right_logical3A_416, %add3A_445 : vector<16xi32>
    %swap3A_447 = arith.constant 1 : i32
    %swap3A_448 = arith.index_cast %swap3A_447 : i32 to index
    %swap3A_449 = arith.constant 96 : index
    %swap3A_450 = tpu.vector_load %arg11[%swap3A_448, %swap3A_449] {strides = array<i32>} : memref<12x128xi32, #tpu.memory_space<vmem>>, vector<16xi32>,
    tpu.vector_store %arg11[%swap3A_448, %swap3A_449], %add3A_446 {strides = array<i32>} : memref<12x128xi32, #tpu.memory_space<vmem>>, vector<16xi32>,
    %add3A_451 = arith.constant 2 : i32
    %add3A_452 = vector.broadcast %add3A_451 : i32 to vector<16xi32>
    %add3A_453 = arith.addi %shift_right_logical3A_410, %add3A_452 : vector<16xi32>
    %min3A_454 = arith.constant 2500001 : i32
    %min3A_455 = vector.broadcast %min3A_454 : i32 to vector<16xi32>
    %min3A_456 = arith.minsi %add3A_453, %min3A_455 : vector<16xi32>
    %swap3A_457 = arith.constant 2 : i32
    %swap3A_458 = arith.index_cast %swap3A_457 : i32 to index
    %swap3A_459 = arith.constant 96 : index
    %swap3A_460 = tpu.vector_load %arg10[%swap3A_458, %swap3A_459] {strides = array<i32>} : memref<12x128xi32, #tpu.memory_space<vmem>>, vector<16xi32>,
    tpu.vector_store %arg10[%swap3A_458, %swap3A_459], %min3A_456 {strides = array<i32>} : memref<12x128xi32, #tpu.memory_space<vmem>>, vector<16xi32>,
    %add3A_461 = arith.constant 2 : i32
    %add3A_462 = vector.broadcast %add3A_461 : i32 to vector<16xi32>
    %add3A_463 = arith.addi %shift_right_logical3A_416, %add3A_462 : vector<16xi32>
    %swap3A_464 = arith.constant 2 : i32
    %swap3A_465 = arith.index_cast %swap3A_464 : i32 to index
    %swap3A_466 = arith.constant 96 : index
    %swap3A_467 = tpu.vector_load %arg11[%swap3A_465, %swap3A_466] {strides = array<i32>} : memref<12x128xi32, #tpu.memory_space<vmem>>, vector<16xi32>,
    tpu.vector_store %arg11[%swap3A_465, %swap3A_466], %add3A_463 {strides = array<i32>} : memref<12x128xi32, #tpu.memory_space<vmem>>, vector<16xi32>,
    %get3A_468 = arith.constant 112 : index
    %get3A_469 = tpu.vector_load %arg8[%get3A_468] {strides = array<i32>} : memref<512xi32, #tpu.memory_space<vmem>>, vector<16xi32>,
    %get3A_470 = arith.constant 112 : index
    %get3A_471 = tpu.vector_load %arg9[%get3A_470] {strides = array<i32>} : memref<512xi32, #tpu.memory_space<vmem>>, vector<16xi32>,
    %mul3A_472 = arith.constant 5 : i32
    %mul3A_473 = vector.broadcast %mul3A_472 : i32 to vector<16xi32>
    %mul3A_474 = arith.muli %get3A_469, %mul3A_473 : vector<16xi32>
    %shift_right_logical3A_475 = arith.constant 1 : i32
    %shift_right_logical3A_476 = vector.broadcast %shift_right_logical3A_475 : i32 to vector<16xi32>
    %shift_right_logical3A_477 = arith.shrui %mul3A_474, %shift_right_logical3A_476 : vector<16xi32>
    %mul3A_478 = arith.constant 5 : i32
    %mul3A_479 = vector.broadcast %mul3A_478 : i32 to vector<16xi32>
    %mul3A_480 = arith.muli %get3A_471, %mul3A_479 : vector<16xi32>
    %shift_right_logical3A_481 = arith.constant 1 : i32
    %shift_right_logical3A_482 = vector.broadcast %shift_right_logical3A_481 : i32 to vector<16xi32>
    %shift_right_logical3A_483 = arith.shrui %mul3A_480, %shift_right_logical3A_482 : vector<16xi32>
    %add3A_484 = arith.constant 0 : i32
    %add3A_485 = vector.broadcast %add3A_484 : i32 to vector<16xi32>
    %add3A_486 = arith.addi %shift_right_logical3A_477, %add3A_485 : vector<16xi32>
    %min3A_487 = arith.constant 2500001 : i32
    %min3A_488 = vector.broadcast %min3A_487 : i32 to vector<16xi32>
    %min3A_489 = arith.minsi %add3A_486, %min3A_488 : vector<16xi32>
    %swap3A_490 = arith.constant 0 : i32
    %swap3A_491 = arith.index_cast %swap3A_490 : i32 to index
    %swap3A_492 = arith.constant 112 : index
    %swap3A_493 = tpu.vector_load %arg10[%swap3A_491, %swap3A_492] {strides = array<i32>} : memref<12x128xi32, #tpu.memory_space<vmem>>, vector<16xi32>,
    tpu.vector_store %arg10[%swap3A_491, %swap3A_492], %min3A_489 {strides = array<i32>} : memref<12x128xi32, #tpu.memory_space<vmem>>, vector<16xi32>,
    %add3A_494 = arith.constant 0 : i32
    %add3A_495 = vector.broadcast %add3A_494 : i32 to vector<16xi32>
    %add3A_496 = arith.addi %shift_right_logical3A_483, %add3A_495 : vector<16xi32>
    %swap3A_497 = arith.constant 0 : i32
    %swap3A_498 = arith.index_cast %swap3A_497 : i32 to index
    %swap3A_499 = arith.constant 112 : index
    %swap3A_500 = tpu.vector_load %arg11[%swap3A_498, %swap3A_499] {strides = array<i32>} : memref<12x128xi32, #tpu.memory_space<vmem>>, vector<16xi32>,
    tpu.vector_store %arg11[%swap3A_498, %swap3A_499], %add3A_496 {strides = array<i32>} : memref<12x128xi32, #tpu.memory_space<vmem>>, vector<16xi32>,
    %add3A_501 = arith.constant 1 : i32
    %add3A_502 = vector.broadcast %add3A_501 : i32 to vector<16xi32>
    %add3A_503 = arith.addi %shift_right_logical3A_477, %add3A_502 : vector<16xi32>
    %min3A_504 = arith.constant 2500001 : i32
    %min3A_505 = vector.broadcast %min3A_504 : i32 to vector<16xi32>
    %min3A_506 = arith.minsi %add3A_503, %min3A_505 : vector<16xi32>
    %swap3A_507 = arith.constant 1 : i32
    %swap3A_508 = arith.index_cast %swap3A_507 : i32 to index
    %swap3A_509 = arith.constant 112 : index
    %swap3A_510 = tpu.vector_load %arg10[%swap3A_508, %swap3A_509] {strides = array<i32>} : memref<12x128xi32, #tpu.memory_space<vmem>>, vector<16xi32>,
    tpu.vector_store %arg10[%swap3A_508, %swap3A_509], %min3A_506 {strides = array<i32>} : memref<12x128xi32, #tpu.memory_space<vmem>>, vector<16xi32>,
    %add3A_511 = arith.constant 1 : i32
    %add3A_512 = vector.broadcast %add3A_511 : i32 to vector<16xi32>
    %add3A_513 = arith.addi %shift_right_logical3A_483, %add3A_512 : vector<16xi32>
    %swap3A_514 = arith.constant 1 : i32
    %swap3A_515 = arith.index_cast %swap3A_514 : i32 to index
    %swap3A_516 = arith.constant 112 : index
    %swap3A_517 = tpu.vector_load %arg11[%swap3A_515, %swap3A_516] {strides = array<i32>} : memref<12x128xi32, #tpu.memory_space<vmem>>, vector<16xi32>,
    tpu.vector_store %arg11[%swap3A_515, %swap3A_516], %add3A_513 {strides = array<i32>} : memref<12x128xi32, #tpu.memory_space<vmem>>, vector<16xi32>,
    %add3A_518 = arith.constant 2 : i32
    %add3A_519 = vector.broadcast %add3A_518 : i32 to vector<16xi32>
    %add3A_520 = arith.addi %shift_right_logical3A_477, %add3A_519 : vector<16xi32>
    %min3A_521 = arith.constant 2500001 : i32
    %min3A_522 = vector.broadcast %min3A_521 : i32 to vector<16xi32>
    %min3A_523 = arith.minsi %add3A_520, %min3A_522 : vector<16xi32>
    %swap3A_524 = arith.constant 2 : i32
    %swap3A_525 = arith.index_cast %swap3A_524 : i32 to index
    %swap3A_526 = arith.constant 112 : index
    %swap3A_527 = tpu.vector_load %arg10[%swap3A_525, %swap3A_526] {strides = array<i32>} : memref<12x128xi32, #tpu.memory_space<vmem>>, vector<16xi32>,
    tpu.vector_store %arg10[%swap3A_525, %swap3A_526], %min3A_523 {strides = array<i32>} : memref<12x128xi32, #tpu.memory_space<vmem>>, vector<16xi32>,
    %add3A_528 = arith.constant 2 : i32
    %add3A_529 = vector.broadcast %add3A_528 : i32 to vector<16xi32>
    %add3A_530 = arith.addi %shift_right_logical3A_483, %add3A_529 : vector<16xi32>
    %swap3A_531 = arith.constant 2 : i32
    %swap3A_532 = arith.index_cast %swap3A_531 : i32 to index
    %swap3A_533 = arith.constant 112 : index
    %swap3A_534 = tpu.vector_load %arg11[%swap3A_532, %swap3A_533] {strides = array<i32>} : memref<12x128xi32, #tpu.memory_space<vmem>>, vector<16xi32>,
    tpu.vector_store %arg11[%swap3A_532, %swap3A_533], %add3A_530 {strides = array<i32>} : memref<12x128xi32, #tpu.memory_space<vmem>>, vector<16xi32>,
    %get3A_535 = arith.constant 128 : index
    %get3A_536 = tpu.vector_load %arg8[%get3A_535] {strides = array<i32>} : memref<512xi32, #tpu.memory_space<vmem>>, vector<16xi32>,
    %get3A_537 = arith.constant 128 : index
    %get3A_538 = tpu.vector_load %arg9[%get3A_537] {strides = array<i32>} : memref<512xi32, #tpu.memory_space<vmem>>, vector<16xi32>,
    %mul3A_539 = arith.constant 5 : i32
    %mul3A_540 = vector.broadcast %mul3A_539 : i32 to vector<16xi32>
    %mul3A_541 = arith.muli %get3A_536, %mul3A_540 : vector<16xi32>
    %shift_right_logical3A_542 = arith.constant 1 : i32
    %shift_right_logical3A_543 = vector.broadcast %shift_right_logical3A_542 : i32 to vector<16xi32>
    %shift_right_logical3A_544 = arith.shrui %mul3A_541, %shift_right_logical3A_543 : vector<16xi32>
    %mul3A_545 = arith.constant 5 : i32
    %mul3A_546 = vector.broadcast %mul3A_545 : i32 to vector<16xi32>
    %mul3A_547 = arith.muli %get3A_538, %mul3A_546 : vector<16xi32>
    %shift_right_logical3A_548 = arith.constant 1 : i32
    %shift_right_logical3A_549 = vector.broadcast %shift_right_logical3A_548 : i32 to vector<16xi32>
    %shift_right_logical3A_550 = arith.shrui %mul3A_547, %shift_right_logical3A_549 : vector<16xi32>
    %add3A_551 = arith.constant 0 : i32
    %add3A_552 = vector.broadcast %add3A_551 : i32 to vector<16xi32>
    %add3A_553 = arith.addi %shift_right_logical3A_544, %add3A_552 : vector<16xi32>
    %min3A_554 = arith.constant 2500001 : i32
    %min3A_555 = vector.broadcast %min3A_554 : i32 to vector<16xi32>
    %min3A_556 = arith.minsi %add3A_553, %min3A_555 : vector<16xi32>
    %swap3A_557 = arith.constant 3 : i32
    %swap3A_558 = arith.index_cast %swap3A_557 : i32 to index
    %swap3A_559 = arith.constant 0 : index
    %swap3A_560 = tpu.vector_load %arg10[%swap3A_558, %swap3A_559] {strides = array<i32>} : memref<12x128xi32, #tpu.memory_space<vmem>>, vector<16xi32>,
    tpu.vector_store %arg10[%swap3A_558, %swap3A_559], %min3A_556 {strides = array<i32>} : memref<12x128xi32, #tpu.memory_space<vmem>>, vector<16xi32>,
    %add3A_561 = arith.constant 0 : i32
    %add3A_562 = vector.broadcast %add3A_561 : i32 to vector<16xi32>
    %add3A_563 = arith.addi %shift_right_logical3A_550, %add3A_562 : vector<16xi32>
    %swap3A_564 = arith.constant 3 : i32
    %swap3A_565 = arith.index_cast %swap3A_564 : i32 to index
    %swap3A_566 = arith.constant 0 : index
    %swap3A_567 = tpu.vector_load %arg11[%swap3A_565, %swap3A_566] {strides = array<i32>} : memref<12x128xi32, #tpu.memory_space<vmem>>, vector<16xi32>,
    tpu.vector_store %arg11[%swap3A_565, %swap3A_566], %add3A_563 {strides = array<i32>} : memref<12x128xi32, #tpu.memory_space<vmem>>, vector<16xi32>,
    %add3A_568 = arith.constant 1 : i32
    %add3A_569 = vector.broadcast %add3A_568 : i32 to vector<16xi32>
    %add3A_570 = arith.addi %shift_right_logical3A_544, %add3A_569 : vector<16xi32>
    %min3A_571 = arith.constant 2500001 : i32
    %min3A_572 = vector.broadcast %min3A_571 : i32 to vector<16xi32>
    %min3A_573 = arith.minsi %add3A_570, %min3A_572 : vector<16xi32>
    %swap3A_574 = arith.constant 4 : i32
    %swap3A_575 = arith.index_cast %swap3A_574 : i32 to index
    %swap3A_576 = arith.constant 0 : index
    %swap3A_577 = tpu.vector_load %arg10[%swap3A_575, %swap3A_576] {strides = array<i32>} : memref<12x128xi32, #tpu.memory_space<vmem>>, vector<16xi32>,
    tpu.vector_store %arg10[%swap3A_575, %swap3A_576], %min3A_573 {strides = array<i32>} : memref<12x128xi32, #tpu.memory_space<vmem>>, vector<16xi32>,
    %add3A_578 = arith.constant 1 : i32
    %add3A_579 = vector.broadcast %add3A_578 : i32 to vector<16xi32>
    %add3A_580 = arith.addi %shift_right_logical3A_550, %add3A_579 : vector<16xi32>
    %swap3A_581 = arith.constant 4 : i32
    %swap3A_582 = arith.index_cast %swap3A_581 : i32 to index
    %swap3A_583 = arith.constant 0 : index
    %swap3A_584 = tpu.vector_load %arg11[%swap3A_582, %swap3A_583] {strides = array<i32>} : memref<12x128xi32, #tpu.memory_space<vmem>>, vector<16xi32>,
    tpu.vector_store %arg11[%swap3A_582, %swap3A_583], %add3A_580 {strides = array<i32>} : memref<12x128xi32, #tpu.memory_space<vmem>>, vector<16xi32>,
    %add3A_585 = arith.constant 2 : i32
    %add3A_586 = vector.broadcast %add3A_585 : i32 to vector<16xi32>
    %add3A_587 = arith.addi %shift_right_logical3A_544, %add3A_586 : vector<16xi32>
    %min3A_588 = arith.constant 2500001 : i32
    %min3A_589 = vector.broadcast %min3A_588 : i32 to vector<16xi32>
    %min3A_590 = arith.minsi %add3A_587, %min3A_589 : vector<16xi32>
    %swap3A_591 = arith.constant 5 : i32
    %swap3A_592 = arith.index_cast %swap3A_591 : i32 to index
    %swap3A_593 = arith.constant 0 : index
    %swap3A_594 = tpu.vector_load %arg10[%swap3A_592, %swap3A_593] {strides = array<i32>} : memref<12x128xi32, #tpu.memory_space<vmem>>, vector<16xi32>,
    tpu.vector_store %arg10[%swap3A_592, %swap3A_593], %min3A_590 {strides = array<i32>} : memref<12x128xi32, #tpu.memory_space<vmem>>, vector<16xi32>,
    %add3A_595 = arith.constant 2 : i32
    %add3A_596 = vector.broadcast %add3A_595 : i32 to vector<16xi32>
    %add3A_597 = arith.addi %shift_right_logical3A_550, %add3A_596 : vector<16xi32>
    %swap3A_598 = arith.constant 5 : i32
    %swap3A_599 = arith.index_cast %swap3A_598 : i32 to index
    %swap3A_600 = arith.constant 0 : index
    %swap3A_601 = tpu.vector_load %arg11[%swap3A_599, %swap3A_600] {strides = array<i32>} : memref<12x128xi32, #tpu.memory_space<vmem>>, vector<16xi32>,
    tpu.vector_store %arg11[%swap3A_599, %swap3A_600], %add3A_597 {strides = array<i32>} : memref<12x128xi32, #tpu.memory_space<vmem>>, vector<16xi32>,
    %get3A_602 = arith.constant 144 : index
    %get3A_603 = tpu.vector_load %arg8[%get3A_602] {strides = array<i32>} : memref<512xi32, #tpu.memory_space<vmem>>, vector<16xi32>,
    %get3A_604 = arith.constant 144 : index
    %get3A_605 = tpu.vector_load %arg9[%get3A_604] {strides = array<i32>} : memref<512xi32, #tpu.memory_space<vmem>>, vector<16xi32>,
    %mul3A_606 = arith.constant 5 : i32
    %mul3A_607 = vector.broadcast %mul3A_606 : i32 to vector<16xi32>
    %mul3A_608 = arith.muli %get3A_603, %mul3A_607 : vector<16xi32>
    %shift_right_logical3A_609 = arith.constant 1 : i32
    %shift_right_logical3A_610 = vector.broadcast %shift_right_logical3A_609 : i32 to vector<16xi32>
    %shift_right_logical3A_611 = arith.shrui %mul3A_608, %shift_right_logical3A_610 : vector<16xi32>
    %mul3A_612 = arith.constant 5 : i32
    %mul3A_613 = vector.broadcast %mul3A_612 : i32 to vector<16xi32>
    %mul3A_614 = arith.muli %get3A_605, %mul3A_613 : vector<16xi32>
    %shift_right_logical3A_615 = arith.constant 1 : i32
    %shift_right_logical3A_616 = vector.broadcast %shift_right_logical3A_615 : i32 to vector<16xi32>
    %shift_right_logical3A_617 = arith.shrui %mul3A_614, %shift_right_logical3A_616 : vector<16xi32>
    %add3A_618 = arith.constant 0 : i32
    %add3A_619 = vector.broadcast %add3A_618 : i32 to vector<16xi32>
    %add3A_620 = arith.addi %shift_right_logical3A_611, %add3A_619 : vector<16xi32>
    %min3A_621 = arith.constant 2500001 : i32
    %min3A_622 = vector.broadcast %min3A_621 : i32 to vector<16xi32>
    %min3A_623 = arith.minsi %add3A_620, %min3A_622 : vector<16xi32>
    %swap3A_624 = arith.constant 3 : i32
    %swap3A_625 = arith.index_cast %swap3A_624 : i32 to index
    %swap3A_626 = arith.constant 16 : index
    %swap3A_627 = tpu.vector_load %arg10[%swap3A_625, %swap3A_626] {strides = array<i32>} : memref<12x128xi32, #tpu.memory_space<vmem>>, vector<16xi32>,
    tpu.vector_store %arg10[%swap3A_625, %swap3A_626], %min3A_623 {strides = array<i32>} : memref<12x128xi32, #tpu.memory_space<vmem>>, vector<16xi32>,
    %add3A_628 = arith.constant 0 : i32
    %add3A_629 = vector.broadcast %add3A_628 : i32 to vector<16xi32>
    %add3A_630 = arith.addi %shift_right_logical3A_617, %add3A_629 : vector<16xi32>
    %swap3A_631 = arith.constant 3 : i32
    %swap3A_632 = arith.index_cast %swap3A_631 : i32 to index
    %swap3A_633 = arith.constant 16 : index
    %swap3A_634 = tpu.vector_load %arg11[%swap3A_632, %swap3A_633] {strides = array<i32>} : memref<12x128xi32, #tpu.memory_space<vmem>>, vector<16xi32>,
    tpu.vector_store %arg11[%swap3A_632, %swap3A_633], %add3A_630 {strides = array<i32>} : memref<12x128xi32, #tpu.memory_space<vmem>>, vector<16xi32>,
    %add3A_635 = arith.constant 1 : i32
    %add3A_636 = vector.broadcast %add3A_635 : i32 to vector<16xi32>
    %add3A_637 = arith.addi %shift_right_logical3A_611, %add3A_636 : vector<16xi32>
    %min3A_638 = arith.constant 2500001 : i32
    %min3A_639 = vector.broadcast %min3A_638 : i32 to vector<16xi32>
    %min3A_640 = arith.minsi %add3A_637, %min3A_639 : vector<16xi32>
    %swap3A_641 = arith.constant 4 : i32
    %swap3A_642 = arith.index_cast %swap3A_641 : i32 to index
    %swap3A_643 = arith.constant 16 : index
    %swap3A_644 = tpu.vector_load %arg10[%swap3A_642, %swap3A_643] {strides = array<i32>} : memref<12x128xi32, #tpu.memory_space<vmem>>, vector<16xi32>,
    tpu.vector_store %arg10[%swap3A_642, %swap3A_643], %min3A_640 {strides = array<i32>} : memref<12x128xi32, #tpu.memory_space<vmem>>, vector<16xi32>,
    %add3A_645 = arith.constant 1 : i32
    %add3A_646 = vector.broadcast %add3A_645 : i32 to vector<16xi32>
    %add3A_647 = arith.addi %shift_right_logical3A_617, %add3A_646 : vector<16xi32>
    %swap3A_648 = arith.constant 4 : i32
    %swap3A_649 = arith.index_cast %swap3A_648 : i32 to index
    %swap3A_650 = arith.constant 16 : index
    %swap3A_651 = tpu.vector_load %arg11[%swap3A_649, %swap3A_650] {strides = array<i32>} : memref<12x128xi32, #tpu.memory_space<vmem>>, vector<16xi32>,
    tpu.vector_store %arg11[%swap3A_649, %swap3A_650], %add3A_647 {strides = array<i32>} : memref<12x128xi32, #tpu.memory_space<vmem>>, vector<16xi32>,
    %add3A_652 = arith.constant 2 : i32
    %add3A_653 = vector.broadcast %add3A_652 : i32 to vector<16xi32>
    %add3A_654 = arith.addi %shift_right_logical3A_611, %add3A_653 : vector<16xi32>
    %min3A_655 = arith.constant 2500001 : i32
    %min3A_656 = vector.broadcast %min3A_655 : i32 to vector<16xi32>
    %min3A_657 = arith.minsi %add3A_654, %min3A_656 : vector<16xi32>
    %swap3A_658 = arith.constant 5 : i32
    %swap3A_659 = arith.index_cast %swap3A_658 : i32 to index
    %swap3A_660 = arith.constant 16 : index
    %swap3A_661 = tpu.vector_load %arg10[%swap3A_659, %swap3A_660] {strides = array<i32>} : memref<12x128xi32, #tpu.memory_space<vmem>>, vector<16xi32>,
    tpu.vector_store %arg10[%swap3A_659, %swap3A_660], %min3A_657 {strides = array<i32>} : memref<12x128xi32, #tpu.memory_space<vmem>>, vector<16xi32>,
    %add3A_662 = arith.constant 2 : i32
    %add3A_663 = vector.broadcast %add3A_662 : i32 to vector<16xi32>
    %add3A_664 = arith.addi %shift_right_logical3A_617, %add3A_663 : vector<16xi32>
    %swap3A_665 = arith.constant 5 : i32
    %swap3A_666 = arith.index_cast %swap3A_665 : i32 to index
    %swap3A_667 = arith.constant 16 : index
    %swap3A_668 = tpu.vector_load %arg11[%swap3A_666, %swap3A_667] {strides = array<i32>} : memref<12x128xi32, #tpu.memory_space<vmem>>, vector<16xi32>,
    tpu.vector_store %arg11[%swap3A_666, %swap3A_667], %add3A_664 {strides = array<i32>} : memref<12x128xi32, #tpu.memory_space<vmem>>, vector<16xi32>,
    %get3A_669 = arith.constant 160 : index
    %get3A_670 = tpu.vector_load %arg8[%get3A_669] {strides = array<i32>} : memref<512xi32, #tpu.memory_space<vmem>>, vector<16xi32>,
    %get3A_671 = arith.constant 160 : index
    %get3A_672 = tpu.vector_load %arg9[%get3A_671] {strides = array<i32>} : memref<512xi32, #tpu.memory_space<vmem>>, vector<16xi32>,
    %mul3A_673 = arith.constant 5 : i32
    %mul3A_674 = vector.broadcast %mul3A_673 : i32 to vector<16xi32>
    %mul3A_675 = arith.muli %get3A_670, %mul3A_674 : vector<16xi32>
    %shift_right_logical3A_676 = arith.constant 1 : i32
    %shift_right_logical3A_677 = vector.broadcast %shift_right_logical3A_676 : i32 to vector<16xi32>
    %shift_right_logical3A_678 = arith.shrui %mul3A_675, %shift_right_logical3A_677 : vector<16xi32>
    %mul3A_679 = arith.constant 5 : i32
    %mul3A_680 = vector.broadcast %mul3A_679 : i32 to vector<16xi32>
    %mul3A_681 = arith.muli %get3A_672, %mul3A_680 : vector<16xi32>
    %shift_right_logical3A_682 = arith.constant 1 : i32
    %shift_right_logical3A_683 = vector.broadcast %shift_right_logical3A_682 : i32 to vector<16xi32>
    %shift_right_logical3A_684 = arith.shrui %mul3A_681, %shift_right_logical3A_683 : vector<16xi32>
    %add3A_685 = arith.constant 0 : i32
    %add3A_686 = vector.broadcast %add3A_685 : i32 to vector<16xi32>
    %add3A_687 = arith.addi %shift_right_logical3A_678, %add3A_686 : vector<16xi32>
    %min3A_688 = arith.constant 2500001 : i32
    %min3A_689 = vector.broadcast %min3A_688 : i32 to vector<16xi32>
    %min3A_690 = arith.minsi %add3A_687, %min3A_689 : vector<16xi32>
    %swap3A_691 = arith.constant 3 : i32
    %swap3A_692 = arith.index_cast %swap3A_691 : i32 to index
    %swap3A_693 = arith.constant 32 : index
    %swap3A_694 = tpu.vector_load %arg10[%swap3A_692, %swap3A_693] {strides = array<i32>} : memref<12x128xi32, #tpu.memory_space<vmem>>, vector<16xi32>,
    tpu.vector_store %arg10[%swap3A_692, %swap3A_693], %min3A_690 {strides = array<i32>} : memref<12x128xi32, #tpu.memory_space<vmem>>, vector<16xi32>,
    %add3A_695 = arith.constant 0 : i32
    %add3A_696 = vector.broadcast %add3A_695 : i32 to vector<16xi32>
    %add3A_697 = arith.addi %shift_right_logical3A_684, %add3A_696 : vector<16xi32>
    %swap3A_698 = arith.constant 3 : i32
    %swap3A_699 = arith.index_cast %swap3A_698 : i32 to index
    %swap3A_700 = arith.constant 32 : index
    %swap3A_701 = tpu.vector_load %arg11[%swap3A_699, %swap3A_700] {strides = array<i32>} : memref<12x128xi32, #tpu.memory_space<vmem>>, vector<16xi32>,
    tpu.vector_store %arg11[%swap3A_699, %swap3A_700], %add3A_697 {strides = array<i32>} : memref<12x128xi32, #tpu.memory_space<vmem>>, vector<16xi32>,
    %add3A_702 = arith.constant 1 : i32
    %add3A_703 = vector.broadcast %add3A_702 : i32 to vector<16xi32>
    %add3A_704 = arith.addi %shift_right_logical3A_678, %add3A_703 : vector<16xi32>
    %min3A_705 = arith.constant 2500001 : i32
    %min3A_706 = vector.broadcast %min3A_705 : i32 to vector<16xi32>
    %min3A_707 = arith.minsi %add3A_704, %min3A_706 : vector<16xi32>
    %swap3A_708 = arith.constant 4 : i32
    %swap3A_709 = arith.index_cast %swap3A_708 : i32 to index
    %swap3A_710 = arith.constant 32 : index
    %swap3A_711 = tpu.vector_load %arg10[%swap3A_709, %swap3A_710] {strides = array<i32>} : memref<12x128xi32, #tpu.memory_space<vmem>>, vector<16xi32>,
    tpu.vector_store %arg10[%swap3A_709, %swap3A_710], %min3A_707 {strides = array<i32>} : memref<12x128xi32, #tpu.memory_space<vmem>>, vector<16xi32>,
    %add3A_712 = arith.constant 1 : i32
    %add3A_713 = vector.broadcast %add3A_712 : i32 to vector<16xi32>
    %add3A_714 = arith.addi %shift_right_logical3A_684, %add3A_713 : vector<16xi32>
    %swap3A_715 = arith.constant 4 : i32
    %swap3A_716 = arith.index_cast %swap3A_715 : i32 to index
    %swap3A_717 = arith.constant 32 : index
    %swap3A_718 = tpu.vector_load %arg11[%swap3A_716, %swap3A_717] {strides = array<i32>} : memref<12x128xi32, #tpu.memory_space<vmem>>, vector<16xi32>,
    tpu.vector_store %arg11[%swap3A_716, %swap3A_717], %add3A_714 {strides = array<i32>} : memref<12x128xi32, #tpu.memory_space<vmem>>, vector<16xi32>,
    %add3A_719 = arith.constant 2 : i32
    %add3A_720 = vector.broadcast %add3A_719 : i32 to vector<16xi32>
    %add3A_721 = arith.addi %shift_right_logical3A_678, %add3A_720 : vector<16xi32>
    %min3A_722 = arith.constant 2500001 : i32
    %min3A_723 = vector.broadcast %min3A_722 : i32 to vector<16xi32>
    %min3A_724 = arith.minsi %add3A_721, %min3A_723 : vector<16xi32>
    %swap3A_725 = arith.constant 5 : i32
    %swap3A_726 = arith.index_cast %swap3A_725 : i32 to index
    %swap3A_727 = arith.constant 32 : index
    %swap3A_728 = tpu.vector_load %arg10[%swap3A_726, %swap3A_727] {strides = array<i32>} : memref<12x128xi32, #tpu.memory_space<vmem>>, vector<16xi32>,
    tpu.vector_store %arg10[%swap3A_726, %swap3A_727], %min3A_724 {strides = array<i32>} : memref<12x128xi32, #tpu.memory_space<vmem>>, vector<16xi32>,
    %add3A_729 = arith.constant 2 : i32
    %add3A_730 = vector.broadcast %add3A_729 : i32 to vector<16xi32>
    %add3A_731 = arith.addi %shift_right_logical3A_684, %add3A_730 : vector<16xi32>
    %swap3A_732 = arith.constant 5 : i32
    %swap3A_733 = arith.index_cast %swap3A_732 : i32 to index
    %swap3A_734 = arith.constant 32 : index
    %swap3A_735 = tpu.vector_load %arg11[%swap3A_733, %swap3A_734] {strides = array<i32>} : memref<12x128xi32, #tpu.memory_space<vmem>>, vector<16xi32>,
    tpu.vector_store %arg11[%swap3A_733, %swap3A_734], %add3A_731 {strides = array<i32>} : memref<12x128xi32, #tpu.memory_space<vmem>>, vector<16xi32>,
    %get3A_736 = arith.constant 176 : index
    %get3A_737 = tpu.vector_load %arg8[%get3A_736] {strides = array<i32>} : memref<512xi32, #tpu.memory_space<vmem>>, vector<16xi32>,
    %get3A_738 = arith.constant 176 : index
    %get3A_739 = tpu.vector_load %arg9[%get3A_738] {strides = array<i32>} : memref<512xi32, #tpu.memory_space<vmem>>, vector<16xi32>,
    %mul3A_740 = arith.constant 5 : i32
    %mul3A_741 = vector.broadcast %mul3A_740 : i32 to vector<16xi32>
    %mul3A_742 = arith.muli %get3A_737, %mul3A_741 : vector<16xi32>
    %shift_right_logical3A_743 = arith.constant 1 : i32
    %shift_right_logical3A_744 = vector.broadcast %shift_right_logical3A_743 : i32 to vector<16xi32>
    %shift_right_logical3A_745 = arith.shrui %mul3A_742, %shift_right_logical3A_744 : vector<16xi32>
    %mul3A_746 = arith.constant 5 : i32
    %mul3A_747 = vector.broadcast %mul3A_746 : i32 to vector<16xi32>
    %mul3A_748 = arith.muli %get3A_739, %mul3A_747 : vector<16xi32>
    %shift_right_logical3A_749 = arith.constant 1 : i32
    %shift_right_logical3A_750 = vector.broadcast %shift_right_logical3A_749 : i32 to vector<16xi32>
    %shift_right_logical3A_751 = arith.shrui %mul3A_748, %shift_right_logical3A_750 : vector<16xi32>
    %add3A_752 = arith.constant 0 : i32
    %add3A_753 = vector.broadcast %add3A_752 : i32 to vector<16xi32>
    %add3A_754 = arith.addi %shift_right_logical3A_745, %add3A_753 : vector<16xi32>
    %min3A_755 = arith.constant 2500001 : i32
    %min3A_756 = vector.broadcast %min3A_755 : i32 to vector<16xi32>
    %min3A_757 = arith.minsi %add3A_754, %min3A_756 : vector<16xi32>
    %swap3A_758 = arith.constant 3 : i32
    %swap3A_759 = arith.index_cast %swap3A_758 : i32 to index
    %swap3A_760 = arith.constant 48 : index
    %swap3A_761 = tpu.vector_load %arg10[%swap3A_759, %swap3A_760] {strides = array<i32>} : memref<12x128xi32, #tpu.memory_space<vmem>>, vector<16xi32>,
    tpu.vector_store %arg10[%swap3A_759, %swap3A_760], %min3A_757 {strides = array<i32>} : memref<12x128xi32, #tpu.memory_space<vmem>>, vector<16xi32>,
    %add3A_762 = arith.constant 0 : i32
    %add3A_763 = vector.broadcast %add3A_762 : i32 to vector<16xi32>
    %add3A_764 = arith.addi %shift_right_logical3A_751, %add3A_763 : vector<16xi32>
    %swap3A_765 = arith.constant 3 : i32
    %swap3A_766 = arith.index_cast %swap3A_765 : i32 to index
    %swap3A_767 = arith.constant 48 : index
    %swap3A_768 = tpu.vector_load %arg11[%swap3A_766, %swap3A_767] {strides = array<i32>} : memref<12x128xi32, #tpu.memory_space<vmem>>, vector<16xi32>,
    tpu.vector_store %arg11[%swap3A_766, %swap3A_767], %add3A_764 {strides = array<i32>} : memref<12x128xi32, #tpu.memory_space<vmem>>, vector<16xi32>,
    %add3A_769 = arith.constant 1 : i32
    %add3A_770 = vector.broadcast %add3A_769 : i32 to vector<16xi32>
    %add3A_771 = arith.addi %shift_right_logical3A_745, %add3A_770 : vector<16xi32>
    %min3A_772 = arith.constant 2500001 : i32
    %min3A_773 = vector.broadcast %min3A_772 : i32 to vector<16xi32>
    %min3A_774 = arith.minsi %add3A_771, %min3A_773 : vector<16xi32>
    %swap3A_775 = arith.constant 4 : i32
    %swap3A_776 = arith.index_cast %swap3A_775 : i32 to index
    %swap3A_777 = arith.constant 48 : index
    %swap3A_778 = tpu.vector_load %arg10[%swap3A_776, %swap3A_777] {strides = array<i32>} : memref<12x128xi32, #tpu.memory_space<vmem>>, vector<16xi32>,
    tpu.vector_store %arg10[%swap3A_776, %swap3A_777], %min3A_774 {strides = array<i32>} : memref<12x128xi32, #tpu.memory_space<vmem>>, vector<16xi32>,
    %add3A_779 = arith.constant 1 : i32
    %add3A_780 = vector.broadcast %add3A_779 : i32 to vector<16xi32>
    %add3A_781 = arith.addi %shift_right_logical3A_751, %add3A_780 : vector<16xi32>
    %swap3A_782 = arith.constant 4 : i32
    %swap3A_783 = arith.index_cast %swap3A_782 : i32 to index
    %swap3A_784 = arith.constant 48 : index
    %swap3A_785 = tpu.vector_load %arg11[%swap3A_783, %swap3A_784] {strides = array<i32>} : memref<12x128xi32, #tpu.memory_space<vmem>>, vector<16xi32>,
    tpu.vector_store %arg11[%swap3A_783, %swap3A_784], %add3A_781 {strides = array<i32>} : memref<12x128xi32, #tpu.memory_space<vmem>>, vector<16xi32>,
    %add3A_786 = arith.constant 2 : i32
    %add3A_787 = vector.broadcast %add3A_786 : i32 to vector<16xi32>
    %add3A_788 = arith.addi %shift_right_logical3A_745, %add3A_787 : vector<16xi32>
    %min3A_789 = arith.constant 2500001 : i32
    %min3A_790 = vector.broadcast %min3A_789 : i32 to vector<16xi32>
    %min3A_791 = arith.minsi %add3A_788, %min3A_790 : vector<16xi32>
    %swap3A_792 = arith.constant 5 : i32
    %swap3A_793 = arith.index_cast %swap3A_792 : i32 to index
    %swap3A_794 = arith.constant 48 : index
    %swap3A_795 = tpu.vector_load %arg10[%swap3A_793, %swap3A_794] {strides = array<i32>} : memref<12x128xi32, #tpu.memory_space<vmem>>, vector<16xi32>,
    tpu.vector_store %arg10[%swap3A_793, %swap3A_794], %min3A_791 {strides = array<i32>} : memref<12x128xi32, #tpu.memory_space<vmem>>, vector<16xi32>,
    %add3A_796 = arith.constant 2 : i32
    %add3A_797 = vector.broadcast %add3A_796 : i32 to vector<16xi32>
    %add3A_798 = arith.addi %shift_right_logical3A_751, %add3A_797 : vector<16xi32>
    %swap3A_799 = arith.constant 5 : i32
    %swap3A_800 = arith.index_cast %swap3A_799 : i32 to index
    %swap3A_801 = arith.constant 48 : index
    %swap3A_802 = tpu.vector_load %arg11[%swap3A_800, %swap3A_801] {strides = array<i32>} : memref<12x128xi32, #tpu.memory_space<vmem>>, vector<16xi32>,
    tpu.vector_store %arg11[%swap3A_800, %swap3A_801], %add3A_798 {strides = array<i32>} : memref<12x128xi32, #tpu.memory_space<vmem>>, vector<16xi32>,
    %get3A_803 = arith.constant 192 : index
    %get3A_804 = tpu.vector_load %arg8[%get3A_803] {strides = array<i32>} : memref<512xi32, #tpu.memory_space<vmem>>, vector<16xi32>,
    %get3A_805 = arith.constant 192 : index
    %get3A_806 = tpu.vector_load %arg9[%get3A_805] {strides = array<i32>} : memref<512xi32, #tpu.memory_space<vmem>>, vector<16xi32>,
    %mul3A_807 = arith.constant 5 : i32
    %mul3A_808 = vector.broadcast %mul3A_807 : i32 to vector<16xi32>
    %mul3A_809 = arith.muli %get3A_804, %mul3A_808 : vector<16xi32>
    %shift_right_logical3A_810 = arith.constant 1 : i32
    %shift_right_logical3A_811 = vector.broadcast %shift_right_logical3A_810 : i32 to vector<16xi32>
    %shift_right_logical3A_812 = arith.shrui %mul3A_809, %shift_right_logical3A_811 : vector<16xi32>
    %mul3A_813 = arith.constant 5 : i32
    %mul3A_814 = vector.broadcast %mul3A_813 : i32 to vector<16xi32>
    %mul3A_815 = arith.muli %get3A_806, %mul3A_814 : vector<16xi32>
    %shift_right_logical3A_816 = arith.constant 1 : i32
    %shift_right_logical3A_817 = vector.broadcast %shift_right_logical3A_816 : i32 to vector<16xi32>
    %shift_right_logical3A_818 = arith.shrui %mul3A_815, %shift_right_logical3A_817 : vector<16xi32>
    %add3A_819 = arith.constant 0 : i32
    %add3A_820 = vector.broadcast %add3A_819 : i32 to vector<16xi32>
    %add3A_821 = arith.addi %shift_right_logical3A_812, %add3A_820 : vector<16xi32>
    %min3A_822 = arith.constant 2500001 : i32
    %min3A_823 = vector.broadcast %min3A_822 : i32 to vector<16xi32>
    %min3A_824 = arith.minsi %add3A_821, %min3A_823 : vector<16xi32>
    %swap3A_825 = arith.constant 3 : i32
    %swap3A_826 = arith.index_cast %swap3A_825 : i32 to index
    %swap3A_827 = arith.constant 64 : index
    %swap3A_828 = tpu.vector_load %arg10[%swap3A_826, %swap3A_827] {strides = array<i32>} : memref<12x128xi32, #tpu.memory_space<vmem>>, vector<16xi32>,
    tpu.vector_store %arg10[%swap3A_826, %swap3A_827], %min3A_824 {strides = array<i32>} : memref<12x128xi32, #tpu.memory_space<vmem>>, vector<16xi32>,
    %add3A_829 = arith.constant 0 : i32
    %add3A_830 = vector.broadcast %add3A_829 : i32 to vector<16xi32>
    %add3A_831 = arith.addi %shift_right_logical3A_818, %add3A_830 : vector<16xi32>
    %swap3A_832 = arith.constant 3 : i32
    %swap3A_833 = arith.index_cast %swap3A_832 : i32 to index
    %swap3A_834 = arith.constant 64 : index
    %swap3A_835 = tpu.vector_load %arg11[%swap3A_833, %swap3A_834] {strides = array<i32>} : memref<12x128xi32, #tpu.memory_space<vmem>>, vector<16xi32>,
    tpu.vector_store %arg11[%swap3A_833, %swap3A_834], %add3A_831 {strides = array<i32>} : memref<12x128xi32, #tpu.memory_space<vmem>>, vector<16xi32>,
    %add3A_836 = arith.constant 1 : i32
    %add3A_837 = vector.broadcast %add3A_836 : i32 to vector<16xi32>
    %add3A_838 = arith.addi %shift_right_logical3A_812, %add3A_837 : vector<16xi32>
    %min3A_839 = arith.constant 2500001 : i32
    %min3A_840 = vector.broadcast %min3A_839 : i32 to vector<16xi32>
    %min3A_841 = arith.minsi %add3A_838, %min3A_840 : vector<16xi32>
    %swap3A_842 = arith.constant 4 : i32
    %swap3A_843 = arith.index_cast %swap3A_842 : i32 to index
    %swap3A_844 = arith.constant 64 : index
    %swap3A_845 = tpu.vector_load %arg10[%swap3A_843, %swap3A_844] {strides = array<i32>} : memref<12x128xi32, #tpu.memory_space<vmem>>, vector<16xi32>,
    tpu.vector_store %arg10[%swap3A_843, %swap3A_844], %min3A_841 {strides = array<i32>} : memref<12x128xi32, #tpu.memory_space<vmem>>, vector<16xi32>,
    %add3A_846 = arith.constant 1 : i32
    %add3A_847 = vector.broadcast %add3A_846 : i32 to vector<16xi32>
    %add3A_848 = arith.addi %shift_right_logical3A_818, %add3A_847 : vector<16xi32>
    %swap3A_849 = arith.constant 4 : i32
    %swap3A_850 = arith.index_cast %swap3A_849 : i32 to index
    %swap3A_851 = arith.constant 64 : index
    %swap3A_852 = tpu.vector_load %arg11[%swap3A_850, %swap3A_851] {strides = array<i32>} : memref<12x128xi32, #tpu.memory_space<vmem>>, vector<16xi32>,
    tpu.vector_store %arg11[%swap3A_850, %swap3A_851], %add3A_848 {strides = array<i32>} : memref<12x128xi32, #tpu.memory_space<vmem>>, vector<16xi32>,
    %add3A_853 = arith.constant 2 : i32
    %add3A_854 = vector.broadcast %add3A_853 : i32 to vector<16xi32>
    %add3A_855 = arith.addi %shift_right_logical3A_812, %add3A_854 : vector<16xi32>
    %min3A_856 = arith.constant 2500001 : i32
    %min3A_857 = vector.broadcast %min3A_856 : i32 to vector<16xi32>
    %min3A_858 = arith.minsi %add3A_855, %min3A_857 : vector<16xi32>
    %swap3A_859 = arith.constant 5 : i32
    %swap3A_860 = arith.index_cast %swap3A_859 : i32 to index
    %swap3A_861 = arith.constant 64 : index
    %swap3A_862 = tpu.vector_load %arg10[%swap3A_860, %swap3A_861] {strides = array<i32>} : memref<12x128xi32, #tpu.memory_space<vmem>>, vector<16xi32>,
    tpu.vector_store %arg10[%swap3A_860, %swap3A_861], %min3A_858 {strides = array<i32>} : memref<12x128xi32, #tpu.memory_space<vmem>>, vector<16xi32>,
    %add3A_863 = arith.constant 2 : i32
    %add3A_864 = vector.broadcast %add3A_863 : i32 to vector<16xi32>
    %add3A_865 = arith.addi %shift_right_logical3A_818, %add3A_864 : vector<16xi32>
    %swap3A_866 = arith.constant 5 : i32
    %swap3A_867 = arith.index_cast %swap3A_866 : i32 to index
    %swap3A_868 = arith.constant 64 : index
    %swap3A_869 = tpu.vector_load %arg11[%swap3A_867, %swap3A_868] {strides = array<i32>} : memref<12x128xi32, #tpu.memory_space<vmem>>, vector<16xi32>,
    tpu.vector_store %arg11[%swap3A_867, %swap3A_868], %add3A_865 {strides = array<i32>} : memref<12x128xi32, #tpu.memory_space<vmem>>, vector<16xi32>,
    %get3A_870 = arith.constant 208 : index
    %get3A_871 = tpu.vector_load %arg8[%get3A_870] {strides = array<i32>} : memref<512xi32, #tpu.memory_space<vmem>>, vector<16xi32>,
    %get3A_872 = arith.constant 208 : index
    %get3A_873 = tpu.vector_load %arg9[%get3A_872] {strides = array<i32>} : memref<512xi32, #tpu.memory_space<vmem>>, vector<16xi32>,
    %mul3A_874 = arith.constant 5 : i32
    %mul3A_875 = vector.broadcast %mul3A_874 : i32 to vector<16xi32>
    %mul3A_876 = arith.muli %get3A_871, %mul3A_875 : vector<16xi32>
    %shift_right_logical3A_877 = arith.constant 1 : i32
    %shift_right_logical3A_878 = vector.broadcast %shift_right_logical3A_877 : i32 to vector<16xi32>
    %shift_right_logical3A_879 = arith.shrui %mul3A_876, %shift_right_logical3A_878 : vector<16xi32>
    %mul3A_880 = arith.constant 5 : i32
    %mul3A_881 = vector.broadcast %mul3A_880 : i32 to vector<16xi32>
    %mul3A_882 = arith.muli %get3A_873, %mul3A_881 : vector<16xi32>
    %shift_right_logical3A_883 = arith.constant 1 : i32
    %shift_right_logical3A_884 = vector.broadcast %shift_right_logical3A_883 : i32 to vector<16xi32>
    %shift_right_logical3A_885 = arith.shrui %mul3A_882, %shift_right_logical3A_884 : vector<16xi32>
    %add3A_886 = arith.constant 0 : i32
    %add3A_887 = vector.broadcast %add3A_886 : i32 to vector<16xi32>
    %add3A_888 = arith.addi %shift_right_logical3A_879, %add3A_887 : vector<16xi32>
    %min3A_889 = arith.constant 2500001 : i32
    %min3A_890 = vector.broadcast %min3A_889 : i32 to vector<16xi32>
    %min3A_891 = arith.minsi %add3A_888, %min3A_890 : vector<16xi32>
    %swap3A_892 = arith.constant 3 : i32
    %swap3A_893 = arith.index_cast %swap3A_892 : i32 to index
    %swap3A_894 = arith.constant 80 : index
    %swap3A_895 = tpu.vector_load %arg10[%swap3A_893, %swap3A_894] {strides = array<i32>} : memref<12x128xi32, #tpu.memory_space<vmem>>, vector<16xi32>,
    tpu.vector_store %arg10[%swap3A_893, %swap3A_894], %min3A_891 {strides = array<i32>} : memref<12x128xi32, #tpu.memory_space<vmem>>, vector<16xi32>,
    %add3A_896 = arith.constant 0 : i32
    %add3A_897 = vector.broadcast %add3A_896 : i32 to vector<16xi32>
    %add3A_898 = arith.addi %shift_right_logical3A_885, %add3A_897 : vector<16xi32>
    %swap3A_899 = arith.constant 3 : i32
    %swap3A_900 = arith.index_cast %swap3A_899 : i32 to index
    %swap3A_901 = arith.constant 80 : index
    %swap3A_902 = tpu.vector_load %arg11[%swap3A_900, %swap3A_901] {strides = array<i32>} : memref<12x128xi32, #tpu.memory_space<vmem>>, vector<16xi32>,
    tpu.vector_store %arg11[%swap3A_900, %swap3A_901], %add3A_898 {strides = array<i32>} : memref<12x128xi32, #tpu.memory_space<vmem>>, vector<16xi32>,
    %add3A_903 = arith.constant 1 : i32
    %add3A_904 = vector.broadcast %add3A_903 : i32 to vector<16xi32>
    %add3A_905 = arith.addi %shift_right_logical3A_879, %add3A_904 : vector<16xi32>
    %min3A_906 = arith.constant 2500001 : i32
    %min3A_907 = vector.broadcast %min3A_906 : i32 to vector<16xi32>
    %min3A_908 = arith.minsi %add3A_905, %min3A_907 : vector<16xi32>
    %swap3A_909 = arith.constant 4 : i32
    %swap3A_910 = arith.index_cast %swap3A_909 : i32 to index
    %swap3A_911 = arith.constant 80 : index
    %swap3A_912 = tpu.vector_load %arg10[%swap3A_910, %swap3A_911] {strides = array<i32>} : memref<12x128xi32, #tpu.memory_space<vmem>>, vector<16xi32>,
    tpu.vector_store %arg10[%swap3A_910, %swap3A_911], %min3A_908 {strides = array<i32>} : memref<12x128xi32, #tpu.memory_space<vmem>>, vector<16xi32>,
    %add3A_913 = arith.constant 1 : i32
    %add3A_914 = vector.broadcast %add3A_913 : i32 to vector<16xi32>
    %add3A_915 = arith.addi %shift_right_logical3A_885, %add3A_914 : vector<16xi32>
    %swap3A_916 = arith.constant 4 : i32
    %swap3A_917 = arith.index_cast %swap3A_916 : i32 to index
    %swap3A_918 = arith.constant 80 : index
    %swap3A_919 = tpu.vector_load %arg11[%swap3A_917, %swap3A_918] {strides = array<i32>} : memref<12x128xi32, #tpu.memory_space<vmem>>, vector<16xi32>,
    tpu.vector_store %arg11[%swap3A_917, %swap3A_918], %add3A_915 {strides = array<i32>} : memref<12x128xi32, #tpu.memory_space<vmem>>, vector<16xi32>,
    %add3A_920 = arith.constant 2 : i32
    %add3A_921 = vector.broadcast %add3A_920 : i32 to vector<16xi32>
    %add3A_922 = arith.addi %shift_right_logical3A_879, %add3A_921 : vector<16xi32>
    %min3A_923 = arith.constant 2500001 : i32
    %min3A_924 = vector.broadcast %min3A_923 : i32 to vector<16xi32>
    %min3A_925 = arith.minsi %add3A_922, %min3A_924 : vector<16xi32>
    %swap3A_926 = arith.constant 5 : i32
    %swap3A_927 = arith.index_cast %swap3A_926 : i32 to index
    %swap3A_928 = arith.constant 80 : index
    %swap3A_929 = tpu.vector_load %arg10[%swap3A_927, %swap3A_928] {strides = array<i32>} : memref<12x128xi32, #tpu.memory_space<vmem>>, vector<16xi32>,
    tpu.vector_store %arg10[%swap3A_927, %swap3A_928], %min3A_925 {strides = array<i32>} : memref<12x128xi32, #tpu.memory_space<vmem>>, vector<16xi32>,
    %add3A_930 = arith.constant 2 : i32
    %add3A_931 = vector.broadcast %add3A_930 : i32 to vector<16xi32>
    %add3A_932 = arith.addi %shift_right_logical3A_885, %add3A_931 : vector<16xi32>
    %swap3A_933 = arith.constant 5 : i32
    %swap3A_934 = arith.index_cast %swap3A_933 : i32 to index
    %swap3A_935 = arith.constant 80 : index
    %swap3A_936 = tpu.vector_load %arg11[%swap3A_934, %swap3A_935] {strides = array<i32>} : memref<12x128xi32, #tpu.memory_space<vmem>>, vector<16xi32>,
    tpu.vector_store %arg11[%swap3A_934, %swap3A_935], %add3A_932 {strides = array<i32>} : memref<12x128xi32, #tpu.memory_space<vmem>>, vector<16xi32>,
    %get3A_937 = arith.constant 224 : index
    %get3A_938 = tpu.vector_load %arg8[%get3A_937] {strides = array<i32>} : memref<512xi32, #tpu.memory_space<vmem>>, vector<16xi32>,
    %get3A_939 = arith.constant 224 : index
    %get3A_940 = tpu.vector_load %arg9[%get3A_939] {strides = array<i32>} : memref<512xi32, #tpu.memory_space<vmem>>, vector<16xi32>,
    %mul3A_941 = arith.constant 5 : i32
    %mul3A_942 = vector.broadcast %mul3A_941 : i32 to vector<16xi32>
    %mul3A_943 = arith.muli %get3A_938, %mul3A_942 : vector<16xi32>
    %shift_right_logical3A_944 = arith.constant 1 : i32
    %shift_right_logical3A_945 = vector.broadcast %shift_right_logical3A_944 : i32 to vector<16xi32>
    %shift_right_logical3A_946 = arith.shrui %mul3A_943, %shift_right_logical3A_945 : vector<16xi32>
    %mul3A_947 = arith.constant 5 : i32
    %mul3A_948 = vector.broadcast %mul3A_947 : i32 to vector<16xi32>
    %mul3A_949 = arith.muli %get3A_940, %mul3A_948 : vector<16xi32>
    %shift_right_logical3A_950 = arith.constant 1 : i32
    %shift_right_logical3A_951 = vector.broadcast %shift_right_logical3A_950 : i32 to vector<16xi32>
    %shift_right_logical3A_952 = arith.shrui %mul3A_949, %shift_right_logical3A_951 : vector<16xi32>
    %add3A_953 = arith.constant 0 : i32
    %add3A_954 = vector.broadcast %add3A_953 : i32 to vector<16xi32>
    %add3A_955 = arith.addi %shift_right_logical3A_946, %add3A_954 : vector<16xi32>
    %min3A_956 = arith.constant 2500001 : i32
    %min3A_957 = vector.broadcast %min3A_956 : i32 to vector<16xi32>
    %min3A_958 = arith.minsi %add3A_955, %min3A_957 : vector<16xi32>
    %swap3A_959 = arith.constant 3 : i32
    %swap3A_960 = arith.index_cast %swap3A_959 : i32 to index
    %swap3A_961 = arith.constant 96 : index
    %swap3A_962 = tpu.vector_load %arg10[%swap3A_960, %swap3A_961] {strides = array<i32>} : memref<12x128xi32, #tpu.memory_space<vmem>>, vector<16xi32>,
    tpu.vector_store %arg10[%swap3A_960, %swap3A_961], %min3A_958 {strides = array<i32>} : memref<12x128xi32, #tpu.memory_space<vmem>>, vector<16xi32>,
    %add3A_963 = arith.constant 0 : i32
    %add3A_964 = vector.broadcast %add3A_963 : i32 to vector<16xi32>
    %add3A_965 = arith.addi %shift_right_logical3A_952, %add3A_964 : vector<16xi32>
    %swap3A_966 = arith.constant 3 : i32
    %swap3A_967 = arith.index_cast %swap3A_966 : i32 to index
    %swap3A_968 = arith.constant 96 : index
    %swap3A_969 = tpu.vector_load %arg11[%swap3A_967, %swap3A_968] {strides = array<i32>} : memref<12x128xi32, #tpu.memory_space<vmem>>, vector<16xi32>,
    tpu.vector_store %arg11[%swap3A_967, %swap3A_968], %add3A_965 {strides = array<i32>} : memref<12x128xi32, #tpu.memory_space<vmem>>, vector<16xi32>,
    %add3A_970 = arith.constant 1 : i32
    %add3A_971 = vector.broadcast %add3A_970 : i32 to vector<16xi32>
    %add3A_972 = arith.addi %shift_right_logical3A_946, %add3A_971 : vector<16xi32>
    %min3A_973 = arith.constant 2500001 : i32
    %min3A_974 = vector.broadcast %min3A_973 : i32 to vector<16xi32>
    %min3A_975 = arith.minsi %add3A_972, %min3A_974 : vector<16xi32>
    %swap3A_976 = arith.constant 4 : i32
    %swap3A_977 = arith.index_cast %swap3A_976 : i32 to index
    %swap3A_978 = arith.constant 96 : index
    %swap3A_979 = tpu.vector_load %arg10[%swap3A_977, %swap3A_978] {strides = array<i32>} : memref<12x128xi32, #tpu.memory_space<vmem>>, vector<16xi32>,
    tpu.vector_store %arg10[%swap3A_977, %swap3A_978], %min3A_975 {strides = array<i32>} : memref<12x128xi32, #tpu.memory_space<vmem>>, vector<16xi32>,
    %add3A_980 = arith.constant 1 : i32
    %add3A_981 = vector.broadcast %add3A_980 : i32 to vector<16xi32>
    %add3A_982 = arith.addi %shift_right_logical3A_952, %add3A_981 : vector<16xi32>
    %swap3A_983 = arith.constant 4 : i32
    %swap3A_984 = arith.index_cast %swap3A_983 : i32 to index
    %swap3A_985 = arith.constant 96 : index
    %swap3A_986 = tpu.vector_load %arg11[%swap3A_984, %swap3A_985] {strides = array<i32>} : memref<12x128xi32, #tpu.memory_space<vmem>>, vector<16xi32>,
    tpu.vector_store %arg11[%swap3A_984, %swap3A_985], %add3A_982 {strides = array<i32>} : memref<12x128xi32, #tpu.memory_space<vmem>>, vector<16xi32>,
    %add3A_987 = arith.constant 2 : i32
    %add3A_988 = vector.broadcast %add3A_987 : i32 to vector<16xi32>
    %add3A_989 = arith.addi %shift_right_logical3A_946, %add3A_988 : vector<16xi32>
    %min3A_990 = arith.constant 2500001 : i32
    %min3A_991 = vector.broadcast %min3A_990 : i32 to vector<16xi32>
    %min3A_992 = arith.minsi %add3A_989, %min3A_991 : vector<16xi32>
    %swap3A_993 = arith.constant 5 : i32
    %swap3A_994 = arith.index_cast %swap3A_993 : i32 to index
    %swap3A_995 = arith.constant 96 : index
    %swap3A_996 = tpu.vector_load %arg10[%swap3A_994, %swap3A_995] {strides = array<i32>} : memref<12x128xi32, #tpu.memory_space<vmem>>, vector<16xi32>,
    tpu.vector_store %arg10[%swap3A_994, %swap3A_995], %min3A_992 {strides = array<i32>} : memref<12x128xi32, #tpu.memory_space<vmem>>, vector<16xi32>,
    %add3A_997 = arith.constant 2 : i32
    %add3A_998 = vector.broadcast %add3A_997 : i32 to vector<16xi32>
    %add3A_999 = arith.addi %shift_right_logical3A_952, %add3A_998 : vector<16xi32>
    %swap3A_1000 = arith.constant 5 : i32
    %swap3A_1001 = arith.index_cast %swap3A_1000 : i32 to index
    %swap3A_1002 = arith.constant 96 : index
    %swap3A_1003 = tpu.vector_load %arg11[%swap3A_1001, %swap3A_1002] {strides = array<i32>} : memref<12x128xi32, #tpu.memory_space<vmem>>, vector<16xi32>,
    tpu.vector_store %arg11[%swap3A_1001, %swap3A_1002], %add3A_999 {strides = array<i32>} : memref<12x128xi32, #tpu.memory_space<vmem>>, vector<16xi32>,
    %get3A_1004 = arith.constant 240 : index
    %get3A_1005 = tpu.vector_load %arg8[%get3A_1004] {strides = array<i32>} : memref<512xi32, #tpu.memory_space<vmem>>, vector<16xi32>,
    %get3A_1006 = arith.constant 240 : index
    %get3A_1007 = tpu.vector_load %arg9[%get3A_1006] {strides = array<i32>} : memref<512xi32, #tpu.memory_space<vmem>>, vector<16xi32>,
    %mul3A_1008 = arith.constant 5 : i32
    %mul3A_1009 = vector.broadcast %mul3A_1008 : i32 to vector<16xi32>
    %mul3A_1010 = arith.muli %get3A_1005, %mul3A_1009 : vector<16xi32>
    %shift_right_logical3A_1011 = arith.constant 1 : i32
    %shift_right_logical3A_1012 = vector.broadcast %shift_right_logical3A_1011 : i32 to vector<16xi32>
    %shift_right_logical3A_1013 = arith.shrui %mul3A_1010, %shift_right_logical3A_1012 : vector<16xi32>
    %mul3A_1014 = arith.constant 5 : i32
    %mul3A_1015 = vector.broadcast %mul3A_1014 : i32 to vector<16xi32>
    %mul3A_1016 = arith.muli %get3A_1007, %mul3A_1015 : vector<16xi32>
    %shift_right_logical3A_1017 = arith.constant 1 : i32
    %shift_right_logical3A_1018 = vector.broadcast %shift_right_logical3A_1017 : i32 to vector<16xi32>
    %shift_right_logical3A_1019 = arith.shrui %mul3A_1016, %shift_right_logical3A_1018 : vector<16xi32>
    %add3A_1020 = arith.constant 0 : i32
    %add3A_1021 = vector.broadcast %add3A_1020 : i32 to vector<16xi32>
    %add3A_1022 = arith.addi %shift_right_logical3A_1013, %add3A_1021 : vector<16xi32>
    %min3A_1023 = arith.constant 2500001 : i32
    %min3A_1024 = vector.broadcast %min3A_1023 : i32 to vector<16xi32>
    %min3A_1025 = arith.minsi %add3A_1022, %min3A_1024 : vector<16xi32>
    %swap3A_1026 = arith.constant 3 : i32
    %swap3A_1027 = arith.index_cast %swap3A_1026 : i32 to index
    %swap3A_1028 = arith.constant 112 : index
    %swap3A_1029 = tpu.vector_load %arg10[%swap3A_1027, %swap3A_1028] {strides = array<i32>} : memref<12x128xi32, #tpu.memory_space<vmem>>, vector<16xi32>,
    tpu.vector_store %arg10[%swap3A_1027, %swap3A_1028], %min3A_1025 {strides = array<i32>} : memref<12x128xi32, #tpu.memory_space<vmem>>, vector<16xi32>,
    %add3A_1030 = arith.constant 0 : i32
    %add3A_1031 = vector.broadcast %add3A_1030 : i32 to vector<16xi32>
    %add3A_1032 = arith.addi %shift_right_logical3A_1019, %add3A_1031 : vector<16xi32>
    %swap3A_1033 = arith.constant 3 : i32
    %swap3A_1034 = arith.index_cast %swap3A_1033 : i32 to index
    %swap3A_1035 = arith.constant 112 : index
    %swap3A_1036 = tpu.vector_load %arg11[%swap3A_1034, %swap3A_1035] {strides = array<i32>} : memref<12x128xi32, #tpu.memory_space<vmem>>, vector<16xi32>,
    tpu.vector_store %arg11[%swap3A_1034, %swap3A_1035], %add3A_1032 {strides = array<i32>} : memref<12x128xi32, #tpu.memory_space<vmem>>, vector<16xi32>,
    %add3A_1037 = arith.constant 1 : i32
    %add3A_1038 = vector.broadcast %add3A_1037 : i32 to vector<16xi32>
    %add3A_1039 = arith.addi %shift_right_logical3A_1013, %add3A_1038 : vector<16xi32>
    %min3A_1040 = arith.constant 2500001 : i32
    %min3A_1041 = vector.broadcast %min3A_1040 : i32 to vector<16xi32>
    %min3A_1042 = arith.minsi %add3A_1039, %min3A_1041 : vector<16xi32>
    %swap3A_1043 = arith.constant 4 : i32
    %swap3A_1044 = arith.index_cast %swap3A_1043 : i32 to index
    %swap3A_1045 = arith.constant 112 : index
    %swap3A_1046 = tpu.vector_load %arg10[%swap3A_1044, %swap3A_1045] {strides = array<i32>} : memref<12x128xi32, #tpu.memory_space<vmem>>, vector<16xi32>,
    tpu.vector_store %arg10[%swap3A_1044, %swap3A_1045], %min3A_1042 {strides = array<i32>} : memref<12x128xi32, #tpu.memory_space<vmem>>, vector<16xi32>,
    %add3A_1047 = arith.constant 1 : i32
    %add3A_1048 = vector.broadcast %add3A_1047 : i32 to vector<16xi32>
    %add3A_1049 = arith.addi %shift_right_logical3A_1019, %add3A_1048 : vector<16xi32>
    %swap3A_1050 = arith.constant 4 : i32
    %swap3A_1051 = arith.index_cast %swap3A_1050 : i32 to index
    %swap3A_1052 = arith.constant 112 : index
    %swap3A_1053 = tpu.vector_load %arg11[%swap3A_1051, %swap3A_1052] {strides = array<i32>} : memref<12x128xi32, #tpu.memory_space<vmem>>, vector<16xi32>,
    tpu.vector_store %arg11[%swap3A_1051, %swap3A_1052], %add3A_1049 {strides = array<i32>} : memref<12x128xi32, #tpu.memory_space<vmem>>, vector<16xi32>,
    %add3A_1054 = arith.constant 2 : i32
    %add3A_1055 = vector.broadcast %add3A_1054 : i32 to vector<16xi32>
    %add3A_1056 = arith.addi %shift_right_logical3A_1013, %add3A_1055 : vector<16xi32>
    %min3A_1057 = arith.constant 2500001 : i32
    %min3A_1058 = vector.broadcast %min3A_1057 : i32 to vector<16xi32>
    %min3A_1059 = arith.minsi %add3A_1056, %min3A_1058 : vector<16xi32>
    %swap3A_1060 = arith.constant 5 : i32
    %swap3A_1061 = arith.index_cast %swap3A_1060 : i32 to index
    %swap3A_1062 = arith.constant 112 : index
    %swap3A_1063 = tpu.vector_load %arg10[%swap3A_1061, %swap3A_1062] {strides = array<i32>} : memref<12x128xi32, #tpu.memory_space<vmem>>, vector<16xi32>,
    tpu.vector_store %arg10[%swap3A_1061, %swap3A_1062], %min3A_1059 {strides = array<i32>} : memref<12x128xi32, #tpu.memory_space<vmem>>, vector<16xi32>,
    %add3A_1064 = arith.constant 2 : i32
    %add3A_1065 = vector.broadcast %add3A_1064 : i32 to vector<16xi32>
    %add3A_1066 = arith.addi %shift_right_logical3A_1019, %add3A_1065 : vector<16xi32>
    %swap3A_1067 = arith.constant 5 : i32
    %swap3A_1068 = arith.index_cast %swap3A_1067 : i32 to index
    %swap3A_1069 = arith.constant 112 : index
    %swap3A_1070 = tpu.vector_load %arg11[%swap3A_1068, %swap3A_1069] {strides = array<i32>} : memref<12x128xi32, #tpu.memory_space<vmem>>, vector<16xi32>,
    tpu.vector_store %arg11[%swap3A_1068, %swap3A_1069], %add3A_1066 {strides = array<i32>} : memref<12x128xi32, #tpu.memory_space<vmem>>, vector<16xi32>,
    %get3A_1071 = arith.constant 256 : index
    %get3A_1072 = tpu.vector_load %arg8[%get3A_1071] {strides = array<i32>} : memref<512xi32, #tpu.memory_space<vmem>>, vector<16xi32>,
    %get3A_1073 = arith.constant 256 : index
    %get3A_1074 = tpu.vector_load %arg9[%get3A_1073] {strides = array<i32>} : memref<512xi32, #tpu.memory_space<vmem>>, vector<16xi32>,
    %mul3A_1075 = arith.constant 5 : i32
    %mul3A_1076 = vector.broadcast %mul3A_1075 : i32 to vector<16xi32>
    %mul3A_1077 = arith.muli %get3A_1072, %mul3A_1076 : vector<16xi32>
    %shift_right_logical3A_1078 = arith.constant 1 : i32
    %shift_right_logical3A_1079 = vector.broadcast %shift_right_logical3A_1078 : i32 to vector<16xi32>
    %shift_right_logical3A_1080 = arith.shrui %mul3A_1077, %shift_right_logical3A_1079 : vector<16xi32>
    %mul3A_1081 = arith.constant 5 : i32
    %mul3A_1082 = vector.broadcast %mul3A_1081 : i32 to vector<16xi32>
    %mul3A_1083 = arith.muli %get3A_1074, %mul3A_1082 : vector<16xi32>
    %shift_right_logical3A_1084 = arith.constant 1 : i32
    %shift_right_logical3A_1085 = vector.broadcast %shift_right_logical3A_1084 : i32 to vector<16xi32>
    %shift_right_logical3A_1086 = arith.shrui %mul3A_1083, %shift_right_logical3A_1085 : vector<16xi32>
    %add3A_1087 = arith.constant 0 : i32
    %add3A_1088 = vector.broadcast %add3A_1087 : i32 to vector<16xi32>
    %add3A_1089 = arith.addi %shift_right_logical3A_1080, %add3A_1088 : vector<16xi32>
    %min3A_1090 = arith.constant 2500001 : i32
    %min3A_1091 = vector.broadcast %min3A_1090 : i32 to vector<16xi32>
    %min3A_1092 = arith.minsi %add3A_1089, %min3A_1091 : vector<16xi32>
    %swap3A_1093 = arith.constant 6 : i32
    %swap3A_1094 = arith.index_cast %swap3A_1093 : i32 to index
    %swap3A_1095 = arith.constant 0 : index
    %swap3A_1096 = tpu.vector_load %arg10[%swap3A_1094, %swap3A_1095] {strides = array<i32>} : memref<12x128xi32, #tpu.memory_space<vmem>>, vector<16xi32>,
    tpu.vector_store %arg10[%swap3A_1094, %swap3A_1095], %min3A_1092 {strides = array<i32>} : memref<12x128xi32, #tpu.memory_space<vmem>>, vector<16xi32>,
    %add3A_1097 = arith.constant 0 : i32
    %add3A_1098 = vector.broadcast %add3A_1097 : i32 to vector<16xi32>
    %add3A_1099 = arith.addi %shift_right_logical3A_1086, %add3A_1098 : vector<16xi32>
    %swap3A_1100 = arith.constant 6 : i32
    %swap3A_1101 = arith.index_cast %swap3A_1100 : i32 to index
    %swap3A_1102 = arith.constant 0 : index
    %swap3A_1103 = tpu.vector_load %arg11[%swap3A_1101, %swap3A_1102] {strides = array<i32>} : memref<12x128xi32, #tpu.memory_space<vmem>>, vector<16xi32>,
    tpu.vector_store %arg11[%swap3A_1101, %swap3A_1102], %add3A_1099 {strides = array<i32>} : memref<12x128xi32, #tpu.memory_space<vmem>>, vector<16xi32>,
    %add3A_1104 = arith.constant 1 : i32
    %add3A_1105 = vector.broadcast %add3A_1104 : i32 to vector<16xi32>
    %add3A_1106 = arith.addi %shift_right_logical3A_1080, %add3A_1105 : vector<16xi32>
    %min3A_1107 = arith.constant 2500001 : i32
    %min3A_1108 = vector.broadcast %min3A_1107 : i32 to vector<16xi32>
    %min3A_1109 = arith.minsi %add3A_1106, %min3A_1108 : vector<16xi32>
    %swap3A_1110 = arith.constant 7 : i32
    %swap3A_1111 = arith.index_cast %swap3A_1110 : i32 to index
    %swap3A_1112 = arith.constant 0 : index
    %swap3A_1113 = tpu.vector_load %arg10[%swap3A_1111, %swap3A_1112] {strides = array<i32>} : memref<12x128xi32, #tpu.memory_space<vmem>>, vector<16xi32>,
    tpu.vector_store %arg10[%swap3A_1111, %swap3A_1112], %min3A_1109 {strides = array<i32>} : memref<12x128xi32, #tpu.memory_space<vmem>>, vector<16xi32>,
    %add3A_1114 = arith.constant 1 : i32
    %add3A_1115 = vector.broadcast %add3A_1114 : i32 to vector<16xi32>
    %add3A_1116 = arith.addi %shift_right_logical3A_1086, %add3A_1115 : vector<16xi32>
    %swap3A_1117 = arith.constant 7 : i32
    %swap3A_1118 = arith.index_cast %swap3A_1117 : i32 to index
    %swap3A_1119 = arith.constant 0 : index
    %swap3A_1120 = tpu.vector_load %arg11[%swap3A_1118, %swap3A_1119] {strides = array<i32>} : memref<12x128xi32, #tpu.memory_space<vmem>>, vector<16xi32>,
    tpu.vector_store %arg11[%swap3A_1118, %swap3A_1119], %add3A_1116 {strides = array<i32>} : memref<12x128xi32, #tpu.memory_space<vmem>>, vector<16xi32>,
    %add3A_1121 = arith.constant 2 : i32
    %add3A_1122 = vector.broadcast %add3A_1121 : i32 to vector<16xi32>
    %add3A_1123 = arith.addi %shift_right_logical3A_1080, %add3A_1122 : vector<16xi32>
    %min3A_1124 = arith.constant 2500001 : i32
    %min3A_1125 = vector.broadcast %min3A_1124 : i32 to vector<16xi32>
    %min3A_1126 = arith.minsi %add3A_1123, %min3A_1125 : vector<16xi32>
    %swap3A_1127 = arith.constant 8 : i32
    %swap3A_1128 = arith.index_cast %swap3A_1127 : i32 to index
    %swap3A_1129 = arith.constant 0 : index
    %swap3A_1130 = tpu.vector_load %arg10[%swap3A_1128, %swap3A_1129] {strides = array<i32>} : memref<12x128xi32, #tpu.memory_space<vmem>>, vector<16xi32>,
    tpu.vector_store %arg10[%swap3A_1128, %swap3A_1129], %min3A_1126 {strides = array<i32>} : memref<12x128xi32, #tpu.memory_space<vmem>>, vector<16xi32>,
    %add3A_1131 = arith.constant 2 : i32
    %add3A_1132 = vector.broadcast %add3A_1131 : i32 to vector<16xi32>
    %add3A_1133 = arith.addi %shift_right_logical3A_1086, %add3A_1132 : vector<16xi32>
    %swap3A_1134 = arith.constant 8 : i32
    %swap3A_1135 = arith.index_cast %swap3A_1134 : i32 to index
    %swap3A_1136 = arith.constant 0 : index
    %swap3A_1137 = tpu.vector_load %arg11[%swap3A_1135, %swap3A_1136] {strides = array<i32>} : memref<12x128xi32, #tpu.memory_space<vmem>>, vector<16xi32>,
    tpu.vector_store %arg11[%swap3A_1135, %swap3A_1136], %add3A_1133 {strides = array<i32>} : memref<12x128xi32, #tpu.memory_space<vmem>>, vector<16xi32>,
    %get3A_1138 = arith.constant 272 : index
    %get3A_1139 = tpu.vector_load %arg8[%get3A_1138] {strides = array<i32>} : memref<512xi32, #tpu.memory_space<vmem>>, vector<16xi32>,
    %get3A_1140 = arith.constant 272 : index
    %get3A_1141 = tpu.vector_load %arg9[%get3A_1140] {strides = array<i32>} : memref<512xi32, #tpu.memory_space<vmem>>, vector<16xi32>,
    %mul3A_1142 = arith.constant 5 : i32
    %mul3A_1143 = vector.broadcast %mul3A_1142 : i32 to vector<16xi32>
    %mul3A_1144 = arith.muli %get3A_1139, %mul3A_1143 : vector<16xi32>
    %shift_right_logical3A_1145 = arith.constant 1 : i32
    %shift_right_logical3A_1146 = vector.broadcast %shift_right_logical3A_1145 : i32 to vector<16xi32>
    %shift_right_logical3A_1147 = arith.shrui %mul3A_1144, %shift_right_logical3A_1146 : vector<16xi32>
    %mul3A_1148 = arith.constant 5 : i32
    %mul3A_1149 = vector.broadcast %mul3A_1148 : i32 to vector<16xi32>
    %mul3A_1150 = arith.muli %get3A_1141, %mul3A_1149 : vector<16xi32>
    %shift_right_logical3A_1151 = arith.constant 1 : i32
    %shift_right_logical3A_1152 = vector.broadcast %shift_right_logical3A_1151 : i32 to vector<16xi32>
    %shift_right_logical3A_1153 = arith.shrui %mul3A_1150, %shift_right_logical3A_1152 : vector<16xi32>
    %add3A_1154 = arith.constant 0 : i32
    %add3A_1155 = vector.broadcast %add3A_1154 : i32 to vector<16xi32>
    %add3A_1156 = arith.addi %shift_right_logical3A_1147, %add3A_1155 : vector<16xi32>
    %min3A_1157 = arith.constant 2500001 : i32
    %min3A_1158 = vector.broadcast %min3A_1157 : i32 to vector<16xi32>
    %min3A_1159 = arith.minsi %add3A_1156, %min3A_1158 : vector<16xi32>
    %swap3A_1160 = arith.constant 6 : i32
    %swap3A_1161 = arith.index_cast %swap3A_1160 : i32 to index
    %swap3A_1162 = arith.constant 16 : index
    %swap3A_1163 = tpu.vector_load %arg10[%swap3A_1161, %swap3A_1162] {strides = array<i32>} : memref<12x128xi32, #tpu.memory_space<vmem>>, vector<16xi32>,
    tpu.vector_store %arg10[%swap3A_1161, %swap3A_1162], %min3A_1159 {strides = array<i32>} : memref<12x128xi32, #tpu.memory_space<vmem>>, vector<16xi32>,
    %add3A_1164 = arith.constant 0 : i32
    %add3A_1165 = vector.broadcast %add3A_1164 : i32 to vector<16xi32>
    %add3A_1166 = arith.addi %shift_right_logical3A_1153, %add3A_1165 : vector<16xi32>
    %swap3A_1167 = arith.constant 6 : i32
    %swap3A_1168 = arith.index_cast %swap3A_1167 : i32 to index
    %swap3A_1169 = arith.constant 16 : index
    %swap3A_1170 = tpu.vector_load %arg11[%swap3A_1168, %swap3A_1169] {strides = array<i32>} : memref<12x128xi32, #tpu.memory_space<vmem>>, vector<16xi32>,
    tpu.vector_store %arg11[%swap3A_1168, %swap3A_1169], %add3A_1166 {strides = array<i32>} : memref<12x128xi32, #tpu.memory_space<vmem>>, vector<16xi32>,
    %add3A_1171 = arith.constant 1 : i32
    %add3A_1172 = vector.broadcast %add3A_1171 : i32 to vector<16xi32>
    %add3A_1173 = arith.addi %shift_right_logical3A_1147, %add3A_1172 : vector<16xi32>
    %min3A_1174 = arith.constant 2500001 : i32
    %min3A_1175 = vector.broadcast %min3A_1174 : i32 to vector<16xi32>
    %min3A_1176 = arith.minsi %add3A_1173, %min3A_1175 : vector<16xi32>
    %swap3A_1177 = arith.constant 7 : i32
    %swap3A_1178 = arith.index_cast %swap3A_1177 : i32 to index
    %swap3A_1179 = arith.constant 16 : index
    %swap3A_1180 = tpu.vector_load %arg10[%swap3A_1178, %swap3A_1179] {strides = array<i32>} : memref<12x128xi32, #tpu.memory_space<vmem>>, vector<16xi32>,
    tpu.vector_store %arg10[%swap3A_1178, %swap3A_1179], %min3A_1176 {strides = array<i32>} : memref<12x128xi32, #tpu.memory_space<vmem>>, vector<16xi32>,
    %add3A_1181 = arith.constant 1 : i32
    %add3A_1182 = vector.broadcast %add3A_1181 : i32 to vector<16xi32>
    %add3A_1183 = arith.addi %shift_right_logical3A_1153, %add3A_1182 : vector<16xi32>
    %swap3A_1184 = arith.constant 7 : i32
    %swap3A_1185 = arith.index_cast %swap3A_1184 : i32 to index
    %swap3A_1186 = arith.constant 16 : index
    %swap3A_1187 = tpu.vector_load %arg11[%swap3A_1185, %swap3A_1186] {strides = array<i32>} : memref<12x128xi32, #tpu.memory_space<vmem>>, vector<16xi32>,
    tpu.vector_store %arg11[%swap3A_1185, %swap3A_1186], %add3A_1183 {strides = array<i32>} : memref<12x128xi32, #tpu.memory_space<vmem>>, vector<16xi32>,
    %add3A_1188 = arith.constant 2 : i32
    %add3A_1189 = vector.broadcast %add3A_1188 : i32 to vector<16xi32>
    %add3A_1190 = arith.addi %shift_right_logical3A_1147, %add3A_1189 : vector<16xi32>
    %min3A_1191 = arith.constant 2500001 : i32
    %min3A_1192 = vector.broadcast %min3A_1191 : i32 to vector<16xi32>
    %min3A_1193 = arith.minsi %add3A_1190, %min3A_1192 : vector<16xi32>
    %swap3A_1194 = arith.constant 8 : i32
    %swap3A_1195 = arith.index_cast %swap3A_1194 : i32 to index
    %swap3A_1196 = arith.constant 16 : index
    %swap3A_1197 = tpu.vector_load %arg10[%swap3A_1195, %swap3A_1196] {strides = array<i32>} : memref<12x128xi32, #tpu.memory_space<vmem>>, vector<16xi32>,
    tpu.vector_store %arg10[%swap3A_1195, %swap3A_1196], %min3A_1193 {strides = array<i32>} : memref<12x128xi32, #tpu.memory_space<vmem>>, vector<16xi32>,
    %add3A_1198 = arith.constant 2 : i32
    %add3A_1199 = vector.broadcast %add3A_1198 : i32 to vector<16xi32>
    %add3A_1200 = arith.addi %shift_right_logical3A_1153, %add3A_1199 : vector<16xi32>
    %swap3A_1201 = arith.constant 8 : i32
    %swap3A_1202 = arith.index_cast %swap3A_1201 : i32 to index
    %swap3A_1203 = arith.constant 16 : index
    %swap3A_1204 = tpu.vector_load %arg11[%swap3A_1202, %swap3A_1203] {strides = array<i32>} : memref<12x128xi32, #tpu.memory_space<vmem>>, vector<16xi32>,
    tpu.vector_store %arg11[%swap3A_1202, %swap3A_1203], %add3A_1200 {strides = array<i32>} : memref<12x128xi32, #tpu.memory_space<vmem>>, vector<16xi32>,
    %get3A_1205 = arith.constant 288 : index
    %get3A_1206 = tpu.vector_load %arg8[%get3A_1205] {strides = array<i32>} : memref<512xi32, #tpu.memory_space<vmem>>, vector<16xi32>,
    %get3A_1207 = arith.constant 288 : index
    %get3A_1208 = tpu.vector_load %arg9[%get3A_1207] {strides = array<i32>} : memref<512xi32, #tpu.memory_space<vmem>>, vector<16xi32>,
    %mul3A_1209 = arith.constant 5 : i32
    %mul3A_1210 = vector.broadcast %mul3A_1209 : i32 to vector<16xi32>
    %mul3A_1211 = arith.muli %get3A_1206, %mul3A_1210 : vector<16xi32>
    %shift_right_logical3A_1212 = arith.constant 1 : i32
    %shift_right_logical3A_1213 = vector.broadcast %shift_right_logical3A_1212 : i32 to vector<16xi32>
    %shift_right_logical3A_1214 = arith.shrui %mul3A_1211, %shift_right_logical3A_1213 : vector<16xi32>
    %mul3A_1215 = arith.constant 5 : i32
    %mul3A_1216 = vector.broadcast %mul3A_1215 : i32 to vector<16xi32>
    %mul3A_1217 = arith.muli %get3A_1208, %mul3A_1216 : vector<16xi32>
    %shift_right_logical3A_1218 = arith.constant 1 : i32
    %shift_right_logical3A_1219 = vector.broadcast %shift_right_logical3A_1218 : i32 to vector<16xi32>
    %shift_right_logical3A_1220 = arith.shrui %mul3A_1217, %shift_right_logical3A_1219 : vector<16xi32>
    %add3A_1221 = arith.constant 0 : i32
    %add3A_1222 = vector.broadcast %add3A_1221 : i32 to vector<16xi32>
    %add3A_1223 = arith.addi %shift_right_logical3A_1214, %add3A_1222 : vector<16xi32>
    %min3A_1224 = arith.constant 2500001 : i32
    %min3A_1225 = vector.broadcast %min3A_1224 : i32 to vector<16xi32>
    %min3A_1226 = arith.minsi %add3A_1223, %min3A_1225 : vector<16xi32>
    %swap3A_1227 = arith.constant 6 : i32
    %swap3A_1228 = arith.index_cast %swap3A_1227 : i32 to index
    %swap3A_1229 = arith.constant 32 : index
    %swap3A_1230 = tpu.vector_load %arg10[%swap3A_1228, %swap3A_1229] {strides = array<i32>} : memref<12x128xi32, #tpu.memory_space<vmem>>, vector<16xi32>,
    tpu.vector_store %arg10[%swap3A_1228, %swap3A_1229], %min3A_1226 {strides = array<i32>} : memref<12x128xi32, #tpu.memory_space<vmem>>, vector<16xi32>,
    %add3A_1231 = arith.constant 0 : i32
    %add3A_1232 = vector.broadcast %add3A_1231 : i32 to vector<16xi32>
    %add3A_1233 = arith.addi %shift_right_logical3A_1220, %add3A_1232 : vector<16xi32>
    %swap3A_1234 = arith.constant 6 : i32
    %swap3A_1235 = arith.index_cast %swap3A_1234 : i32 to index
    %swap3A_1236 = arith.constant 32 : index
    %swap3A_1237 = tpu.vector_load %arg11[%swap3A_1235, %swap3A_1236] {strides = array<i32>} : memref<12x128xi32, #tpu.memory_space<vmem>>, vector<16xi32>,
    tpu.vector_store %arg11[%swap3A_1235, %swap3A_1236], %add3A_1233 {strides = array<i32>} : memref<12x128xi32, #tpu.memory_space<vmem>>, vector<16xi32>,
    %add3A_1238 = arith.constant 1 : i32
    %add3A_1239 = vector.broadcast %add3A_1238 : i32 to vector<16xi32>
    %add3A_1240 = arith.addi %shift_right_logical3A_1214, %add3A_1239 : vector<16xi32>
    %min3A_1241 = arith.constant 2500001 : i32
    %min3A_1242 = vector.broadcast %min3A_1241 : i32 to vector<16xi32>
    %min3A_1243 = arith.minsi %add3A_1240, %min3A_1242 : vector<16xi32>
    %swap3A_1244 = arith.constant 7 : i32
    %swap3A_1245 = arith.index_cast %swap3A_1244 : i32 to index
    %swap3A_1246 = arith.constant 32 : index
    %swap3A_1247 = tpu.vector_load %arg10[%swap3A_1245, %swap3A_1246] {strides = array<i32>} : memref<12x128xi32, #tpu.memory_space<vmem>>, vector<16xi32>,
    tpu.vector_store %arg10[%swap3A_1245, %swap3A_1246], %min3A_1243 {strides = array<i32>} : memref<12x128xi32, #tpu.memory_space<vmem>>, vector<16xi32>,
    %add3A_1248 = arith.constant 1 : i32
    %add3A_1249 = vector.broadcast %add3A_1248 : i32 to vector<16xi32>
    %add3A_1250 = arith.addi %shift_right_logical3A_1220, %add3A_1249 : vector<16xi32>
    %swap3A_1251 = arith.constant 7 : i32
    %swap3A_1252 = arith.index_cast %swap3A_1251 : i32 to index
    %swap3A_1253 = arith.constant 32 : index
    %swap3A_1254 = tpu.vector_load %arg11[%swap3A_1252, %swap3A_1253] {strides = array<i32>} : memref<12x128xi32, #tpu.memory_space<vmem>>, vector<16xi32>,
    tpu.vector_store %arg11[%swap3A_1252, %swap3A_1253], %add3A_1250 {strides = array<i32>} : memref<12x128xi32, #tpu.memory_space<vmem>>, vector<16xi32>,
    %add3A_1255 = arith.constant 2 : i32
    %add3A_1256 = vector.broadcast %add3A_1255 : i32 to vector<16xi32>
    %add3A_1257 = arith.addi %shift_right_logical3A_1214, %add3A_1256 : vector<16xi32>
    %min3A_1258 = arith.constant 2500001 : i32
    %min3A_1259 = vector.broadcast %min3A_1258 : i32 to vector<16xi32>
    %min3A_1260 = arith.minsi %add3A_1257, %min3A_1259 : vector<16xi32>
    %swap3A_1261 = arith.constant 8 : i32
    %swap3A_1262 = arith.index_cast %swap3A_1261 : i32 to index
    %swap3A_1263 = arith.constant 32 : index
    %swap3A_1264 = tpu.vector_load %arg10[%swap3A_1262, %swap3A_1263] {strides = array<i32>} : memref<12x128xi32, #tpu.memory_space<vmem>>, vector<16xi32>,
    tpu.vector_store %arg10[%swap3A_1262, %swap3A_1263], %min3A_1260 {strides = array<i32>} : memref<12x128xi32, #tpu.memory_space<vmem>>, vector<16xi32>,
    %add3A_1265 = arith.constant 2 : i32
    %add3A_1266 = vector.broadcast %add3A_1265 : i32 to vector<16xi32>
    %add3A_1267 = arith.addi %shift_right_logical3A_1220, %add3A_1266 : vector<16xi32>
    %swap3A_1268 = arith.constant 8 : i32
    %swap3A_1269 = arith.index_cast %swap3A_1268 : i32 to index
    %swap3A_1270 = arith.constant 32 : index
    %swap3A_1271 = tpu.vector_load %arg11[%swap3A_1269, %swap3A_1270] {strides = array<i32>} : memref<12x128xi32, #tpu.memory_space<vmem>>, vector<16xi32>,
    tpu.vector_store %arg11[%swap3A_1269, %swap3A_1270], %add3A_1267 {strides = array<i32>} : memref<12x128xi32, #tpu.memory_space<vmem>>, vector<16xi32>,
    %get3A_1272 = arith.constant 304 : index
    %get3A_1273 = tpu.vector_load %arg8[%get3A_1272] {strides = array<i32>} : memref<512xi32, #tpu.memory_space<vmem>>, vector<16xi32>,
    %get3A_1274 = arith.constant 304 : index
    %get3A_1275 = tpu.vector_load %arg9[%get3A_1274] {strides = array<i32>} : memref<512xi32, #tpu.memory_space<vmem>>, vector<16xi32>,
    %mul3A_1276 = arith.constant 5 : i32
    %mul3A_1277 = vector.broadcast %mul3A_1276 : i32 to vector<16xi32>
    %mul3A_1278 = arith.muli %get3A_1273, %mul3A_1277 : vector<16xi32>
    %shift_right_logical3A_1279 = arith.constant 1 : i32
    %shift_right_logical3A_1280 = vector.broadcast %shift_right_logical3A_1279 : i32 to vector<16xi32>
    %shift_right_logical3A_1281 = arith.shrui %mul3A_1278, %shift_right_logical3A_1280 : vector<16xi32>
    %mul3A_1282 = arith.constant 5 : i32
    %mul3A_1283 = vector.broadcast %mul3A_1282 : i32 to vector<16xi32>
    %mul3A_1284 = arith.muli %get3A_1275, %mul3A_1283 : vector<16xi32>
    %shift_right_logical3A_1285 = arith.constant 1 : i32
    %shift_right_logical3A_1286 = vector.broadcast %shift_right_logical3A_1285 : i32 to vector<16xi32>
    %shift_right_logical3A_1287 = arith.shrui %mul3A_1284, %shift_right_logical3A_1286 : vector<16xi32>
    %add3A_1288 = arith.constant 0 : i32
    %add3A_1289 = vector.broadcast %add3A_1288 : i32 to vector<16xi32>
    %add3A_1290 = arith.addi %shift_right_logical3A_1281, %add3A_1289 : vector<16xi32>
    %min3A_1291 = arith.constant 2500001 : i32
    %min3A_1292 = vector.broadcast %min3A_1291 : i32 to vector<16xi32>
    %min3A_1293 = arith.minsi %add3A_1290, %min3A_1292 : vector<16xi32>
    %swap3A_1294 = arith.constant 6 : i32
    %swap3A_1295 = arith.index_cast %swap3A_1294 : i32 to index
    %swap3A_1296 = arith.constant 48 : index
    %swap3A_1297 = tpu.vector_load %arg10[%swap3A_1295, %swap3A_1296] {strides = array<i32>} : memref<12x128xi32, #tpu.memory_space<vmem>>, vector<16xi32>,
    tpu.vector_store %arg10[%swap3A_1295, %swap3A_1296], %min3A_1293 {strides = array<i32>} : memref<12x128xi32, #tpu.memory_space<vmem>>, vector<16xi32>,
    %add3A_1298 = arith.constant 0 : i32
    %add3A_1299 = vector.broadcast %add3A_1298 : i32 to vector<16xi32>
    %add3A_1300 = arith.addi %shift_right_logical3A_1287, %add3A_1299 : vector<16xi32>
    %swap3A_1301 = arith.constant 6 : i32
    %swap3A_1302 = arith.index_cast %swap3A_1301 : i32 to index
    %swap3A_1303 = arith.constant 48 : index
    %swap3A_1304 = tpu.vector_load %arg11[%swap3A_1302, %swap3A_1303] {strides = array<i32>} : memref<12x128xi32, #tpu.memory_space<vmem>>, vector<16xi32>,
    tpu.vector_store %arg11[%swap3A_1302, %swap3A_1303], %add3A_1300 {strides = array<i32>} : memref<12x128xi32, #tpu.memory_space<vmem>>, vector<16xi32>,
    %add3A_1305 = arith.constant 1 : i32
    %add3A_1306 = vector.broadcast %add3A_1305 : i32 to vector<16xi32>
    %add3A_1307 = arith.addi %shift_right_logical3A_1281, %add3A_1306 : vector<16xi32>
    %min3A_1308 = arith.constant 2500001 : i32
    %min3A_1309 = vector.broadcast %min3A_1308 : i32 to vector<16xi32>
    %min3A_1310 = arith.minsi %add3A_1307, %min3A_1309 : vector<16xi32>
    %swap3A_1311 = arith.constant 7 : i32
    %swap3A_1312 = arith.index_cast %swap3A_1311 : i32 to index
    %swap3A_1313 = arith.constant 48 : index
    %swap3A_1314 = tpu.vector_load %arg10[%swap3A_1312, %swap3A_1313] {strides = array<i32>} : memref<12x128xi32, #tpu.memory_space<vmem>>, vector<16xi32>,
    tpu.vector_store %arg10[%swap3A_1312, %swap3A_1313], %min3A_1310 {strides = array<i32>} : memref<12x128xi32, #tpu.memory_space<vmem>>, vector<16xi32>,
    %add3A_1315 = arith.constant 1 : i32
    %add3A_1316 = vector.broadcast %add3A_1315 : i32 to vector<16xi32>
    %add3A_1317 = arith.addi %shift_right_logical3A_1287, %add3A_1316 : vector<16xi32>
    %swap3A_1318 = arith.constant 7 : i32
    %swap3A_1319 = arith.index_cast %swap3A_1318 : i32 to index
    %swap3A_1320 = arith.constant 48 : index
    %swap3A_1321 = tpu.vector_load %arg11[%swap3A_1319, %swap3A_1320] {strides = array<i32>} : memref<12x128xi32, #tpu.memory_space<vmem>>, vector<16xi32>,
    tpu.vector_store %arg11[%swap3A_1319, %swap3A_1320], %add3A_1317 {strides = array<i32>} : memref<12x128xi32, #tpu.memory_space<vmem>>, vector<16xi32>,
    %add3A_1322 = arith.constant 2 : i32
    %add3A_1323 = vector.broadcast %add3A_1322 : i32 to vector<16xi32>
    %add3A_1324 = arith.addi %shift_right_logical3A_1281, %add3A_1323 : vector<16xi32>
    %min3A_1325 = arith.constant 2500001 : i32
    %min3A_1326 = vector.broadcast %min3A_1325 : i32 to vector<16xi32>
    %min3A_1327 = arith.minsi %add3A_1324, %min3A_1326 : vector<16xi32>
    %swap3A_1328 = arith.constant 8 : i32
    %swap3A_1329 = arith.index_cast %swap3A_1328 : i32 to index
    %swap3A_1330 = arith.constant 48 : index
    %swap3A_1331 = tpu.vector_load %arg10[%swap3A_1329, %swap3A_1330] {strides = array<i32>} : memref<12x128xi32, #tpu.memory_space<vmem>>, vector<16xi32>,
    tpu.vector_store %arg10[%swap3A_1329, %swap3A_1330], %min3A_1327 {strides = array<i32>} : memref<12x128xi32, #tpu.memory_space<vmem>>, vector<16xi32>,
    %add3A_1332 = arith.constant 2 : i32
    %add3A_1333 = vector.broadcast %add3A_1332 : i32 to vector<16xi32>
    %add3A_1334 = arith.addi %shift_right_logical3A_1287, %add3A_1333 : vector<16xi32>
    %swap3A_1335 = arith.constant 8 : i32
    %swap3A_1336 = arith.index_cast %swap3A_1335 : i32 to index
    %swap3A_1337 = arith.constant 48 : index
    %swap3A_1338 = tpu.vector_load %arg11[%swap3A_1336, %swap3A_1337] {strides = array<i32>} : memref<12x128xi32, #tpu.memory_space<vmem>>, vector<16xi32>,
    tpu.vector_store %arg11[%swap3A_1336, %swap3A_1337], %add3A_1334 {strides = array<i32>} : memref<12x128xi32, #tpu.memory_space<vmem>>, vector<16xi32>,
    %get3A_1339 = arith.constant 320 : index
    %get3A_1340 = tpu.vector_load %arg8[%get3A_1339] {strides = array<i32>} : memref<512xi32, #tpu.memory_space<vmem>>, vector<16xi32>,
    %get3A_1341 = arith.constant 320 : index
    %get3A_1342 = tpu.vector_load %arg9[%get3A_1341] {strides = array<i32>} : memref<512xi32, #tpu.memory_space<vmem>>, vector<16xi32>,
    %mul3A_1343 = arith.constant 5 : i32
    %mul3A_1344 = vector.broadcast %mul3A_1343 : i32 to vector<16xi32>
    %mul3A_1345 = arith.muli %get3A_1340, %mul3A_1344 : vector<16xi32>
    %shift_right_logical3A_1346 = arith.constant 1 : i32
    %shift_right_logical3A_1347 = vector.broadcast %shift_right_logical3A_1346 : i32 to vector<16xi32>
    %shift_right_logical3A_1348 = arith.shrui %mul3A_1345, %shift_right_logical3A_1347 : vector<16xi32>
    %mul3A_1349 = arith.constant 5 : i32
    %mul3A_1350 = vector.broadcast %mul3A_1349 : i32 to vector<16xi32>
    %mul3A_1351 = arith.muli %get3A_1342, %mul3A_1350 : vector<16xi32>
    %shift_right_logical3A_1352 = arith.constant 1 : i32
    %shift_right_logical3A_1353 = vector.broadcast %shift_right_logical3A_1352 : i32 to vector<16xi32>
    %shift_right_logical3A_1354 = arith.shrui %mul3A_1351, %shift_right_logical3A_1353 : vector<16xi32>
    %add3A_1355 = arith.constant 0 : i32
    %add3A_1356 = vector.broadcast %add3A_1355 : i32 to vector<16xi32>
    %add3A_1357 = arith.addi %shift_right_logical3A_1348, %add3A_1356 : vector<16xi32>
    %min3A_1358 = arith.constant 2500001 : i32
    %min3A_1359 = vector.broadcast %min3A_1358 : i32 to vector<16xi32>
    %min3A_1360 = arith.minsi %add3A_1357, %min3A_1359 : vector<16xi32>
    %swap3A_1361 = arith.constant 6 : i32
    %swap3A_1362 = arith.index_cast %swap3A_1361 : i32 to index
    %swap3A_1363 = arith.constant 64 : index
    %swap3A_1364 = tpu.vector_load %arg10[%swap3A_1362, %swap3A_1363] {strides = array<i32>} : memref<12x128xi32, #tpu.memory_space<vmem>>, vector<16xi32>,
    tpu.vector_store %arg10[%swap3A_1362, %swap3A_1363], %min3A_1360 {strides = array<i32>} : memref<12x128xi32, #tpu.memory_space<vmem>>, vector<16xi32>,
    %add3A_1365 = arith.constant 0 : i32
    %add3A_1366 = vector.broadcast %add3A_1365 : i32 to vector<16xi32>
    %add3A_1367 = arith.addi %shift_right_logical3A_1354, %add3A_1366 : vector<16xi32>
    %swap3A_1368 = arith.constant 6 : i32
    %swap3A_1369 = arith.index_cast %swap3A_1368 : i32 to index
    %swap3A_1370 = arith.constant 64 : index
    %swap3A_1371 = tpu.vector_load %arg11[%swap3A_1369, %swap3A_1370] {strides = array<i32>} : memref<12x128xi32, #tpu.memory_space<vmem>>, vector<16xi32>,
    tpu.vector_store %arg11[%swap3A_1369, %swap3A_1370], %add3A_1367 {strides = array<i32>} : memref<12x128xi32, #tpu.memory_space<vmem>>, vector<16xi32>,
    %add3A_1372 = arith.constant 1 : i32
    %add3A_1373 = vector.broadcast %add3A_1372 : i32 to vector<16xi32>
    %add3A_1374 = arith.addi %shift_right_logical3A_1348, %add3A_1373 : vector<16xi32>
    %min3A_1375 = arith.constant 2500001 : i32
    %min3A_1376 = vector.broadcast %min3A_1375 : i32 to vector<16xi32>
    %min3A_1377 = arith.minsi %add3A_1374, %min3A_1376 : vector<16xi32>
    %swap3A_1378 = arith.constant 7 : i32
    %swap3A_1379 = arith.index_cast %swap3A_1378 : i32 to index
    %swap3A_1380 = arith.constant 64 : index
    %swap3A_1381 = tpu.vector_load %arg10[%swap3A_1379, %swap3A_1380] {strides = array<i32>} : memref<12x128xi32, #tpu.memory_space<vmem>>, vector<16xi32>,
    tpu.vector_store %arg10[%swap3A_1379, %swap3A_1380], %min3A_1377 {strides = array<i32>} : memref<12x128xi32, #tpu.memory_space<vmem>>, vector<16xi32>,
    %add3A_1382 = arith.constant 1 : i32
    %add3A_1383 = vector.broadcast %add3A_1382 : i32 to vector<16xi32>
    %add3A_1384 = arith.addi %shift_right_logical3A_1354, %add3A_1383 : vector<16xi32>
    %swap3A_1385 = arith.constant 7 : i32
    %swap3A_1386 = arith.index_cast %swap3A_1385 : i32 to index
    %swap3A_1387 = arith.constant 64 : index
    %swap3A_1388 = tpu.vector_load %arg11[%swap3A_1386, %swap3A_1387] {strides = array<i32>} : memref<12x128xi32, #tpu.memory_space<vmem>>, vector<16xi32>,
    tpu.vector_store %arg11[%swap3A_1386, %swap3A_1387], %add3A_1384 {strides = array<i32>} : memref<12x128xi32, #tpu.memory_space<vmem>>, vector<16xi32>,
    %add3A_1389 = arith.constant 2 : i32
    %add3A_1390 = vector.broadcast %add3A_1389 : i32 to vector<16xi32>
    %add3A_1391 = arith.addi %shift_right_logical3A_1348, %add3A_1390 : vector<16xi32>
    %min3A_1392 = arith.constant 2500001 : i32
    %min3A_1393 = vector.broadcast %min3A_1392 : i32 to vector<16xi32>
    %min3A_1394 = arith.minsi %add3A_1391, %min3A_1393 : vector<16xi32>
    %swap3A_1395 = arith.constant 8 : i32
    %swap3A_1396 = arith.index_cast %swap3A_1395 : i32 to index
    %swap3A_1397 = arith.constant 64 : index
    %swap3A_1398 = tpu.vector_load %arg10[%swap3A_1396, %swap3A_1397] {strides = array<i32>} : memref<12x128xi32, #tpu.memory_space<vmem>>, vector<16xi32>,
    tpu.vector_store %arg10[%swap3A_1396, %swap3A_1397], %min3A_1394 {strides = array<i32>} : memref<12x128xi32, #tpu.memory_space<vmem>>, vector<16xi32>,
    %add3A_1399 = arith.constant 2 : i32
    %add3A_1400 = vector.broadcast %add3A_1399 : i32 to vector<16xi32>
    %add3A_1401 = arith.addi %shift_right_logical3A_1354, %add3A_1400 : vector<16xi32>
    %swap3A_1402 = arith.constant 8 : i32
    %swap3A_1403 = arith.index_cast %swap3A_1402 : i32 to index
    %swap3A_1404 = arith.constant 64 : index
    %swap3A_1405 = tpu.vector_load %arg11[%swap3A_1403, %swap3A_1404] {strides = array<i32>} : memref<12x128xi32, #tpu.memory_space<vmem>>, vector<16xi32>,
    tpu.vector_store %arg11[%swap3A_1403, %swap3A_1404], %add3A_1401 {strides = array<i32>} : memref<12x128xi32, #tpu.memory_space<vmem>>, vector<16xi32>,
    %get3A_1406 = arith.constant 336 : index
    %get3A_1407 = tpu.vector_load %arg8[%get3A_1406] {strides = array<i32>} : memref<512xi32, #tpu.memory_space<vmem>>, vector<16xi32>,
    %get3A_1408 = arith.constant 336 : index
    %get3A_1409 = tpu.vector_load %arg9[%get3A_1408] {strides = array<i32>} : memref<512xi32, #tpu.memory_space<vmem>>, vector<16xi32>,
    %mul3A_1410 = arith.constant 5 : i32
    %mul3A_1411 = vector.broadcast %mul3A_1410 : i32 to vector<16xi32>
    %mul3A_1412 = arith.muli %get3A_1407, %mul3A_1411 : vector<16xi32>
    %shift_right_logical3A_1413 = arith.constant 1 : i32
    %shift_right_logical3A_1414 = vector.broadcast %shift_right_logical3A_1413 : i32 to vector<16xi32>
    %shift_right_logical3A_1415 = arith.shrui %mul3A_1412, %shift_right_logical3A_1414 : vector<16xi32>
    %mul3A_1416 = arith.constant 5 : i32
    %mul3A_1417 = vector.broadcast %mul3A_1416 : i32 to vector<16xi32>
    %mul3A_1418 = arith.muli %get3A_1409, %mul3A_1417 : vector<16xi32>
    %shift_right_logical3A_1419 = arith.constant 1 : i32
    %shift_right_logical3A_1420 = vector.broadcast %shift_right_logical3A_1419 : i32 to vector<16xi32>
    %shift_right_logical3A_1421 = arith.shrui %mul3A_1418, %shift_right_logical3A_1420 : vector<16xi32>
    %add3A_1422 = arith.constant 0 : i32
    %add3A_1423 = vector.broadcast %add3A_1422 : i32 to vector<16xi32>
    %add3A_1424 = arith.addi %shift_right_logical3A_1415, %add3A_1423 : vector<16xi32>
    %min3A_1425 = arith.constant 2500001 : i32
    %min3A_1426 = vector.broadcast %min3A_1425 : i32 to vector<16xi32>
    %min3A_1427 = arith.minsi %add3A_1424, %min3A_1426 : vector<16xi32>
    %swap3A_1428 = arith.constant 6 : i32
    %swap3A_1429 = arith.index_cast %swap3A_1428 : i32 to index
    %swap3A_1430 = arith.constant 80 : index
    %swap3A_1431 = tpu.vector_load %arg10[%swap3A_1429, %swap3A_1430] {strides = array<i32>} : memref<12x128xi32, #tpu.memory_space<vmem>>, vector<16xi32>,
    tpu.vector_store %arg10[%swap3A_1429, %swap3A_1430], %min3A_1427 {strides = array<i32>} : memref<12x128xi32, #tpu.memory_space<vmem>>, vector<16xi32>,
    %add3A_1432 = arith.constant 0 : i32
    %add3A_1433 = vector.broadcast %add3A_1432 : i32 to vector<16xi32>
    %add3A_1434 = arith.addi %shift_right_logical3A_1421, %add3A_1433 : vector<16xi32>
    %swap3A_1435 = arith.constant 6 : i32
    %swap3A_1436 = arith.index_cast %swap3A_1435 : i32 to index
    %swap3A_1437 = arith.constant 80 : index
    %swap3A_1438 = tpu.vector_load %arg11[%swap3A_1436, %swap3A_1437] {strides = array<i32>} : memref<12x128xi32, #tpu.memory_space<vmem>>, vector<16xi32>,
    tpu.vector_store %arg11[%swap3A_1436, %swap3A_1437], %add3A_1434 {strides = array<i32>} : memref<12x128xi32, #tpu.memory_space<vmem>>, vector<16xi32>,
    %add3A_1439 = arith.constant 1 : i32
    %add3A_1440 = vector.broadcast %add3A_1439 : i32 to vector<16xi32>
    %add3A_1441 = arith.addi %shift_right_logical3A_1415, %add3A_1440 : vector<16xi32>
    %min3A_1442 = arith.constant 2500001 : i32
    %min3A_1443 = vector.broadcast %min3A_1442 : i32 to vector<16xi32>
    %min3A_1444 = arith.minsi %add3A_1441, %min3A_1443 : vector<16xi32>
    %swap3A_1445 = arith.constant 7 : i32
    %swap3A_1446 = arith.index_cast %swap3A_1445 : i32 to index
    %swap3A_1447 = arith.constant 80 : index
    %swap3A_1448 = tpu.vector_load %arg10[%swap3A_1446, %swap3A_1447] {strides = array<i32>} : memref<12x128xi32, #tpu.memory_space<vmem>>, vector<16xi32>,
    tpu.vector_store %arg10[%swap3A_1446, %swap3A_1447], %min3A_1444 {strides = array<i32>} : memref<12x128xi32, #tpu.memory_space<vmem>>, vector<16xi32>,
    %add3A_1449 = arith.constant 1 : i32
    %add3A_1450 = vector.broadcast %add3A_1449 : i32 to vector<16xi32>
    %add3A_1451 = arith.addi %shift_right_logical3A_1421, %add3A_1450 : vector<16xi32>
    %swap3A_1452 = arith.constant 7 : i32
    %swap3A_1453 = arith.index_cast %swap3A_1452 : i32 to index
    %swap3A_1454 = arith.constant 80 : index
    %swap3A_1455 = tpu.vector_load %arg11[%swap3A_1453, %swap3A_1454] {strides = array<i32>} : memref<12x128xi32, #tpu.memory_space<vmem>>, vector<16xi32>,
    tpu.vector_store %arg11[%swap3A_1453, %swap3A_1454], %add3A_1451 {strides = array<i32>} : memref<12x128xi32, #tpu.memory_space<vmem>>, vector<16xi32>,
    %add3A_1456 = arith.constant 2 : i32
    %add3A_1457 = vector.broadcast %add3A_1456 : i32 to vector<16xi32>
    %add3A_1458 = arith.addi %shift_right_logical3A_1415, %add3A_1457 : vector<16xi32>
    %min3A_1459 = arith.constant 2500001 : i32
    %min3A_1460 = vector.broadcast %min3A_1459 : i32 to vector<16xi32>
    %min3A_1461 = arith.minsi %add3A_1458, %min3A_1460 : vector<16xi32>
    %swap3A_1462 = arith.constant 8 : i32
    %swap3A_1463 = arith.index_cast %swap3A_1462 : i32 to index
    %swap3A_1464 = arith.constant 80 : index
    %swap3A_1465 = tpu.vector_load %arg10[%swap3A_1463, %swap3A_1464] {strides = array<i32>} : memref<12x128xi32, #tpu.memory_space<vmem>>, vector<16xi32>,
    tpu.vector_store %arg10[%swap3A_1463, %swap3A_1464], %min3A_1461 {strides = array<i32>} : memref<12x128xi32, #tpu.memory_space<vmem>>, vector<16xi32>,
    %add3A_1466 = arith.constant 2 : i32
    %add3A_1467 = vector.broadcast %add3A_1466 : i32 to vector<16xi32>
    %add3A_1468 = arith.addi %shift_right_logical3A_1421, %add3A_1467 : vector<16xi32>
    %swap3A_1469 = arith.constant 8 : i32
    %swap3A_1470 = arith.index_cast %swap3A_1469 : i32 to index
    %swap3A_1471 = arith.constant 80 : index
    %swap3A_1472 = tpu.vector_load %arg11[%swap3A_1470, %swap3A_1471] {strides = array<i32>} : memref<12x128xi32, #tpu.memory_space<vmem>>, vector<16xi32>,
    tpu.vector_store %arg11[%swap3A_1470, %swap3A_1471], %add3A_1468 {strides = array<i32>} : memref<12x128xi32, #tpu.memory_space<vmem>>, vector<16xi32>,
    %get3A_1473 = arith.constant 352 : index
    %get3A_1474 = tpu.vector_load %arg8[%get3A_1473] {strides = array<i32>} : memref<512xi32, #tpu.memory_space<vmem>>, vector<16xi32>,
    %get3A_1475 = arith.constant 352 : index
    %get3A_1476 = tpu.vector_load %arg9[%get3A_1475] {strides = array<i32>} : memref<512xi32, #tpu.memory_space<vmem>>, vector<16xi32>,
    %mul3A_1477 = arith.constant 5 : i32
    %mul3A_1478 = vector.broadcast %mul3A_1477 : i32 to vector<16xi32>
    %mul3A_1479 = arith.muli %get3A_1474, %mul3A_1478 : vector<16xi32>
    %shift_right_logical3A_1480 = arith.constant 1 : i32
    %shift_right_logical3A_1481 = vector.broadcast %shift_right_logical3A_1480 : i32 to vector<16xi32>
    %shift_right_logical3A_1482 = arith.shrui %mul3A_1479, %shift_right_logical3A_1481 : vector<16xi32>
    %mul3A_1483 = arith.constant 5 : i32
    %mul3A_1484 = vector.broadcast %mul3A_1483 : i32 to vector<16xi32>
    %mul3A_1485 = arith.muli %get3A_1476, %mul3A_1484 : vector<16xi32>
    %shift_right_logical3A_1486 = arith.constant 1 : i32
    %shift_right_logical3A_1487 = vector.broadcast %shift_right_logical3A_1486 : i32 to vector<16xi32>
    %shift_right_logical3A_1488 = arith.shrui %mul3A_1485, %shift_right_logical3A_1487 : vector<16xi32>
    %add3A_1489 = arith.constant 0 : i32
    %add3A_1490 = vector.broadcast %add3A_1489 : i32 to vector<16xi32>
    %add3A_1491 = arith.addi %shift_right_logical3A_1482, %add3A_1490 : vector<16xi32>
    %min3A_1492 = arith.constant 2500001 : i32
    %min3A_1493 = vector.broadcast %min3A_1492 : i32 to vector<16xi32>
    %min3A_1494 = arith.minsi %add3A_1491, %min3A_1493 : vector<16xi32>
    %swap3A_1495 = arith.constant 6 : i32
    %swap3A_1496 = arith.index_cast %swap3A_1495 : i32 to index
    %swap3A_1497 = arith.constant 96 : index
    %swap3A_1498 = tpu.vector_load %arg10[%swap3A_1496, %swap3A_1497] {strides = array<i32>} : memref<12x128xi32, #tpu.memory_space<vmem>>, vector<16xi32>,
    tpu.vector_store %arg10[%swap3A_1496, %swap3A_1497], %min3A_1494 {strides = array<i32>} : memref<12x128xi32, #tpu.memory_space<vmem>>, vector<16xi32>,
    %add3A_1499 = arith.constant 0 : i32
    %add3A_1500 = vector.broadcast %add3A_1499 : i32 to vector<16xi32>
    %add3A_1501 = arith.addi %shift_right_logical3A_1488, %add3A_1500 : vector<16xi32>
    %swap3A_1502 = arith.constant 6 : i32
    %swap3A_1503 = arith.index_cast %swap3A_1502 : i32 to index
    %swap3A_1504 = arith.constant 96 : index
    %swap3A_1505 = tpu.vector_load %arg11[%swap3A_1503, %swap3A_1504] {strides = array<i32>} : memref<12x128xi32, #tpu.memory_space<vmem>>, vector<16xi32>,
    tpu.vector_store %arg11[%swap3A_1503, %swap3A_1504], %add3A_1501 {strides = array<i32>} : memref<12x128xi32, #tpu.memory_space<vmem>>, vector<16xi32>,
    %add3A_1506 = arith.constant 1 : i32
    %add3A_1507 = vector.broadcast %add3A_1506 : i32 to vector<16xi32>
    %add3A_1508 = arith.addi %shift_right_logical3A_1482, %add3A_1507 : vector<16xi32>
    %min3A_1509 = arith.constant 2500001 : i32
    %min3A_1510 = vector.broadcast %min3A_1509 : i32 to vector<16xi32>
    %min3A_1511 = arith.minsi %add3A_1508, %min3A_1510 : vector<16xi32>
    %swap3A_1512 = arith.constant 7 : i32
    %swap3A_1513 = arith.index_cast %swap3A_1512 : i32 to index
    %swap3A_1514 = arith.constant 96 : index
    %swap3A_1515 = tpu.vector_load %arg10[%swap3A_1513, %swap3A_1514] {strides = array<i32>} : memref<12x128xi32, #tpu.memory_space<vmem>>, vector<16xi32>,
    tpu.vector_store %arg10[%swap3A_1513, %swap3A_1514], %min3A_1511 {strides = array<i32>} : memref<12x128xi32, #tpu.memory_space<vmem>>, vector<16xi32>,
    %add3A_1516 = arith.constant 1 : i32
    %add3A_1517 = vector.broadcast %add3A_1516 : i32 to vector<16xi32>
    %add3A_1518 = arith.addi %shift_right_logical3A_1488, %add3A_1517 : vector<16xi32>
    %swap3A_1519 = arith.constant 7 : i32
    %swap3A_1520 = arith.index_cast %swap3A_1519 : i32 to index
    %swap3A_1521 = arith.constant 96 : index
    %swap3A_1522 = tpu.vector_load %arg11[%swap3A_1520, %swap3A_1521] {strides = array<i32>} : memref<12x128xi32, #tpu.memory_space<vmem>>, vector<16xi32>,
    tpu.vector_store %arg11[%swap3A_1520, %swap3A_1521], %add3A_1518 {strides = array<i32>} : memref<12x128xi32, #tpu.memory_space<vmem>>, vector<16xi32>,
    %add3A_1523 = arith.constant 2 : i32
    %add3A_1524 = vector.broadcast %add3A_1523 : i32 to vector<16xi32>
    %add3A_1525 = arith.addi %shift_right_logical3A_1482, %add3A_1524 : vector<16xi32>
    %min3A_1526 = arith.constant 2500001 : i32
    %min3A_1527 = vector.broadcast %min3A_1526 : i32 to vector<16xi32>
    %min3A_1528 = arith.minsi %add3A_1525, %min3A_1527 : vector<16xi32>
    %swap3A_1529 = arith.constant 8 : i32
    %swap3A_1530 = arith.index_cast %swap3A_1529 : i32 to index
    %swap3A_1531 = arith.constant 96 : index
    %swap3A_1532 = tpu.vector_load %arg10[%swap3A_1530, %swap3A_1531] {strides = array<i32>} : memref<12x128xi32, #tpu.memory_space<vmem>>, vector<16xi32>,
    tpu.vector_store %arg10[%swap3A_1530, %swap3A_1531], %min3A_1528 {strides = array<i32>} : memref<12x128xi32, #tpu.memory_space<vmem>>, vector<16xi32>,
    %add3A_1533 = arith.constant 2 : i32
    %add3A_1534 = vector.broadcast %add3A_1533 : i32 to vector<16xi32>
    %add3A_1535 = arith.addi %shift_right_logical3A_1488, %add3A_1534 : vector<16xi32>
    %swap3A_1536 = arith.constant 8 : i32
    %swap3A_1537 = arith.index_cast %swap3A_1536 : i32 to index
    %swap3A_1538 = arith.constant 96 : index
    %swap3A_1539 = tpu.vector_load %arg11[%swap3A_1537, %swap3A_1538] {strides = array<i32>} : memref<12x128xi32, #tpu.memory_space<vmem>>, vector<16xi32>,
    tpu.vector_store %arg11[%swap3A_1537, %swap3A_1538], %add3A_1535 {strides = array<i32>} : memref<12x128xi32, #tpu.memory_space<vmem>>, vector<16xi32>,
    %get3A_1540 = arith.constant 368 : index
    %get3A_1541 = tpu.vector_load %arg8[%get3A_1540] {strides = array<i32>} : memref<512xi32, #tpu.memory_space<vmem>>, vector<16xi32>,
    %get3A_1542 = arith.constant 368 : index
    %get3A_1543 = tpu.vector_load %arg9[%get3A_1542] {strides = array<i32>} : memref<512xi32, #tpu.memory_space<vmem>>, vector<16xi32>,
    %mul3A_1544 = arith.constant 5 : i32
    %mul3A_1545 = vector.broadcast %mul3A_1544 : i32 to vector<16xi32>
    %mul3A_1546 = arith.muli %get3A_1541, %mul3A_1545 : vector<16xi32>
    %shift_right_logical3A_1547 = arith.constant 1 : i32
    %shift_right_logical3A_1548 = vector.broadcast %shift_right_logical3A_1547 : i32 to vector<16xi32>
    %shift_right_logical3A_1549 = arith.shrui %mul3A_1546, %shift_right_logical3A_1548 : vector<16xi32>
    %mul3A_1550 = arith.constant 5 : i32
    %mul3A_1551 = vector.broadcast %mul3A_1550 : i32 to vector<16xi32>
    %mul3A_1552 = arith.muli %get3A_1543, %mul3A_1551 : vector<16xi32>
    %shift_right_logical3A_1553 = arith.constant 1 : i32
    %shift_right_logical3A_1554 = vector.broadcast %shift_right_logical3A_1553 : i32 to vector<16xi32>
    %shift_right_logical3A_1555 = arith.shrui %mul3A_1552, %shift_right_logical3A_1554 : vector<16xi32>
    %add3A_1556 = arith.constant 0 : i32
    %add3A_1557 = vector.broadcast %add3A_1556 : i32 to vector<16xi32>
    %add3A_1558 = arith.addi %shift_right_logical3A_1549, %add3A_1557 : vector<16xi32>
    %min3A_1559 = arith.constant 2500001 : i32
    %min3A_1560 = vector.broadcast %min3A_1559 : i32 to vector<16xi32>
    %min3A_1561 = arith.minsi %add3A_1558, %min3A_1560 : vector<16xi32>
    %swap3A_1562 = arith.constant 6 : i32
    %swap3A_1563 = arith.index_cast %swap3A_1562 : i32 to index
    %swap3A_1564 = arith.constant 112 : index
    %swap3A_1565 = tpu.vector_load %arg10[%swap3A_1563, %swap3A_1564] {strides = array<i32>} : memref<12x128xi32, #tpu.memory_space<vmem>>, vector<16xi32>,
    tpu.vector_store %arg10[%swap3A_1563, %swap3A_1564], %min3A_1561 {strides = array<i32>} : memref<12x128xi32, #tpu.memory_space<vmem>>, vector<16xi32>,
    %add3A_1566 = arith.constant 0 : i32
    %add3A_1567 = vector.broadcast %add3A_1566 : i32 to vector<16xi32>
    %add3A_1568 = arith.addi %shift_right_logical3A_1555, %add3A_1567 : vector<16xi32>
    %swap3A_1569 = arith.constant 6 : i32
    %swap3A_1570 = arith.index_cast %swap3A_1569 : i32 to index
    %swap3A_1571 = arith.constant 112 : index
    %swap3A_1572 = tpu.vector_load %arg11[%swap3A_1570, %swap3A_1571] {strides = array<i32>} : memref<12x128xi32, #tpu.memory_space<vmem>>, vector<16xi32>,
    tpu.vector_store %arg11[%swap3A_1570, %swap3A_1571], %add3A_1568 {strides = array<i32>} : memref<12x128xi32, #tpu.memory_space<vmem>>, vector<16xi32>,
    %add3A_1573 = arith.constant 1 : i32
    %add3A_1574 = vector.broadcast %add3A_1573 : i32 to vector<16xi32>
    %add3A_1575 = arith.addi %shift_right_logical3A_1549, %add3A_1574 : vector<16xi32>
    %min3A_1576 = arith.constant 2500001 : i32
    %min3A_1577 = vector.broadcast %min3A_1576 : i32 to vector<16xi32>
    %min3A_1578 = arith.minsi %add3A_1575, %min3A_1577 : vector<16xi32>
    %swap3A_1579 = arith.constant 7 : i32
    %swap3A_1580 = arith.index_cast %swap3A_1579 : i32 to index
    %swap3A_1581 = arith.constant 112 : index
    %swap3A_1582 = tpu.vector_load %arg10[%swap3A_1580, %swap3A_1581] {strides = array<i32>} : memref<12x128xi32, #tpu.memory_space<vmem>>, vector<16xi32>,
    tpu.vector_store %arg10[%swap3A_1580, %swap3A_1581], %min3A_1578 {strides = array<i32>} : memref<12x128xi32, #tpu.memory_space<vmem>>, vector<16xi32>,
    %add3A_1583 = arith.constant 1 : i32
    %add3A_1584 = vector.broadcast %add3A_1583 : i32 to vector<16xi32>
    %add3A_1585 = arith.addi %shift_right_logical3A_1555, %add3A_1584 : vector<16xi32>
    %swap3A_1586 = arith.constant 7 : i32
    %swap3A_1587 = arith.index_cast %swap3A_1586 : i32 to index
    %swap3A_1588 = arith.constant 112 : index
    %swap3A_1589 = tpu.vector_load %arg11[%swap3A_1587, %swap3A_1588] {strides = array<i32>} : memref<12x128xi32, #tpu.memory_space<vmem>>, vector<16xi32>,
    tpu.vector_store %arg11[%swap3A_1587, %swap3A_1588], %add3A_1585 {strides = array<i32>} : memref<12x128xi32, #tpu.memory_space<vmem>>, vector<16xi32>,
    %add3A_1590 = arith.constant 2 : i32
    %add3A_1591 = vector.broadcast %add3A_1590 : i32 to vector<16xi32>
    %add3A_1592 = arith.addi %shift_right_logical3A_1549, %add3A_1591 : vector<16xi32>
    %min3A_1593 = arith.constant 2500001 : i32
    %min3A_1594 = vector.broadcast %min3A_1593 : i32 to vector<16xi32>
    %min3A_1595 = arith.minsi %add3A_1592, %min3A_1594 : vector<16xi32>
    %swap3A_1596 = arith.constant 8 : i32
    %swap3A_1597 = arith.index_cast %swap3A_1596 : i32 to index
    %swap3A_1598 = arith.constant 112 : index
    %swap3A_1599 = tpu.vector_load %arg10[%swap3A_1597, %swap3A_1598] {strides = array<i32>} : memref<12x128xi32, #tpu.memory_space<vmem>>, vector<16xi32>,
    tpu.vector_store %arg10[%swap3A_1597, %swap3A_1598], %min3A_1595 {strides = array<i32>} : memref<12x128xi32, #tpu.memory_space<vmem>>, vector<16xi32>,
    %add3A_1600 = arith.constant 2 : i32
    %add3A_1601 = vector.broadcast %add3A_1600 : i32 to vector<16xi32>
    %add3A_1602 = arith.addi %shift_right_logical3A_1555, %add3A_1601 : vector<16xi32>
    %swap3A_1603 = arith.constant 8 : i32
    %swap3A_1604 = arith.index_cast %swap3A_1603 : i32 to index
    %swap3A_1605 = arith.constant 112 : index
    %swap3A_1606 = tpu.vector_load %arg11[%swap3A_1604, %swap3A_1605] {strides = array<i32>} : memref<12x128xi32, #tpu.memory_space<vmem>>, vector<16xi32>,
    tpu.vector_store %arg11[%swap3A_1604, %swap3A_1605], %add3A_1602 {strides = array<i32>} : memref<12x128xi32, #tpu.memory_space<vmem>>, vector<16xi32>,
    %get3A_1607 = arith.constant 384 : index
    %get3A_1608 = tpu.vector_load %arg8[%get3A_1607] {strides = array<i32>} : memref<512xi32, #tpu.memory_space<vmem>>, vector<16xi32>,
    %get3A_1609 = arith.constant 384 : index
    %get3A_1610 = tpu.vector_load %arg9[%get3A_1609] {strides = array<i32>} : memref<512xi32, #tpu.memory_space<vmem>>, vector<16xi32>,
    %mul3A_1611 = arith.constant 5 : i32
    %mul3A_1612 = vector.broadcast %mul3A_1611 : i32 to vector<16xi32>
    %mul3A_1613 = arith.muli %get3A_1608, %mul3A_1612 : vector<16xi32>
    %shift_right_logical3A_1614 = arith.constant 1 : i32
    %shift_right_logical3A_1615 = vector.broadcast %shift_right_logical3A_1614 : i32 to vector<16xi32>
    %shift_right_logical3A_1616 = arith.shrui %mul3A_1613, %shift_right_logical3A_1615 : vector<16xi32>
    %mul3A_1617 = arith.constant 5 : i32
    %mul3A_1618 = vector.broadcast %mul3A_1617 : i32 to vector<16xi32>
    %mul3A_1619 = arith.muli %get3A_1610, %mul3A_1618 : vector<16xi32>
    %shift_right_logical3A_1620 = arith.constant 1 : i32
    %shift_right_logical3A_1621 = vector.broadcast %shift_right_logical3A_1620 : i32 to vector<16xi32>
    %shift_right_logical3A_1622 = arith.shrui %mul3A_1619, %shift_right_logical3A_1621 : vector<16xi32>
    %add3A_1623 = arith.constant 0 : i32
    %add3A_1624 = vector.broadcast %add3A_1623 : i32 to vector<16xi32>
    %add3A_1625 = arith.addi %shift_right_logical3A_1616, %add3A_1624 : vector<16xi32>
    %min3A_1626 = arith.constant 2500001 : i32
    %min3A_1627 = vector.broadcast %min3A_1626 : i32 to vector<16xi32>
    %min3A_1628 = arith.minsi %add3A_1625, %min3A_1627 : vector<16xi32>
    %swap3A_1629 = arith.constant 9 : i32
    %swap3A_1630 = arith.index_cast %swap3A_1629 : i32 to index
    %swap3A_1631 = arith.constant 0 : index
    %swap3A_1632 = tpu.vector_load %arg10[%swap3A_1630, %swap3A_1631] {strides = array<i32>} : memref<12x128xi32, #tpu.memory_space<vmem>>, vector<16xi32>,
    tpu.vector_store %arg10[%swap3A_1630, %swap3A_1631], %min3A_1628 {strides = array<i32>} : memref<12x128xi32, #tpu.memory_space<vmem>>, vector<16xi32>,
    %add3A_1633 = arith.constant 0 : i32
    %add3A_1634 = vector.broadcast %add3A_1633 : i32 to vector<16xi32>
    %add3A_1635 = arith.addi %shift_right_logical3A_1622, %add3A_1634 : vector<16xi32>
    %swap3A_1636 = arith.constant 9 : i32
    %swap3A_1637 = arith.index_cast %swap3A_1636 : i32 to index
    %swap3A_1638 = arith.constant 0 : index
    %swap3A_1639 = tpu.vector_load %arg11[%swap3A_1637, %swap3A_1638] {strides = array<i32>} : memref<12x128xi32, #tpu.memory_space<vmem>>, vector<16xi32>,
    tpu.vector_store %arg11[%swap3A_1637, %swap3A_1638], %add3A_1635 {strides = array<i32>} : memref<12x128xi32, #tpu.memory_space<vmem>>, vector<16xi32>,
    %add3A_1640 = arith.constant 1 : i32
    %add3A_1641 = vector.broadcast %add3A_1640 : i32 to vector<16xi32>
    %add3A_1642 = arith.addi %shift_right_logical3A_1616, %add3A_1641 : vector<16xi32>
    %min3A_1643 = arith.constant 2500001 : i32
    %min3A_1644 = vector.broadcast %min3A_1643 : i32 to vector<16xi32>
    %min3A_1645 = arith.minsi %add3A_1642, %min3A_1644 : vector<16xi32>
    %swap3A_1646 = arith.constant 10 : i32
    %swap3A_1647 = arith.index_cast %swap3A_1646 : i32 to index
    %swap3A_1648 = arith.constant 0 : index
    %swap3A_1649 = tpu.vector_load %arg10[%swap3A_1647, %swap3A_1648] {strides = array<i32>} : memref<12x128xi32, #tpu.memory_space<vmem>>, vector<16xi32>,
    tpu.vector_store %arg10[%swap3A_1647, %swap3A_1648], %min3A_1645 {strides = array<i32>} : memref<12x128xi32, #tpu.memory_space<vmem>>, vector<16xi32>,
    %add3A_1650 = arith.constant 1 : i32
    %add3A_1651 = vector.broadcast %add3A_1650 : i32 to vector<16xi32>
    %add3A_1652 = arith.addi %shift_right_logical3A_1622, %add3A_1651 : vector<16xi32>
    %swap3A_1653 = arith.constant 10 : i32
    %swap3A_1654 = arith.index_cast %swap3A_1653 : i32 to index
    %swap3A_1655 = arith.constant 0 : index
    %swap3A_1656 = tpu.vector_load %arg11[%swap3A_1654, %swap3A_1655] {strides = array<i32>} : memref<12x128xi32, #tpu.memory_space<vmem>>, vector<16xi32>,
    tpu.vector_store %arg11[%swap3A_1654, %swap3A_1655], %add3A_1652 {strides = array<i32>} : memref<12x128xi32, #tpu.memory_space<vmem>>, vector<16xi32>,
    %add3A_1657 = arith.constant 2 : i32
    %add3A_1658 = vector.broadcast %add3A_1657 : i32 to vector<16xi32>
    %add3A_1659 = arith.addi %shift_right_logical3A_1616, %add3A_1658 : vector<16xi32>
    %min3A_1660 = arith.constant 2500001 : i32
    %min3A_1661 = vector.broadcast %min3A_1660 : i32 to vector<16xi32>
    %min3A_1662 = arith.minsi %add3A_1659, %min3A_1661 : vector<16xi32>
    %swap3A_1663 = arith.constant 11 : i32
    %swap3A_1664 = arith.index_cast %swap3A_1663 : i32 to index
    %swap3A_1665 = arith.constant 0 : index
    %swap3A_1666 = tpu.vector_load %arg10[%swap3A_1664, %swap3A_1665] {strides = array<i32>} : memref<12x128xi32, #tpu.memory_space<vmem>>, vector<16xi32>,
    tpu.vector_store %arg10[%swap3A_1664, %swap3A_1665], %min3A_1662 {strides = array<i32>} : memref<12x128xi32, #tpu.memory_space<vmem>>, vector<16xi32>,
    %add3A_1667 = arith.constant 2 : i32
    %add3A_1668 = vector.broadcast %add3A_1667 : i32 to vector<16xi32>
    %add3A_1669 = arith.addi %shift_right_logical3A_1622, %add3A_1668 : vector<16xi32>
    %swap3A_1670 = arith.constant 11 : i32
    %swap3A_1671 = arith.index_cast %swap3A_1670 : i32 to index
    %swap3A_1672 = arith.constant 0 : index
    %swap3A_1673 = tpu.vector_load %arg11[%swap3A_1671, %swap3A_1672] {strides = array<i32>} : memref<12x128xi32, #tpu.memory_space<vmem>>, vector<16xi32>,
    tpu.vector_store %arg11[%swap3A_1671, %swap3A_1672], %add3A_1669 {strides = array<i32>} : memref<12x128xi32, #tpu.memory_space<vmem>>, vector<16xi32>,
    %get3A_1674 = arith.constant 400 : index
    %get3A_1675 = tpu.vector_load %arg8[%get3A_1674] {strides = array<i32>} : memref<512xi32, #tpu.memory_space<vmem>>, vector<16xi32>,
    %get3A_1676 = arith.constant 400 : index
    %get3A_1677 = tpu.vector_load %arg9[%get3A_1676] {strides = array<i32>} : memref<512xi32, #tpu.memory_space<vmem>>, vector<16xi32>,
    %mul3A_1678 = arith.constant 5 : i32
    %mul3A_1679 = vector.broadcast %mul3A_1678 : i32 to vector<16xi32>
    %mul3A_1680 = arith.muli %get3A_1675, %mul3A_1679 : vector<16xi32>
    %shift_right_logical3A_1681 = arith.constant 1 : i32
    %shift_right_logical3A_1682 = vector.broadcast %shift_right_logical3A_1681 : i32 to vector<16xi32>
    %shift_right_logical3A_1683 = arith.shrui %mul3A_1680, %shift_right_logical3A_1682 : vector<16xi32>
    %mul3A_1684 = arith.constant 5 : i32
    %mul3A_1685 = vector.broadcast %mul3A_1684 : i32 to vector<16xi32>
    %mul3A_1686 = arith.muli %get3A_1677, %mul3A_1685 : vector<16xi32>
    %shift_right_logical3A_1687 = arith.constant 1 : i32
    %shift_right_logical3A_1688 = vector.broadcast %shift_right_logical3A_1687 : i32 to vector<16xi32>
    %shift_right_logical3A_1689 = arith.shrui %mul3A_1686, %shift_right_logical3A_1688 : vector<16xi32>
    %add3A_1690 = arith.constant 0 : i32
    %add3A_1691 = vector.broadcast %add3A_1690 : i32 to vector<16xi32>
    %add3A_1692 = arith.addi %shift_right_logical3A_1683, %add3A_1691 : vector<16xi32>
    %min3A_1693 = arith.constant 2500001 : i32
    %min3A_1694 = vector.broadcast %min3A_1693 : i32 to vector<16xi32>
    %min3A_1695 = arith.minsi %add3A_1692, %min3A_1694 : vector<16xi32>
    %swap3A_1696 = arith.constant 9 : i32
    %swap3A_1697 = arith.index_cast %swap3A_1696 : i32 to index
    %swap3A_1698 = arith.constant 16 : index
    %swap3A_1699 = tpu.vector_load %arg10[%swap3A_1697, %swap3A_1698] {strides = array<i32>} : memref<12x128xi32, #tpu.memory_space<vmem>>, vector<16xi32>,
    tpu.vector_store %arg10[%swap3A_1697, %swap3A_1698], %min3A_1695 {strides = array<i32>} : memref<12x128xi32, #tpu.memory_space<vmem>>, vector<16xi32>,
    %add3A_1700 = arith.constant 0 : i32
    %add3A_1701 = vector.broadcast %add3A_1700 : i32 to vector<16xi32>
    %add3A_1702 = arith.addi %shift_right_logical3A_1689, %add3A_1701 : vector<16xi32>
    %swap3A_1703 = arith.constant 9 : i32
    %swap3A_1704 = arith.index_cast %swap3A_1703 : i32 to index
    %swap3A_1705 = arith.constant 16 : index
    %swap3A_1706 = tpu.vector_load %arg11[%swap3A_1704, %swap3A_1705] {strides = array<i32>} : memref<12x128xi32, #tpu.memory_space<vmem>>, vector<16xi32>,
    tpu.vector_store %arg11[%swap3A_1704, %swap3A_1705], %add3A_1702 {strides = array<i32>} : memref<12x128xi32, #tpu.memory_space<vmem>>, vector<16xi32>,
    %add3A_1707 = arith.constant 1 : i32
    %add3A_1708 = vector.broadcast %add3A_1707 : i32 to vector<16xi32>
    %add3A_1709 = arith.addi %shift_right_logical3A_1683, %add3A_1708 : vector<16xi32>
    %min3A_1710 = arith.constant 2500001 : i32
    %min3A_1711 = vector.broadcast %min3A_1710 : i32 to vector<16xi32>
    %min3A_1712 = arith.minsi %add3A_1709, %min3A_1711 : vector<16xi32>
    %swap3A_1713 = arith.constant 10 : i32
    %swap3A_1714 = arith.index_cast %swap3A_1713 : i32 to index
    %swap3A_1715 = arith.constant 16 : index
    %swap3A_1716 = tpu.vector_load %arg10[%swap3A_1714, %swap3A_1715] {strides = array<i32>} : memref<12x128xi32, #tpu.memory_space<vmem>>, vector<16xi32>,
    tpu.vector_store %arg10[%swap3A_1714, %swap3A_1715], %min3A_1712 {strides = array<i32>} : memref<12x128xi32, #tpu.memory_space<vmem>>, vector<16xi32>,
    %add3A_1717 = arith.constant 1 : i32
    %add3A_1718 = vector.broadcast %add3A_1717 : i32 to vector<16xi32>
    %add3A_1719 = arith.addi %shift_right_logical3A_1689, %add3A_1718 : vector<16xi32>
    %swap3A_1720 = arith.constant 10 : i32
    %swap3A_1721 = arith.index_cast %swap3A_1720 : i32 to index
    %swap3A_1722 = arith.constant 16 : index
    %swap3A_1723 = tpu.vector_load %arg11[%swap3A_1721, %swap3A_1722] {strides = array<i32>} : memref<12x128xi32, #tpu.memory_space<vmem>>, vector<16xi32>,
    tpu.vector_store %arg11[%swap3A_1721, %swap3A_1722], %add3A_1719 {strides = array<i32>} : memref<12x128xi32, #tpu.memory_space<vmem>>, vector<16xi32>,
    %add3A_1724 = arith.constant 2 : i32
    %add3A_1725 = vector.broadcast %add3A_1724 : i32 to vector<16xi32>
    %add3A_1726 = arith.addi %shift_right_logical3A_1683, %add3A_1725 : vector<16xi32>
    %min3A_1727 = arith.constant 2500001 : i32
    %min3A_1728 = vector.broadcast %min3A_1727 : i32 to vector<16xi32>
    %min3A_1729 = arith.minsi %add3A_1726, %min3A_1728 : vector<16xi32>
    %swap3A_1730 = arith.constant 11 : i32
    %swap3A_1731 = arith.index_cast %swap3A_1730 : i32 to index
    %swap3A_1732 = arith.constant 16 : index
    %swap3A_1733 = tpu.vector_load %arg10[%swap3A_1731, %swap3A_1732] {strides = array<i32>} : memref<12x128xi32, #tpu.memory_space<vmem>>, vector<16xi32>,
    tpu.vector_store %arg10[%swap3A_1731, %swap3A_1732], %min3A_1729 {strides = array<i32>} : memref<12x128xi32, #tpu.memory_space<vmem>>, vector<16xi32>,
    %add3A_1734 = arith.constant 2 : i32
    %add3A_1735 = vector.broadcast %add3A_1734 : i32 to vector<16xi32>
    %add3A_1736 = arith.addi %shift_right_logical3A_1689, %add3A_1735 : vector<16xi32>
    %swap3A_1737 = arith.constant 11 : i32
    %swap3A_1738 = arith.index_cast %swap3A_1737 : i32 to index
    %swap3A_1739 = arith.constant 16 : index
    %swap3A_1740 = tpu.vector_load %arg11[%swap3A_1738, %swap3A_1739] {strides = array<i32>} : memref<12x128xi32, #tpu.memory_space<vmem>>, vector<16xi32>,
    tpu.vector_store %arg11[%swap3A_1738, %swap3A_1739], %add3A_1736 {strides = array<i32>} : memref<12x128xi32, #tpu.memory_space<vmem>>, vector<16xi32>,
    %get3A_1741 = arith.constant 416 : index
    %get3A_1742 = tpu.vector_load %arg8[%get3A_1741] {strides = array<i32>} : memref<512xi32, #tpu.memory_space<vmem>>, vector<16xi32>,
    %get3A_1743 = arith.constant 416 : index
    %get3A_1744 = tpu.vector_load %arg9[%get3A_1743] {strides = array<i32>} : memref<512xi32, #tpu.memory_space<vmem>>, vector<16xi32>,
    %mul3A_1745 = arith.constant 5 : i32
    %mul3A_1746 = vector.broadcast %mul3A_1745 : i32 to vector<16xi32>
    %mul3A_1747 = arith.muli %get3A_1742, %mul3A_1746 : vector<16xi32>
    %shift_right_logical3A_1748 = arith.constant 1 : i32
    %shift_right_logical3A_1749 = vector.broadcast %shift_right_logical3A_1748 : i32 to vector<16xi32>
    %shift_right_logical3A_1750 = arith.shrui %mul3A_1747, %shift_right_logical3A_1749 : vector<16xi32>
    %mul3A_1751 = arith.constant 5 : i32
    %mul3A_1752 = vector.broadcast %mul3A_1751 : i32 to vector<16xi32>
    %mul3A_1753 = arith.muli %get3A_1744, %mul3A_1752 : vector<16xi32>
    %shift_right_logical3A_1754 = arith.constant 1 : i32
    %shift_right_logical3A_1755 = vector.broadcast %shift_right_logical3A_1754 : i32 to vector<16xi32>
    %shift_right_logical3A_1756 = arith.shrui %mul3A_1753, %shift_right_logical3A_1755 : vector<16xi32>
    %add3A_1757 = arith.constant 0 : i32
    %add3A_1758 = vector.broadcast %add3A_1757 : i32 to vector<16xi32>
    %add3A_1759 = arith.addi %shift_right_logical3A_1750, %add3A_1758 : vector<16xi32>
    %min3A_1760 = arith.constant 2500001 : i32
    %min3A_1761 = vector.broadcast %min3A_1760 : i32 to vector<16xi32>
    %min3A_1762 = arith.minsi %add3A_1759, %min3A_1761 : vector<16xi32>
    %swap3A_1763 = arith.constant 9 : i32
    %swap3A_1764 = arith.index_cast %swap3A_1763 : i32 to index
    %swap3A_1765 = arith.constant 32 : index
    %swap3A_1766 = tpu.vector_load %arg10[%swap3A_1764, %swap3A_1765] {strides = array<i32>} : memref<12x128xi32, #tpu.memory_space<vmem>>, vector<16xi32>,
    tpu.vector_store %arg10[%swap3A_1764, %swap3A_1765], %min3A_1762 {strides = array<i32>} : memref<12x128xi32, #tpu.memory_space<vmem>>, vector<16xi32>,
    %add3A_1767 = arith.constant 0 : i32
    %add3A_1768 = vector.broadcast %add3A_1767 : i32 to vector<16xi32>
    %add3A_1769 = arith.addi %shift_right_logical3A_1756, %add3A_1768 : vector<16xi32>
    %swap3A_1770 = arith.constant 9 : i32
    %swap3A_1771 = arith.index_cast %swap3A_1770 : i32 to index
    %swap3A_1772 = arith.constant 32 : index
    %swap3A_1773 = tpu.vector_load %arg11[%swap3A_1771, %swap3A_1772] {strides = array<i32>} : memref<12x128xi32, #tpu.memory_space<vmem>>, vector<16xi32>,
    tpu.vector_store %arg11[%swap3A_1771, %swap3A_1772], %add3A_1769 {strides = array<i32>} : memref<12x128xi32, #tpu.memory_space<vmem>>, vector<16xi32>,
    %add3A_1774 = arith.constant 1 : i32
    %add3A_1775 = vector.broadcast %add3A_1774 : i32 to vector<16xi32>
    %add3A_1776 = arith.addi %shift_right_logical3A_1750, %add3A_1775 : vector<16xi32>
    %min3A_1777 = arith.constant 2500001 : i32
    %min3A_1778 = vector.broadcast %min3A_1777 : i32 to vector<16xi32>
    %min3A_1779 = arith.minsi %add3A_1776, %min3A_1778 : vector<16xi32>
    %swap3A_1780 = arith.constant 10 : i32
    %swap3A_1781 = arith.index_cast %swap3A_1780 : i32 to index
    %swap3A_1782 = arith.constant 32 : index
    %swap3A_1783 = tpu.vector_load %arg10[%swap3A_1781, %swap3A_1782] {strides = array<i32>} : memref<12x128xi32, #tpu.memory_space<vmem>>, vector<16xi32>,
    tpu.vector_store %arg10[%swap3A_1781, %swap3A_1782], %min3A_1779 {strides = array<i32>} : memref<12x128xi32, #tpu.memory_space<vmem>>, vector<16xi32>,
    %add3A_1784 = arith.constant 1 : i32
    %add3A_1785 = vector.broadcast %add3A_1784 : i32 to vector<16xi32>
    %add3A_1786 = arith.addi %shift_right_logical3A_1756, %add3A_1785 : vector<16xi32>
    %swap3A_1787 = arith.constant 10 : i32
    %swap3A_1788 = arith.index_cast %swap3A_1787 : i32 to index
    %swap3A_1789 = arith.constant 32 : index
    %swap3A_1790 = tpu.vector_load %arg11[%swap3A_1788, %swap3A_1789] {strides = array<i32>} : memref<12x128xi32, #tpu.memory_space<vmem>>, vector<16xi32>,
    tpu.vector_store %arg11[%swap3A_1788, %swap3A_1789], %add3A_1786 {strides = array<i32>} : memref<12x128xi32, #tpu.memory_space<vmem>>, vector<16xi32>,
    %add3A_1791 = arith.constant 2 : i32
    %add3A_1792 = vector.broadcast %add3A_1791 : i32 to vector<16xi32>
    %add3A_1793 = arith.addi %shift_right_logical3A_1750, %add3A_1792 : vector<16xi32>
    %min3A_1794 = arith.constant 2500001 : i32
    %min3A_1795 = vector.broadcast %min3A_1794 : i32 to vector<16xi32>
    %min3A_1796 = arith.minsi %add3A_1793, %min3A_1795 : vector<16xi32>
    %swap3A_1797 = arith.constant 11 : i32
    %swap3A_1798 = arith.index_cast %swap3A_1797 : i32 to index
    %swap3A_1799 = arith.constant 32 : index
    %swap3A_1800 = tpu.vector_load %arg10[%swap3A_1798, %swap3A_1799] {strides = array<i32>} : memref<12x128xi32, #tpu.memory_space<vmem>>, vector<16xi32>,
    tpu.vector_store %arg10[%swap3A_1798, %swap3A_1799], %min3A_1796 {strides = array<i32>} : memref<12x128xi32, #tpu.memory_space<vmem>>, vector<16xi32>,
    %add3A_1801 = arith.constant 2 : i32
    %add3A_1802 = vector.broadcast %add3A_1801 : i32 to vector<16xi32>
    %add3A_1803 = arith.addi %shift_right_logical3A_1756, %add3A_1802 : vector<16xi32>
    %swap3A_1804 = arith.constant 11 : i32
    %swap3A_1805 = arith.index_cast %swap3A_1804 : i32 to index
    %swap3A_1806 = arith.constant 32 : index
    %swap3A_1807 = tpu.vector_load %arg11[%swap3A_1805, %swap3A_1806] {strides = array<i32>} : memref<12x128xi32, #tpu.memory_space<vmem>>, vector<16xi32>,
    tpu.vector_store %arg11[%swap3A_1805, %swap3A_1806], %add3A_1803 {strides = array<i32>} : memref<12x128xi32, #tpu.memory_space<vmem>>, vector<16xi32>,
    %get3A_1808 = arith.constant 432 : index
    %get3A_1809 = tpu.vector_load %arg8[%get3A_1808] {strides = array<i32>} : memref<512xi32, #tpu.memory_space<vmem>>, vector<16xi32>,
    %get3A_1810 = arith.constant 432 : index
    %get3A_1811 = tpu.vector_load %arg9[%get3A_1810] {strides = array<i32>} : memref<512xi32, #tpu.memory_space<vmem>>, vector<16xi32>,
    %mul3A_1812 = arith.constant 5 : i32
    %mul3A_1813 = vector.broadcast %mul3A_1812 : i32 to vector<16xi32>
    %mul3A_1814 = arith.muli %get3A_1809, %mul3A_1813 : vector<16xi32>
    %shift_right_logical3A_1815 = arith.constant 1 : i32
    %shift_right_logical3A_1816 = vector.broadcast %shift_right_logical3A_1815 : i32 to vector<16xi32>
    %shift_right_logical3A_1817 = arith.shrui %mul3A_1814, %shift_right_logical3A_1816 : vector<16xi32>
    %mul3A_1818 = arith.constant 5 : i32
    %mul3A_1819 = vector.broadcast %mul3A_1818 : i32 to vector<16xi32>
    %mul3A_1820 = arith.muli %get3A_1811, %mul3A_1819 : vector<16xi32>
    %shift_right_logical3A_1821 = arith.constant 1 : i32
    %shift_right_logical3A_1822 = vector.broadcast %shift_right_logical3A_1821 : i32 to vector<16xi32>
    %shift_right_logical3A_1823 = arith.shrui %mul3A_1820, %shift_right_logical3A_1822 : vector<16xi32>
    %add3A_1824 = arith.constant 0 : i32
    %add3A_1825 = vector.broadcast %add3A_1824 : i32 to vector<16xi32>
    %add3A_1826 = arith.addi %shift_right_logical3A_1817, %add3A_1825 : vector<16xi32>
    %min3A_1827 = arith.constant 2500001 : i32
    %min3A_1828 = vector.broadcast %min3A_1827 : i32 to vector<16xi32>
    %min3A_1829 = arith.minsi %add3A_1826, %min3A_1828 : vector<16xi32>
    %swap3A_1830 = arith.constant 9 : i32
    %swap3A_1831 = arith.index_cast %swap3A_1830 : i32 to index
    %swap3A_1832 = arith.constant 48 : index
    %swap3A_1833 = tpu.vector_load %arg10[%swap3A_1831, %swap3A_1832] {strides = array<i32>} : memref<12x128xi32, #tpu.memory_space<vmem>>, vector<16xi32>,
    tpu.vector_store %arg10[%swap3A_1831, %swap3A_1832], %min3A_1829 {strides = array<i32>} : memref<12x128xi32, #tpu.memory_space<vmem>>, vector<16xi32>,
    %add3A_1834 = arith.constant 0 : i32
    %add3A_1835 = vector.broadcast %add3A_1834 : i32 to vector<16xi32>
    %add3A_1836 = arith.addi %shift_right_logical3A_1823, %add3A_1835 : vector<16xi32>
    %swap3A_1837 = arith.constant 9 : i32
    %swap3A_1838 = arith.index_cast %swap3A_1837 : i32 to index
    %swap3A_1839 = arith.constant 48 : index
    %swap3A_1840 = tpu.vector_load %arg11[%swap3A_1838, %swap3A_1839] {strides = array<i32>} : memref<12x128xi32, #tpu.memory_space<vmem>>, vector<16xi32>,
    tpu.vector_store %arg11[%swap3A_1838, %swap3A_1839], %add3A_1836 {strides = array<i32>} : memref<12x128xi32, #tpu.memory_space<vmem>>, vector<16xi32>,
    %add3A_1841 = arith.constant 1 : i32
    %add3A_1842 = vector.broadcast %add3A_1841 : i32 to vector<16xi32>
    %add3A_1843 = arith.addi %shift_right_logical3A_1817, %add3A_1842 : vector<16xi32>
    %min3A_1844 = arith.constant 2500001 : i32
    %min3A_1845 = vector.broadcast %min3A_1844 : i32 to vector<16xi32>
    %min3A_1846 = arith.minsi %add3A_1843, %min3A_1845 : vector<16xi32>
    %swap3A_1847 = arith.constant 10 : i32
    %swap3A_1848 = arith.index_cast %swap3A_1847 : i32 to index
    %swap3A_1849 = arith.constant 48 : index
    %swap3A_1850 = tpu.vector_load %arg10[%swap3A_1848, %swap3A_1849] {strides = array<i32>} : memref<12x128xi32, #tpu.memory_space<vmem>>, vector<16xi32>,
    tpu.vector_store %arg10[%swap3A_1848, %swap3A_1849], %min3A_1846 {strides = array<i32>} : memref<12x128xi32, #tpu.memory_space<vmem>>, vector<16xi32>,
    %add3A_1851 = arith.constant 1 : i32
    %add3A_1852 = vector.broadcast %add3A_1851 : i32 to vector<16xi32>
    %add3A_1853 = arith.addi %shift_right_logical3A_1823, %add3A_1852 : vector<16xi32>
    %swap3A_1854 = arith.constant 10 : i32
    %swap3A_1855 = arith.index_cast %swap3A_1854 : i32 to index
    %swap3A_1856 = arith.constant 48 : index
    %swap3A_1857 = tpu.vector_load %arg11[%swap3A_1855, %swap3A_1856] {strides = array<i32>} : memref<12x128xi32, #tpu.memory_space<vmem>>, vector<16xi32>,
    tpu.vector_store %arg11[%swap3A_1855, %swap3A_1856], %add3A_1853 {strides = array<i32>} : memref<12x128xi32, #tpu.memory_space<vmem>>, vector<16xi32>,
    %add3A_1858 = arith.constant 2 : i32
    %add3A_1859 = vector.broadcast %add3A_1858 : i32 to vector<16xi32>
    %add3A_1860 = arith.addi %shift_right_logical3A_1817, %add3A_1859 : vector<16xi32>
    %min3A_1861 = arith.constant 2500001 : i32
    %min3A_1862 = vector.broadcast %min3A_1861 : i32 to vector<16xi32>
    %min3A_1863 = arith.minsi %add3A_1860, %min3A_1862 : vector<16xi32>
    %swap3A_1864 = arith.constant 11 : i32
    %swap3A_1865 = arith.index_cast %swap3A_1864 : i32 to index
    %swap3A_1866 = arith.constant 48 : index
    %swap3A_1867 = tpu.vector_load %arg10[%swap3A_1865, %swap3A_1866] {strides = array<i32>} : memref<12x128xi32, #tpu.memory_space<vmem>>, vector<16xi32>,
    tpu.vector_store %arg10[%swap3A_1865, %swap3A_1866], %min3A_1863 {strides = array<i32>} : memref<12x128xi32, #tpu.memory_space<vmem>>, vector<16xi32>,
    %add3A_1868 = arith.constant 2 : i32
    %add3A_1869 = vector.broadcast %add3A_1868 : i32 to vector<16xi32>
    %add3A_1870 = arith.addi %shift_right_logical3A_1823, %add3A_1869 : vector<16xi32>
    %swap3A_1871 = arith.constant 11 : i32
    %swap3A_1872 = arith.index_cast %swap3A_1871 : i32 to index
    %swap3A_1873 = arith.constant 48 : index
    %swap3A_1874 = tpu.vector_load %arg11[%swap3A_1872, %swap3A_1873] {strides = array<i32>} : memref<12x128xi32, #tpu.memory_space<vmem>>, vector<16xi32>,
    tpu.vector_store %arg11[%swap3A_1872, %swap3A_1873], %add3A_1870 {strides = array<i32>} : memref<12x128xi32, #tpu.memory_space<vmem>>, vector<16xi32>,
    %get3A_1875 = arith.constant 448 : index
    %get3A_1876 = tpu.vector_load %arg8[%get3A_1875] {strides = array<i32>} : memref<512xi32, #tpu.memory_space<vmem>>, vector<16xi32>,
    %get3A_1877 = arith.constant 448 : index
    %get3A_1878 = tpu.vector_load %arg9[%get3A_1877] {strides = array<i32>} : memref<512xi32, #tpu.memory_space<vmem>>, vector<16xi32>,
    %mul3A_1879 = arith.constant 5 : i32
    %mul3A_1880 = vector.broadcast %mul3A_1879 : i32 to vector<16xi32>
    %mul3A_1881 = arith.muli %get3A_1876, %mul3A_1880 : vector<16xi32>
    %shift_right_logical3A_1882 = arith.constant 1 : i32
    %shift_right_logical3A_1883 = vector.broadcast %shift_right_logical3A_1882 : i32 to vector<16xi32>
    %shift_right_logical3A_1884 = arith.shrui %mul3A_1881, %shift_right_logical3A_1883 : vector<16xi32>
    %mul3A_1885 = arith.constant 5 : i32
    %mul3A_1886 = vector.broadcast %mul3A_1885 : i32 to vector<16xi32>
    %mul3A_1887 = arith.muli %get3A_1878, %mul3A_1886 : vector<16xi32>
    %shift_right_logical3A_1888 = arith.constant 1 : i32
    %shift_right_logical3A_1889 = vector.broadcast %shift_right_logical3A_1888 : i32 to vector<16xi32>
    %shift_right_logical3A_1890 = arith.shrui %mul3A_1887, %shift_right_logical3A_1889 : vector<16xi32>
    %add3A_1891 = arith.constant 0 : i32
    %add3A_1892 = vector.broadcast %add3A_1891 : i32 to vector<16xi32>
    %add3A_1893 = arith.addi %shift_right_logical3A_1884, %add3A_1892 : vector<16xi32>
    %min3A_1894 = arith.constant 2500001 : i32
    %min3A_1895 = vector.broadcast %min3A_1894 : i32 to vector<16xi32>
    %min3A_1896 = arith.minsi %add3A_1893, %min3A_1895 : vector<16xi32>
    %swap3A_1897 = arith.constant 9 : i32
    %swap3A_1898 = arith.index_cast %swap3A_1897 : i32 to index
    %swap3A_1899 = arith.constant 64 : index
    %swap3A_1900 = tpu.vector_load %arg10[%swap3A_1898, %swap3A_1899] {strides = array<i32>} : memref<12x128xi32, #tpu.memory_space<vmem>>, vector<16xi32>,
    tpu.vector_store %arg10[%swap3A_1898, %swap3A_1899], %min3A_1896 {strides = array<i32>} : memref<12x128xi32, #tpu.memory_space<vmem>>, vector<16xi32>,
    %add3A_1901 = arith.constant 0 : i32
    %add3A_1902 = vector.broadcast %add3A_1901 : i32 to vector<16xi32>
    %add3A_1903 = arith.addi %shift_right_logical3A_1890, %add3A_1902 : vector<16xi32>
    %swap3A_1904 = arith.constant 9 : i32
    %swap3A_1905 = arith.index_cast %swap3A_1904 : i32 to index
    %swap3A_1906 = arith.constant 64 : index
    %swap3A_1907 = tpu.vector_load %arg11[%swap3A_1905, %swap3A_1906] {strides = array<i32>} : memref<12x128xi32, #tpu.memory_space<vmem>>, vector<16xi32>,
    tpu.vector_store %arg11[%swap3A_1905, %swap3A_1906], %add3A_1903 {strides = array<i32>} : memref<12x128xi32, #tpu.memory_space<vmem>>, vector<16xi32>,
    %add3A_1908 = arith.constant 1 : i32
    %add3A_1909 = vector.broadcast %add3A_1908 : i32 to vector<16xi32>
    %add3A_1910 = arith.addi %shift_right_logical3A_1884, %add3A_1909 : vector<16xi32>
    %min3A_1911 = arith.constant 2500001 : i32
    %min3A_1912 = vector.broadcast %min3A_1911 : i32 to vector<16xi32>
    %min3A_1913 = arith.minsi %add3A_1910, %min3A_1912 : vector<16xi32>
    %swap3A_1914 = arith.constant 10 : i32
    %swap3A_1915 = arith.index_cast %swap3A_1914 : i32 to index
    %swap3A_1916 = arith.constant 64 : index
    %swap3A_1917 = tpu.vector_load %arg10[%swap3A_1915, %swap3A_1916] {strides = array<i32>} : memref<12x128xi32, #tpu.memory_space<vmem>>, vector<16xi32>,
    tpu.vector_store %arg10[%swap3A_1915, %swap3A_1916], %min3A_1913 {strides = array<i32>} : memref<12x128xi32, #tpu.memory_space<vmem>>, vector<16xi32>,
    %add3A_1918 = arith.constant 1 : i32
    %add3A_1919 = vector.broadcast %add3A_1918 : i32 to vector<16xi32>
    %add3A_1920 = arith.addi %shift_right_logical3A_1890, %add3A_1919 : vector<16xi32>
    %swap3A_1921 = arith.constant 10 : i32
    %swap3A_1922 = arith.index_cast %swap3A_1921 : i32 to index
    %swap3A_1923 = arith.constant 64 : index
    %swap3A_1924 = tpu.vector_load %arg11[%swap3A_1922, %swap3A_1923] {strides = array<i32>} : memref<12x128xi32, #tpu.memory_space<vmem>>, vector<16xi32>,
    tpu.vector_store %arg11[%swap3A_1922, %swap3A_1923], %add3A_1920 {strides = array<i32>} : memref<12x128xi32, #tpu.memory_space<vmem>>, vector<16xi32>,
    %add3A_1925 = arith.constant 2 : i32
    %add3A_1926 = vector.broadcast %add3A_1925 : i32 to vector<16xi32>
    %add3A_1927 = arith.addi %shift_right_logical3A_1884, %add3A_1926 : vector<16xi32>
    %min3A_1928 = arith.constant 2500001 : i32
    %min3A_1929 = vector.broadcast %min3A_1928 : i32 to vector<16xi32>
    %min3A_1930 = arith.minsi %add3A_1927, %min3A_1929 : vector<16xi32>
    %swap3A_1931 = arith.constant 11 : i32
    %swap3A_1932 = arith.index_cast %swap3A_1931 : i32 to index
    %swap3A_1933 = arith.constant 64 : index
    %swap3A_1934 = tpu.vector_load %arg10[%swap3A_1932, %swap3A_1933] {strides = array<i32>} : memref<12x128xi32, #tpu.memory_space<vmem>>, vector<16xi32>,
    tpu.vector_store %arg10[%swap3A_1932, %swap3A_1933], %min3A_1930 {strides = array<i32>} : memref<12x128xi32, #tpu.memory_space<vmem>>, vector<16xi32>,
    %add3A_1935 = arith.constant 2 : i32
    %add3A_1936 = vector.broadcast %add3A_1935 : i32 to vector<16xi32>
    %add3A_1937 = arith.addi %shift_right_logical3A_1890, %add3A_1936 : vector<16xi32>
    %swap3A_1938 = arith.constant 11 : i32
    %swap3A_1939 = arith.index_cast %swap3A_1938 : i32 to index
    %swap3A_1940 = arith.constant 64 : index
    %swap3A_1941 = tpu.vector_load %arg11[%swap3A_1939, %swap3A_1940] {strides = array<i32>} : memref<12x128xi32, #tpu.memory_space<vmem>>, vector<16xi32>,
    tpu.vector_store %arg11[%swap3A_1939, %swap3A_1940], %add3A_1937 {strides = array<i32>} : memref<12x128xi32, #tpu.memory_space<vmem>>, vector<16xi32>,
    %get3A_1942 = arith.constant 464 : index
    %get3A_1943 = tpu.vector_load %arg8[%get3A_1942] {strides = array<i32>} : memref<512xi32, #tpu.memory_space<vmem>>, vector<16xi32>,
    %get3A_1944 = arith.constant 464 : index
    %get3A_1945 = tpu.vector_load %arg9[%get3A_1944] {strides = array<i32>} : memref<512xi32, #tpu.memory_space<vmem>>, vector<16xi32>,
    %mul3A_1946 = arith.constant 5 : i32
    %mul3A_1947 = vector.broadcast %mul3A_1946 : i32 to vector<16xi32>
    %mul3A_1948 = arith.muli %get3A_1943, %mul3A_1947 : vector<16xi32>
    %shift_right_logical3A_1949 = arith.constant 1 : i32
    %shift_right_logical3A_1950 = vector.broadcast %shift_right_logical3A_1949 : i32 to vector<16xi32>
    %shift_right_logical3A_1951 = arith.shrui %mul3A_1948, %shift_right_logical3A_1950 : vector<16xi32>
    %mul3A_1952 = arith.constant 5 : i32
    %mul3A_1953 = vector.broadcast %mul3A_1952 : i32 to vector<16xi32>
    %mul3A_1954 = arith.muli %get3A_1945, %mul3A_1953 : vector<16xi32>
    %shift_right_logical3A_1955 = arith.constant 1 : i32
    %shift_right_logical3A_1956 = vector.broadcast %shift_right_logical3A_1955 : i32 to vector<16xi32>
    %shift_right_logical3A_1957 = arith.shrui %mul3A_1954, %shift_right_logical3A_1956 : vector<16xi32>
    %add3A_1958 = arith.constant 0 : i32
    %add3A_1959 = vector.broadcast %add3A_1958 : i32 to vector<16xi32>
    %add3A_1960 = arith.addi %shift_right_logical3A_1951, %add3A_1959 : vector<16xi32>
    %min3A_1961 = arith.constant 2500001 : i32
    %min3A_1962 = vector.broadcast %min3A_1961 : i32 to vector<16xi32>
    %min3A_1963 = arith.minsi %add3A_1960, %min3A_1962 : vector<16xi32>
    %swap3A_1964 = arith.constant 9 : i32
    %swap3A_1965 = arith.index_cast %swap3A_1964 : i32 to index
    %swap3A_1966 = arith.constant 80 : index
    %swap3A_1967 = tpu.vector_load %arg10[%swap3A_1965, %swap3A_1966] {strides = array<i32>} : memref<12x128xi32, #tpu.memory_space<vmem>>, vector<16xi32>,
    tpu.vector_store %arg10[%swap3A_1965, %swap3A_1966], %min3A_1963 {strides = array<i32>} : memref<12x128xi32, #tpu.memory_space<vmem>>, vector<16xi32>,
    %add3A_1968 = arith.constant 0 : i32
    %add3A_1969 = vector.broadcast %add3A_1968 : i32 to vector<16xi32>
    %add3A_1970 = arith.addi %shift_right_logical3A_1957, %add3A_1969 : vector<16xi32>
    %swap3A_1971 = arith.constant 9 : i32
    %swap3A_1972 = arith.index_cast %swap3A_1971 : i32 to index
    %swap3A_1973 = arith.constant 80 : index
    %swap3A_1974 = tpu.vector_load %arg11[%swap3A_1972, %swap3A_1973] {strides = array<i32>} : memref<12x128xi32, #tpu.memory_space<vmem>>, vector<16xi32>,
    tpu.vector_store %arg11[%swap3A_1972, %swap3A_1973], %add3A_1970 {strides = array<i32>} : memref<12x128xi32, #tpu.memory_space<vmem>>, vector<16xi32>,
    %add3A_1975 = arith.constant 1 : i32
    %add3A_1976 = vector.broadcast %add3A_1975 : i32 to vector<16xi32>
    %add3A_1977 = arith.addi %shift_right_logical3A_1951, %add3A_1976 : vector<16xi32>
    %min3A_1978 = arith.constant 2500001 : i32
    %min3A_1979 = vector.broadcast %min3A_1978 : i32 to vector<16xi32>
    %min3A_1980 = arith.minsi %add3A_1977, %min3A_1979 : vector<16xi32>
    %swap3A_1981 = arith.constant 10 : i32
    %swap3A_1982 = arith.index_cast %swap3A_1981 : i32 to index
    %swap3A_1983 = arith.constant 80 : index
    %swap3A_1984 = tpu.vector_load %arg10[%swap3A_1982, %swap3A_1983] {strides = array<i32>} : memref<12x128xi32, #tpu.memory_space<vmem>>, vector<16xi32>,
    tpu.vector_store %arg10[%swap3A_1982, %swap3A_1983], %min3A_1980 {strides = array<i32>} : memref<12x128xi32, #tpu.memory_space<vmem>>, vector<16xi32>,
    %add3A_1985 = arith.constant 1 : i32
    %add3A_1986 = vector.broadcast %add3A_1985 : i32 to vector<16xi32>
    %add3A_1987 = arith.addi %shift_right_logical3A_1957, %add3A_1986 : vector<16xi32>
    %swap3A_1988 = arith.constant 10 : i32
    %swap3A_1989 = arith.index_cast %swap3A_1988 : i32 to index
    %swap3A_1990 = arith.constant 80 : index
    %swap3A_1991 = tpu.vector_load %arg11[%swap3A_1989, %swap3A_1990] {strides = array<i32>} : memref<12x128xi32, #tpu.memory_space<vmem>>, vector<16xi32>,
    tpu.vector_store %arg11[%swap3A_1989, %swap3A_1990], %add3A_1987 {strides = array<i32>} : memref<12x128xi32, #tpu.memory_space<vmem>>, vector<16xi32>,
    %add3A_1992 = arith.constant 2 : i32
    %add3A_1993 = vector.broadcast %add3A_1992 : i32 to vector<16xi32>
    %add3A_1994 = arith.addi %shift_right_logical3A_1951, %add3A_1993 : vector<16xi32>
    %min3A_1995 = arith.constant 2500001 : i32
    %min3A_1996 = vector.broadcast %min3A_1995 : i32 to vector<16xi32>
    %min3A_1997 = arith.minsi %add3A_1994, %min3A_1996 : vector<16xi32>
    %swap3A_1998 = arith.constant 11 : i32
    %swap3A_1999 = arith.index_cast %swap3A_1998 : i32 to index
    %swap3A_2000 = arith.constant 80 : index
    %swap3A_2001 = tpu.vector_load %arg10[%swap3A_1999, %swap3A_2000] {strides = array<i32>} : memref<12x128xi32, #tpu.memory_space<vmem>>, vector<16xi32>,
    tpu.vector_store %arg10[%swap3A_1999, %swap3A_2000], %min3A_1997 {strides = array<i32>} : memref<12x128xi32, #tpu.memory_space<vmem>>, vector<16xi32>,
    %add3A_2002 = arith.constant 2 : i32
    %add3A_2003 = vector.broadcast %add3A_2002 : i32 to vector<16xi32>
    %add3A_2004 = arith.addi %shift_right_logical3A_1957, %add3A_2003 : vector<16xi32>
    %swap3A_2005 = arith.constant 11 : i32
    %swap3A_2006 = arith.index_cast %swap3A_2005 : i32 to index
    %swap3A_2007 = arith.constant 80 : index
    %swap3A_2008 = tpu.vector_load %arg11[%swap3A_2006, %swap3A_2007] {strides = array<i32>} : memref<12x128xi32, #tpu.memory_space<vmem>>, vector<16xi32>,
    tpu.vector_store %arg11[%swap3A_2006, %swap3A_2007], %add3A_2004 {strides = array<i32>} : memref<12x128xi32, #tpu.memory_space<vmem>>, vector<16xi32>,
    %get3A_2009 = arith.constant 480 : index
    %get3A_2010 = tpu.vector_load %arg8[%get3A_2009] {strides = array<i32>} : memref<512xi32, #tpu.memory_space<vmem>>, vector<16xi32>,
    %get3A_2011 = arith.constant 480 : index
    %get3A_2012 = tpu.vector_load %arg9[%get3A_2011] {strides = array<i32>} : memref<512xi32, #tpu.memory_space<vmem>>, vector<16xi32>,
    %mul3A_2013 = arith.constant 5 : i32
    %mul3A_2014 = vector.broadcast %mul3A_2013 : i32 to vector<16xi32>
    %mul3A_2015 = arith.muli %get3A_2010, %mul3A_2014 : vector<16xi32>
    %shift_right_logical3A_2016 = arith.constant 1 : i32
    %shift_right_logical3A_2017 = vector.broadcast %shift_right_logical3A_2016 : i32 to vector<16xi32>
    %shift_right_logical3A_2018 = arith.shrui %mul3A_2015, %shift_right_logical3A_2017 : vector<16xi32>
    %mul3A_2019 = arith.constant 5 : i32
    %mul3A_2020 = vector.broadcast %mul3A_2019 : i32 to vector<16xi32>
    %mul3A_2021 = arith.muli %get3A_2012, %mul3A_2020 : vector<16xi32>
    %shift_right_logical3A_2022 = arith.constant 1 : i32
    %shift_right_logical3A_2023 = vector.broadcast %shift_right_logical3A_2022 : i32 to vector<16xi32>
    %shift_right_logical3A_2024 = arith.shrui %mul3A_2021, %shift_right_logical3A_2023 : vector<16xi32>
    %add3A_2025 = arith.constant 0 : i32
    %add3A_2026 = vector.broadcast %add3A_2025 : i32 to vector<16xi32>
    %add3A_2027 = arith.addi %shift_right_logical3A_2018, %add3A_2026 : vector<16xi32>
    %min3A_2028 = arith.constant 2500001 : i32
    %min3A_2029 = vector.broadcast %min3A_2028 : i32 to vector<16xi32>
    %min3A_2030 = arith.minsi %add3A_2027, %min3A_2029 : vector<16xi32>
    %swap3A_2031 = arith.constant 9 : i32
    %swap3A_2032 = arith.index_cast %swap3A_2031 : i32 to index
    %swap3A_2033 = arith.constant 96 : index
    %swap3A_2034 = tpu.vector_load %arg10[%swap3A_2032, %swap3A_2033] {strides = array<i32>} : memref<12x128xi32, #tpu.memory_space<vmem>>, vector<16xi32>,
    tpu.vector_store %arg10[%swap3A_2032, %swap3A_2033], %min3A_2030 {strides = array<i32>} : memref<12x128xi32, #tpu.memory_space<vmem>>, vector<16xi32>,
    %add3A_2035 = arith.constant 0 : i32
    %add3A_2036 = vector.broadcast %add3A_2035 : i32 to vector<16xi32>
    %add3A_2037 = arith.addi %shift_right_logical3A_2024, %add3A_2036 : vector<16xi32>
    %swap3A_2038 = arith.constant 9 : i32
    %swap3A_2039 = arith.index_cast %swap3A_2038 : i32 to index
    %swap3A_2040 = arith.constant 96 : index
    %swap3A_2041 = tpu.vector_load %arg11[%swap3A_2039, %swap3A_2040] {strides = array<i32>} : memref<12x128xi32, #tpu.memory_space<vmem>>, vector<16xi32>,
    tpu.vector_store %arg11[%swap3A_2039, %swap3A_2040], %add3A_2037 {strides = array<i32>} : memref<12x128xi32, #tpu.memory_space<vmem>>, vector<16xi32>,
    %add3A_2042 = arith.constant 1 : i32
    %add3A_2043 = vector.broadcast %add3A_2042 : i32 to vector<16xi32>
    %add3A_2044 = arith.addi %shift_right_logical3A_2018, %add3A_2043 : vector<16xi32>
    %min3A_2045 = arith.constant 2500001 : i32
    %min3A_2046 = vector.broadcast %min3A_2045 : i32 to vector<16xi32>
    %min3A_2047 = arith.minsi %add3A_2044, %min3A_2046 : vector<16xi32>
    %swap3A_2048 = arith.constant 10 : i32
    %swap3A_2049 = arith.index_cast %swap3A_2048 : i32 to index
    %swap3A_2050 = arith.constant 96 : index
    %swap3A_2051 = tpu.vector_load %arg10[%swap3A_2049, %swap3A_2050] {strides = array<i32>} : memref<12x128xi32, #tpu.memory_space<vmem>>, vector<16xi32>,
    tpu.vector_store %arg10[%swap3A_2049, %swap3A_2050], %min3A_2047 {strides = array<i32>} : memref<12x128xi32, #tpu.memory_space<vmem>>, vector<16xi32>,
    %add3A_2052 = arith.constant 1 : i32
    %add3A_2053 = vector.broadcast %add3A_2052 : i32 to vector<16xi32>
    %add3A_2054 = arith.addi %shift_right_logical3A_2024, %add3A_2053 : vector<16xi32>
    %swap3A_2055 = arith.constant 10 : i32
    %swap3A_2056 = arith.index_cast %swap3A_2055 : i32 to index
    %swap3A_2057 = arith.constant 96 : index
    %swap3A_2058 = tpu.vector_load %arg11[%swap3A_2056, %swap3A_2057] {strides = array<i32>} : memref<12x128xi32, #tpu.memory_space<vmem>>, vector<16xi32>,
    tpu.vector_store %arg11[%swap3A_2056, %swap3A_2057], %add3A_2054 {strides = array<i32>} : memref<12x128xi32, #tpu.memory_space<vmem>>, vector<16xi32>,
    %add3A_2059 = arith.constant 2 : i32
    %add3A_2060 = vector.broadcast %add3A_2059 : i32 to vector<16xi32>
    %add3A_2061 = arith.addi %shift_right_logical3A_2018, %add3A_2060 : vector<16xi32>
    %min3A_2062 = arith.constant 2500001 : i32
    %min3A_2063 = vector.broadcast %min3A_2062 : i32 to vector<16xi32>
    %min3A_2064 = arith.minsi %add3A_2061, %min3A_2063 : vector<16xi32>
    %swap3A_2065 = arith.constant 11 : i32
    %swap3A_2066 = arith.index_cast %swap3A_2065 : i32 to index
    %swap3A_2067 = arith.constant 96 : index
    %swap3A_2068 = tpu.vector_load %arg10[%swap3A_2066, %swap3A_2067] {strides = array<i32>} : memref<12x128xi32, #tpu.memory_space<vmem>>, vector<16xi32>,
    tpu.vector_store %arg10[%swap3A_2066, %swap3A_2067], %min3A_2064 {strides = array<i32>} : memref<12x128xi32, #tpu.memory_space<vmem>>, vector<16xi32>,
    %add3A_2069 = arith.constant 2 : i32
    %add3A_2070 = vector.broadcast %add3A_2069 : i32 to vector<16xi32>
    %add3A_2071 = arith.addi %shift_right_logical3A_2024, %add3A_2070 : vector<16xi32>
    %swap3A_2072 = arith.constant 11 : i32
    %swap3A_2073 = arith.index_cast %swap3A_2072 : i32 to index
    %swap3A_2074 = arith.constant 96 : index
    %swap3A_2075 = tpu.vector_load %arg11[%swap3A_2073, %swap3A_2074] {strides = array<i32>} : memref<12x128xi32, #tpu.memory_space<vmem>>, vector<16xi32>,
    tpu.vector_store %arg11[%swap3A_2073, %swap3A_2074], %add3A_2071 {strides = array<i32>} : memref<12x128xi32, #tpu.memory_space<vmem>>, vector<16xi32>,
    %get3A_2076 = arith.constant 496 : index
    %get3A_2077 = tpu.vector_load %arg8[%get3A_2076] {strides = array<i32>} : memref<512xi32, #tpu.memory_space<vmem>>, vector<16xi32>,
    %get3A_2078 = arith.constant 496 : index
    %get3A_2079 = tpu.vector_load %arg9[%get3A_2078] {strides = array<i32>} : memref<512xi32, #tpu.memory_space<vmem>>, vector<16xi32>,
    %mul3A_2080 = arith.constant 5 : i32
    %mul3A_2081 = vector.broadcast %mul3A_2080 : i32 to vector<16xi32>
    %mul3A_2082 = arith.muli %get3A_2077, %mul3A_2081 : vector<16xi32>
    %shift_right_logical3A_2083 = arith.constant 1 : i32
    %shift_right_logical3A_2084 = vector.broadcast %shift_right_logical3A_2083 : i32 to vector<16xi32>
    %shift_right_logical3A_2085 = arith.shrui %mul3A_2082, %shift_right_logical3A_2084 : vector<16xi32>
    %mul3A_2086 = arith.constant 5 : i32
    %mul3A_2087 = vector.broadcast %mul3A_2086 : i32 to vector<16xi32>
    %mul3A_2088 = arith.muli %get3A_2079, %mul3A_2087 : vector<16xi32>
    %shift_right_logical3A_2089 = arith.constant 1 : i32
    %shift_right_logical3A_2090 = vector.broadcast %shift_right_logical3A_2089 : i32 to vector<16xi32>
    %shift_right_logical3A_2091 = arith.shrui %mul3A_2088, %shift_right_logical3A_2090 : vector<16xi32>
    %add3A_2092 = arith.constant 0 : i32
    %add3A_2093 = vector.broadcast %add3A_2092 : i32 to vector<16xi32>
    %add3A_2094 = arith.addi %shift_right_logical3A_2085, %add3A_2093 : vector<16xi32>
    %min3A_2095 = arith.constant 2500001 : i32
    %min3A_2096 = vector.broadcast %min3A_2095 : i32 to vector<16xi32>
    %min3A_2097 = arith.minsi %add3A_2094, %min3A_2096 : vector<16xi32>
    %swap3A_2098 = arith.constant 9 : i32
    %swap3A_2099 = arith.index_cast %swap3A_2098 : i32 to index
    %swap3A_2100 = arith.constant 112 : index
    %swap3A_2101 = tpu.vector_load %arg10[%swap3A_2099, %swap3A_2100] {strides = array<i32>} : memref<12x128xi32, #tpu.memory_space<vmem>>, vector<16xi32>,
    tpu.vector_store %arg10[%swap3A_2099, %swap3A_2100], %min3A_2097 {strides = array<i32>} : memref<12x128xi32, #tpu.memory_space<vmem>>, vector<16xi32>,
    %add3A_2102 = arith.constant 0 : i32
    %add3A_2103 = vector.broadcast %add3A_2102 : i32 to vector<16xi32>
    %add3A_2104 = arith.addi %shift_right_logical3A_2091, %add3A_2103 : vector<16xi32>
    %swap3A_2105 = arith.constant 9 : i32
    %swap3A_2106 = arith.index_cast %swap3A_2105 : i32 to index
    %swap3A_2107 = arith.constant 112 : index
    %swap3A_2108 = tpu.vector_load %arg11[%swap3A_2106, %swap3A_2107] {strides = array<i32>} : memref<12x128xi32, #tpu.memory_space<vmem>>, vector<16xi32>,
    tpu.vector_store %arg11[%swap3A_2106, %swap3A_2107], %add3A_2104 {strides = array<i32>} : memref<12x128xi32, #tpu.memory_space<vmem>>, vector<16xi32>,
    %add3A_2109 = arith.constant 1 : i32
    %add3A_2110 = vector.broadcast %add3A_2109 : i32 to vector<16xi32>
    %add3A_2111 = arith.addi %shift_right_logical3A_2085, %add3A_2110 : vector<16xi32>
    %min3A_2112 = arith.constant 2500001 : i32
    %min3A_2113 = vector.broadcast %min3A_2112 : i32 to vector<16xi32>
    %min3A_2114 = arith.minsi %add3A_2111, %min3A_2113 : vector<16xi32>
    %swap3A_2115 = arith.constant 10 : i32
    %swap3A_2116 = arith.index_cast %swap3A_2115 : i32 to index
    %swap3A_2117 = arith.constant 112 : index
    %swap3A_2118 = tpu.vector_load %arg10[%swap3A_2116, %swap3A_2117] {strides = array<i32>} : memref<12x128xi32, #tpu.memory_space<vmem>>, vector<16xi32>,
    tpu.vector_store %arg10[%swap3A_2116, %swap3A_2117], %min3A_2114 {strides = array<i32>} : memref<12x128xi32, #tpu.memory_space<vmem>>, vector<16xi32>,
    %add3A_2119 = arith.constant 1 : i32
    %add3A_2120 = vector.broadcast %add3A_2119 : i32 to vector<16xi32>
    %add3A_2121 = arith.addi %shift_right_logical3A_2091, %add3A_2120 : vector<16xi32>
    %swap3A_2122 = arith.constant 10 : i32
    %swap3A_2123 = arith.index_cast %swap3A_2122 : i32 to index
    %swap3A_2124 = arith.constant 112 : index
    %swap3A_2125 = tpu.vector_load %arg11[%swap3A_2123, %swap3A_2124] {strides = array<i32>} : memref<12x128xi32, #tpu.memory_space<vmem>>, vector<16xi32>,
    tpu.vector_store %arg11[%swap3A_2123, %swap3A_2124], %add3A_2121 {strides = array<i32>} : memref<12x128xi32, #tpu.memory_space<vmem>>, vector<16xi32>,
    %add3A_2126 = arith.constant 2 : i32
    %add3A_2127 = vector.broadcast %add3A_2126 : i32 to vector<16xi32>
    %add3A_2128 = arith.addi %shift_right_logical3A_2085, %add3A_2127 : vector<16xi32>
    %min3A_2129 = arith.constant 2500001 : i32
    %min3A_2130 = vector.broadcast %min3A_2129 : i32 to vector<16xi32>
    %min3A_2131 = arith.minsi %add3A_2128, %min3A_2130 : vector<16xi32>
    %swap3A_2132 = arith.constant 11 : i32
    %swap3A_2133 = arith.index_cast %swap3A_2132 : i32 to index
    %swap3A_2134 = arith.constant 112 : index
    %swap3A_2135 = tpu.vector_load %arg10[%swap3A_2133, %swap3A_2134] {strides = array<i32>} : memref<12x128xi32, #tpu.memory_space<vmem>>, vector<16xi32>,
    tpu.vector_store %arg10[%swap3A_2133, %swap3A_2134], %min3A_2131 {strides = array<i32>} : memref<12x128xi32, #tpu.memory_space<vmem>>, vector<16xi32>,
    %add3A_2136 = arith.constant 2 : i32
    %add3A_2137 = vector.broadcast %add3A_2136 : i32 to vector<16xi32>
    %add3A_2138 = arith.addi %shift_right_logical3A_2091, %add3A_2137 : vector<16xi32>
    %swap3A_2139 = arith.constant 11 : i32
    %swap3A_2140 = arith.index_cast %swap3A_2139 : i32 to index
    %swap3A_2141 = arith.constant 112 : index
    %swap3A_2142 = tpu.vector_load %arg11[%swap3A_2140, %swap3A_2141] {strides = array<i32>} : memref<12x128xi32, #tpu.memory_space<vmem>>, vector<16xi32>,
    tpu.vector_store %arg11[%swap3A_2140, %swap3A_2141], %add3A_2138 {strides = array<i32>} : memref<12x128xi32, #tpu.memory_space<vmem>>, vector<16xi32>,
    %dma_start3A = arith.constant 0 : i32
    %dma_start3A_2143 = arith.constant 0 : i32
    %dma_start3A_2144 = arith.constant 0 : i32
    %dma_start3A_2145 = tpu.memref_slice %arg12[%dma_start3A_2143, %dma_start3A_2144] : memref<1536x8xf32, #tpu.memory_space<vmem>> -> memref<128x8xf32, #tpu.memory_space<vmem>>
    %dma_start3A_2146 = arith.constant 0 : i32
    %dma_start3A_2147 = tpu.memref_slice %arg10[%dma_start3A, %dma_start3A_2146] : memref<12x128xi32, #tpu.memory_space<vmem>> -> memref<1x128xi32, #tpu.memory_space<vmem>>
    %dma_start3A_2148 = tpu.memref_squeeze %dma_start3A_2147 : memref<1x128xi32, #tpu.memory_space<vmem>> -> memref<128xi32, #tpu.memory_space<vmem>>
    %dma_start3A_2149 = arith.constant 0 : i32
    %dma_start3A_2150 = arith.constant 0 : i32
    %dma_start3A_2151 = tpu.memref_slice %arg4[%dma_start3A_2149, %dma_start3A_2150] : memref<2500002x8xf32, #tpu.memory_space<hbm>> -> memref<2500002x8xf32, #tpu.memory_space<hbm>>
    tpu.enqueue_indirect_dma source(%dma_start3A_2151 : memref<2500002x8xf32, #tpu.memory_space<hbm>>) target(%dma_start3A_2145 : memref<128x8xf32, #tpu.memory_space<vmem>>) offsets(%dma_start3A_2148 : memref<128xi32, #tpu.memory_space<vmem>>) semaphore(%arg16 : memref<!tpu.dma_semaphore, #tpu.memory_space<semaphore_mem>>)
    %dma_start3A_2152 = arith.constant 0 : i32
    %dma_start3A_2153 = arith.constant 0 : i32
    %dma_start3A_2154 = arith.constant 0 : i32
    %dma_start3A_2155 = tpu.memref_slice %arg13[%dma_start3A_2153, %dma_start3A_2154] : memref<1536x8xf32, #tpu.memory_space<vmem>> -> memref<128x8xf32, #tpu.memory_space<vmem>>
    %dma_start3A_2156 = arith.constant 0 : i32
    %dma_start3A_2157 = tpu.memref_slice %arg11[%dma_start3A_2152, %dma_start3A_2156] : memref<12x128xi32, #tpu.memory_space<vmem>> -> memref<1x128xi32, #tpu.memory_space<vmem>>
    %dma_start3A_2158 = tpu.memref_squeeze %dma_start3A_2157 : memref<1x128xi32, #tpu.memory_space<vmem>> -> memref<128xi32, #tpu.memory_space<vmem>>
    %dma_start3A_2159 = arith.constant 0 : i32
    %dma_start3A_2160 = arith.constant 0 : i32
    %dma_start3A_2161 = tpu.memref_slice %arg5[%dma_start3A_2159, %dma_start3A_2160] : memref<2500000x8xf32, #tpu.memory_space<hbm>> -> memref<2500000x8xf32, #tpu.memory_space<hbm>>
    tpu.enqueue_indirect_dma source(%dma_start3A_2161 : memref<2500000x8xf32, #tpu.memory_space<hbm>>) target(%dma_start3A_2155 : memref<128x8xf32, #tpu.memory_space<vmem>>) offsets(%dma_start3A_2158 : memref<128xi32, #tpu.memory_space<vmem>>) semaphore(%arg16 : memref<!tpu.dma_semaphore, #tpu.memory_space<semaphore_mem>>)
    %dma_start3A_2162 = arith.constant 1 : i32
    %dma_start3A_2163 = arith.constant 128 : i32
    %dma_start3A_2164 = arith.constant 0 : i32
    %dma_start3A_2165 = tpu.memref_slice %arg12[%dma_start3A_2163, %dma_start3A_2164] : memref<1536x8xf32, #tpu.memory_space<vmem>> -> memref<128x8xf32, #tpu.memory_space<vmem>>
    %dma_start3A_2166 = arith.constant 0 : i32
    %dma_start3A_2167 = tpu.memref_slice %arg10[%dma_start3A_2162, %dma_start3A_2166] : memref<12x128xi32, #tpu.memory_space<vmem>> -> memref<1x128xi32, #tpu.memory_space<vmem>>
    %dma_start3A_2168 = tpu.memref_squeeze %dma_start3A_2167 : memref<1x128xi32, #tpu.memory_space<vmem>> -> memref<128xi32, #tpu.memory_space<vmem>>
    %dma_start3A_2169 = arith.constant 0 : i32
    %dma_start3A_2170 = arith.constant 0 : i32
    %dma_start3A_2171 = tpu.memref_slice %arg4[%dma_start3A_2169, %dma_start3A_2170] : memref<2500002x8xf32, #tpu.memory_space<hbm>> -> memref<2500002x8xf32, #tpu.memory_space<hbm>>
    tpu.enqueue_indirect_dma source(%dma_start3A_2171 : memref<2500002x8xf32, #tpu.memory_space<hbm>>) target(%dma_start3A_2165 : memref<128x8xf32, #tpu.memory_space<vmem>>) offsets(%dma_start3A_2168 : memref<128xi32, #tpu.memory_space<vmem>>) semaphore(%arg16 : memref<!tpu.dma_semaphore, #tpu.memory_space<semaphore_mem>>)
    %dma_start3A_2172 = arith.constant 1 : i32
    %dma_start3A_2173 = arith.constant 128 : i32
    %dma_start3A_2174 = arith.constant 0 : i32
    %dma_start3A_2175 = tpu.memref_slice %arg13[%dma_start3A_2173, %dma_start3A_2174] : memref<1536x8xf32, #tpu.memory_space<vmem>> -> memref<128x8xf32, #tpu.memory_space<vmem>>
    %dma_start3A_2176 = arith.constant 0 : i32
    %dma_start3A_2177 = tpu.memref_slice %arg11[%dma_start3A_2172, %dma_start3A_2176] : memref<12x128xi32, #tpu.memory_space<vmem>> -> memref<1x128xi32, #tpu.memory_space<vmem>>
    %dma_start3A_2178 = tpu.memref_squeeze %dma_start3A_2177 : memref<1x128xi32, #tpu.memory_space<vmem>> -> memref<128xi32, #tpu.memory_space<vmem>>
    %dma_start3A_2179 = arith.constant 0 : i32
    %dma_start3A_2180 = arith.constant 0 : i32
    %dma_start3A_2181 = tpu.memref_slice %arg5[%dma_start3A_2179, %dma_start3A_2180] : memref<2500000x8xf32, #tpu.memory_space<hbm>> -> memref<2500000x8xf32, #tpu.memory_space<hbm>>
    tpu.enqueue_indirect_dma source(%dma_start3A_2181 : memref<2500000x8xf32, #tpu.memory_space<hbm>>) target(%dma_start3A_2175 : memref<128x8xf32, #tpu.memory_space<vmem>>) offsets(%dma_start3A_2178 : memref<128xi32, #tpu.memory_space<vmem>>) semaphore(%arg16 : memref<!tpu.dma_semaphore, #tpu.memory_space<semaphore_mem>>)
    %dma_start3A_2182 = arith.constant 2 : i32
    %dma_start3A_2183 = arith.constant 256 : i32
    %dma_start3A_2184 = arith.constant 0 : i32
    %dma_start3A_2185 = tpu.memref_slice %arg12[%dma_start3A_2183, %dma_start3A_2184] : memref<1536x8xf32, #tpu.memory_space<vmem>> -> memref<128x8xf32, #tpu.memory_space<vmem>>
    %dma_start3A_2186 = arith.constant 0 : i32
    %dma_start3A_2187 = tpu.memref_slice %arg10[%dma_start3A_2182, %dma_start3A_2186] : memref<12x128xi32, #tpu.memory_space<vmem>> -> memref<1x128xi32, #tpu.memory_space<vmem>>
    %dma_start3A_2188 = tpu.memref_squeeze %dma_start3A_2187 : memref<1x128xi32, #tpu.memory_space<vmem>> -> memref<128xi32, #tpu.memory_space<vmem>>
    %dma_start3A_2189 = arith.constant 0 : i32
    %dma_start3A_2190 = arith.constant 0 : i32
    %dma_start3A_2191 = tpu.memref_slice %arg4[%dma_start3A_2189, %dma_start3A_2190] : memref<2500002x8xf32, #tpu.memory_space<hbm>> -> memref<2500002x8xf32, #tpu.memory_space<hbm>>
    tpu.enqueue_indirect_dma source(%dma_start3A_2191 : memref<2500002x8xf32, #tpu.memory_space<hbm>>) target(%dma_start3A_2185 : memref<128x8xf32, #tpu.memory_space<vmem>>) offsets(%dma_start3A_2188 : memref<128xi32, #tpu.memory_space<vmem>>) semaphore(%arg16 : memref<!tpu.dma_semaphore, #tpu.memory_space<semaphore_mem>>)
    %dma_start3A_2192 = arith.constant 2 : i32
    %dma_start3A_2193 = arith.constant 256 : i32
    %dma_start3A_2194 = arith.constant 0 : i32
    %dma_start3A_2195 = tpu.memref_slice %arg13[%dma_start3A_2193, %dma_start3A_2194] : memref<1536x8xf32, #tpu.memory_space<vmem>> -> memref<128x8xf32, #tpu.memory_space<vmem>>
    %dma_start3A_2196 = arith.constant 0 : i32
    %dma_start3A_2197 = tpu.memref_slice %arg11[%dma_start3A_2192, %dma_start3A_2196] : memref<12x128xi32, #tpu.memory_space<vmem>> -> memref<1x128xi32, #tpu.memory_space<vmem>>
    %dma_start3A_2198 = tpu.memref_squeeze %dma_start3A_2197 : memref<1x128xi32, #tpu.memory_space<vmem>> -> memref<128xi32, #tpu.memory_space<vmem>>
    %dma_start3A_2199 = arith.constant 0 : i32
    %dma_start3A_2200 = arith.constant 0 : i32
    %dma_start3A_2201 = tpu.memref_slice %arg5[%dma_start3A_2199, %dma_start3A_2200] : memref<2500000x8xf32, #tpu.memory_space<hbm>> -> memref<2500000x8xf32, #tpu.memory_space<hbm>>
    tpu.enqueue_indirect_dma source(%dma_start3A_2201 : memref<2500000x8xf32, #tpu.memory_space<hbm>>) target(%dma_start3A_2195 : memref<128x8xf32, #tpu.memory_space<vmem>>) offsets(%dma_start3A_2198 : memref<128xi32, #tpu.memory_space<vmem>>) semaphore(%arg16 : memref<!tpu.dma_semaphore, #tpu.memory_space<semaphore_mem>>)
    %dma_start3A_2202 = arith.constant 3 : i32
    %dma_start3A_2203 = arith.constant 384 : i32
    %dma_start3A_2204 = arith.constant 0 : i32
    %dma_start3A_2205 = tpu.memref_slice %arg12[%dma_start3A_2203, %dma_start3A_2204] : memref<1536x8xf32, #tpu.memory_space<vmem>> -> memref<128x8xf32, #tpu.memory_space<vmem>>
    %dma_start3A_2206 = arith.constant 0 : i32
    %dma_start3A_2207 = tpu.memref_slice %arg10[%dma_start3A_2202, %dma_start3A_2206] : memref<12x128xi32, #tpu.memory_space<vmem>> -> memref<1x128xi32, #tpu.memory_space<vmem>>
    %dma_start3A_2208 = tpu.memref_squeeze %dma_start3A_2207 : memref<1x128xi32, #tpu.memory_space<vmem>> -> memref<128xi32, #tpu.memory_space<vmem>>
    %dma_start3A_2209 = arith.constant 0 : i32
    %dma_start3A_2210 = arith.constant 0 : i32
    %dma_start3A_2211 = tpu.memref_slice %arg4[%dma_start3A_2209, %dma_start3A_2210] : memref<2500002x8xf32, #tpu.memory_space<hbm>> -> memref<2500002x8xf32, #tpu.memory_space<hbm>>
    tpu.enqueue_indirect_dma source(%dma_start3A_2211 : memref<2500002x8xf32, #tpu.memory_space<hbm>>) target(%dma_start3A_2205 : memref<128x8xf32, #tpu.memory_space<vmem>>) offsets(%dma_start3A_2208 : memref<128xi32, #tpu.memory_space<vmem>>) semaphore(%arg16 : memref<!tpu.dma_semaphore, #tpu.memory_space<semaphore_mem>>)
    %dma_start3A_2212 = arith.constant 3 : i32
    %dma_start3A_2213 = arith.constant 384 : i32
    %dma_start3A_2214 = arith.constant 0 : i32
    %dma_start3A_2215 = tpu.memref_slice %arg13[%dma_start3A_2213, %dma_start3A_2214] : memref<1536x8xf32, #tpu.memory_space<vmem>> -> memref<128x8xf32, #tpu.memory_space<vmem>>
    %dma_start3A_2216 = arith.constant 0 : i32
    %dma_start3A_2217 = tpu.memref_slice %arg11[%dma_start3A_2212, %dma_start3A_2216] : memref<12x128xi32, #tpu.memory_space<vmem>> -> memref<1x128xi32, #tpu.memory_space<vmem>>
    %dma_start3A_2218 = tpu.memref_squeeze %dma_start3A_2217 : memref<1x128xi32, #tpu.memory_space<vmem>> -> memref<128xi32, #tpu.memory_space<vmem>>
    %dma_start3A_2219 = arith.constant 0 : i32
    %dma_start3A_2220 = arith.constant 0 : i32
    %dma_start3A_2221 = tpu.memref_slice %arg5[%dma_start3A_2219, %dma_start3A_2220] : memref<2500000x8xf32, #tpu.memory_space<hbm>> -> memref<2500000x8xf32, #tpu.memory_space<hbm>>
    tpu.enqueue_indirect_dma source(%dma_start3A_2221 : memref<2500000x8xf32, #tpu.memory_space<hbm>>) target(%dma_start3A_2215 : memref<128x8xf32, #tpu.memory_space<vmem>>) offsets(%dma_start3A_2218 : memref<128xi32, #tpu.memory_space<vmem>>) semaphore(%arg16 : memref<!tpu.dma_semaphore, #tpu.memory_space<semaphore_mem>>)
    %dma_start3A_2222 = arith.constant 4 : i32
    %dma_start3A_2223 = arith.constant 512 : i32
    %dma_start3A_2224 = arith.constant 0 : i32
    %dma_start3A_2225 = tpu.memref_slice %arg12[%dma_start3A_2223, %dma_start3A_2224] : memref<1536x8xf32, #tpu.memory_space<vmem>> -> memref<128x8xf32, #tpu.memory_space<vmem>>
    %dma_start3A_2226 = arith.constant 0 : i32
    %dma_start3A_2227 = tpu.memref_slice %arg10[%dma_start3A_2222, %dma_start3A_2226] : memref<12x128xi32, #tpu.memory_space<vmem>> -> memref<1x128xi32, #tpu.memory_space<vmem>>
    %dma_start3A_2228 = tpu.memref_squeeze %dma_start3A_2227 : memref<1x128xi32, #tpu.memory_space<vmem>> -> memref<128xi32, #tpu.memory_space<vmem>>
    %dma_start3A_2229 = arith.constant 0 : i32
    %dma_start3A_2230 = arith.constant 0 : i32
    %dma_start3A_2231 = tpu.memref_slice %arg4[%dma_start3A_2229, %dma_start3A_2230] : memref<2500002x8xf32, #tpu.memory_space<hbm>> -> memref<2500002x8xf32, #tpu.memory_space<hbm>>
    tpu.enqueue_indirect_dma source(%dma_start3A_2231 : memref<2500002x8xf32, #tpu.memory_space<hbm>>) target(%dma_start3A_2225 : memref<128x8xf32, #tpu.memory_space<vmem>>) offsets(%dma_start3A_2228 : memref<128xi32, #tpu.memory_space<vmem>>) semaphore(%arg16 : memref<!tpu.dma_semaphore, #tpu.memory_space<semaphore_mem>>)
    %dma_start3A_2232 = arith.constant 4 : i32
    %dma_start3A_2233 = arith.constant 512 : i32
    %dma_start3A_2234 = arith.constant 0 : i32
    %dma_start3A_2235 = tpu.memref_slice %arg13[%dma_start3A_2233, %dma_start3A_2234] : memref<1536x8xf32, #tpu.memory_space<vmem>> -> memref<128x8xf32, #tpu.memory_space<vmem>>
    %dma_start3A_2236 = arith.constant 0 : i32
    %dma_start3A_2237 = tpu.memref_slice %arg11[%dma_start3A_2232, %dma_start3A_2236] : memref<12x128xi32, #tpu.memory_space<vmem>> -> memref<1x128xi32, #tpu.memory_space<vmem>>
    %dma_start3A_2238 = tpu.memref_squeeze %dma_start3A_2237 : memref<1x128xi32, #tpu.memory_space<vmem>> -> memref<128xi32, #tpu.memory_space<vmem>>
    %dma_start3A_2239 = arith.constant 0 : i32
    %dma_start3A_2240 = arith.constant 0 : i32
    %dma_start3A_2241 = tpu.memref_slice %arg5[%dma_start3A_2239, %dma_start3A_2240] : memref<2500000x8xf32, #tpu.memory_space<hbm>> -> memref<2500000x8xf32, #tpu.memory_space<hbm>>
    tpu.enqueue_indirect_dma source(%dma_start3A_2241 : memref<2500000x8xf32, #tpu.memory_space<hbm>>) target(%dma_start3A_2235 : memref<128x8xf32, #tpu.memory_space<vmem>>) offsets(%dma_start3A_2238 : memref<128xi32, #tpu.memory_space<vmem>>) semaphore(%arg16 : memref<!tpu.dma_semaphore, #tpu.memory_space<semaphore_mem>>)
    %dma_start3A_2242 = arith.constant 5 : i32
    %dma_start3A_2243 = arith.constant 640 : i32
    %dma_start3A_2244 = arith.constant 0 : i32
    %dma_start3A_2245 = tpu.memref_slice %arg12[%dma_start3A_2243, %dma_start3A_2244] : memref<1536x8xf32, #tpu.memory_space<vmem>> -> memref<128x8xf32, #tpu.memory_space<vmem>>
    %dma_start3A_2246 = arith.constant 0 : i32
    %dma_start3A_2247 = tpu.memref_slice %arg10[%dma_start3A_2242, %dma_start3A_2246] : memref<12x128xi32, #tpu.memory_space<vmem>> -> memref<1x128xi32, #tpu.memory_space<vmem>>
    %dma_start3A_2248 = tpu.memref_squeeze %dma_start3A_2247 : memref<1x128xi32, #tpu.memory_space<vmem>> -> memref<128xi32, #tpu.memory_space<vmem>>
    %dma_start3A_2249 = arith.constant 0 : i32
    %dma_start3A_2250 = arith.constant 0 : i32
    %dma_start3A_2251 = tpu.memref_slice %arg4[%dma_start3A_2249, %dma_start3A_2250] : memref<2500002x8xf32, #tpu.memory_space<hbm>> -> memref<2500002x8xf32, #tpu.memory_space<hbm>>
    tpu.enqueue_indirect_dma source(%dma_start3A_2251 : memref<2500002x8xf32, #tpu.memory_space<hbm>>) target(%dma_start3A_2245 : memref<128x8xf32, #tpu.memory_space<vmem>>) offsets(%dma_start3A_2248 : memref<128xi32, #tpu.memory_space<vmem>>) semaphore(%arg16 : memref<!tpu.dma_semaphore, #tpu.memory_space<semaphore_mem>>)
    %dma_start3A_2252 = arith.constant 5 : i32
    %dma_start3A_2253 = arith.constant 640 : i32
    %dma_start3A_2254 = arith.constant 0 : i32
    %dma_start3A_2255 = tpu.memref_slice %arg13[%dma_start3A_2253, %dma_start3A_2254] : memref<1536x8xf32, #tpu.memory_space<vmem>> -> memref<128x8xf32, #tpu.memory_space<vmem>>
    %dma_start3A_2256 = arith.constant 0 : i32
    %dma_start3A_2257 = tpu.memref_slice %arg11[%dma_start3A_2252, %dma_start3A_2256] : memref<12x128xi32, #tpu.memory_space<vmem>> -> memref<1x128xi32, #tpu.memory_space<vmem>>
    %dma_start3A_2258 = tpu.memref_squeeze %dma_start3A_2257 : memref<1x128xi32, #tpu.memory_space<vmem>> -> memref<128xi32, #tpu.memory_space<vmem>>
    %dma_start3A_2259 = arith.constant 0 : i32
    %dma_start3A_2260 = arith.constant 0 : i32
    %dma_start3A_2261 = tpu.memref_slice %arg5[%dma_start3A_2259, %dma_start3A_2260] : memref<2500000x8xf32, #tpu.memory_space<hbm>> -> memref<2500000x8xf32, #tpu.memory_space<hbm>>
    tpu.enqueue_indirect_dma source(%dma_start3A_2261 : memref<2500000x8xf32, #tpu.memory_space<hbm>>) target(%dma_start3A_2255 : memref<128x8xf32, #tpu.memory_space<vmem>>) offsets(%dma_start3A_2258 : memref<128xi32, #tpu.memory_space<vmem>>) semaphore(%arg16 : memref<!tpu.dma_semaphore, #tpu.memory_space<semaphore_mem>>)
    %dma_start3A_2262 = arith.constant 6 : i32
    %dma_start3A_2263 = arith.constant 768 : i32
    %dma_start3A_2264 = arith.constant 0 : i32
    %dma_start3A_2265 = tpu.memref_slice %arg12[%dma_start3A_2263, %dma_start3A_2264] : memref<1536x8xf32, #tpu.memory_space<vmem>> -> memref<128x8xf32, #tpu.memory_space<vmem>>
    %dma_start3A_2266 = arith.constant 0 : i32
    %dma_start3A_2267 = tpu.memref_slice %arg10[%dma_start3A_2262, %dma_start3A_2266] : memref<12x128xi32, #tpu.memory_space<vmem>> -> memref<1x128xi32, #tpu.memory_space<vmem>>
    %dma_start3A_2268 = tpu.memref_squeeze %dma_start3A_2267 : memref<1x128xi32, #tpu.memory_space<vmem>> -> memref<128xi32, #tpu.memory_space<vmem>>
    %dma_start3A_2269 = arith.constant 0 : i32
    %dma_start3A_2270 = arith.constant 0 : i32
    %dma_start3A_2271 = tpu.memref_slice %arg4[%dma_start3A_2269, %dma_start3A_2270] : memref<2500002x8xf32, #tpu.memory_space<hbm>> -> memref<2500002x8xf32, #tpu.memory_space<hbm>>
    tpu.enqueue_indirect_dma source(%dma_start3A_2271 : memref<2500002x8xf32, #tpu.memory_space<hbm>>) target(%dma_start3A_2265 : memref<128x8xf32, #tpu.memory_space<vmem>>) offsets(%dma_start3A_2268 : memref<128xi32, #tpu.memory_space<vmem>>) semaphore(%arg16 : memref<!tpu.dma_semaphore, #tpu.memory_space<semaphore_mem>>)
    %dma_start3A_2272 = arith.constant 6 : i32
    %dma_start3A_2273 = arith.constant 768 : i32
    %dma_start3A_2274 = arith.constant 0 : i32
    %dma_start3A_2275 = tpu.memref_slice %arg13[%dma_start3A_2273, %dma_start3A_2274] : memref<1536x8xf32, #tpu.memory_space<vmem>> -> memref<128x8xf32, #tpu.memory_space<vmem>>
    %dma_start3A_2276 = arith.constant 0 : i32
    %dma_start3A_2277 = tpu.memref_slice %arg11[%dma_start3A_2272, %dma_start3A_2276] : memref<12x128xi32, #tpu.memory_space<vmem>> -> memref<1x128xi32, #tpu.memory_space<vmem>>
    %dma_start3A_2278 = tpu.memref_squeeze %dma_start3A_2277 : memref<1x128xi32, #tpu.memory_space<vmem>> -> memref<128xi32, #tpu.memory_space<vmem>>
    %dma_start3A_2279 = arith.constant 0 : i32
    %dma_start3A_2280 = arith.constant 0 : i32
    %dma_start3A_2281 = tpu.memref_slice %arg5[%dma_start3A_2279, %dma_start3A_2280] : memref<2500000x8xf32, #tpu.memory_space<hbm>> -> memref<2500000x8xf32, #tpu.memory_space<hbm>>
    tpu.enqueue_indirect_dma source(%dma_start3A_2281 : memref<2500000x8xf32, #tpu.memory_space<hbm>>) target(%dma_start3A_2275 : memref<128x8xf32, #tpu.memory_space<vmem>>) offsets(%dma_start3A_2278 : memref<128xi32, #tpu.memory_space<vmem>>) semaphore(%arg16 : memref<!tpu.dma_semaphore, #tpu.memory_space<semaphore_mem>>)
    %dma_start3A_2282 = arith.constant 7 : i32
    %dma_start3A_2283 = arith.constant 896 : i32
    %dma_start3A_2284 = arith.constant 0 : i32
    %dma_start3A_2285 = tpu.memref_slice %arg12[%dma_start3A_2283, %dma_start3A_2284] : memref<1536x8xf32, #tpu.memory_space<vmem>> -> memref<128x8xf32, #tpu.memory_space<vmem>>
    %dma_start3A_2286 = arith.constant 0 : i32
    %dma_start3A_2287 = tpu.memref_slice %arg10[%dma_start3A_2282, %dma_start3A_2286] : memref<12x128xi32, #tpu.memory_space<vmem>> -> memref<1x128xi32, #tpu.memory_space<vmem>>
    %dma_start3A_2288 = tpu.memref_squeeze %dma_start3A_2287 : memref<1x128xi32, #tpu.memory_space<vmem>> -> memref<128xi32, #tpu.memory_space<vmem>>
    %dma_start3A_2289 = arith.constant 0 : i32
    %dma_start3A_2290 = arith.constant 0 : i32
    %dma_start3A_2291 = tpu.memref_slice %arg4[%dma_start3A_2289, %dma_start3A_2290] : memref<2500002x8xf32, #tpu.memory_space<hbm>> -> memref<2500002x8xf32, #tpu.memory_space<hbm>>
    tpu.enqueue_indirect_dma source(%dma_start3A_2291 : memref<2500002x8xf32, #tpu.memory_space<hbm>>) target(%dma_start3A_2285 : memref<128x8xf32, #tpu.memory_space<vmem>>) offsets(%dma_start3A_2288 : memref<128xi32, #tpu.memory_space<vmem>>) semaphore(%arg16 : memref<!tpu.dma_semaphore, #tpu.memory_space<semaphore_mem>>)
    %dma_start3A_2292 = arith.constant 7 : i32
    %dma_start3A_2293 = arith.constant 896 : i32
    %dma_start3A_2294 = arith.constant 0 : i32
    %dma_start3A_2295 = tpu.memref_slice %arg13[%dma_start3A_2293, %dma_start3A_2294] : memref<1536x8xf32, #tpu.memory_space<vmem>> -> memref<128x8xf32, #tpu.memory_space<vmem>>
    %dma_start3A_2296 = arith.constant 0 : i32
    %dma_start3A_2297 = tpu.memref_slice %arg11[%dma_start3A_2292, %dma_start3A_2296] : memref<12x128xi32, #tpu.memory_space<vmem>> -> memref<1x128xi32, #tpu.memory_space<vmem>>
    %dma_start3A_2298 = tpu.memref_squeeze %dma_start3A_2297 : memref<1x128xi32, #tpu.memory_space<vmem>> -> memref<128xi32, #tpu.memory_space<vmem>>
    %dma_start3A_2299 = arith.constant 0 : i32
    %dma_start3A_2300 = arith.constant 0 : i32
    %dma_start3A_2301 = tpu.memref_slice %arg5[%dma_start3A_2299, %dma_start3A_2300] : memref<2500000x8xf32, #tpu.memory_space<hbm>> -> memref<2500000x8xf32, #tpu.memory_space<hbm>>
    tpu.enqueue_indirect_dma source(%dma_start3A_2301 : memref<2500000x8xf32, #tpu.memory_space<hbm>>) target(%dma_start3A_2295 : memref<128x8xf32, #tpu.memory_space<vmem>>) offsets(%dma_start3A_2298 : memref<128xi32, #tpu.memory_space<vmem>>) semaphore(%arg16 : memref<!tpu.dma_semaphore, #tpu.memory_space<semaphore_mem>>)
    %dma_start3A_2302 = arith.constant 8 : i32
    %dma_start3A_2303 = arith.constant 1024 : i32
    %dma_start3A_2304 = arith.constant 0 : i32
    %dma_start3A_2305 = tpu.memref_slice %arg12[%dma_start3A_2303, %dma_start3A_2304] : memref<1536x8xf32, #tpu.memory_space<vmem>> -> memref<128x8xf32, #tpu.memory_space<vmem>>
    %dma_start3A_2306 = arith.constant 0 : i32
    %dma_start3A_2307 = tpu.memref_slice %arg10[%dma_start3A_2302, %dma_start3A_2306] : memref<12x128xi32, #tpu.memory_space<vmem>> -> memref<1x128xi32, #tpu.memory_space<vmem>>
    %dma_start3A_2308 = tpu.memref_squeeze %dma_start3A_2307 : memref<1x128xi32, #tpu.memory_space<vmem>> -> memref<128xi32, #tpu.memory_space<vmem>>
    %dma_start3A_2309 = arith.constant 0 : i32
    %dma_start3A_2310 = arith.constant 0 : i32
    %dma_start3A_2311 = tpu.memref_slice %arg4[%dma_start3A_2309, %dma_start3A_2310] : memref<2500002x8xf32, #tpu.memory_space<hbm>> -> memref<2500002x8xf32, #tpu.memory_space<hbm>>
    tpu.enqueue_indirect_dma source(%dma_start3A_2311 : memref<2500002x8xf32, #tpu.memory_space<hbm>>) target(%dma_start3A_2305 : memref<128x8xf32, #tpu.memory_space<vmem>>) offsets(%dma_start3A_2308 : memref<128xi32, #tpu.memory_space<vmem>>) semaphore(%arg16 : memref<!tpu.dma_semaphore, #tpu.memory_space<semaphore_mem>>)
    %dma_start3A_2312 = arith.constant 8 : i32
    %dma_start3A_2313 = arith.constant 1024 : i32
    %dma_start3A_2314 = arith.constant 0 : i32
    %dma_start3A_2315 = tpu.memref_slice %arg13[%dma_start3A_2313, %dma_start3A_2314] : memref<1536x8xf32, #tpu.memory_space<vmem>> -> memref<128x8xf32, #tpu.memory_space<vmem>>
    %dma_start3A_2316 = arith.constant 0 : i32
    %dma_start3A_2317 = tpu.memref_slice %arg11[%dma_start3A_2312, %dma_start3A_2316] : memref<12x128xi32, #tpu.memory_space<vmem>> -> memref<1x128xi32, #tpu.memory_space<vmem>>
    %dma_start3A_2318 = tpu.memref_squeeze %dma_start3A_2317 : memref<1x128xi32, #tpu.memory_space<vmem>> -> memref<128xi32, #tpu.memory_space<vmem>>
    %dma_start3A_2319 = arith.constant 0 : i32
    %dma_start3A_2320 = arith.constant 0 : i32
    %dma_start3A_2321 = tpu.memref_slice %arg5[%dma_start3A_2319, %dma_start3A_2320] : memref<2500000x8xf32, #tpu.memory_space<hbm>> -> memref<2500000x8xf32, #tpu.memory_space<hbm>>
    tpu.enqueue_indirect_dma source(%dma_start3A_2321 : memref<2500000x8xf32, #tpu.memory_space<hbm>>) target(%dma_start3A_2315 : memref<128x8xf32, #tpu.memory_space<vmem>>) offsets(%dma_start3A_2318 : memref<128xi32, #tpu.memory_space<vmem>>) semaphore(%arg16 : memref<!tpu.dma_semaphore, #tpu.memory_space<semaphore_mem>>)
    %dma_start3A_2322 = arith.constant 9 : i32
    %dma_start3A_2323 = arith.constant 1152 : i32
    %dma_start3A_2324 = arith.constant 0 : i32
    %dma_start3A_2325 = tpu.memref_slice %arg12[%dma_start3A_2323, %dma_start3A_2324] : memref<1536x8xf32, #tpu.memory_space<vmem>> -> memref<128x8xf32, #tpu.memory_space<vmem>>
    %dma_start3A_2326 = arith.constant 0 : i32
    %dma_start3A_2327 = tpu.memref_slice %arg10[%dma_start3A_2322, %dma_start3A_2326] : memref<12x128xi32, #tpu.memory_space<vmem>> -> memref<1x128xi32, #tpu.memory_space<vmem>>
    %dma_start3A_2328 = tpu.memref_squeeze %dma_start3A_2327 : memref<1x128xi32, #tpu.memory_space<vmem>> -> memref<128xi32, #tpu.memory_space<vmem>>
    %dma_start3A_2329 = arith.constant 0 : i32
    %dma_start3A_2330 = arith.constant 0 : i32
    %dma_start3A_2331 = tpu.memref_slice %arg4[%dma_start3A_2329, %dma_start3A_2330] : memref<2500002x8xf32, #tpu.memory_space<hbm>> -> memref<2500002x8xf32, #tpu.memory_space<hbm>>
    tpu.enqueue_indirect_dma source(%dma_start3A_2331 : memref<2500002x8xf32, #tpu.memory_space<hbm>>) target(%dma_start3A_2325 : memref<128x8xf32, #tpu.memory_space<vmem>>) offsets(%dma_start3A_2328 : memref<128xi32, #tpu.memory_space<vmem>>) semaphore(%arg16 : memref<!tpu.dma_semaphore, #tpu.memory_space<semaphore_mem>>)
    %dma_start3A_2332 = arith.constant 9 : i32
    %dma_start3A_2333 = arith.constant 1152 : i32
    %dma_start3A_2334 = arith.constant 0 : i32
    %dma_start3A_2335 = tpu.memref_slice %arg13[%dma_start3A_2333, %dma_start3A_2334] : memref<1536x8xf32, #tpu.memory_space<vmem>> -> memref<128x8xf32, #tpu.memory_space<vmem>>
    %dma_start3A_2336 = arith.constant 0 : i32
    %dma_start3A_2337 = tpu.memref_slice %arg11[%dma_start3A_2332, %dma_start3A_2336] : memref<12x128xi32, #tpu.memory_space<vmem>> -> memref<1x128xi32, #tpu.memory_space<vmem>>
    %dma_start3A_2338 = tpu.memref_squeeze %dma_start3A_2337 : memref<1x128xi32, #tpu.memory_space<vmem>> -> memref<128xi32, #tpu.memory_space<vmem>>
    %dma_start3A_2339 = arith.constant 0 : i32
    %dma_start3A_2340 = arith.constant 0 : i32
    %dma_start3A_2341 = tpu.memref_slice %arg5[%dma_start3A_2339, %dma_start3A_2340] : memref<2500000x8xf32, #tpu.memory_space<hbm>> -> memref<2500000x8xf32, #tpu.memory_space<hbm>>
    tpu.enqueue_indirect_dma source(%dma_start3A_2341 : memref<2500000x8xf32, #tpu.memory_space<hbm>>) target(%dma_start3A_2335 : memref<128x8xf32, #tpu.memory_space<vmem>>) offsets(%dma_start3A_2338 : memref<128xi32, #tpu.memory_space<vmem>>) semaphore(%arg16 : memref<!tpu.dma_semaphore, #tpu.memory_space<semaphore_mem>>)
    %dma_start3A_2342 = arith.constant 10 : i32
    %dma_start3A_2343 = arith.constant 1280 : i32
    %dma_start3A_2344 = arith.constant 0 : i32
    %dma_start3A_2345 = tpu.memref_slice %arg12[%dma_start3A_2343, %dma_start3A_2344] : memref<1536x8xf32, #tpu.memory_space<vmem>> -> memref<128x8xf32, #tpu.memory_space<vmem>>
    %dma_start3A_2346 = arith.constant 0 : i32
    %dma_start3A_2347 = tpu.memref_slice %arg10[%dma_start3A_2342, %dma_start3A_2346] : memref<12x128xi32, #tpu.memory_space<vmem>> -> memref<1x128xi32, #tpu.memory_space<vmem>>
    %dma_start3A_2348 = tpu.memref_squeeze %dma_start3A_2347 : memref<1x128xi32, #tpu.memory_space<vmem>> -> memref<128xi32, #tpu.memory_space<vmem>>
    %dma_start3A_2349 = arith.constant 0 : i32
    %dma_start3A_2350 = arith.constant 0 : i32
    %dma_start3A_2351 = tpu.memref_slice %arg4[%dma_start3A_2349, %dma_start3A_2350] : memref<2500002x8xf32, #tpu.memory_space<hbm>> -> memref<2500002x8xf32, #tpu.memory_space<hbm>>
    tpu.enqueue_indirect_dma source(%dma_start3A_2351 : memref<2500002x8xf32, #tpu.memory_space<hbm>>) target(%dma_start3A_2345 : memref<128x8xf32, #tpu.memory_space<vmem>>) offsets(%dma_start3A_2348 : memref<128xi32, #tpu.memory_space<vmem>>) semaphore(%arg16 : memref<!tpu.dma_semaphore, #tpu.memory_space<semaphore_mem>>)
    %dma_start3A_2352 = arith.constant 10 : i32
    %dma_start3A_2353 = arith.constant 1280 : i32
    %dma_start3A_2354 = arith.constant 0 : i32
    %dma_start3A_2355 = tpu.memref_slice %arg13[%dma_start3A_2353, %dma_start3A_2354] : memref<1536x8xf32, #tpu.memory_space<vmem>> -> memref<128x8xf32, #tpu.memory_space<vmem>>
    %dma_start3A_2356 = arith.constant 0 : i32
    %dma_start3A_2357 = tpu.memref_slice %arg11[%dma_start3A_2352, %dma_start3A_2356] : memref<12x128xi32, #tpu.memory_space<vmem>> -> memref<1x128xi32, #tpu.memory_space<vmem>>
    %dma_start3A_2358 = tpu.memref_squeeze %dma_start3A_2357 : memref<1x128xi32, #tpu.memory_space<vmem>> -> memref<128xi32, #tpu.memory_space<vmem>>
    %dma_start3A_2359 = arith.constant 0 : i32
    %dma_start3A_2360 = arith.constant 0 : i32
    %dma_start3A_2361 = tpu.memref_slice %arg5[%dma_start3A_2359, %dma_start3A_2360] : memref<2500000x8xf32, #tpu.memory_space<hbm>> -> memref<2500000x8xf32, #tpu.memory_space<hbm>>
    tpu.enqueue_indirect_dma source(%dma_start3A_2361 : memref<2500000x8xf32, #tpu.memory_space<hbm>>) target(%dma_start3A_2355 : memref<128x8xf32, #tpu.memory_space<vmem>>) offsets(%dma_start3A_2358 : memref<128xi32, #tpu.memory_space<vmem>>) semaphore(%arg16 : memref<!tpu.dma_semaphore, #tpu.memory_space<semaphore_mem>>)
    %dma_start3A_2362 = arith.constant 11 : i32
    %dma_start3A_2363 = arith.constant 1408 : i32
    %dma_start3A_2364 = arith.constant 0 : i32
    %dma_start3A_2365 = tpu.memref_slice %arg12[%dma_start3A_2363, %dma_start3A_2364] : memref<1536x8xf32, #tpu.memory_space<vmem>> -> memref<128x8xf32, #tpu.memory_space<vmem>>
    %dma_start3A_2366 = arith.constant 0 : i32
    %dma_start3A_2367 = tpu.memref_slice %arg10[%dma_start3A_2362, %dma_start3A_2366] : memref<12x128xi32, #tpu.memory_space<vmem>> -> memref<1x128xi32, #tpu.memory_space<vmem>>
    %dma_start3A_2368 = tpu.memref_squeeze %dma_start3A_2367 : memref<1x128xi32, #tpu.memory_space<vmem>> -> memref<128xi32, #tpu.memory_space<vmem>>
    %dma_start3A_2369 = arith.constant 0 : i32
    %dma_start3A_2370 = arith.constant 0 : i32
    %dma_start3A_2371 = tpu.memref_slice %arg4[%dma_start3A_2369, %dma_start3A_2370] : memref<2500002x8xf32, #tpu.memory_space<hbm>> -> memref<2500002x8xf32, #tpu.memory_space<hbm>>
    tpu.enqueue_indirect_dma source(%dma_start3A_2371 : memref<2500002x8xf32, #tpu.memory_space<hbm>>) target(%dma_start3A_2365 : memref<128x8xf32, #tpu.memory_space<vmem>>) offsets(%dma_start3A_2368 : memref<128xi32, #tpu.memory_space<vmem>>) semaphore(%arg16 : memref<!tpu.dma_semaphore, #tpu.memory_space<semaphore_mem>>)
    %dma_start3A_2372 = arith.constant 11 : i32
    %dma_start3A_2373 = arith.constant 1408 : i32
    %dma_start3A_2374 = arith.constant 0 : i32
    %dma_start3A_2375 = tpu.memref_slice %arg13[%dma_start3A_2373, %dma_start3A_2374] : memref<1536x8xf32, #tpu.memory_space<vmem>> -> memref<128x8xf32, #tpu.memory_space<vmem>>
    %dma_start3A_2376 = arith.constant 0 : i32
    %dma_start3A_2377 = tpu.memref_slice %arg11[%dma_start3A_2372, %dma_start3A_2376] : memref<12x128xi32, #tpu.memory_space<vmem>> -> memref<1x128xi32, #tpu.memory_space<vmem>>
    %dma_start3A_2378 = tpu.memref_squeeze %dma_start3A_2377 : memref<1x128xi32, #tpu.memory_space<vmem>> -> memref<128xi32, #tpu.memory_space<vmem>>
    %dma_start3A_2379 = arith.constant 0 : i32
    %dma_start3A_2380 = arith.constant 0 : i32
    %dma_start3A_2381 = tpu.memref_slice %arg5[%dma_start3A_2379, %dma_start3A_2380] : memref<2500000x8xf32, #tpu.memory_space<hbm>> -> memref<2500000x8xf32, #tpu.memory_space<hbm>>
    tpu.enqueue_indirect_dma source(%dma_start3A_2381 : memref<2500000x8xf32, #tpu.memory_space<hbm>>) target(%dma_start3A_2375 : memref<128x8xf32, #tpu.memory_space<vmem>>) offsets(%dma_start3A_2378 : memref<128xi32, #tpu.memory_space<vmem>>) semaphore(%arg16 : memref<!tpu.dma_semaphore, #tpu.memory_space<semaphore_mem>>)
    %dma_wait3A = arith.constant 0 : i32
    %dma_wait3A_2382 = arith.constant 0 : i32
    %dma_wait3A_2383 = arith.constant 0 : i32
    %dma_wait3A_2384 = tpu.memref_slice %arg12[%dma_wait3A_2382, %dma_wait3A_2383] : memref<1536x8xf32, #tpu.memory_space<vmem>> -> memref<128x8xf32, #tpu.memory_space<vmem>>
    %dma_wait3A_2385 = arith.constant 0 : i32
    %dma_wait3A_2386 = tpu.memref_slice %arg10[%dma_wait3A, %dma_wait3A_2385] : memref<12x128xi32, #tpu.memory_space<vmem>> -> memref<1x128xi32, #tpu.memory_space<vmem>>
    %dma_wait3A_2387 = tpu.memref_squeeze %dma_wait3A_2386 : memref<1x128xi32, #tpu.memory_space<vmem>> -> memref<128xi32, #tpu.memory_space<vmem>>
    %dma_wait3A_2388 = arith.constant 0 : i32
    %dma_wait3A_2389 = arith.constant 0 : i32
    %dma_wait3A_2390 = tpu.memref_slice %arg4[%dma_wait3A_2388, %dma_wait3A_2389] : memref<2500002x8xf32, #tpu.memory_space<hbm>> -> memref<2500002x8xf32, #tpu.memory_space<hbm>>
    tpu.wait_indirect_dma semaphore(%arg16 : memref<!tpu.dma_semaphore, #tpu.memory_space<semaphore_mem>>) src(%dma_wait3A_2390 : memref<2500002x8xf32, #tpu.memory_space<hbm>>) dst(%dma_wait3A_2384 : memref<128x8xf32, #tpu.memory_space<vmem>>)
    %dma_wait3A_2391 = arith.constant 0 : i32
    %dma_wait3A_2392 = arith.constant 0 : i32
    %dma_wait3A_2393 = arith.constant 0 : i32
    %dma_wait3A_2394 = tpu.memref_slice %arg13[%dma_wait3A_2392, %dma_wait3A_2393] : memref<1536x8xf32, #tpu.memory_space<vmem>> -> memref<128x8xf32, #tpu.memory_space<vmem>>
    %dma_wait3A_2395 = arith.constant 0 : i32
    %dma_wait3A_2396 = tpu.memref_slice %arg11[%dma_wait3A_2391, %dma_wait3A_2395] : memref<12x128xi32, #tpu.memory_space<vmem>> -> memref<1x128xi32, #tpu.memory_space<vmem>>
    %dma_wait3A_2397 = tpu.memref_squeeze %dma_wait3A_2396 : memref<1x128xi32, #tpu.memory_space<vmem>> -> memref<128xi32, #tpu.memory_space<vmem>>
    %dma_wait3A_2398 = arith.constant 0 : i32
    %dma_wait3A_2399 = arith.constant 0 : i32
    %dma_wait3A_2400 = tpu.memref_slice %arg5[%dma_wait3A_2398, %dma_wait3A_2399] : memref<2500000x8xf32, #tpu.memory_space<hbm>> -> memref<2500000x8xf32, #tpu.memory_space<hbm>>
    tpu.wait_indirect_dma semaphore(%arg16 : memref<!tpu.dma_semaphore, #tpu.memory_space<semaphore_mem>>) src(%dma_wait3A_2400 : memref<2500000x8xf32, #tpu.memory_space<hbm>>) dst(%dma_wait3A_2394 : memref<128x8xf32, #tpu.memory_space<vmem>>)
    %dma_wait3A_2401 = arith.constant 1 : i32
    %dma_wait3A_2402 = arith.constant 128 : i32
    %dma_wait3A_2403 = arith.constant 0 : i32
    %dma_wait3A_2404 = tpu.memref_slice %arg12[%dma_wait3A_2402, %dma_wait3A_2403] : memref<1536x8xf32, #tpu.memory_space<vmem>> -> memref<128x8xf32, #tpu.memory_space<vmem>>
    %dma_wait3A_2405 = arith.constant 0 : i32
    %dma_wait3A_2406 = tpu.memref_slice %arg10[%dma_wait3A_2401, %dma_wait3A_2405] : memref<12x128xi32, #tpu.memory_space<vmem>> -> memref<1x128xi32, #tpu.memory_space<vmem>>
    %dma_wait3A_2407 = tpu.memref_squeeze %dma_wait3A_2406 : memref<1x128xi32, #tpu.memory_space<vmem>> -> memref<128xi32, #tpu.memory_space<vmem>>
    %dma_wait3A_2408 = arith.constant 0 : i32
    %dma_wait3A_2409 = arith.constant 0 : i32
    %dma_wait3A_2410 = tpu.memref_slice %arg4[%dma_wait3A_2408, %dma_wait3A_2409] : memref<2500002x8xf32, #tpu.memory_space<hbm>> -> memref<2500002x8xf32, #tpu.memory_space<hbm>>
    tpu.wait_indirect_dma semaphore(%arg16 : memref<!tpu.dma_semaphore, #tpu.memory_space<semaphore_mem>>) src(%dma_wait3A_2410 : memref<2500002x8xf32, #tpu.memory_space<hbm>>) dst(%dma_wait3A_2404 : memref<128x8xf32, #tpu.memory_space<vmem>>)
    %dma_wait3A_2411 = arith.constant 1 : i32
    %dma_wait3A_2412 = arith.constant 128 : i32
    %dma_wait3A_2413 = arith.constant 0 : i32
    %dma_wait3A_2414 = tpu.memref_slice %arg13[%dma_wait3A_2412, %dma_wait3A_2413] : memref<1536x8xf32, #tpu.memory_space<vmem>> -> memref<128x8xf32, #tpu.memory_space<vmem>>
    %dma_wait3A_2415 = arith.constant 0 : i32
    %dma_wait3A_2416 = tpu.memref_slice %arg11[%dma_wait3A_2411, %dma_wait3A_2415] : memref<12x128xi32, #tpu.memory_space<vmem>> -> memref<1x128xi32, #tpu.memory_space<vmem>>
    %dma_wait3A_2417 = tpu.memref_squeeze %dma_wait3A_2416 : memref<1x128xi32, #tpu.memory_space<vmem>> -> memref<128xi32, #tpu.memory_space<vmem>>
    %dma_wait3A_2418 = arith.constant 0 : i32
    %dma_wait3A_2419 = arith.constant 0 : i32
    %dma_wait3A_2420 = tpu.memref_slice %arg5[%dma_wait3A_2418, %dma_wait3A_2419] : memref<2500000x8xf32, #tpu.memory_space<hbm>> -> memref<2500000x8xf32, #tpu.memory_space<hbm>>
    tpu.wait_indirect_dma semaphore(%arg16 : memref<!tpu.dma_semaphore, #tpu.memory_space<semaphore_mem>>) src(%dma_wait3A_2420 : memref<2500000x8xf32, #tpu.memory_space<hbm>>) dst(%dma_wait3A_2414 : memref<128x8xf32, #tpu.memory_space<vmem>>)
    %dma_wait3A_2421 = arith.constant 2 : i32
    %dma_wait3A_2422 = arith.constant 256 : i32
    %dma_wait3A_2423 = arith.constant 0 : i32
    %dma_wait3A_2424 = tpu.memref_slice %arg12[%dma_wait3A_2422, %dma_wait3A_2423] : memref<1536x8xf32, #tpu.memory_space<vmem>> -> memref<128x8xf32, #tpu.memory_space<vmem>>
    %dma_wait3A_2425 = arith.constant 0 : i32
    %dma_wait3A_2426 = tpu.memref_slice %arg10[%dma_wait3A_2421, %dma_wait3A_2425] : memref<12x128xi32, #tpu.memory_space<vmem>> -> memref<1x128xi32, #tpu.memory_space<vmem>>
    %dma_wait3A_2427 = tpu.memref_squeeze %dma_wait3A_2426 : memref<1x128xi32, #tpu.memory_space<vmem>> -> memref<128xi32, #tpu.memory_space<vmem>>
    %dma_wait3A_2428 = arith.constant 0 : i32
    %dma_wait3A_2429 = arith.constant 0 : i32
    %dma_wait3A_2430 = tpu.memref_slice %arg4[%dma_wait3A_2428, %dma_wait3A_2429] : memref<2500002x8xf32, #tpu.memory_space<hbm>> -> memref<2500002x8xf32, #tpu.memory_space<hbm>>
    tpu.wait_indirect_dma semaphore(%arg16 : memref<!tpu.dma_semaphore, #tpu.memory_space<semaphore_mem>>) src(%dma_wait3A_2430 : memref<2500002x8xf32, #tpu.memory_space<hbm>>) dst(%dma_wait3A_2424 : memref<128x8xf32, #tpu.memory_space<vmem>>)
    %dma_wait3A_2431 = arith.constant 2 : i32
    %dma_wait3A_2432 = arith.constant 256 : i32
    %dma_wait3A_2433 = arith.constant 0 : i32
    %dma_wait3A_2434 = tpu.memref_slice %arg13[%dma_wait3A_2432, %dma_wait3A_2433] : memref<1536x8xf32, #tpu.memory_space<vmem>> -> memref<128x8xf32, #tpu.memory_space<vmem>>
    %dma_wait3A_2435 = arith.constant 0 : i32
    %dma_wait3A_2436 = tpu.memref_slice %arg11[%dma_wait3A_2431, %dma_wait3A_2435] : memref<12x128xi32, #tpu.memory_space<vmem>> -> memref<1x128xi32, #tpu.memory_space<vmem>>
    %dma_wait3A_2437 = tpu.memref_squeeze %dma_wait3A_2436 : memref<1x128xi32, #tpu.memory_space<vmem>> -> memref<128xi32, #tpu.memory_space<vmem>>
    %dma_wait3A_2438 = arith.constant 0 : i32
    %dma_wait3A_2439 = arith.constant 0 : i32
    %dma_wait3A_2440 = tpu.memref_slice %arg5[%dma_wait3A_2438, %dma_wait3A_2439] : memref<2500000x8xf32, #tpu.memory_space<hbm>> -> memref<2500000x8xf32, #tpu.memory_space<hbm>>
    tpu.wait_indirect_dma semaphore(%arg16 : memref<!tpu.dma_semaphore, #tpu.memory_space<semaphore_mem>>) src(%dma_wait3A_2440 : memref<2500000x8xf32, #tpu.memory_space<hbm>>) dst(%dma_wait3A_2434 : memref<128x8xf32, #tpu.memory_space<vmem>>)
    %dma_wait3A_2441 = arith.constant 3 : i32
    %dma_wait3A_2442 = arith.constant 384 : i32
    %dma_wait3A_2443 = arith.constant 0 : i32
    %dma_wait3A_2444 = tpu.memref_slice %arg12[%dma_wait3A_2442, %dma_wait3A_2443] : memref<1536x8xf32, #tpu.memory_space<vmem>> -> memref<128x8xf32, #tpu.memory_space<vmem>>
    %dma_wait3A_2445 = arith.constant 0 : i32
    %dma_wait3A_2446 = tpu.memref_slice %arg10[%dma_wait3A_2441, %dma_wait3A_2445] : memref<12x128xi32, #tpu.memory_space<vmem>> -> memref<1x128xi32, #tpu.memory_space<vmem>>
    %dma_wait3A_2447 = tpu.memref_squeeze %dma_wait3A_2446 : memref<1x128xi32, #tpu.memory_space<vmem>> -> memref<128xi32, #tpu.memory_space<vmem>>
    %dma_wait3A_2448 = arith.constant 0 : i32
    %dma_wait3A_2449 = arith.constant 0 : i32
    %dma_wait3A_2450 = tpu.memref_slice %arg4[%dma_wait3A_2448, %dma_wait3A_2449] : memref<2500002x8xf32, #tpu.memory_space<hbm>> -> memref<2500002x8xf32, #tpu.memory_space<hbm>>
    tpu.wait_indirect_dma semaphore(%arg16 : memref<!tpu.dma_semaphore, #tpu.memory_space<semaphore_mem>>) src(%dma_wait3A_2450 : memref<2500002x8xf32, #tpu.memory_space<hbm>>) dst(%dma_wait3A_2444 : memref<128x8xf32, #tpu.memory_space<vmem>>)
    %dma_wait3A_2451 = arith.constant 3 : i32
    %dma_wait3A_2452 = arith.constant 384 : i32
    %dma_wait3A_2453 = arith.constant 0 : i32
    %dma_wait3A_2454 = tpu.memref_slice %arg13[%dma_wait3A_2452, %dma_wait3A_2453] : memref<1536x8xf32, #tpu.memory_space<vmem>> -> memref<128x8xf32, #tpu.memory_space<vmem>>
    %dma_wait3A_2455 = arith.constant 0 : i32
    %dma_wait3A_2456 = tpu.memref_slice %arg11[%dma_wait3A_2451, %dma_wait3A_2455] : memref<12x128xi32, #tpu.memory_space<vmem>> -> memref<1x128xi32, #tpu.memory_space<vmem>>
    %dma_wait3A_2457 = tpu.memref_squeeze %dma_wait3A_2456 : memref<1x128xi32, #tpu.memory_space<vmem>> -> memref<128xi32, #tpu.memory_space<vmem>>
    %dma_wait3A_2458 = arith.constant 0 : i32
    %dma_wait3A_2459 = arith.constant 0 : i32
    %dma_wait3A_2460 = tpu.memref_slice %arg5[%dma_wait3A_2458, %dma_wait3A_2459] : memref<2500000x8xf32, #tpu.memory_space<hbm>> -> memref<2500000x8xf32, #tpu.memory_space<hbm>>
    tpu.wait_indirect_dma semaphore(%arg16 : memref<!tpu.dma_semaphore, #tpu.memory_space<semaphore_mem>>) src(%dma_wait3A_2460 : memref<2500000x8xf32, #tpu.memory_space<hbm>>) dst(%dma_wait3A_2454 : memref<128x8xf32, #tpu.memory_space<vmem>>)
    %dma_wait3A_2461 = arith.constant 4 : i32
    %dma_wait3A_2462 = arith.constant 512 : i32
    %dma_wait3A_2463 = arith.constant 0 : i32
    %dma_wait3A_2464 = tpu.memref_slice %arg12[%dma_wait3A_2462, %dma_wait3A_2463] : memref<1536x8xf32, #tpu.memory_space<vmem>> -> memref<128x8xf32, #tpu.memory_space<vmem>>
    %dma_wait3A_2465 = arith.constant 0 : i32
    %dma_wait3A_2466 = tpu.memref_slice %arg10[%dma_wait3A_2461, %dma_wait3A_2465] : memref<12x128xi32, #tpu.memory_space<vmem>> -> memref<1x128xi32, #tpu.memory_space<vmem>>
    %dma_wait3A_2467 = tpu.memref_squeeze %dma_wait3A_2466 : memref<1x128xi32, #tpu.memory_space<vmem>> -> memref<128xi32, #tpu.memory_space<vmem>>
    %dma_wait3A_2468 = arith.constant 0 : i32
    %dma_wait3A_2469 = arith.constant 0 : i32
    %dma_wait3A_2470 = tpu.memref_slice %arg4[%dma_wait3A_2468, %dma_wait3A_2469] : memref<2500002x8xf32, #tpu.memory_space<hbm>> -> memref<2500002x8xf32, #tpu.memory_space<hbm>>
    tpu.wait_indirect_dma semaphore(%arg16 : memref<!tpu.dma_semaphore, #tpu.memory_space<semaphore_mem>>) src(%dma_wait3A_2470 : memref<2500002x8xf32, #tpu.memory_space<hbm>>) dst(%dma_wait3A_2464 : memref<128x8xf32, #tpu.memory_space<vmem>>)
    %dma_wait3A_2471 = arith.constant 4 : i32
    %dma_wait3A_2472 = arith.constant 512 : i32
    %dma_wait3A_2473 = arith.constant 0 : i32
    %dma_wait3A_2474 = tpu.memref_slice %arg13[%dma_wait3A_2472, %dma_wait3A_2473] : memref<1536x8xf32, #tpu.memory_space<vmem>> -> memref<128x8xf32, #tpu.memory_space<vmem>>
    %dma_wait3A_2475 = arith.constant 0 : i32
    %dma_wait3A_2476 = tpu.memref_slice %arg11[%dma_wait3A_2471, %dma_wait3A_2475] : memref<12x128xi32, #tpu.memory_space<vmem>> -> memref<1x128xi32, #tpu.memory_space<vmem>>
    %dma_wait3A_2477 = tpu.memref_squeeze %dma_wait3A_2476 : memref<1x128xi32, #tpu.memory_space<vmem>> -> memref<128xi32, #tpu.memory_space<vmem>>
    %dma_wait3A_2478 = arith.constant 0 : i32
    %dma_wait3A_2479 = arith.constant 0 : i32
    %dma_wait3A_2480 = tpu.memref_slice %arg5[%dma_wait3A_2478, %dma_wait3A_2479] : memref<2500000x8xf32, #tpu.memory_space<hbm>> -> memref<2500000x8xf32, #tpu.memory_space<hbm>>
    tpu.wait_indirect_dma semaphore(%arg16 : memref<!tpu.dma_semaphore, #tpu.memory_space<semaphore_mem>>) src(%dma_wait3A_2480 : memref<2500000x8xf32, #tpu.memory_space<hbm>>) dst(%dma_wait3A_2474 : memref<128x8xf32, #tpu.memory_space<vmem>>)
    %dma_wait3A_2481 = arith.constant 5 : i32
    %dma_wait3A_2482 = arith.constant 640 : i32
    %dma_wait3A_2483 = arith.constant 0 : i32
    %dma_wait3A_2484 = tpu.memref_slice %arg12[%dma_wait3A_2482, %dma_wait3A_2483] : memref<1536x8xf32, #tpu.memory_space<vmem>> -> memref<128x8xf32, #tpu.memory_space<vmem>>
    %dma_wait3A_2485 = arith.constant 0 : i32
    %dma_wait3A_2486 = tpu.memref_slice %arg10[%dma_wait3A_2481, %dma_wait3A_2485] : memref<12x128xi32, #tpu.memory_space<vmem>> -> memref<1x128xi32, #tpu.memory_space<vmem>>
    %dma_wait3A_2487 = tpu.memref_squeeze %dma_wait3A_2486 : memref<1x128xi32, #tpu.memory_space<vmem>> -> memref<128xi32, #tpu.memory_space<vmem>>
    %dma_wait3A_2488 = arith.constant 0 : i32
    %dma_wait3A_2489 = arith.constant 0 : i32
    %dma_wait3A_2490 = tpu.memref_slice %arg4[%dma_wait3A_2488, %dma_wait3A_2489] : memref<2500002x8xf32, #tpu.memory_space<hbm>> -> memref<2500002x8xf32, #tpu.memory_space<hbm>>
    tpu.wait_indirect_dma semaphore(%arg16 : memref<!tpu.dma_semaphore, #tpu.memory_space<semaphore_mem>>) src(%dma_wait3A_2490 : memref<2500002x8xf32, #tpu.memory_space<hbm>>) dst(%dma_wait3A_2484 : memref<128x8xf32, #tpu.memory_space<vmem>>)
    %dma_wait3A_2491 = arith.constant 5 : i32
    %dma_wait3A_2492 = arith.constant 640 : i32
    %dma_wait3A_2493 = arith.constant 0 : i32
    %dma_wait3A_2494 = tpu.memref_slice %arg13[%dma_wait3A_2492, %dma_wait3A_2493] : memref<1536x8xf32, #tpu.memory_space<vmem>> -> memref<128x8xf32, #tpu.memory_space<vmem>>
    %dma_wait3A_2495 = arith.constant 0 : i32
    %dma_wait3A_2496 = tpu.memref_slice %arg11[%dma_wait3A_2491, %dma_wait3A_2495] : memref<12x128xi32, #tpu.memory_space<vmem>> -> memref<1x128xi32, #tpu.memory_space<vmem>>
    %dma_wait3A_2497 = tpu.memref_squeeze %dma_wait3A_2496 : memref<1x128xi32, #tpu.memory_space<vmem>> -> memref<128xi32, #tpu.memory_space<vmem>>
    %dma_wait3A_2498 = arith.constant 0 : i32
    %dma_wait3A_2499 = arith.constant 0 : i32
    %dma_wait3A_2500 = tpu.memref_slice %arg5[%dma_wait3A_2498, %dma_wait3A_2499] : memref<2500000x8xf32, #tpu.memory_space<hbm>> -> memref<2500000x8xf32, #tpu.memory_space<hbm>>
    tpu.wait_indirect_dma semaphore(%arg16 : memref<!tpu.dma_semaphore, #tpu.memory_space<semaphore_mem>>) src(%dma_wait3A_2500 : memref<2500000x8xf32, #tpu.memory_space<hbm>>) dst(%dma_wait3A_2494 : memref<128x8xf32, #tpu.memory_space<vmem>>)
    %dma_wait3A_2501 = arith.constant 6 : i32
    %dma_wait3A_2502 = arith.constant 768 : i32
    %dma_wait3A_2503 = arith.constant 0 : i32
    %dma_wait3A_2504 = tpu.memref_slice %arg12[%dma_wait3A_2502, %dma_wait3A_2503] : memref<1536x8xf32, #tpu.memory_space<vmem>> -> memref<128x8xf32, #tpu.memory_space<vmem>>
    %dma_wait3A_2505 = arith.constant 0 : i32
    %dma_wait3A_2506 = tpu.memref_slice %arg10[%dma_wait3A_2501, %dma_wait3A_2505] : memref<12x128xi32, #tpu.memory_space<vmem>> -> memref<1x128xi32, #tpu.memory_space<vmem>>
    %dma_wait3A_2507 = tpu.memref_squeeze %dma_wait3A_2506 : memref<1x128xi32, #tpu.memory_space<vmem>> -> memref<128xi32, #tpu.memory_space<vmem>>
    %dma_wait3A_2508 = arith.constant 0 : i32
    %dma_wait3A_2509 = arith.constant 0 : i32
    %dma_wait3A_2510 = tpu.memref_slice %arg4[%dma_wait3A_2508, %dma_wait3A_2509] : memref<2500002x8xf32, #tpu.memory_space<hbm>> -> memref<2500002x8xf32, #tpu.memory_space<hbm>>
    tpu.wait_indirect_dma semaphore(%arg16 : memref<!tpu.dma_semaphore, #tpu.memory_space<semaphore_mem>>) src(%dma_wait3A_2510 : memref<2500002x8xf32, #tpu.memory_space<hbm>>) dst(%dma_wait3A_2504 : memref<128x8xf32, #tpu.memory_space<vmem>>)
    %dma_wait3A_2511 = arith.constant 6 : i32
    %dma_wait3A_2512 = arith.constant 768 : i32
    %dma_wait3A_2513 = arith.constant 0 : i32
    %dma_wait3A_2514 = tpu.memref_slice %arg13[%dma_wait3A_2512, %dma_wait3A_2513] : memref<1536x8xf32, #tpu.memory_space<vmem>> -> memref<128x8xf32, #tpu.memory_space<vmem>>
    %dma_wait3A_2515 = arith.constant 0 : i32
    %dma_wait3A_2516 = tpu.memref_slice %arg11[%dma_wait3A_2511, %dma_wait3A_2515] : memref<12x128xi32, #tpu.memory_space<vmem>> -> memref<1x128xi32, #tpu.memory_space<vmem>>
    %dma_wait3A_2517 = tpu.memref_squeeze %dma_wait3A_2516 : memref<1x128xi32, #tpu.memory_space<vmem>> -> memref<128xi32, #tpu.memory_space<vmem>>
    %dma_wait3A_2518 = arith.constant 0 : i32
    %dma_wait3A_2519 = arith.constant 0 : i32
    %dma_wait3A_2520 = tpu.memref_slice %arg5[%dma_wait3A_2518, %dma_wait3A_2519] : memref<2500000x8xf32, #tpu.memory_space<hbm>> -> memref<2500000x8xf32, #tpu.memory_space<hbm>>
    tpu.wait_indirect_dma semaphore(%arg16 : memref<!tpu.dma_semaphore, #tpu.memory_space<semaphore_mem>>) src(%dma_wait3A_2520 : memref<2500000x8xf32, #tpu.memory_space<hbm>>) dst(%dma_wait3A_2514 : memref<128x8xf32, #tpu.memory_space<vmem>>)
    %dma_wait3A_2521 = arith.constant 7 : i32
    %dma_wait3A_2522 = arith.constant 896 : i32
    %dma_wait3A_2523 = arith.constant 0 : i32
    %dma_wait3A_2524 = tpu.memref_slice %arg12[%dma_wait3A_2522, %dma_wait3A_2523] : memref<1536x8xf32, #tpu.memory_space<vmem>> -> memref<128x8xf32, #tpu.memory_space<vmem>>
    %dma_wait3A_2525 = arith.constant 0 : i32
    %dma_wait3A_2526 = tpu.memref_slice %arg10[%dma_wait3A_2521, %dma_wait3A_2525] : memref<12x128xi32, #tpu.memory_space<vmem>> -> memref<1x128xi32, #tpu.memory_space<vmem>>
    %dma_wait3A_2527 = tpu.memref_squeeze %dma_wait3A_2526 : memref<1x128xi32, #tpu.memory_space<vmem>> -> memref<128xi32, #tpu.memory_space<vmem>>
    %dma_wait3A_2528 = arith.constant 0 : i32
    %dma_wait3A_2529 = arith.constant 0 : i32
    %dma_wait3A_2530 = tpu.memref_slice %arg4[%dma_wait3A_2528, %dma_wait3A_2529] : memref<2500002x8xf32, #tpu.memory_space<hbm>> -> memref<2500002x8xf32, #tpu.memory_space<hbm>>
    tpu.wait_indirect_dma semaphore(%arg16 : memref<!tpu.dma_semaphore, #tpu.memory_space<semaphore_mem>>) src(%dma_wait3A_2530 : memref<2500002x8xf32, #tpu.memory_space<hbm>>) dst(%dma_wait3A_2524 : memref<128x8xf32, #tpu.memory_space<vmem>>)
    %dma_wait3A_2531 = arith.constant 7 : i32
    %dma_wait3A_2532 = arith.constant 896 : i32
    %dma_wait3A_2533 = arith.constant 0 : i32
    %dma_wait3A_2534 = tpu.memref_slice %arg13[%dma_wait3A_2532, %dma_wait3A_2533] : memref<1536x8xf32, #tpu.memory_space<vmem>> -> memref<128x8xf32, #tpu.memory_space<vmem>>
    %dma_wait3A_2535 = arith.constant 0 : i32
    %dma_wait3A_2536 = tpu.memref_slice %arg11[%dma_wait3A_2531, %dma_wait3A_2535] : memref<12x128xi32, #tpu.memory_space<vmem>> -> memref<1x128xi32, #tpu.memory_space<vmem>>
    %dma_wait3A_2537 = tpu.memref_squeeze %dma_wait3A_2536 : memref<1x128xi32, #tpu.memory_space<vmem>> -> memref<128xi32, #tpu.memory_space<vmem>>
    %dma_wait3A_2538 = arith.constant 0 : i32
    %dma_wait3A_2539 = arith.constant 0 : i32
    %dma_wait3A_2540 = tpu.memref_slice %arg5[%dma_wait3A_2538, %dma_wait3A_2539] : memref<2500000x8xf32, #tpu.memory_space<hbm>> -> memref<2500000x8xf32, #tpu.memory_space<hbm>>
    tpu.wait_indirect_dma semaphore(%arg16 : memref<!tpu.dma_semaphore, #tpu.memory_space<semaphore_mem>>) src(%dma_wait3A_2540 : memref<2500000x8xf32, #tpu.memory_space<hbm>>) dst(%dma_wait3A_2534 : memref<128x8xf32, #tpu.memory_space<vmem>>)
    %dma_wait3A_2541 = arith.constant 8 : i32
    %dma_wait3A_2542 = arith.constant 1024 : i32
    %dma_wait3A_2543 = arith.constant 0 : i32
    %dma_wait3A_2544 = tpu.memref_slice %arg12[%dma_wait3A_2542, %dma_wait3A_2543] : memref<1536x8xf32, #tpu.memory_space<vmem>> -> memref<128x8xf32, #tpu.memory_space<vmem>>
    %dma_wait3A_2545 = arith.constant 0 : i32
    %dma_wait3A_2546 = tpu.memref_slice %arg10[%dma_wait3A_2541, %dma_wait3A_2545] : memref<12x128xi32, #tpu.memory_space<vmem>> -> memref<1x128xi32, #tpu.memory_space<vmem>>
    %dma_wait3A_2547 = tpu.memref_squeeze %dma_wait3A_2546 : memref<1x128xi32, #tpu.memory_space<vmem>> -> memref<128xi32, #tpu.memory_space<vmem>>
    %dma_wait3A_2548 = arith.constant 0 : i32
    %dma_wait3A_2549 = arith.constant 0 : i32
    %dma_wait3A_2550 = tpu.memref_slice %arg4[%dma_wait3A_2548, %dma_wait3A_2549] : memref<2500002x8xf32, #tpu.memory_space<hbm>> -> memref<2500002x8xf32, #tpu.memory_space<hbm>>
    tpu.wait_indirect_dma semaphore(%arg16 : memref<!tpu.dma_semaphore, #tpu.memory_space<semaphore_mem>>) src(%dma_wait3A_2550 : memref<2500002x8xf32, #tpu.memory_space<hbm>>) dst(%dma_wait3A_2544 : memref<128x8xf32, #tpu.memory_space<vmem>>)
    %dma_wait3A_2551 = arith.constant 8 : i32
    %dma_wait3A_2552 = arith.constant 1024 : i32
    %dma_wait3A_2553 = arith.constant 0 : i32
    %dma_wait3A_2554 = tpu.memref_slice %arg13[%dma_wait3A_2552, %dma_wait3A_2553] : memref<1536x8xf32, #tpu.memory_space<vmem>> -> memref<128x8xf32, #tpu.memory_space<vmem>>
    %dma_wait3A_2555 = arith.constant 0 : i32
    %dma_wait3A_2556 = tpu.memref_slice %arg11[%dma_wait3A_2551, %dma_wait3A_2555] : memref<12x128xi32, #tpu.memory_space<vmem>> -> memref<1x128xi32, #tpu.memory_space<vmem>>
    %dma_wait3A_2557 = tpu.memref_squeeze %dma_wait3A_2556 : memref<1x128xi32, #tpu.memory_space<vmem>> -> memref<128xi32, #tpu.memory_space<vmem>>
    %dma_wait3A_2558 = arith.constant 0 : i32
    %dma_wait3A_2559 = arith.constant 0 : i32
    %dma_wait3A_2560 = tpu.memref_slice %arg5[%dma_wait3A_2558, %dma_wait3A_2559] : memref<2500000x8xf32, #tpu.memory_space<hbm>> -> memref<2500000x8xf32, #tpu.memory_space<hbm>>
    tpu.wait_indirect_dma semaphore(%arg16 : memref<!tpu.dma_semaphore, #tpu.memory_space<semaphore_mem>>) src(%dma_wait3A_2560 : memref<2500000x8xf32, #tpu.memory_space<hbm>>) dst(%dma_wait3A_2554 : memref<128x8xf32, #tpu.memory_space<vmem>>)
    %dma_wait3A_2561 = arith.constant 9 : i32
    %dma_wait3A_2562 = arith.constant 1152 : i32
    %dma_wait3A_2563 = arith.constant 0 : i32
    %dma_wait3A_2564 = tpu.memref_slice %arg12[%dma_wait3A_2562, %dma_wait3A_2563] : memref<1536x8xf32, #tpu.memory_space<vmem>> -> memref<128x8xf32, #tpu.memory_space<vmem>>
    %dma_wait3A_2565 = arith.constant 0 : i32
    %dma_wait3A_2566 = tpu.memref_slice %arg10[%dma_wait3A_2561, %dma_wait3A_2565] : memref<12x128xi32, #tpu.memory_space<vmem>> -> memref<1x128xi32, #tpu.memory_space<vmem>>
    %dma_wait3A_2567 = tpu.memref_squeeze %dma_wait3A_2566 : memref<1x128xi32, #tpu.memory_space<vmem>> -> memref<128xi32, #tpu.memory_space<vmem>>
    %dma_wait3A_2568 = arith.constant 0 : i32
    %dma_wait3A_2569 = arith.constant 0 : i32
    %dma_wait3A_2570 = tpu.memref_slice %arg4[%dma_wait3A_2568, %dma_wait3A_2569] : memref<2500002x8xf32, #tpu.memory_space<hbm>> -> memref<2500002x8xf32, #tpu.memory_space<hbm>>
    tpu.wait_indirect_dma semaphore(%arg16 : memref<!tpu.dma_semaphore, #tpu.memory_space<semaphore_mem>>) src(%dma_wait3A_2570 : memref<2500002x8xf32, #tpu.memory_space<hbm>>) dst(%dma_wait3A_2564 : memref<128x8xf32, #tpu.memory_space<vmem>>)
    %dma_wait3A_2571 = arith.constant 9 : i32
    %dma_wait3A_2572 = arith.constant 1152 : i32
    %dma_wait3A_2573 = arith.constant 0 : i32
    %dma_wait3A_2574 = tpu.memref_slice %arg13[%dma_wait3A_2572, %dma_wait3A_2573] : memref<1536x8xf32, #tpu.memory_space<vmem>> -> memref<128x8xf32, #tpu.memory_space<vmem>>
    %dma_wait3A_2575 = arith.constant 0 : i32
    %dma_wait3A_2576 = tpu.memref_slice %arg11[%dma_wait3A_2571, %dma_wait3A_2575] : memref<12x128xi32, #tpu.memory_space<vmem>> -> memref<1x128xi32, #tpu.memory_space<vmem>>
    %dma_wait3A_2577 = tpu.memref_squeeze %dma_wait3A_2576 : memref<1x128xi32, #tpu.memory_space<vmem>> -> memref<128xi32, #tpu.memory_space<vmem>>
    %dma_wait3A_2578 = arith.constant 0 : i32
    %dma_wait3A_2579 = arith.constant 0 : i32
    %dma_wait3A_2580 = tpu.memref_slice %arg5[%dma_wait3A_2578, %dma_wait3A_2579] : memref<2500000x8xf32, #tpu.memory_space<hbm>> -> memref<2500000x8xf32, #tpu.memory_space<hbm>>
    tpu.wait_indirect_dma semaphore(%arg16 : memref<!tpu.dma_semaphore, #tpu.memory_space<semaphore_mem>>) src(%dma_wait3A_2580 : memref<2500000x8xf32, #tpu.memory_space<hbm>>) dst(%dma_wait3A_2574 : memref<128x8xf32, #tpu.memory_space<vmem>>)
    %dma_wait3A_2581 = arith.constant 10 : i32
    %dma_wait3A_2582 = arith.constant 1280 : i32
    %dma_wait3A_2583 = arith.constant 0 : i32
    %dma_wait3A_2584 = tpu.memref_slice %arg12[%dma_wait3A_2582, %dma_wait3A_2583] : memref<1536x8xf32, #tpu.memory_space<vmem>> -> memref<128x8xf32, #tpu.memory_space<vmem>>
    %dma_wait3A_2585 = arith.constant 0 : i32
    %dma_wait3A_2586 = tpu.memref_slice %arg10[%dma_wait3A_2581, %dma_wait3A_2585] : memref<12x128xi32, #tpu.memory_space<vmem>> -> memref<1x128xi32, #tpu.memory_space<vmem>>
    %dma_wait3A_2587 = tpu.memref_squeeze %dma_wait3A_2586 : memref<1x128xi32, #tpu.memory_space<vmem>> -> memref<128xi32, #tpu.memory_space<vmem>>
    %dma_wait3A_2588 = arith.constant 0 : i32
    %dma_wait3A_2589 = arith.constant 0 : i32
    %dma_wait3A_2590 = tpu.memref_slice %arg4[%dma_wait3A_2588, %dma_wait3A_2589] : memref<2500002x8xf32, #tpu.memory_space<hbm>> -> memref<2500002x8xf32, #tpu.memory_space<hbm>>
    tpu.wait_indirect_dma semaphore(%arg16 : memref<!tpu.dma_semaphore, #tpu.memory_space<semaphore_mem>>) src(%dma_wait3A_2590 : memref<2500002x8xf32, #tpu.memory_space<hbm>>) dst(%dma_wait3A_2584 : memref<128x8xf32, #tpu.memory_space<vmem>>)
    %dma_wait3A_2591 = arith.constant 10 : i32
    %dma_wait3A_2592 = arith.constant 1280 : i32
    %dma_wait3A_2593 = arith.constant 0 : i32
    %dma_wait3A_2594 = tpu.memref_slice %arg13[%dma_wait3A_2592, %dma_wait3A_2593] : memref<1536x8xf32, #tpu.memory_space<vmem>> -> memref<128x8xf32, #tpu.memory_space<vmem>>
    %dma_wait3A_2595 = arith.constant 0 : i32
    %dma_wait3A_2596 = tpu.memref_slice %arg11[%dma_wait3A_2591, %dma_wait3A_2595] : memref<12x128xi32, #tpu.memory_space<vmem>> -> memref<1x128xi32, #tpu.memory_space<vmem>>
    %dma_wait3A_2597 = tpu.memref_squeeze %dma_wait3A_2596 : memref<1x128xi32, #tpu.memory_space<vmem>> -> memref<128xi32, #tpu.memory_space<vmem>>
    %dma_wait3A_2598 = arith.constant 0 : i32
    %dma_wait3A_2599 = arith.constant 0 : i32
    %dma_wait3A_2600 = tpu.memref_slice %arg5[%dma_wait3A_2598, %dma_wait3A_2599] : memref<2500000x8xf32, #tpu.memory_space<hbm>> -> memref<2500000x8xf32, #tpu.memory_space<hbm>>
    tpu.wait_indirect_dma semaphore(%arg16 : memref<!tpu.dma_semaphore, #tpu.memory_space<semaphore_mem>>) src(%dma_wait3A_2600 : memref<2500000x8xf32, #tpu.memory_space<hbm>>) dst(%dma_wait3A_2594 : memref<128x8xf32, #tpu.memory_space<vmem>>)
    %dma_wait3A_2601 = arith.constant 11 : i32
    %dma_wait3A_2602 = arith.constant 1408 : i32
    %dma_wait3A_2603 = arith.constant 0 : i32
    %dma_wait3A_2604 = tpu.memref_slice %arg12[%dma_wait3A_2602, %dma_wait3A_2603] : memref<1536x8xf32, #tpu.memory_space<vmem>> -> memref<128x8xf32, #tpu.memory_space<vmem>>
    %dma_wait3A_2605 = arith.constant 0 : i32
    %dma_wait3A_2606 = tpu.memref_slice %arg10[%dma_wait3A_2601, %dma_wait3A_2605] : memref<12x128xi32, #tpu.memory_space<vmem>> -> memref<1x128xi32, #tpu.memory_space<vmem>>
    %dma_wait3A_2607 = tpu.memref_squeeze %dma_wait3A_2606 : memref<1x128xi32, #tpu.memory_space<vmem>> -> memref<128xi32, #tpu.memory_space<vmem>>
    %dma_wait3A_2608 = arith.constant 0 : i32
    %dma_wait3A_2609 = arith.constant 0 : i32
    %dma_wait3A_2610 = tpu.memref_slice %arg4[%dma_wait3A_2608, %dma_wait3A_2609] : memref<2500002x8xf32, #tpu.memory_space<hbm>> -> memref<2500002x8xf32, #tpu.memory_space<hbm>>
    tpu.wait_indirect_dma semaphore(%arg16 : memref<!tpu.dma_semaphore, #tpu.memory_space<semaphore_mem>>) src(%dma_wait3A_2610 : memref<2500002x8xf32, #tpu.memory_space<hbm>>) dst(%dma_wait3A_2604 : memref<128x8xf32, #tpu.memory_space<vmem>>)
    %dma_wait3A_2611 = arith.constant 11 : i32
    %dma_wait3A_2612 = arith.constant 1408 : i32
    %dma_wait3A_2613 = arith.constant 0 : i32
    %dma_wait3A_2614 = tpu.memref_slice %arg13[%dma_wait3A_2612, %dma_wait3A_2613] : memref<1536x8xf32, #tpu.memory_space<vmem>> -> memref<128x8xf32, #tpu.memory_space<vmem>>
    %dma_wait3A_2615 = arith.constant 0 : i32
    %dma_wait3A_2616 = tpu.memref_slice %arg11[%dma_wait3A_2611, %dma_wait3A_2615] : memref<12x128xi32, #tpu.memory_space<vmem>> -> memref<1x128xi32, #tpu.memory_space<vmem>>
    %dma_wait3A_2617 = tpu.memref_squeeze %dma_wait3A_2616 : memref<1x128xi32, #tpu.memory_space<vmem>> -> memref<128xi32, #tpu.memory_space<vmem>>
    %dma_wait3A_2618 = arith.constant 0 : i32
    %dma_wait3A_2619 = arith.constant 0 : i32
    %dma_wait3A_2620 = tpu.memref_slice %arg5[%dma_wait3A_2618, %dma_wait3A_2619] : memref<2500000x8xf32, #tpu.memory_space<hbm>> -> memref<2500000x8xf32, #tpu.memory_space<hbm>>
    tpu.wait_indirect_dma semaphore(%arg16 : memref<!tpu.dma_semaphore, #tpu.memory_space<semaphore_mem>>) src(%dma_wait3A_2620 : memref<2500000x8xf32, #tpu.memory_space<hbm>>) dst(%dma_wait3A_2614 : memref<128x8xf32, #tpu.memory_space<vmem>>)
    %iota3A = tpu.iota {dimensions = array<i32: 0>} : vector<16xi32>
    %scan3A = arith.constant 0 : i32
    %scan3A_2621 = arith.constant 0 : i32
    %scan3A_2622 = arith.constant 32 : i32
    %scan3A_2623 = arith.addi %scan3A_2621, %scan3A_2622 : i32
    %scan3A_2624 = arith.constant 1 : i32
    scf.for %scan3A_2626 = %scan3A_2621 to %scan3A_2623 step %scan3A_2624  : i32 {
      %jit3A = arith.constant 8 : i32
      %div3A = arith.divsi %scan3A_2626, %jit3A : i32
      %sign3A = arith.constant 0 : i32
      %sign3A_2627 = arith.cmpi sgt, %scan3A_2626, %sign3A : i32
      %sign3A_2628 = arith.extui %sign3A_2627 : i1 to i32
      %sign3A_2629 = arith.constant 0 : i32
      %sign3A_2630 = arith.cmpi slt, %scan3A_2626, %sign3A_2629 : i32
      %sign3A_2631 = arith.extui %sign3A_2630 : i1 to i32
      %sign3A_2632 = arith.subi %sign3A_2628, %sign3A_2631 : i32
      %sign3A_2633 = arith.constant 0 : i32
      %sign3A_2634 = arith.cmpi sgt, %jit3A, %sign3A_2633 : i32
      %sign3A_2635 = arith.extui %sign3A_2634 : i1 to i32
      %sign3A_2636 = arith.constant 0 : i32
      %sign3A_2637 = arith.cmpi slt, %jit3A, %sign3A_2636 : i32
      %sign3A_2638 = arith.extui %sign3A_2637 : i1 to i32
      %sign3A_2639 = arith.subi %sign3A_2635, %sign3A_2638 : i32
      %ne3A = arith.cmpi ne, %sign3A_2632, %sign3A_2639 : i32
      %rem3A = arith.remsi %scan3A_2626, %jit3A : i32
      %ne3A_2640 = arith.constant 0 : i32
      %ne3A_2641 = arith.cmpi ne, %rem3A, %ne3A_2640 : i32
      %and3A = arith.andi %ne3A, %ne3A_2641 : i1
      %sub3A = arith.constant 1 : i32
      %sub3A_2642 = arith.subi %div3A, %sub3A : i32
      %select_n3A = arith.select %and3A, %sub3A_2642, %div3A : i32
      %jit3A_2643 = arith.constant 8 : i32
      %eq3A = arith.constant 0 : i32
      %eq3A_2644 = arith.cmpi eq, %jit3A_2643, %eq3A : i32
      %jit3A_2645 = arith.constant 1 : i32
      %select_n3A_2646 = arith.select %eq3A_2644, %jit3A_2645, %jit3A_2643 : i32
      %rem3A_2647 = arith.remsi %scan3A_2626, %select_n3A_2646 : i32
      %ne3A_2648 = arith.constant 0 : i32
      %ne3A_2649 = arith.cmpi ne, %rem3A_2647, %ne3A_2648 : i32
      %lt3A = arith.constant 0 : i32
      %lt3A_2650 = arith.cmpi slt, %rem3A_2647, %lt3A : i32
      %lt3A_2651 = arith.constant 0 : i32
      %lt3A_2652 = arith.cmpi slt, %select_n3A_2646, %lt3A_2651 : i32
      %ne3A_2653 = arith.xori %lt3A_2650, %lt3A_2652 : i1
      %and3A_2654 = arith.andi %ne3A_2653, %ne3A_2649 : i1
      %add3A_2655 = arith.addi %rem3A_2647, %select_n3A_2646 : i32
      %select_n3A_2656 = arith.select %and3A_2654, %add3A_2655, %rem3A_2647 : i32
      %mul3A_2657 = arith.constant 16 : i32
      %mul3A_2658 = arith.muli %select_n3A_2656, %mul3A_2657 : i32
      %add3A_2659 = vector.broadcast %mul3A_2658 : i32 to vector<16xi32>
      %add3A_2660 = arith.addi %add3A_2659, %iota3A : vector<16xi32>
      %mul3A_2661 = arith.constant 16 : i32
      %mul3A_2662 = arith.muli %scan3A_2626, %mul3A_2661 : i32
      %get3A_2663 = arith.index_cast %mul3A_2662 : i32 to index
      %get3A_2664 = tpu.vector_load %arg8[%get3A_2663] {strides = array<i32>} : memref<512xi32, #tpu.memory_space<vmem>>, vector<16xi32>,
      %mul3A_2665 = arith.constant 16 : i32
      %mul3A_2666 = arith.muli %scan3A_2626, %mul3A_2665 : i32
      %get3A_2667 = arith.index_cast %mul3A_2666 : i32 to index
      %get3A_2668 = tpu.vector_load %arg9[%get3A_2667] {strides = array<i32>} : memref<512xi32, #tpu.memory_space<vmem>>, vector<16xi32>,
      %and3A_2669 = arith.constant 1 : i32
      %and3A_2670 = vector.broadcast %and3A_2669 : i32 to vector<16xi32>
      %and3A_2671 = arith.andi %get3A_2664, %and3A_2670 : vector<16xi32>
      %mul3A_2672 = arith.constant 4 : i32
      %mul3A_2673 = vector.broadcast %mul3A_2672 : i32 to vector<16xi32>
      %mul3A_2674 = arith.muli %and3A_2671, %mul3A_2673 : vector<16xi32>
      %and3A_2675 = arith.constant 1 : i32
      %and3A_2676 = vector.broadcast %and3A_2675 : i32 to vector<16xi32>
      %and3A_2677 = arith.andi %get3A_2668, %and3A_2676 : vector<16xi32>
      %mul3A_2678 = arith.constant 4 : i32
      %mul3A_2679 = vector.broadcast %mul3A_2678 : i32 to vector<16xi32>
      %mul3A_2680 = arith.muli %and3A_2677, %mul3A_2679 : vector<16xi32>
      %mul3A_2681 = arith.constant 384 : i32
      %mul3A_2682 = arith.muli %select_n3A, %mul3A_2681 : i32
      %add3A_2683 = vector.broadcast %mul3A_2682 : i32 to vector<16xi32>
      %add3A_2684 = arith.addi %add3A_2683, %add3A_2660 : vector<16xi32>
      %eq3A_2685 = arith.constant 1000000 : i32
      %eq3A_2686 = vector.broadcast %eq3A_2685 : i32 to vector<16xi32>
      %eq3A_2687 = arith.cmpi eq, %get3A_2664, %eq3A_2686 : vector<16xi32>
      %broadcast_in_dim3A = arith.constant 0.000000e+00 : f32
      %broadcast_in_dim3A_2688 = vector.broadcast %broadcast_in_dim3A : f32 to vector<16xf32>
      %add3A_2689 = arith.constant 0 : i32
      %add3A_2690 = vector.broadcast %add3A_2689 : i32 to vector<16xi32>
      %add3A_2691 = arith.addi %mul3A_2674, %add3A_2690 : vector<16xi32>
      %add3A_2692 = arith.constant 0 : i32
      %add3A_2693 = vector.broadcast %add3A_2692 : i32 to vector<16xi32>
      %add3A_2694 = arith.addi %mul3A_2680, %add3A_2693 : vector<16xi32>
      %shift_right_logical3A_2695 = arith.constant 3 : i32
      %shift_right_logical3A_2696 = vector.broadcast %shift_right_logical3A_2695 : i32 to vector<16xi32>
      %shift_right_logical3A_2697 = arith.shrui %add3A_2691, %shift_right_logical3A_2696 : vector<16xi32>
      %mul3A_2698 = arith.constant 128 : i32
      %mul3A_2699 = vector.broadcast %mul3A_2698 : i32 to vector<16xi32>
      %mul3A_2700 = arith.muli %shift_right_logical3A_2697, %mul3A_2699 : vector<16xi32>
      %add3A_2701 = arith.addi %mul3A_2700, %add3A_2684 : vector<16xi32>
      %and3A_2702 = arith.constant 7 : i32
      %and3A_2703 = vector.broadcast %and3A_2702 : i32 to vector<16xi32>
      %and3A_2704 = arith.andi %add3A_2691, %and3A_2703 : vector<16xi32>
      %gather3A = tpu.vector_load_idx %arg12[%add3A_2701, %and3A_2704] : memref<1536x8xf32, #tpu.memory_space<vmem>>[vector<16xi32>, vector<16xi32>], vector<16xf32>,
      %shift_right_logical3A_2705 = arith.constant 3 : i32
      %shift_right_logical3A_2706 = vector.broadcast %shift_right_logical3A_2705 : i32 to vector<16xi32>
      %shift_right_logical3A_2707 = arith.shrui %add3A_2694, %shift_right_logical3A_2706 : vector<16xi32>
      %mul3A_2708 = arith.constant 128 : i32
      %mul3A_2709 = vector.broadcast %mul3A_2708 : i32 to vector<16xi32>
      %mul3A_2710 = arith.muli %shift_right_logical3A_2707, %mul3A_2709 : vector<16xi32>
      %add3A_2711 = arith.addi %mul3A_2710, %add3A_2684 : vector<16xi32>
      %and3A_2712 = arith.constant 7 : i32
      %and3A_2713 = vector.broadcast %and3A_2712 : i32 to vector<16xi32>
      %and3A_2714 = arith.andi %add3A_2694, %and3A_2713 : vector<16xi32>
      %gather3A_2715 = tpu.vector_load_idx %arg13[%add3A_2711, %and3A_2714] : memref<1536x8xf32, #tpu.memory_space<vmem>>[vector<16xi32>, vector<16xi32>], vector<16xf32>,
      %broadcast_in_dim3A_2716 = arith.constant 0 : i32
      %broadcast_in_dim3A_2717 = vector.broadcast %broadcast_in_dim3A_2716 : i32 to vector<16xi32>
      %gather3A_2718 = tpu.vector_load_idx %arg14[%broadcast_in_dim3A_2717] : memref<32xf32, #tpu.memory_space<vmem>>[vector<16xi32>], vector<16xf32>,
      %select_n3A_2719 = arith.select %eq3A_2687, %gather3A_2718, %gather3A : vector<16xi1>, vector<16xf32>
      %mul3A_2720 = arith.mulf %select_n3A_2719, %gather3A_2715 : vector<16xf32>
      %add3A_2721 = arith.addf %broadcast_in_dim3A_2688, %mul3A_2720 : vector<16xf32>
      %add3A_2722 = arith.constant 1 : i32
      %add3A_2723 = vector.broadcast %add3A_2722 : i32 to vector<16xi32>
      %add3A_2724 = arith.addi %mul3A_2674, %add3A_2723 : vector<16xi32>
      %add3A_2725 = arith.constant 1 : i32
      %add3A_2726 = vector.broadcast %add3A_2725 : i32 to vector<16xi32>
      %add3A_2727 = arith.addi %mul3A_2680, %add3A_2726 : vector<16xi32>
      %shift_right_logical3A_2728 = arith.constant 3 : i32
      %shift_right_logical3A_2729 = vector.broadcast %shift_right_logical3A_2728 : i32 to vector<16xi32>
      %shift_right_logical3A_2730 = arith.shrui %add3A_2724, %shift_right_logical3A_2729 : vector<16xi32>
      %mul3A_2731 = arith.constant 128 : i32
      %mul3A_2732 = vector.broadcast %mul3A_2731 : i32 to vector<16xi32>
      %mul3A_2733 = arith.muli %shift_right_logical3A_2730, %mul3A_2732 : vector<16xi32>
      %add3A_2734 = arith.addi %mul3A_2733, %add3A_2684 : vector<16xi32>
      %and3A_2735 = arith.constant 7 : i32
      %and3A_2736 = vector.broadcast %and3A_2735 : i32 to vector<16xi32>
      %and3A_2737 = arith.andi %add3A_2724, %and3A_2736 : vector<16xi32>
      %gather3A_2738 = tpu.vector_load_idx %arg12[%add3A_2734, %and3A_2737] : memref<1536x8xf32, #tpu.memory_space<vmem>>[vector<16xi32>, vector<16xi32>], vector<16xf32>,
      %shift_right_logical3A_2739 = arith.constant 3 : i32
      %shift_right_logical3A_2740 = vector.broadcast %shift_right_logical3A_2739 : i32 to vector<16xi32>
      %shift_right_logical3A_2741 = arith.shrui %add3A_2727, %shift_right_logical3A_2740 : vector<16xi32>
      %mul3A_2742 = arith.constant 128 : i32
      %mul3A_2743 = vector.broadcast %mul3A_2742 : i32 to vector<16xi32>
      %mul3A_2744 = arith.muli %shift_right_logical3A_2741, %mul3A_2743 : vector<16xi32>
      %add3A_2745 = arith.addi %mul3A_2744, %add3A_2684 : vector<16xi32>
      %and3A_2746 = arith.constant 7 : i32
      %and3A_2747 = vector.broadcast %and3A_2746 : i32 to vector<16xi32>
      %and3A_2748 = arith.andi %add3A_2727, %and3A_2747 : vector<16xi32>
      %gather3A_2749 = tpu.vector_load_idx %arg13[%add3A_2745, %and3A_2748] : memref<1536x8xf32, #tpu.memory_space<vmem>>[vector<16xi32>, vector<16xi32>], vector<16xf32>,
      %broadcast_in_dim3A_2750 = arith.constant 1 : i32
      %broadcast_in_dim3A_2751 = vector.broadcast %broadcast_in_dim3A_2750 : i32 to vector<16xi32>
      %gather3A_2752 = tpu.vector_load_idx %arg14[%broadcast_in_dim3A_2751] : memref<32xf32, #tpu.memory_space<vmem>>[vector<16xi32>], vector<16xf32>,
      %select_n3A_2753 = arith.select %eq3A_2687, %gather3A_2752, %gather3A_2738 : vector<16xi1>, vector<16xf32>
      %mul3A_2754 = arith.mulf %select_n3A_2753, %gather3A_2749 : vector<16xf32>
      %add3A_2755 = arith.addf %add3A_2721, %mul3A_2754 : vector<16xf32>
      %add3A_2756 = arith.constant 2 : i32
      %add3A_2757 = vector.broadcast %add3A_2756 : i32 to vector<16xi32>
      %add3A_2758 = arith.addi %mul3A_2674, %add3A_2757 : vector<16xi32>
      %add3A_2759 = arith.constant 2 : i32
      %add3A_2760 = vector.broadcast %add3A_2759 : i32 to vector<16xi32>
      %add3A_2761 = arith.addi %mul3A_2680, %add3A_2760 : vector<16xi32>
      %shift_right_logical3A_2762 = arith.constant 3 : i32
      %shift_right_logical3A_2763 = vector.broadcast %shift_right_logical3A_2762 : i32 to vector<16xi32>
      %shift_right_logical3A_2764 = arith.shrui %add3A_2758, %shift_right_logical3A_2763 : vector<16xi32>
      %mul3A_2765 = arith.constant 128 : i32
      %mul3A_2766 = vector.broadcast %mul3A_2765 : i32 to vector<16xi32>
      %mul3A_2767 = arith.muli %shift_right_logical3A_2764, %mul3A_2766 : vector<16xi32>
      %add3A_2768 = arith.addi %mul3A_2767, %add3A_2684 : vector<16xi32>
      %and3A_2769 = arith.constant 7 : i32
      %and3A_2770 = vector.broadcast %and3A_2769 : i32 to vector<16xi32>
      %and3A_2771 = arith.andi %add3A_2758, %and3A_2770 : vector<16xi32>
      %gather3A_2772 = tpu.vector_load_idx %arg12[%add3A_2768, %and3A_2771] : memref<1536x8xf32, #tpu.memory_space<vmem>>[vector<16xi32>, vector<16xi32>], vector<16xf32>,
      %shift_right_logical3A_2773 = arith.constant 3 : i32
      %shift_right_logical3A_2774 = vector.broadcast %shift_right_logical3A_2773 : i32 to vector<16xi32>
      %shift_right_logical3A_2775 = arith.shrui %add3A_2761, %shift_right_logical3A_2774 : vector<16xi32>
      %mul3A_2776 = arith.constant 128 : i32
      %mul3A_2777 = vector.broadcast %mul3A_2776 : i32 to vector<16xi32>
      %mul3A_2778 = arith.muli %shift_right_logical3A_2775, %mul3A_2777 : vector<16xi32>
      %add3A_2779 = arith.addi %mul3A_2778, %add3A_2684 : vector<16xi32>
      %and3A_2780 = arith.constant 7 : i32
      %and3A_2781 = vector.broadcast %and3A_2780 : i32 to vector<16xi32>
      %and3A_2782 = arith.andi %add3A_2761, %and3A_2781 : vector<16xi32>
      %gather3A_2783 = tpu.vector_load_idx %arg13[%add3A_2779, %and3A_2782] : memref<1536x8xf32, #tpu.memory_space<vmem>>[vector<16xi32>, vector<16xi32>], vector<16xf32>,
      %broadcast_in_dim3A_2784 = arith.constant 2 : i32
      %broadcast_in_dim3A_2785 = vector.broadcast %broadcast_in_dim3A_2784 : i32 to vector<16xi32>
      %gather3A_2786 = tpu.vector_load_idx %arg14[%broadcast_in_dim3A_2785] : memref<32xf32, #tpu.memory_space<vmem>>[vector<16xi32>], vector<16xf32>,
      %select_n3A_2787 = arith.select %eq3A_2687, %gather3A_2786, %gather3A_2772 : vector<16xi1>, vector<16xf32>
      %mul3A_2788 = arith.mulf %select_n3A_2787, %gather3A_2783 : vector<16xf32>
      %add3A_2789 = arith.addf %add3A_2755, %mul3A_2788 : vector<16xf32>
      %add3A_2790 = arith.constant 3 : i32
      %add3A_2791 = vector.broadcast %add3A_2790 : i32 to vector<16xi32>
      %add3A_2792 = arith.addi %mul3A_2674, %add3A_2791 : vector<16xi32>
      %add3A_2793 = arith.constant 3 : i32
      %add3A_2794 = vector.broadcast %add3A_2793 : i32 to vector<16xi32>
      %add3A_2795 = arith.addi %mul3A_2680, %add3A_2794 : vector<16xi32>
      %shift_right_logical3A_2796 = arith.constant 3 : i32
      %shift_right_logical3A_2797 = vector.broadcast %shift_right_logical3A_2796 : i32 to vector<16xi32>
      %shift_right_logical3A_2798 = arith.shrui %add3A_2792, %shift_right_logical3A_2797 : vector<16xi32>
      %mul3A_2799 = arith.constant 128 : i32
      %mul3A_2800 = vector.broadcast %mul3A_2799 : i32 to vector<16xi32>
      %mul3A_2801 = arith.muli %shift_right_logical3A_2798, %mul3A_2800 : vector<16xi32>
      %add3A_2802 = arith.addi %mul3A_2801, %add3A_2684 : vector<16xi32>
      %and3A_2803 = arith.constant 7 : i32
      %and3A_2804 = vector.broadcast %and3A_2803 : i32 to vector<16xi32>
      %and3A_2805 = arith.andi %add3A_2792, %and3A_2804 : vector<16xi32>
      %gather3A_2806 = tpu.vector_load_idx %arg12[%add3A_2802, %and3A_2805] : memref<1536x8xf32, #tpu.memory_space<vmem>>[vector<16xi32>, vector<16xi32>], vector<16xf32>,
      %shift_right_logical3A_2807 = arith.constant 3 : i32
      %shift_right_logical3A_2808 = vector.broadcast %shift_right_logical3A_2807 : i32 to vector<16xi32>
      %shift_right_logical3A_2809 = arith.shrui %add3A_2795, %shift_right_logical3A_2808 : vector<16xi32>
      %mul3A_2810 = arith.constant 128 : i32
      %mul3A_2811 = vector.broadcast %mul3A_2810 : i32 to vector<16xi32>
      %mul3A_2812 = arith.muli %shift_right_logical3A_2809, %mul3A_2811 : vector<16xi32>
      %add3A_2813 = arith.addi %mul3A_2812, %add3A_2684 : vector<16xi32>
      %and3A_2814 = arith.constant 7 : i32
      %and3A_2815 = vector.broadcast %and3A_2814 : i32 to vector<16xi32>
      %and3A_2816 = arith.andi %add3A_2795, %and3A_2815 : vector<16xi32>
      %gather3A_2817 = tpu.vector_load_idx %arg13[%add3A_2813, %and3A_2816] : memref<1536x8xf32, #tpu.memory_space<vmem>>[vector<16xi32>, vector<16xi32>], vector<16xf32>,
      %broadcast_in_dim3A_2818 = arith.constant 3 : i32
      %broadcast_in_dim3A_2819 = vector.broadcast %broadcast_in_dim3A_2818 : i32 to vector<16xi32>
      %gather3A_2820 = tpu.vector_load_idx %arg14[%broadcast_in_dim3A_2819] : memref<32xf32, #tpu.memory_space<vmem>>[vector<16xi32>], vector<16xf32>,
      %select_n3A_2821 = arith.select %eq3A_2687, %gather3A_2820, %gather3A_2806 : vector<16xi1>, vector<16xf32>
      %mul3A_2822 = arith.mulf %select_n3A_2821, %gather3A_2817 : vector<16xf32>
      %add3A_2823 = arith.addf %add3A_2789, %mul3A_2822 : vector<16xf32>
      %add3A_2824 = arith.constant 4 : i32
      %add3A_2825 = vector.broadcast %add3A_2824 : i32 to vector<16xi32>
      %add3A_2826 = arith.addi %mul3A_2674, %add3A_2825 : vector<16xi32>
      %add3A_2827 = arith.constant 4 : i32
      %add3A_2828 = vector.broadcast %add3A_2827 : i32 to vector<16xi32>
      %add3A_2829 = arith.addi %mul3A_2680, %add3A_2828 : vector<16xi32>
      %shift_right_logical3A_2830 = arith.constant 3 : i32
      %shift_right_logical3A_2831 = vector.broadcast %shift_right_logical3A_2830 : i32 to vector<16xi32>
      %shift_right_logical3A_2832 = arith.shrui %add3A_2826, %shift_right_logical3A_2831 : vector<16xi32>
      %mul3A_2833 = arith.constant 128 : i32
      %mul3A_2834 = vector.broadcast %mul3A_2833 : i32 to vector<16xi32>
      %mul3A_2835 = arith.muli %shift_right_logical3A_2832, %mul3A_2834 : vector<16xi32>
      %add3A_2836 = arith.addi %mul3A_2835, %add3A_2684 : vector<16xi32>
      %and3A_2837 = arith.constant 7 : i32
      %and3A_2838 = vector.broadcast %and3A_2837 : i32 to vector<16xi32>
      %and3A_2839 = arith.andi %add3A_2826, %and3A_2838 : vector<16xi32>
      %gather3A_2840 = tpu.vector_load_idx %arg12[%add3A_2836, %and3A_2839] : memref<1536x8xf32, #tpu.memory_space<vmem>>[vector<16xi32>, vector<16xi32>], vector<16xf32>,
      %shift_right_logical3A_2841 = arith.constant 3 : i32
      %shift_right_logical3A_2842 = vector.broadcast %shift_right_logical3A_2841 : i32 to vector<16xi32>
      %shift_right_logical3A_2843 = arith.shrui %add3A_2829, %shift_right_logical3A_2842 : vector<16xi32>
      %mul3A_2844 = arith.constant 128 : i32
      %mul3A_2845 = vector.broadcast %mul3A_2844 : i32 to vector<16xi32>
      %mul3A_2846 = arith.muli %shift_right_logical3A_2843, %mul3A_2845 : vector<16xi32>
      %add3A_2847 = arith.addi %mul3A_2846, %add3A_2684 : vector<16xi32>
      %and3A_2848 = arith.constant 7 : i32
      %and3A_2849 = vector.broadcast %and3A_2848 : i32 to vector<16xi32>
      %and3A_2850 = arith.andi %add3A_2829, %and3A_2849 : vector<16xi32>
      %gather3A_2851 = tpu.vector_load_idx %arg13[%add3A_2847, %and3A_2850] : memref<1536x8xf32, #tpu.memory_space<vmem>>[vector<16xi32>, vector<16xi32>], vector<16xf32>,
      %broadcast_in_dim3A_2852 = arith.constant 4 : i32
      %broadcast_in_dim3A_2853 = vector.broadcast %broadcast_in_dim3A_2852 : i32 to vector<16xi32>
      %gather3A_2854 = tpu.vector_load_idx %arg14[%broadcast_in_dim3A_2853] : memref<32xf32, #tpu.memory_space<vmem>>[vector<16xi32>], vector<16xf32>,
      %select_n3A_2855 = arith.select %eq3A_2687, %gather3A_2854, %gather3A_2840 : vector<16xi1>, vector<16xf32>
      %mul3A_2856 = arith.mulf %select_n3A_2855, %gather3A_2851 : vector<16xf32>
      %add3A_2857 = arith.addf %add3A_2823, %mul3A_2856 : vector<16xf32>
      %add3A_2858 = arith.constant 5 : i32
      %add3A_2859 = vector.broadcast %add3A_2858 : i32 to vector<16xi32>
      %add3A_2860 = arith.addi %mul3A_2674, %add3A_2859 : vector<16xi32>
      %add3A_2861 = arith.constant 5 : i32
      %add3A_2862 = vector.broadcast %add3A_2861 : i32 to vector<16xi32>
      %add3A_2863 = arith.addi %mul3A_2680, %add3A_2862 : vector<16xi32>
      %shift_right_logical3A_2864 = arith.constant 3 : i32
      %shift_right_logical3A_2865 = vector.broadcast %shift_right_logical3A_2864 : i32 to vector<16xi32>
      %shift_right_logical3A_2866 = arith.shrui %add3A_2860, %shift_right_logical3A_2865 : vector<16xi32>
      %mul3A_2867 = arith.constant 128 : i32
      %mul3A_2868 = vector.broadcast %mul3A_2867 : i32 to vector<16xi32>
      %mul3A_2869 = arith.muli %shift_right_logical3A_2866, %mul3A_2868 : vector<16xi32>
      %add3A_2870 = arith.addi %mul3A_2869, %add3A_2684 : vector<16xi32>
      %and3A_2871 = arith.constant 7 : i32
      %and3A_2872 = vector.broadcast %and3A_2871 : i32 to vector<16xi32>
      %and3A_2873 = arith.andi %add3A_2860, %and3A_2872 : vector<16xi32>
      %gather3A_2874 = tpu.vector_load_idx %arg12[%add3A_2870, %and3A_2873] : memref<1536x8xf32, #tpu.memory_space<vmem>>[vector<16xi32>, vector<16xi32>], vector<16xf32>,
      %shift_right_logical3A_2875 = arith.constant 3 : i32
      %shift_right_logical3A_2876 = vector.broadcast %shift_right_logical3A_2875 : i32 to vector<16xi32>
      %shift_right_logical3A_2877 = arith.shrui %add3A_2863, %shift_right_logical3A_2876 : vector<16xi32>
      %mul3A_2878 = arith.constant 128 : i32
      %mul3A_2879 = vector.broadcast %mul3A_2878 : i32 to vector<16xi32>
      %mul3A_2880 = arith.muli %shift_right_logical3A_2877, %mul3A_2879 : vector<16xi32>
      %add3A_2881 = arith.addi %mul3A_2880, %add3A_2684 : vector<16xi32>
      %and3A_2882 = arith.constant 7 : i32
      %and3A_2883 = vector.broadcast %and3A_2882 : i32 to vector<16xi32>
      %and3A_2884 = arith.andi %add3A_2863, %and3A_2883 : vector<16xi32>
      %gather3A_2885 = tpu.vector_load_idx %arg13[%add3A_2881, %and3A_2884] : memref<1536x8xf32, #tpu.memory_space<vmem>>[vector<16xi32>, vector<16xi32>], vector<16xf32>,
      %broadcast_in_dim3A_2886 = arith.constant 5 : i32
      %broadcast_in_dim3A_2887 = vector.broadcast %broadcast_in_dim3A_2886 : i32 to vector<16xi32>
      %gather3A_2888 = tpu.vector_load_idx %arg14[%broadcast_in_dim3A_2887] : memref<32xf32, #tpu.memory_space<vmem>>[vector<16xi32>], vector<16xf32>,
      %select_n3A_2889 = arith.select %eq3A_2687, %gather3A_2888, %gather3A_2874 : vector<16xi1>, vector<16xf32>
      %mul3A_2890 = arith.mulf %select_n3A_2889, %gather3A_2885 : vector<16xf32>
      %add3A_2891 = arith.addf %add3A_2857, %mul3A_2890 : vector<16xf32>
      %add3A_2892 = arith.constant 6 : i32
      %add3A_2893 = vector.broadcast %add3A_2892 : i32 to vector<16xi32>
      %add3A_2894 = arith.addi %mul3A_2674, %add3A_2893 : vector<16xi32>
      %add3A_2895 = arith.constant 6 : i32
      %add3A_2896 = vector.broadcast %add3A_2895 : i32 to vector<16xi32>
      %add3A_2897 = arith.addi %mul3A_2680, %add3A_2896 : vector<16xi32>
      %shift_right_logical3A_2898 = arith.constant 3 : i32
      %shift_right_logical3A_2899 = vector.broadcast %shift_right_logical3A_2898 : i32 to vector<16xi32>
      %shift_right_logical3A_2900 = arith.shrui %add3A_2894, %shift_right_logical3A_2899 : vector<16xi32>
      %mul3A_2901 = arith.constant 128 : i32
      %mul3A_2902 = vector.broadcast %mul3A_2901 : i32 to vector<16xi32>
      %mul3A_2903 = arith.muli %shift_right_logical3A_2900, %mul3A_2902 : vector<16xi32>
      %add3A_2904 = arith.addi %mul3A_2903, %add3A_2684 : vector<16xi32>
      %and3A_2905 = arith.constant 7 : i32
      %and3A_2906 = vector.broadcast %and3A_2905 : i32 to vector<16xi32>
      %and3A_2907 = arith.andi %add3A_2894, %and3A_2906 : vector<16xi32>
      %gather3A_2908 = tpu.vector_load_idx %arg12[%add3A_2904, %and3A_2907] : memref<1536x8xf32, #tpu.memory_space<vmem>>[vector<16xi32>, vector<16xi32>], vector<16xf32>,
      %shift_right_logical3A_2909 = arith.constant 3 : i32
      %shift_right_logical3A_2910 = vector.broadcast %shift_right_logical3A_2909 : i32 to vector<16xi32>
      %shift_right_logical3A_2911 = arith.shrui %add3A_2897, %shift_right_logical3A_2910 : vector<16xi32>
      %mul3A_2912 = arith.constant 128 : i32
      %mul3A_2913 = vector.broadcast %mul3A_2912 : i32 to vector<16xi32>
      %mul3A_2914 = arith.muli %shift_right_logical3A_2911, %mul3A_2913 : vector<16xi32>
      %add3A_2915 = arith.addi %mul3A_2914, %add3A_2684 : vector<16xi32>
      %and3A_2916 = arith.constant 7 : i32
      %and3A_2917 = vector.broadcast %and3A_2916 : i32 to vector<16xi32>
      %and3A_2918 = arith.andi %add3A_2897, %and3A_2917 : vector<16xi32>
      %gather3A_2919 = tpu.vector_load_idx %arg13[%add3A_2915, %and3A_2918] : memref<1536x8xf32, #tpu.memory_space<vmem>>[vector<16xi32>, vector<16xi32>], vector<16xf32>,
      %broadcast_in_dim3A_2920 = arith.constant 6 : i32
      %broadcast_in_dim3A_2921 = vector.broadcast %broadcast_in_dim3A_2920 : i32 to vector<16xi32>
      %gather3A_2922 = tpu.vector_load_idx %arg14[%broadcast_in_dim3A_2921] : memref<32xf32, #tpu.memory_space<vmem>>[vector<16xi32>], vector<16xf32>,
      %select_n3A_2923 = arith.select %eq3A_2687, %gather3A_2922, %gather3A_2908 : vector<16xi1>, vector<16xf32>
      %mul3A_2924 = arith.mulf %select_n3A_2923, %gather3A_2919 : vector<16xf32>
      %add3A_2925 = arith.addf %add3A_2891, %mul3A_2924 : vector<16xf32>
      %add3A_2926 = arith.constant 7 : i32
      %add3A_2927 = vector.broadcast %add3A_2926 : i32 to vector<16xi32>
      %add3A_2928 = arith.addi %mul3A_2674, %add3A_2927 : vector<16xi32>
      %add3A_2929 = arith.constant 7 : i32
      %add3A_2930 = vector.broadcast %add3A_2929 : i32 to vector<16xi32>
      %add3A_2931 = arith.addi %mul3A_2680, %add3A_2930 : vector<16xi32>
      %shift_right_logical3A_2932 = arith.constant 3 : i32
      %shift_right_logical3A_2933 = vector.broadcast %shift_right_logical3A_2932 : i32 to vector<16xi32>
      %shift_right_logical3A_2934 = arith.shrui %add3A_2928, %shift_right_logical3A_2933 : vector<16xi32>
      %mul3A_2935 = arith.constant 128 : i32
      %mul3A_2936 = vector.broadcast %mul3A_2935 : i32 to vector<16xi32>
      %mul3A_2937 = arith.muli %shift_right_logical3A_2934, %mul3A_2936 : vector<16xi32>
      %add3A_2938 = arith.addi %mul3A_2937, %add3A_2684 : vector<16xi32>
      %and3A_2939 = arith.constant 7 : i32
      %and3A_2940 = vector.broadcast %and3A_2939 : i32 to vector<16xi32>
      %and3A_2941 = arith.andi %add3A_2928, %and3A_2940 : vector<16xi32>
      %gather3A_2942 = tpu.vector_load_idx %arg12[%add3A_2938, %and3A_2941] : memref<1536x8xf32, #tpu.memory_space<vmem>>[vector<16xi32>, vector<16xi32>], vector<16xf32>,
      %shift_right_logical3A_2943 = arith.constant 3 : i32
      %shift_right_logical3A_2944 = vector.broadcast %shift_right_logical3A_2943 : i32 to vector<16xi32>
      %shift_right_logical3A_2945 = arith.shrui %add3A_2931, %shift_right_logical3A_2944 : vector<16xi32>
      %mul3A_2946 = arith.constant 128 : i32
      %mul3A_2947 = vector.broadcast %mul3A_2946 : i32 to vector<16xi32>
      %mul3A_2948 = arith.muli %shift_right_logical3A_2945, %mul3A_2947 : vector<16xi32>
      %add3A_2949 = arith.addi %mul3A_2948, %add3A_2684 : vector<16xi32>
      %and3A_2950 = arith.constant 7 : i32
      %and3A_2951 = vector.broadcast %and3A_2950 : i32 to vector<16xi32>
      %and3A_2952 = arith.andi %add3A_2931, %and3A_2951 : vector<16xi32>
      %gather3A_2953 = tpu.vector_load_idx %arg13[%add3A_2949, %and3A_2952] : memref<1536x8xf32, #tpu.memory_space<vmem>>[vector<16xi32>, vector<16xi32>], vector<16xf32>,
      %broadcast_in_dim3A_2954 = arith.constant 7 : i32
      %broadcast_in_dim3A_2955 = vector.broadcast %broadcast_in_dim3A_2954 : i32 to vector<16xi32>
      %gather3A_2956 = tpu.vector_load_idx %arg14[%broadcast_in_dim3A_2955] : memref<32xf32, #tpu.memory_space<vmem>>[vector<16xi32>], vector<16xf32>,
      %select_n3A_2957 = arith.select %eq3A_2687, %gather3A_2956, %gather3A_2942 : vector<16xi1>, vector<16xf32>
      %mul3A_2958 = arith.mulf %select_n3A_2957, %gather3A_2953 : vector<16xf32>
      %add3A_2959 = arith.addf %add3A_2925, %mul3A_2958 : vector<16xf32>
      %add3A_2960 = arith.constant 8 : i32
      %add3A_2961 = vector.broadcast %add3A_2960 : i32 to vector<16xi32>
      %add3A_2962 = arith.addi %mul3A_2674, %add3A_2961 : vector<16xi32>
      %add3A_2963 = arith.constant 8 : i32
      %add3A_2964 = vector.broadcast %add3A_2963 : i32 to vector<16xi32>
      %add3A_2965 = arith.addi %mul3A_2680, %add3A_2964 : vector<16xi32>
      %shift_right_logical3A_2966 = arith.constant 3 : i32
      %shift_right_logical3A_2967 = vector.broadcast %shift_right_logical3A_2966 : i32 to vector<16xi32>
      %shift_right_logical3A_2968 = arith.shrui %add3A_2962, %shift_right_logical3A_2967 : vector<16xi32>
      %mul3A_2969 = arith.constant 128 : i32
      %mul3A_2970 = vector.broadcast %mul3A_2969 : i32 to vector<16xi32>
      %mul3A_2971 = arith.muli %shift_right_logical3A_2968, %mul3A_2970 : vector<16xi32>
      %add3A_2972 = arith.addi %mul3A_2971, %add3A_2684 : vector<16xi32>
      %and3A_2973 = arith.constant 7 : i32
      %and3A_2974 = vector.broadcast %and3A_2973 : i32 to vector<16xi32>
      %and3A_2975 = arith.andi %add3A_2962, %and3A_2974 : vector<16xi32>
      %gather3A_2976 = tpu.vector_load_idx %arg12[%add3A_2972, %and3A_2975] : memref<1536x8xf32, #tpu.memory_space<vmem>>[vector<16xi32>, vector<16xi32>], vector<16xf32>,
      %shift_right_logical3A_2977 = arith.constant 3 : i32
      %shift_right_logical3A_2978 = vector.broadcast %shift_right_logical3A_2977 : i32 to vector<16xi32>
      %shift_right_logical3A_2979 = arith.shrui %add3A_2965, %shift_right_logical3A_2978 : vector<16xi32>
      %mul3A_2980 = arith.constant 128 : i32
      %mul3A_2981 = vector.broadcast %mul3A_2980 : i32 to vector<16xi32>
      %mul3A_2982 = arith.muli %shift_right_logical3A_2979, %mul3A_2981 : vector<16xi32>
      %add3A_2983 = arith.addi %mul3A_2982, %add3A_2684 : vector<16xi32>
      %and3A_2984 = arith.constant 7 : i32
      %and3A_2985 = vector.broadcast %and3A_2984 : i32 to vector<16xi32>
      %and3A_2986 = arith.andi %add3A_2965, %and3A_2985 : vector<16xi32>
      %gather3A_2987 = tpu.vector_load_idx %arg13[%add3A_2983, %and3A_2986] : memref<1536x8xf32, #tpu.memory_space<vmem>>[vector<16xi32>, vector<16xi32>], vector<16xf32>,
      %broadcast_in_dim3A_2988 = arith.constant 8 : i32
      %broadcast_in_dim3A_2989 = vector.broadcast %broadcast_in_dim3A_2988 : i32 to vector<16xi32>
      %gather3A_2990 = tpu.vector_load_idx %arg14[%broadcast_in_dim3A_2989] : memref<32xf32, #tpu.memory_space<vmem>>[vector<16xi32>], vector<16xf32>,
      %select_n3A_2991 = arith.select %eq3A_2687, %gather3A_2990, %gather3A_2976 : vector<16xi1>, vector<16xf32>
      %mul3A_2992 = arith.mulf %select_n3A_2991, %gather3A_2987 : vector<16xf32>
      %add3A_2993 = arith.addf %add3A_2959, %mul3A_2992 : vector<16xf32>
      %add3A_2994 = arith.constant 9 : i32
      %add3A_2995 = vector.broadcast %add3A_2994 : i32 to vector<16xi32>
      %add3A_2996 = arith.addi %mul3A_2674, %add3A_2995 : vector<16xi32>
      %add3A_2997 = arith.constant 9 : i32
      %add3A_2998 = vector.broadcast %add3A_2997 : i32 to vector<16xi32>
      %add3A_2999 = arith.addi %mul3A_2680, %add3A_2998 : vector<16xi32>
      %shift_right_logical3A_3000 = arith.constant 3 : i32
      %shift_right_logical3A_3001 = vector.broadcast %shift_right_logical3A_3000 : i32 to vector<16xi32>
      %shift_right_logical3A_3002 = arith.shrui %add3A_2996, %shift_right_logical3A_3001 : vector<16xi32>
      %mul3A_3003 = arith.constant 128 : i32
      %mul3A_3004 = vector.broadcast %mul3A_3003 : i32 to vector<16xi32>
      %mul3A_3005 = arith.muli %shift_right_logical3A_3002, %mul3A_3004 : vector<16xi32>
      %add3A_3006 = arith.addi %mul3A_3005, %add3A_2684 : vector<16xi32>
      %and3A_3007 = arith.constant 7 : i32
      %and3A_3008 = vector.broadcast %and3A_3007 : i32 to vector<16xi32>
      %and3A_3009 = arith.andi %add3A_2996, %and3A_3008 : vector<16xi32>
      %gather3A_3010 = tpu.vector_load_idx %arg12[%add3A_3006, %and3A_3009] : memref<1536x8xf32, #tpu.memory_space<vmem>>[vector<16xi32>, vector<16xi32>], vector<16xf32>,
      %shift_right_logical3A_3011 = arith.constant 3 : i32
      %shift_right_logical3A_3012 = vector.broadcast %shift_right_logical3A_3011 : i32 to vector<16xi32>
      %shift_right_logical3A_3013 = arith.shrui %add3A_2999, %shift_right_logical3A_3012 : vector<16xi32>
      %mul3A_3014 = arith.constant 128 : i32
      %mul3A_3015 = vector.broadcast %mul3A_3014 : i32 to vector<16xi32>
      %mul3A_3016 = arith.muli %shift_right_logical3A_3013, %mul3A_3015 : vector<16xi32>
      %add3A_3017 = arith.addi %mul3A_3016, %add3A_2684 : vector<16xi32>
      %and3A_3018 = arith.constant 7 : i32
      %and3A_3019 = vector.broadcast %and3A_3018 : i32 to vector<16xi32>
      %and3A_3020 = arith.andi %add3A_2999, %and3A_3019 : vector<16xi32>
      %gather3A_3021 = tpu.vector_load_idx %arg13[%add3A_3017, %and3A_3020] : memref<1536x8xf32, #tpu.memory_space<vmem>>[vector<16xi32>, vector<16xi32>], vector<16xf32>,
      %broadcast_in_dim3A_3022 = arith.constant 9 : i32
      %broadcast_in_dim3A_3023 = vector.broadcast %broadcast_in_dim3A_3022 : i32 to vector<16xi32>
      %gather3A_3024 = tpu.vector_load_idx %arg14[%broadcast_in_dim3A_3023] : memref<32xf32, #tpu.memory_space<vmem>>[vector<16xi32>], vector<16xf32>,
      %select_n3A_3025 = arith.select %eq3A_2687, %gather3A_3024, %gather3A_3010 : vector<16xi1>, vector<16xf32>
      %mul3A_3026 = arith.mulf %select_n3A_3025, %gather3A_3021 : vector<16xf32>
      %add3A_3027 = arith.addf %add3A_2993, %mul3A_3026 : vector<16xf32>
      %add3A_3028 = arith.constant 10 : i32
      %add3A_3029 = vector.broadcast %add3A_3028 : i32 to vector<16xi32>
      %add3A_3030 = arith.addi %mul3A_2674, %add3A_3029 : vector<16xi32>
      %add3A_3031 = arith.constant 10 : i32
      %add3A_3032 = vector.broadcast %add3A_3031 : i32 to vector<16xi32>
      %add3A_3033 = arith.addi %mul3A_2680, %add3A_3032 : vector<16xi32>
      %shift_right_logical3A_3034 = arith.constant 3 : i32
      %shift_right_logical3A_3035 = vector.broadcast %shift_right_logical3A_3034 : i32 to vector<16xi32>
      %shift_right_logical3A_3036 = arith.shrui %add3A_3030, %shift_right_logical3A_3035 : vector<16xi32>
      %mul3A_3037 = arith.constant 128 : i32
      %mul3A_3038 = vector.broadcast %mul3A_3037 : i32 to vector<16xi32>
      %mul3A_3039 = arith.muli %shift_right_logical3A_3036, %mul3A_3038 : vector<16xi32>
      %add3A_3040 = arith.addi %mul3A_3039, %add3A_2684 : vector<16xi32>
      %and3A_3041 = arith.constant 7 : i32
      %and3A_3042 = vector.broadcast %and3A_3041 : i32 to vector<16xi32>
      %and3A_3043 = arith.andi %add3A_3030, %and3A_3042 : vector<16xi32>
      %gather3A_3044 = tpu.vector_load_idx %arg12[%add3A_3040, %and3A_3043] : memref<1536x8xf32, #tpu.memory_space<vmem>>[vector<16xi32>, vector<16xi32>], vector<16xf32>,
      %shift_right_logical3A_3045 = arith.constant 3 : i32
      %shift_right_logical3A_3046 = vector.broadcast %shift_right_logical3A_3045 : i32 to vector<16xi32>
      %shift_right_logical3A_3047 = arith.shrui %add3A_3033, %shift_right_logical3A_3046 : vector<16xi32>
      %mul3A_3048 = arith.constant 128 : i32
      %mul3A_3049 = vector.broadcast %mul3A_3048 : i32 to vector<16xi32>
      %mul3A_3050 = arith.muli %shift_right_logical3A_3047, %mul3A_3049 : vector<16xi32>
      %add3A_3051 = arith.addi %mul3A_3050, %add3A_2684 : vector<16xi32>
      %and3A_3052 = arith.constant 7 : i32
      %and3A_3053 = vector.broadcast %and3A_3052 : i32 to vector<16xi32>
      %and3A_3054 = arith.andi %add3A_3033, %and3A_3053 : vector<16xi32>
      %gather3A_3055 = tpu.vector_load_idx %arg13[%add3A_3051, %and3A_3054] : memref<1536x8xf32, #tpu.memory_space<vmem>>[vector<16xi32>, vector<16xi32>], vector<16xf32>,
      %broadcast_in_dim3A_3056 = arith.constant 10 : i32
      %broadcast_in_dim3A_3057 = vector.broadcast %broadcast_in_dim3A_3056 : i32 to vector<16xi32>
      %gather3A_3058 = tpu.vector_load_idx %arg14[%broadcast_in_dim3A_3057] : memref<32xf32, #tpu.memory_space<vmem>>[vector<16xi32>], vector<16xf32>,
      %select_n3A_3059 = arith.select %eq3A_2687, %gather3A_3058, %gather3A_3044 : vector<16xi1>, vector<16xf32>
      %mul3A_3060 = arith.mulf %select_n3A_3059, %gather3A_3055 : vector<16xf32>
      %add3A_3061 = arith.addf %add3A_3027, %mul3A_3060 : vector<16xf32>
      %add3A_3062 = arith.constant 11 : i32
      %add3A_3063 = vector.broadcast %add3A_3062 : i32 to vector<16xi32>
      %add3A_3064 = arith.addi %mul3A_2674, %add3A_3063 : vector<16xi32>
      %add3A_3065 = arith.constant 11 : i32
      %add3A_3066 = vector.broadcast %add3A_3065 : i32 to vector<16xi32>
      %add3A_3067 = arith.addi %mul3A_2680, %add3A_3066 : vector<16xi32>
      %shift_right_logical3A_3068 = arith.constant 3 : i32
      %shift_right_logical3A_3069 = vector.broadcast %shift_right_logical3A_3068 : i32 to vector<16xi32>
      %shift_right_logical3A_3070 = arith.shrui %add3A_3064, %shift_right_logical3A_3069 : vector<16xi32>
      %mul3A_3071 = arith.constant 128 : i32
      %mul3A_3072 = vector.broadcast %mul3A_3071 : i32 to vector<16xi32>
      %mul3A_3073 = arith.muli %shift_right_logical3A_3070, %mul3A_3072 : vector<16xi32>
      %add3A_3074 = arith.addi %mul3A_3073, %add3A_2684 : vector<16xi32>
      %and3A_3075 = arith.constant 7 : i32
      %and3A_3076 = vector.broadcast %and3A_3075 : i32 to vector<16xi32>
      %and3A_3077 = arith.andi %add3A_3064, %and3A_3076 : vector<16xi32>
      %gather3A_3078 = tpu.vector_load_idx %arg12[%add3A_3074, %and3A_3077] : memref<1536x8xf32, #tpu.memory_space<vmem>>[vector<16xi32>, vector<16xi32>], vector<16xf32>,
      %shift_right_logical3A_3079 = arith.constant 3 : i32
      %shift_right_logical3A_3080 = vector.broadcast %shift_right_logical3A_3079 : i32 to vector<16xi32>
      %shift_right_logical3A_3081 = arith.shrui %add3A_3067, %shift_right_logical3A_3080 : vector<16xi32>
      %mul3A_3082 = arith.constant 128 : i32
      %mul3A_3083 = vector.broadcast %mul3A_3082 : i32 to vector<16xi32>
      %mul3A_3084 = arith.muli %shift_right_logical3A_3081, %mul3A_3083 : vector<16xi32>
      %add3A_3085 = arith.addi %mul3A_3084, %add3A_2684 : vector<16xi32>
      %and3A_3086 = arith.constant 7 : i32
      %and3A_3087 = vector.broadcast %and3A_3086 : i32 to vector<16xi32>
      %and3A_3088 = arith.andi %add3A_3067, %and3A_3087 : vector<16xi32>
      %gather3A_3089 = tpu.vector_load_idx %arg13[%add3A_3085, %and3A_3088] : memref<1536x8xf32, #tpu.memory_space<vmem>>[vector<16xi32>, vector<16xi32>], vector<16xf32>,
      %broadcast_in_dim3A_3090 = arith.constant 11 : i32
      %broadcast_in_dim3A_3091 = vector.broadcast %broadcast_in_dim3A_3090 : i32 to vector<16xi32>
      %gather3A_3092 = tpu.vector_load_idx %arg14[%broadcast_in_dim3A_3091] : memref<32xf32, #tpu.memory_space<vmem>>[vector<16xi32>], vector<16xf32>,
      %select_n3A_3093 = arith.select %eq3A_2687, %gather3A_3092, %gather3A_3078 : vector<16xi1>, vector<16xf32>
      %mul3A_3094 = arith.mulf %select_n3A_3093, %gather3A_3089 : vector<16xf32>
      %add3A_3095 = arith.addf %add3A_3061, %mul3A_3094 : vector<16xf32>
      %add3A_3096 = arith.constant 12 : i32
      %add3A_3097 = vector.broadcast %add3A_3096 : i32 to vector<16xi32>
      %add3A_3098 = arith.addi %mul3A_2674, %add3A_3097 : vector<16xi32>
      %add3A_3099 = arith.constant 12 : i32
      %add3A_3100 = vector.broadcast %add3A_3099 : i32 to vector<16xi32>
      %add3A_3101 = arith.addi %mul3A_2680, %add3A_3100 : vector<16xi32>
      %shift_right_logical3A_3102 = arith.constant 3 : i32
      %shift_right_logical3A_3103 = vector.broadcast %shift_right_logical3A_3102 : i32 to vector<16xi32>
      %shift_right_logical3A_3104 = arith.shrui %add3A_3098, %shift_right_logical3A_3103 : vector<16xi32>
      %mul3A_3105 = arith.constant 128 : i32
      %mul3A_3106 = vector.broadcast %mul3A_3105 : i32 to vector<16xi32>
      %mul3A_3107 = arith.muli %shift_right_logical3A_3104, %mul3A_3106 : vector<16xi32>
      %add3A_3108 = arith.addi %mul3A_3107, %add3A_2684 : vector<16xi32>
      %and3A_3109 = arith.constant 7 : i32
      %and3A_3110 = vector.broadcast %and3A_3109 : i32 to vector<16xi32>
      %and3A_3111 = arith.andi %add3A_3098, %and3A_3110 : vector<16xi32>
      %gather3A_3112 = tpu.vector_load_idx %arg12[%add3A_3108, %and3A_3111] : memref<1536x8xf32, #tpu.memory_space<vmem>>[vector<16xi32>, vector<16xi32>], vector<16xf32>,
      %shift_right_logical3A_3113 = arith.constant 3 : i32
      %shift_right_logical3A_3114 = vector.broadcast %shift_right_logical3A_3113 : i32 to vector<16xi32>
      %shift_right_logical3A_3115 = arith.shrui %add3A_3101, %shift_right_logical3A_3114 : vector<16xi32>
      %mul3A_3116 = arith.constant 128 : i32
      %mul3A_3117 = vector.broadcast %mul3A_3116 : i32 to vector<16xi32>
      %mul3A_3118 = arith.muli %shift_right_logical3A_3115, %mul3A_3117 : vector<16xi32>
      %add3A_3119 = arith.addi %mul3A_3118, %add3A_2684 : vector<16xi32>
      %and3A_3120 = arith.constant 7 : i32
      %and3A_3121 = vector.broadcast %and3A_3120 : i32 to vector<16xi32>
      %and3A_3122 = arith.andi %add3A_3101, %and3A_3121 : vector<16xi32>
      %gather3A_3123 = tpu.vector_load_idx %arg13[%add3A_3119, %and3A_3122] : memref<1536x8xf32, #tpu.memory_space<vmem>>[vector<16xi32>, vector<16xi32>], vector<16xf32>,
      %broadcast_in_dim3A_3124 = arith.constant 12 : i32
      %broadcast_in_dim3A_3125 = vector.broadcast %broadcast_in_dim3A_3124 : i32 to vector<16xi32>
      %gather3A_3126 = tpu.vector_load_idx %arg14[%broadcast_in_dim3A_3125] : memref<32xf32, #tpu.memory_space<vmem>>[vector<16xi32>], vector<16xf32>,
      %select_n3A_3127 = arith.select %eq3A_2687, %gather3A_3126, %gather3A_3112 : vector<16xi1>, vector<16xf32>
      %mul3A_3128 = arith.mulf %select_n3A_3127, %gather3A_3123 : vector<16xf32>
      %add3A_3129 = arith.addf %add3A_3095, %mul3A_3128 : vector<16xf32>
      %add3A_3130 = arith.constant 13 : i32
      %add3A_3131 = vector.broadcast %add3A_3130 : i32 to vector<16xi32>
      %add3A_3132 = arith.addi %mul3A_2674, %add3A_3131 : vector<16xi32>
      %add3A_3133 = arith.constant 13 : i32
      %add3A_3134 = vector.broadcast %add3A_3133 : i32 to vector<16xi32>
      %add3A_3135 = arith.addi %mul3A_2680, %add3A_3134 : vector<16xi32>
      %shift_right_logical3A_3136 = arith.constant 3 : i32
      %shift_right_logical3A_3137 = vector.broadcast %shift_right_logical3A_3136 : i32 to vector<16xi32>
      %shift_right_logical3A_3138 = arith.shrui %add3A_3132, %shift_right_logical3A_3137 : vector<16xi32>
      %mul3A_3139 = arith.constant 128 : i32
      %mul3A_3140 = vector.broadcast %mul3A_3139 : i32 to vector<16xi32>
      %mul3A_3141 = arith.muli %shift_right_logical3A_3138, %mul3A_3140 : vector<16xi32>
      %add3A_3142 = arith.addi %mul3A_3141, %add3A_2684 : vector<16xi32>
      %and3A_3143 = arith.constant 7 : i32
      %and3A_3144 = vector.broadcast %and3A_3143 : i32 to vector<16xi32>
      %and3A_3145 = arith.andi %add3A_3132, %and3A_3144 : vector<16xi32>
      %gather3A_3146 = tpu.vector_load_idx %arg12[%add3A_3142, %and3A_3145] : memref<1536x8xf32, #tpu.memory_space<vmem>>[vector<16xi32>, vector<16xi32>], vector<16xf32>,
      %shift_right_logical3A_3147 = arith.constant 3 : i32
      %shift_right_logical3A_3148 = vector.broadcast %shift_right_logical3A_3147 : i32 to vector<16xi32>
      %shift_right_logical3A_3149 = arith.shrui %add3A_3135, %shift_right_logical3A_3148 : vector<16xi32>
      %mul3A_3150 = arith.constant 128 : i32
      %mul3A_3151 = vector.broadcast %mul3A_3150 : i32 to vector<16xi32>
      %mul3A_3152 = arith.muli %shift_right_logical3A_3149, %mul3A_3151 : vector<16xi32>
      %add3A_3153 = arith.addi %mul3A_3152, %add3A_2684 : vector<16xi32>
      %and3A_3154 = arith.constant 7 : i32
      %and3A_3155 = vector.broadcast %and3A_3154 : i32 to vector<16xi32>
      %and3A_3156 = arith.andi %add3A_3135, %and3A_3155 : vector<16xi32>
      %gather3A_3157 = tpu.vector_load_idx %arg13[%add3A_3153, %and3A_3156] : memref<1536x8xf32, #tpu.memory_space<vmem>>[vector<16xi32>, vector<16xi32>], vector<16xf32>,
      %broadcast_in_dim3A_3158 = arith.constant 13 : i32
      %broadcast_in_dim3A_3159 = vector.broadcast %broadcast_in_dim3A_3158 : i32 to vector<16xi32>
      %gather3A_3160 = tpu.vector_load_idx %arg14[%broadcast_in_dim3A_3159] : memref<32xf32, #tpu.memory_space<vmem>>[vector<16xi32>], vector<16xf32>,
      %select_n3A_3161 = arith.select %eq3A_2687, %gather3A_3160, %gather3A_3146 : vector<16xi1>, vector<16xf32>
      %mul3A_3162 = arith.mulf %select_n3A_3161, %gather3A_3157 : vector<16xf32>
      %add3A_3163 = arith.addf %add3A_3129, %mul3A_3162 : vector<16xf32>
      %add3A_3164 = arith.constant 14 : i32
      %add3A_3165 = vector.broadcast %add3A_3164 : i32 to vector<16xi32>
      %add3A_3166 = arith.addi %mul3A_2674, %add3A_3165 : vector<16xi32>
      %add3A_3167 = arith.constant 14 : i32
      %add3A_3168 = vector.broadcast %add3A_3167 : i32 to vector<16xi32>
      %add3A_3169 = arith.addi %mul3A_2680, %add3A_3168 : vector<16xi32>
      %shift_right_logical3A_3170 = arith.constant 3 : i32
      %shift_right_logical3A_3171 = vector.broadcast %shift_right_logical3A_3170 : i32 to vector<16xi32>
      %shift_right_logical3A_3172 = arith.shrui %add3A_3166, %shift_right_logical3A_3171 : vector<16xi32>
      %mul3A_3173 = arith.constant 128 : i32
      %mul3A_3174 = vector.broadcast %mul3A_3173 : i32 to vector<16xi32>
      %mul3A_3175 = arith.muli %shift_right_logical3A_3172, %mul3A_3174 : vector<16xi32>
      %add3A_3176 = arith.addi %mul3A_3175, %add3A_2684 : vector<16xi32>
      %and3A_3177 = arith.constant 7 : i32
      %and3A_3178 = vector.broadcast %and3A_3177 : i32 to vector<16xi32>
      %and3A_3179 = arith.andi %add3A_3166, %and3A_3178 : vector<16xi32>
      %gather3A_3180 = tpu.vector_load_idx %arg12[%add3A_3176, %and3A_3179] : memref<1536x8xf32, #tpu.memory_space<vmem>>[vector<16xi32>, vector<16xi32>], vector<16xf32>,
      %shift_right_logical3A_3181 = arith.constant 3 : i32
      %shift_right_logical3A_3182 = vector.broadcast %shift_right_logical3A_3181 : i32 to vector<16xi32>
      %shift_right_logical3A_3183 = arith.shrui %add3A_3169, %shift_right_logical3A_3182 : vector<16xi32>
      %mul3A_3184 = arith.constant 128 : i32
      %mul3A_3185 = vector.broadcast %mul3A_3184 : i32 to vector<16xi32>
      %mul3A_3186 = arith.muli %shift_right_logical3A_3183, %mul3A_3185 : vector<16xi32>
      %add3A_3187 = arith.addi %mul3A_3186, %add3A_2684 : vector<16xi32>
      %and3A_3188 = arith.constant 7 : i32
      %and3A_3189 = vector.broadcast %and3A_3188 : i32 to vector<16xi32>
      %and3A_3190 = arith.andi %add3A_3169, %and3A_3189 : vector<16xi32>
      %gather3A_3191 = tpu.vector_load_idx %arg13[%add3A_3187, %and3A_3190] : memref<1536x8xf32, #tpu.memory_space<vmem>>[vector<16xi32>, vector<16xi32>], vector<16xf32>,
      %broadcast_in_dim3A_3192 = arith.constant 14 : i32
      %broadcast_in_dim3A_3193 = vector.broadcast %broadcast_in_dim3A_3192 : i32 to vector<16xi32>
      %gather3A_3194 = tpu.vector_load_idx %arg14[%broadcast_in_dim3A_3193] : memref<32xf32, #tpu.memory_space<vmem>>[vector<16xi32>], vector<16xf32>,
      %select_n3A_3195 = arith.select %eq3A_2687, %gather3A_3194, %gather3A_3180 : vector<16xi1>, vector<16xf32>
      %mul3A_3196 = arith.mulf %select_n3A_3195, %gather3A_3191 : vector<16xf32>
      %add3A_3197 = arith.addf %add3A_3163, %mul3A_3196 : vector<16xf32>
      %add3A_3198 = arith.constant 15 : i32
      %add3A_3199 = vector.broadcast %add3A_3198 : i32 to vector<16xi32>
      %add3A_3200 = arith.addi %mul3A_2674, %add3A_3199 : vector<16xi32>
      %add3A_3201 = arith.constant 15 : i32
      %add3A_3202 = vector.broadcast %add3A_3201 : i32 to vector<16xi32>
      %add3A_3203 = arith.addi %mul3A_2680, %add3A_3202 : vector<16xi32>
      %shift_right_logical3A_3204 = arith.constant 3 : i32
      %shift_right_logical3A_3205 = vector.broadcast %shift_right_logical3A_3204 : i32 to vector<16xi32>
      %shift_right_logical3A_3206 = arith.shrui %add3A_3200, %shift_right_logical3A_3205 : vector<16xi32>
      %mul3A_3207 = arith.constant 128 : i32
      %mul3A_3208 = vector.broadcast %mul3A_3207 : i32 to vector<16xi32>
      %mul3A_3209 = arith.muli %shift_right_logical3A_3206, %mul3A_3208 : vector<16xi32>
      %add3A_3210 = arith.addi %mul3A_3209, %add3A_2684 : vector<16xi32>
      %and3A_3211 = arith.constant 7 : i32
      %and3A_3212 = vector.broadcast %and3A_3211 : i32 to vector<16xi32>
      %and3A_3213 = arith.andi %add3A_3200, %and3A_3212 : vector<16xi32>
      %gather3A_3214 = tpu.vector_load_idx %arg12[%add3A_3210, %and3A_3213] : memref<1536x8xf32, #tpu.memory_space<vmem>>[vector<16xi32>, vector<16xi32>], vector<16xf32>,
      %shift_right_logical3A_3215 = arith.constant 3 : i32
      %shift_right_logical3A_3216 = vector.broadcast %shift_right_logical3A_3215 : i32 to vector<16xi32>
      %shift_right_logical3A_3217 = arith.shrui %add3A_3203, %shift_right_logical3A_3216 : vector<16xi32>
      %mul3A_3218 = arith.constant 128 : i32
      %mul3A_3219 = vector.broadcast %mul3A_3218 : i32 to vector<16xi32>
      %mul3A_3220 = arith.muli %shift_right_logical3A_3217, %mul3A_3219 : vector<16xi32>
      %add3A_3221 = arith.addi %mul3A_3220, %add3A_2684 : vector<16xi32>
      %and3A_3222 = arith.constant 7 : i32
      %and3A_3223 = vector.broadcast %and3A_3222 : i32 to vector<16xi32>
      %and3A_3224 = arith.andi %add3A_3203, %and3A_3223 : vector<16xi32>
      %gather3A_3225 = tpu.vector_load_idx %arg13[%add3A_3221, %and3A_3224] : memref<1536x8xf32, #tpu.memory_space<vmem>>[vector<16xi32>, vector<16xi32>], vector<16xf32>,
      %broadcast_in_dim3A_3226 = arith.constant 15 : i32
      %broadcast_in_dim3A_3227 = vector.broadcast %broadcast_in_dim3A_3226 : i32 to vector<16xi32>
      %gather3A_3228 = tpu.vector_load_idx %arg14[%broadcast_in_dim3A_3227] : memref<32xf32, #tpu.memory_space<vmem>>[vector<16xi32>], vector<16xf32>,
      %select_n3A_3229 = arith.select %eq3A_2687, %gather3A_3228, %gather3A_3214 : vector<16xi1>, vector<16xf32>
      %mul3A_3230 = arith.mulf %select_n3A_3229, %gather3A_3225 : vector<16xf32>
      %add3A_3231 = arith.addf %add3A_3197, %mul3A_3230 : vector<16xf32>
      %add3A_3232 = arith.constant 16 : i32
      %add3A_3233 = vector.broadcast %add3A_3232 : i32 to vector<16xi32>
      %add3A_3234 = arith.addi %mul3A_2674, %add3A_3233 : vector<16xi32>
      %add3A_3235 = arith.constant 16 : i32
      %add3A_3236 = vector.broadcast %add3A_3235 : i32 to vector<16xi32>
      %add3A_3237 = arith.addi %mul3A_2680, %add3A_3236 : vector<16xi32>
      %shift_right_logical3A_3238 = arith.constant 3 : i32
      %shift_right_logical3A_3239 = vector.broadcast %shift_right_logical3A_3238 : i32 to vector<16xi32>
      %shift_right_logical3A_3240 = arith.shrui %add3A_3234, %shift_right_logical3A_3239 : vector<16xi32>
      %mul3A_3241 = arith.constant 128 : i32
      %mul3A_3242 = vector.broadcast %mul3A_3241 : i32 to vector<16xi32>
      %mul3A_3243 = arith.muli %shift_right_logical3A_3240, %mul3A_3242 : vector<16xi32>
      %add3A_3244 = arith.addi %mul3A_3243, %add3A_2684 : vector<16xi32>
      %and3A_3245 = arith.constant 7 : i32
      %and3A_3246 = vector.broadcast %and3A_3245 : i32 to vector<16xi32>
      %and3A_3247 = arith.andi %add3A_3234, %and3A_3246 : vector<16xi32>
      %gather3A_3248 = tpu.vector_load_idx %arg12[%add3A_3244, %and3A_3247] : memref<1536x8xf32, #tpu.memory_space<vmem>>[vector<16xi32>, vector<16xi32>], vector<16xf32>,
      %shift_right_logical3A_3249 = arith.constant 3 : i32
      %shift_right_logical3A_3250 = vector.broadcast %shift_right_logical3A_3249 : i32 to vector<16xi32>
      %shift_right_logical3A_3251 = arith.shrui %add3A_3237, %shift_right_logical3A_3250 : vector<16xi32>
      %mul3A_3252 = arith.constant 128 : i32
      %mul3A_3253 = vector.broadcast %mul3A_3252 : i32 to vector<16xi32>
      %mul3A_3254 = arith.muli %shift_right_logical3A_3251, %mul3A_3253 : vector<16xi32>
      %add3A_3255 = arith.addi %mul3A_3254, %add3A_2684 : vector<16xi32>
      %and3A_3256 = arith.constant 7 : i32
      %and3A_3257 = vector.broadcast %and3A_3256 : i32 to vector<16xi32>
      %and3A_3258 = arith.andi %add3A_3237, %and3A_3257 : vector<16xi32>
      %gather3A_3259 = tpu.vector_load_idx %arg13[%add3A_3255, %and3A_3258] : memref<1536x8xf32, #tpu.memory_space<vmem>>[vector<16xi32>, vector<16xi32>], vector<16xf32>,
      %broadcast_in_dim3A_3260 = arith.constant 16 : i32
      %broadcast_in_dim3A_3261 = vector.broadcast %broadcast_in_dim3A_3260 : i32 to vector<16xi32>
      %gather3A_3262 = tpu.vector_load_idx %arg14[%broadcast_in_dim3A_3261] : memref<32xf32, #tpu.memory_space<vmem>>[vector<16xi32>], vector<16xf32>,
      %select_n3A_3263 = arith.select %eq3A_2687, %gather3A_3262, %gather3A_3248 : vector<16xi1>, vector<16xf32>
      %mul3A_3264 = arith.mulf %select_n3A_3263, %gather3A_3259 : vector<16xf32>
      %add3A_3265 = arith.addf %add3A_3231, %mul3A_3264 : vector<16xf32>
      %add3A_3266 = arith.constant 17 : i32
      %add3A_3267 = vector.broadcast %add3A_3266 : i32 to vector<16xi32>
      %add3A_3268 = arith.addi %mul3A_2674, %add3A_3267 : vector<16xi32>
      %add3A_3269 = arith.constant 17 : i32
      %add3A_3270 = vector.broadcast %add3A_3269 : i32 to vector<16xi32>
      %add3A_3271 = arith.addi %mul3A_2680, %add3A_3270 : vector<16xi32>
      %shift_right_logical3A_3272 = arith.constant 3 : i32
      %shift_right_logical3A_3273 = vector.broadcast %shift_right_logical3A_3272 : i32 to vector<16xi32>
      %shift_right_logical3A_3274 = arith.shrui %add3A_3268, %shift_right_logical3A_3273 : vector<16xi32>
      %mul3A_3275 = arith.constant 128 : i32
      %mul3A_3276 = vector.broadcast %mul3A_3275 : i32 to vector<16xi32>
      %mul3A_3277 = arith.muli %shift_right_logical3A_3274, %mul3A_3276 : vector<16xi32>
      %add3A_3278 = arith.addi %mul3A_3277, %add3A_2684 : vector<16xi32>
      %and3A_3279 = arith.constant 7 : i32
      %and3A_3280 = vector.broadcast %and3A_3279 : i32 to vector<16xi32>
      %and3A_3281 = arith.andi %add3A_3268, %and3A_3280 : vector<16xi32>
      %gather3A_3282 = tpu.vector_load_idx %arg12[%add3A_3278, %and3A_3281] : memref<1536x8xf32, #tpu.memory_space<vmem>>[vector<16xi32>, vector<16xi32>], vector<16xf32>,
      %shift_right_logical3A_3283 = arith.constant 3 : i32
      %shift_right_logical3A_3284 = vector.broadcast %shift_right_logical3A_3283 : i32 to vector<16xi32>
      %shift_right_logical3A_3285 = arith.shrui %add3A_3271, %shift_right_logical3A_3284 : vector<16xi32>
      %mul3A_3286 = arith.constant 128 : i32
      %mul3A_3287 = vector.broadcast %mul3A_3286 : i32 to vector<16xi32>
      %mul3A_3288 = arith.muli %shift_right_logical3A_3285, %mul3A_3287 : vector<16xi32>
      %add3A_3289 = arith.addi %mul3A_3288, %add3A_2684 : vector<16xi32>
      %and3A_3290 = arith.constant 7 : i32
      %and3A_3291 = vector.broadcast %and3A_3290 : i32 to vector<16xi32>
      %and3A_3292 = arith.andi %add3A_3271, %and3A_3291 : vector<16xi32>
      %gather3A_3293 = tpu.vector_load_idx %arg13[%add3A_3289, %and3A_3292] : memref<1536x8xf32, #tpu.memory_space<vmem>>[vector<16xi32>, vector<16xi32>], vector<16xf32>,
      %broadcast_in_dim3A_3294 = arith.constant 17 : i32
      %broadcast_in_dim3A_3295 = vector.broadcast %broadcast_in_dim3A_3294 : i32 to vector<16xi32>
      %gather3A_3296 = tpu.vector_load_idx %arg14[%broadcast_in_dim3A_3295] : memref<32xf32, #tpu.memory_space<vmem>>[vector<16xi32>], vector<16xf32>,
      %select_n3A_3297 = arith.select %eq3A_2687, %gather3A_3296, %gather3A_3282 : vector<16xi1>, vector<16xf32>
      %mul3A_3298 = arith.mulf %select_n3A_3297, %gather3A_3293 : vector<16xf32>
      %add3A_3299 = arith.addf %add3A_3265, %mul3A_3298 : vector<16xf32>
      %add3A_3300 = arith.constant 18 : i32
      %add3A_3301 = vector.broadcast %add3A_3300 : i32 to vector<16xi32>
      %add3A_3302 = arith.addi %mul3A_2674, %add3A_3301 : vector<16xi32>
      %add3A_3303 = arith.constant 18 : i32
      %add3A_3304 = vector.broadcast %add3A_3303 : i32 to vector<16xi32>
      %add3A_3305 = arith.addi %mul3A_2680, %add3A_3304 : vector<16xi32>
      %shift_right_logical3A_3306 = arith.constant 3 : i32
      %shift_right_logical3A_3307 = vector.broadcast %shift_right_logical3A_3306 : i32 to vector<16xi32>
      %shift_right_logical3A_3308 = arith.shrui %add3A_3302, %shift_right_logical3A_3307 : vector<16xi32>
      %mul3A_3309 = arith.constant 128 : i32
      %mul3A_3310 = vector.broadcast %mul3A_3309 : i32 to vector<16xi32>
      %mul3A_3311 = arith.muli %shift_right_logical3A_3308, %mul3A_3310 : vector<16xi32>
      %add3A_3312 = arith.addi %mul3A_3311, %add3A_2684 : vector<16xi32>
      %and3A_3313 = arith.constant 7 : i32
      %and3A_3314 = vector.broadcast %and3A_3313 : i32 to vector<16xi32>
      %and3A_3315 = arith.andi %add3A_3302, %and3A_3314 : vector<16xi32>
      %gather3A_3316 = tpu.vector_load_idx %arg12[%add3A_3312, %and3A_3315] : memref<1536x8xf32, #tpu.memory_space<vmem>>[vector<16xi32>, vector<16xi32>], vector<16xf32>,
      %shift_right_logical3A_3317 = arith.constant 3 : i32
      %shift_right_logical3A_3318 = vector.broadcast %shift_right_logical3A_3317 : i32 to vector<16xi32>
      %shift_right_logical3A_3319 = arith.shrui %add3A_3305, %shift_right_logical3A_3318 : vector<16xi32>
      %mul3A_3320 = arith.constant 128 : i32
      %mul3A_3321 = vector.broadcast %mul3A_3320 : i32 to vector<16xi32>
      %mul3A_3322 = arith.muli %shift_right_logical3A_3319, %mul3A_3321 : vector<16xi32>
      %add3A_3323 = arith.addi %mul3A_3322, %add3A_2684 : vector<16xi32>
      %and3A_3324 = arith.constant 7 : i32
      %and3A_3325 = vector.broadcast %and3A_3324 : i32 to vector<16xi32>
      %and3A_3326 = arith.andi %add3A_3305, %and3A_3325 : vector<16xi32>
      %gather3A_3327 = tpu.vector_load_idx %arg13[%add3A_3323, %and3A_3326] : memref<1536x8xf32, #tpu.memory_space<vmem>>[vector<16xi32>, vector<16xi32>], vector<16xf32>,
      %broadcast_in_dim3A_3328 = arith.constant 18 : i32
      %broadcast_in_dim3A_3329 = vector.broadcast %broadcast_in_dim3A_3328 : i32 to vector<16xi32>
      %gather3A_3330 = tpu.vector_load_idx %arg14[%broadcast_in_dim3A_3329] : memref<32xf32, #tpu.memory_space<vmem>>[vector<16xi32>], vector<16xf32>,
      %select_n3A_3331 = arith.select %eq3A_2687, %gather3A_3330, %gather3A_3316 : vector<16xi1>, vector<16xf32>
      %mul3A_3332 = arith.mulf %select_n3A_3331, %gather3A_3327 : vector<16xf32>
      %add3A_3333 = arith.addf %add3A_3299, %mul3A_3332 : vector<16xf32>
      %add3A_3334 = arith.constant 19 : i32
      %add3A_3335 = vector.broadcast %add3A_3334 : i32 to vector<16xi32>
      %add3A_3336 = arith.addi %mul3A_2674, %add3A_3335 : vector<16xi32>
      %add3A_3337 = arith.constant 19 : i32
      %add3A_3338 = vector.broadcast %add3A_3337 : i32 to vector<16xi32>
      %add3A_3339 = arith.addi %mul3A_2680, %add3A_3338 : vector<16xi32>
      %shift_right_logical3A_3340 = arith.constant 3 : i32
      %shift_right_logical3A_3341 = vector.broadcast %shift_right_logical3A_3340 : i32 to vector<16xi32>
      %shift_right_logical3A_3342 = arith.shrui %add3A_3336, %shift_right_logical3A_3341 : vector<16xi32>
      %mul3A_3343 = arith.constant 128 : i32
      %mul3A_3344 = vector.broadcast %mul3A_3343 : i32 to vector<16xi32>
      %mul3A_3345 = arith.muli %shift_right_logical3A_3342, %mul3A_3344 : vector<16xi32>
      %add3A_3346 = arith.addi %mul3A_3345, %add3A_2684 : vector<16xi32>
      %and3A_3347 = arith.constant 7 : i32
      %and3A_3348 = vector.broadcast %and3A_3347 : i32 to vector<16xi32>
      %and3A_3349 = arith.andi %add3A_3336, %and3A_3348 : vector<16xi32>
      %gather3A_3350 = tpu.vector_load_idx %arg12[%add3A_3346, %and3A_3349] : memref<1536x8xf32, #tpu.memory_space<vmem>>[vector<16xi32>, vector<16xi32>], vector<16xf32>,
      %shift_right_logical3A_3351 = arith.constant 3 : i32
      %shift_right_logical3A_3352 = vector.broadcast %shift_right_logical3A_3351 : i32 to vector<16xi32>
      %shift_right_logical3A_3353 = arith.shrui %add3A_3339, %shift_right_logical3A_3352 : vector<16xi32>
      %mul3A_3354 = arith.constant 128 : i32
      %mul3A_3355 = vector.broadcast %mul3A_3354 : i32 to vector<16xi32>
      %mul3A_3356 = arith.muli %shift_right_logical3A_3353, %mul3A_3355 : vector<16xi32>
      %add3A_3357 = arith.addi %mul3A_3356, %add3A_2684 : vector<16xi32>
      %and3A_3358 = arith.constant 7 : i32
      %and3A_3359 = vector.broadcast %and3A_3358 : i32 to vector<16xi32>
      %and3A_3360 = arith.andi %add3A_3339, %and3A_3359 : vector<16xi32>
      %gather3A_3361 = tpu.vector_load_idx %arg13[%add3A_3357, %and3A_3360] : memref<1536x8xf32, #tpu.memory_space<vmem>>[vector<16xi32>, vector<16xi32>], vector<16xf32>,
      %broadcast_in_dim3A_3362 = arith.constant 19 : i32
      %broadcast_in_dim3A_3363 = vector.broadcast %broadcast_in_dim3A_3362 : i32 to vector<16xi32>
      %gather3A_3364 = tpu.vector_load_idx %arg14[%broadcast_in_dim3A_3363] : memref<32xf32, #tpu.memory_space<vmem>>[vector<16xi32>], vector<16xf32>,
      %select_n3A_3365 = arith.select %eq3A_2687, %gather3A_3364, %gather3A_3350 : vector<16xi1>, vector<16xf32>
      %mul3A_3366 = arith.mulf %select_n3A_3365, %gather3A_3361 : vector<16xf32>
      %add3A_3367 = arith.addf %add3A_3333, %mul3A_3366 : vector<16xf32>
      %mul3A_3368 = arith.constant 16 : i32
      %mul3A_3369 = arith.muli %scan3A_2626, %mul3A_3368 : i32
      %swap3A_3370 = arith.index_cast %mul3A_3369 : i32 to index
      %swap3A_3371 = tpu.vector_load %arg15[%swap3A_3370] {strides = array<i32>} : memref<512xf32, #tpu.memory_space<vmem>>, vector<16xf32>,
      tpu.vector_store %arg15[%swap3A_3370], %add3A_3367 {strides = array<i32>} : memref<512xf32, #tpu.memory_space<vmem>>, vector<16xf32>,
    }
    %scan3A_2625 = arith.constant 32 : i32
    "tpu.region"() ({
      %run_scoped3A = tpu.sem_alloc : memref<!tpu.dma_semaphore, #tpu.memory_space<semaphore_mem>>
      %dma_start3A_2626 = tpu.memref_slice %arg7[%mul3A_2] : memref<16384xf32, #tpu.memory_space<hbm>> -> memref<512xf32, #tpu.memory_space<hbm>>
      %dma_start3A_2627 = tpu.memref_slice %arg7[%mul3A_2] : memref<16384xf32, #tpu.memory_space<hbm>> -> memref<512xf32, #tpu.memory_space<hbm>>
      tpu.enqueue_dma source(%arg15 : memref<512xf32, #tpu.memory_space<vmem>>) target(%dma_start3A_2627 : memref<512xf32, #tpu.memory_space<hbm>>) target_semaphore(%run_scoped3A : memref<!tpu.dma_semaphore, #tpu.memory_space<semaphore_mem>>)
      %dma_wait3A_2628 = tpu.memref_slice %arg7[%mul3A_2] : memref<16384xf32, #tpu.memory_space<hbm>> -> memref<512xf32, #tpu.memory_space<hbm>>
      %dma_wait3A_2629 = tpu.memref_slice %arg7[%mul3A_2] : memref<16384xf32, #tpu.memory_space<hbm>> -> memref<512xf32, #tpu.memory_space<hbm>>
      tpu.wait_dma2 semaphore(%run_scoped3A : memref<!tpu.dma_semaphore, #tpu.memory_space<semaphore_mem>>) src(%arg15 : memref<512xf32, #tpu.memory_space<vmem>>) dst(%dma_wait3A_2629 : memref<512xf32, #tpu.memory_space<hbm>>)
      tpu.yield
    }) : () -> ()
    return
  }
}

</mosaic_0001>

<sc_bundles>
// kernel: kernel.3.cloned.1.call-start
scs
__scs_entry_jumppad:
0x0: {  	(pc) =	sbr.rel $0x88, $3  }
0x1: {  	(tag) =	ssettag $0x0;
	lr =	simm.s32 $0x1  }
0x2: {  	[smem:$0x3F9D] =	sst lr;
	_ =	strace $0xD0000000  }
0x3: {  	_ = 	snop  }
0x4: {  	_ = 	snop  }
0x5: {  	_ = 	snop  }
0x6: {  	_ = 	snop  }
0x7: {  	_ = 	snop  }
__scs_overlays_trampoline_lowered:
0x8: {  	[smem:$0x3FAC] =	sst s0  }
0x9: {  	[smem:$0x3FAD] =	sst s1  }
0xa: {  	[smem:$0x3FAE] =	sst s2  }
0xb: {  	[smem:$0x3FAF] =	sst s3  }
0xc: {  	[smem:$0x3FB0] =	sst s4  }
0xd: {  	[smem:$0x3FB1] =	sst s5  }
0xe: {  	[smem:$0x3FB2] =	sst s6  }
0xf: {  	[smem:$0x3FB3] =	sst s7  }
0x10: {  	[smem:$0x3FB4] =	sst s8  }
0x11: {  	[smem:$0x3FB5] =	sst s9;
	s0 =	simm.s32 @!p0 $0x0  }
0x12: {  	s1 =	sld [smem:$0x3F9B];
	s0 =	simm.s32 @p0 $0x1  }
0x13: {  	[smem:$0x3FB6] =	sst s0;
	s0 =	simm.s32 @!p1 $0x0  }
0x14: {  	s2 =	sld [smem:$0x3F9A];
	s0 =	simm.s32 @p1 $0x1  }
0x15: {  	[smem:$0x3FB7] =	sst s0;
	s0 =	simm.s32 @!p2 $0x0  }
0x16: {  	s3 =	sld [smem:$0x3FDB];
	s0 =	simm.s32 @p2 $0x1  }
0x17: {  	s4 =	simm.s32 $0x1BF5;
	[smem:$0x3FB9] =	sst s0  }
0x18: {  	s0 =	sld [smem:$0x3F9C];
	_ =	swait.ge [sflag:s4], $0x0  }
0x19: {  	s7 =	sld [smem:$0x3F9D]  }
0x1a: {  	s8 =	sadd.s32 $0xFFFFE003, lr  }
0x1b: {  	s9 =	sadd.s32 $0xFFFFFEF7, lr;
	s5 =	simm.s32 $0xFFFFFFFF;
	p2 =	slt.u32 s8, $0xFFFFF086  }
0x1c: {  	p1 =	slt.u32 s9, $0xF7A;
	s5 =	simm.s32 @!p2 $0x0  }
0x1d: {  	s5 =	simm.s32 @p1 $0x1;
	p0 =	seq.s32 s7, s2  }
0x1e: {  	s7 =	smul.u32 @!p0 $0xF7A, s2;
	p2 =	seq.s32 @!p0 s5, $0x0  }
0x1f: {  	s9 =	smul.u32 $0xF7A, s1;
	s8 =	simm.s32 @!p0 $0x1BF5;
	p2 =	por !p2, p0  }
0x20: {  	[sflag:s8] =	ssyncset.s32 @!p0 $0xFFFFF086;
	s6 =	sadd.s32 @!p0 s3, s7;
	s7 =	simm.s32 @!p0 $0x108  }
0x21: {  	s3 =	sadd.s32 s3, s9;
	s6 =	sadd.s32 @!p0 $0x88, s6;
	s7 =	simm.s32 @p2 $0x1082  }
0x22: {  	[simem:s7], [sflag:s8] =	dma.local @!p0 [hbm:s6], $0xF7A  }
0x23: {  	s9 =	sor.u32 $0xD0000000, s2;
	s6 =	simm.s32 $0x108;
	_ =	swait.ge @!p0 [sflag:s8], $0x0  }
0x24: {  	s3 =	sadd.s32 $0x88, s3;
	s6 =	simm.s32 @!p1 $0x1082;
	[sflag:s4] =	ssyncset.s32 $0xFFFFF086  }
0x25: {  	[simem:s6], [sflag:s4] =	dma.local [hbm:s3], $0xF7A  }
0x26: {  	[smem:$0x3F9D] =	sst s1;
	(tag) =	ssettag s2;
	_ =	strace s9  }
0x27: {  	s1 =	sld [smem:$0x3FAD]  }
0x28: {  	s2 =	sld [smem:$0x3FAE]  }
0x29: {  	s4 =	sld [smem:$0x3FB0]  }
0x2a: {  	p0 =	seq.s32 s5, $0x0;
	s5 =	sld [smem:$0x3FB1]  }
0x2b: {  	s6 =	sld [smem:$0x3FB2]  }
0x2c: {  	s7 =	sld [smem:$0x3FB3]  }
0x2d: {  	s3 =	simm.s32 $0x108;
	s8 =	sld [smem:$0x3FB4]  }
0x2e: {  	s3 =	simm.s32 @!p0 $0x1082;
	s9 =	sld [smem:$0x3FB5]  }
0x2f: {  	lr =	sadd.s32 s0, s3;
	s0 =	sld [smem:$0x3FAC]  }
0x30: {  	s3 =	sld [smem:$0x3FAF]  }
0x31: {  	[smem:$0x3FB8] =	sst s10  }
0x32: {  	s10 =	sld [smem:$0x3FB6];
	_ =	sdelay $0x3  }
0x33: {  	p0 =	seq.s32 s10, $0x1;
	s10 =	sld [smem:$0x3FB8];
	_ =	sdelay $0x3  }
0x34: {  	[smem:$0x3FB8] =	sst s10  }
0x35: {  	s10 =	sld [smem:$0x3FB7];
	_ =	sdelay $0x3  }
0x36: {  	p1 =	seq.s32 s10, $0x1;
	s10 =	sld [smem:$0x3FB8];
	_ =	sdelay $0x3  }
0x37: {  	[smem:$0x3FB8] =	sst s10  }
0x38: {  	s10 =	sld [smem:$0x3FB9]  }
0x39: {  	_ = 	snop;
	(pc) =	sbr.ind lr, $3  }
0x3a: {  	_ = 	snop  }
0x3b: {  	_ = 	snop  }
0x3c: {  	p2 =	seq.s32 s10, $0x1;
	s10 =	sld [smem:$0x3FB8]  }
0x3d: {  	_ =	shalt  }
0x3e: {  	_ =	shalt  }
0x3f: {  	_ =	shalt  }
0x40: {  	_ =	shalt  }
0x41: {  	_ =	shalt  }
0x42: {  	_ =	shalt  }
0x43: {  	_ =	shalt  }
0x44: {  	_ =	shalt  }
0x45: {  	_ =	shalt  }
0x46: {  	_ =	shalt  }
0x47: {  	_ =	shalt  }
0x48: {  	_ =	shalt  }
0x49: {  	_ =	shalt  }
0x4a: {  	_ =	shalt  }
0x4b: {  	_ =	shalt  }
0x4c: {  	_ =	shalt  }
0x4d: {  	_ =	shalt  }
0x4e: {  	_ =	shalt  }
0x4f: {  	_ =	shalt  }
0x50: {  	_ =	shalt  }
0x51: {  	_ =	shalt  }
0x52: {  	_ =	shalt  }
0x53: {  	_ =	shalt  }
0x54: {  	_ =	shalt  }
0x55: {  	_ =	shalt  }
0x56: {  	_ =	shalt  }
0x57: {  	_ =	shalt  }
0x58: {  	_ =	shalt  }
0x59: {  	_ =	shalt  }
0x5a: {  	_ =	shalt  }
0x5b: {  	_ =	shalt  }
0x5c: {  	_ =	shalt  }
0x5d: {  	_ =	shalt  }
0x5e: {  	_ =	shalt  }
0x5f: {  	_ =	shalt  }
0x60: {  	_ =	shalt  }
0x61: {  	_ =	shalt  }
0x62: {  	_ =	shalt  }
0x63: {  	_ =	shalt  }
0x64: {  	_ =	shalt  }
0x65: {  	_ =	shalt  }
0x66: {  	_ =	shalt  }
0x67: {  	_ =	shalt  }
0x68: {  	_ =	shalt  }
0x69: {  	_ =	shalt  }
0x6a: {  	_ =	shalt  }
0x6b: {  	_ =	shalt  }
0x6c: {  	_ =	shalt  }
0x6d: {  	_ =	shalt  }
0x6e: {  	_ =	shalt  }
0x6f: {  	_ =	shalt  }
0x70: {  	_ =	shalt  }
0x71: {  	_ =	shalt  }
0x72: {  	_ =	shalt  }
0x73: {  	_ =	shalt  }
0x74: {  	_ =	shalt  }
0x75: {  	_ =	shalt  }
0x76: {  	_ =	shalt  }
0x77: {  	_ =	shalt  }
0x78: {  	_ =	shalt  }
0x79: {  	_ =	shalt  }
0x7a: {  	_ =	shalt  }
0x7b: {  	_ =	shalt  }
0x7c: {  	_ =	shalt  }
0x7d: {  	_ =	shalt  }
0x7e: {  	_ =	shalt  }
0x7f: {  	_ =	shalt  }
0x80: {  	_ =	shalt  }
0x81: {  	_ =	shalt  }
0x82: {  	_ =	shalt  }
0x83: {  	_ =	shalt  }
0x84: {  	_ =	shalt  }
0x85: {  	_ =	shalt  }
0x86: {  	_ =	shalt  }
0x87: {  	_ =	shalt  }
.Lfunc_end0:
.L_simem_size_0:
called_computation_lowered:
.L_overlay_start_0:
0x88: {  	s2 =	sld [smem:$0x3FD9]  }
0x89: {  	s3 =	sld [smem:$0x3FFE];
	_ =	sdelay $0x1  }
0x8a: {  	s1 =	srdreg.scid  }
0x8b: {  	s0 =	sand.u32 $0x1, s1  }
0x8c: {  	s17 =	sshll.u32 s0, $0xA;
	s2 =	sadd.s32 s3, s2  }
0x8d: {  	s2 =	sadd.s32 s2, s17  }
0x8e: {  	[smem:$0x3FC4] =	sst s2  }
0x8f: {  	_ = 	snop  }
0x90: {  	s2 =	sld [smem:$0x3FC9]  }
0x91: {  	s18 =	sld [smem:$0x3FC8]  }
0x92: {  	s4 =	sld [smem:$0x3FD0];
	(tm) =	ssettm $0x1  }
0x93: {  	s5 =	sld [smem:$0x3FFB];
	_ =	sdelay $0x3  }
0x94: {  	_ =	strace s5  }
0x95: {  	s5 =	sld [smem:$0x3FFC];
	_ =	sdelay $0x3  }
0x96: {  	_ =	strace s5  }
0x97: {  	s5 =	sld [smem:$0x3FFD];
	_ =	sdelay $0x3  }
0x98: {  	_ =	strace s5  }
0x99: {  	_ =	strace $0x8FFFFFFF  }
0x9a: {  	s19 =	sld [smem:$0x3FDB];
	_ =	sdelay $0x1  }
0x9b: {  	s6 =	simm.s32 $_scs_section_size  }
0x9c: {  	s7 =	simm.s32 $_size__tile_overlayer_lowered;
	s8 =	simm.s32 $_tile_overlayer_lowered  }
0x9d: {  	s22 =	simm.s32 $0x1BFF;
	s21 =	sshll.u32 s8, $0x1;
	s5 =	sadd.s32 s6, s19  }
0x9e: {  	s9 =	simm.s32 $0x0;
	s20 =	sshll.u32 s7, $0x1;
	s7 =	sadd.s32 s21, s5  }
0x9f: {  	[timem:s9], [sflag:s22] =	dma.local [hbm:s7], s20  }
0xa0: {  	_ =	swait.ge [sflag:s22], s20  }
0xa1: {  	s6 =	ssub.s32 $0x0, s20;
	[sflag:s22] =	ssyncset.done $0x0  }
0xa2: {  	[sflag:s22] =	ssyncadd.s32 s6;
	_ =	sdelay $0x1  }
0xa3: {  	s23 =	simm.s32 $0x1B8B  }
0xa4: {  	_ =	swait.ge [sflag:s23], $0x1  }
0xa5: {  	[sflag:s23] =	ssyncset.done $0x0  }
0xa6: {  	s25 =	simm.s32 $0x1B8E;
	s24 =	sld [smem:$0x3FFE];
	[sflag:s23] =	ssyncadd.s32 $0xFFFFFFFF  }
0xa7: {  	s26 =	simm.s32 $execute0_lowered;
	[smem:$0x3FD2] =	sst s25  }
0xa8: {  	s7 =	sshll.u32 s26, $0x1;
	_ =	strace $0x80000046;
	[dreg:$0x1] =	wrdreg $0xFFFFFFFF  }
0xa9: {  	s28 =	simm.s32 $_size_execute0_lowered;
	s5 =	sadd.s32 s5, s7;
	[dreg:$0x0] =	wrdreg $0x0  }
0xaa: {  	s7 =	sshll.u32 s28, $0x1;
	[dreg:$0x2] =	wrdreg s5  }
0xab: {  	[dreg:$0x3] =	wrdreg s7  }
0xac: {  	[dreg:$0x4] =	wrdreg $0xC0  }
0xad: {  	_ =	task [dreg:s9], $0x5FFFF  }
0xae: {  	[dreg:$0x1] =	wrdreg $0xFFFFFFFF  }
0xaf: {  	[dreg:$0x0] =	wrdreg $0x60  }
0xb0: {  	[dreg:$0x2] =	wrdreg s2  }
0xb1: {  	[dreg:$0x3] =	wrdreg s18  }
0xb2: {  	[dreg:$0x4] =	wrdreg s24  }
0xb3: {  	[dreg:$0x5] =	wrdreg s4  }
0xb4: {  	[dreg:$0x6] =	wrdreg $0x9  }
0xb5: {  	_ =	task.clear_ibuf [dreg:s9], $0x7FFFF;
	_ =	strace $0x90000046  }
0xb6: {  	s29 =	simm.s32 $0x9;
	_ =	strace $0x80000048  }
0xb7: {  	_ =	swait.ge [sflag:s29], $0x1  }
0xb8: {  	[sflag:s29] =	ssyncadd.s32 $0xFFFFFFFF  }
0xb9: {  	_ =	strace $0x90000048  }
0xba: {  	_ =	sfence  }
0xbb: {  	s30 =	sld [smem:$0x0];
	_ =	sdelay $0x2  }
0xbc: {  	s31 =	sshll.u32 s1, $0xD;
	s1 =	sshrl.u32 s1, $0x2  }
0xbd: {  	s3 =	sand.u32 $0x4000, s31;
	s1 =	sadd.s32 s1, s30  }
0xbe: {  	s0 =	sor.u32 s3, s0;
	s1 =	sshll.u32 s1, $0x11  }
0xbf: {  	s0 =	sor.u32 s1, s0  }
0xc0: {  	s0 =	sadd.s32 $0x8F2B, s0  }
0xc1: {  	[sflag:s0] =	ssyncadd.remote.s32 $0x1  }
0xc2: {  	_ =	sfence.sel $0xFFFF  }
0xc3: {  	[dreg:$0x0] =	wrdreg $0xFFFFFFFF;
	(pc) =	sbr.abs _section_cstart, $3  }
0xc4: {  	[dreg:$0x1] =	wrdreg $0xFFFFFFFF  }
0xc5: {  	_ =	task.clear_ibuf [dreg:s9], $0x2FFFF;
	_ =	strace $0x9FFFFFFF  }
0xc6: {  	(tm) =	ssettm $0x7FFFFFFF  }
0xc7: {  	_ =	shalt  }
tec
execute0_lowered:
.L_overlay_start_1:
0x0: {  	(tag) =	ssettag $0x1  }
0x1: {  	s0 =	rddreg [dreg:$0x0]  }
0x2: {  	s2 =	rddreg [dreg:$0x1]  }
0x3: {  	s5 =	rddreg [dreg:$0x2]  }
0x4: {  	s8 =	rddreg [dreg:$0x3];
	s1 =	simm.s32 $0x0;
	s4 =	srdreg.scid  }
0x5: {  	s7 =	stileid.u32;
	s11 =	simm.s32 $0x7000;
	s12 =	simm.s32 $0x80  }
0x6: {  	s14 =	simm.s32 $0x1000;
	s16 =	simm.s32 $0x4000;
	s17 =	simm.s32 $0x900  }
0x7: {  	s18 =	simm.s32 $0x3800;
	s19 =	simm.s32 $0xF00;
	s20 =	simm.s32 $0x6800  }
0x8: {  	s21 =	simm.s32 $0x980;
	s22 =	simm.s32 $0x3C00;
	s23 =	simm.s32 $0xF80  }
0x9: {  	s24 =	simm.s32 $0x6C00;
	s25 =	simm.s32 $0x1;
	s26 =	simm.s32 $0x7020  }
0xa: {  	s28 =	simm.s32 $0x0;
	[smem:$0x7FF] =	sst s1;
	s3 =	sadd.s32 $0xF42800, s5  }
0xb: {  	s4 =	sand.u32 $0x1, s4;
	s7 =	sshll.u32 s7, $0x7;
	_ =	strace $0x80000047  }
0xc: {  	v19 =	vlaneseq.u32;
	s6 =	ssub.s32 $0x2, s4;
	s9 =	sshll.u32 s4, $0x6;
	s4 =	sadd.s32 $0x11A4E00, s5  }
0xd: {  	v2 =	vimm.s32 $0xB;
	v3 =	vimm.s32 $0xC;
	v4 =	vimm.s32 $0xD;
	s5 =	sadd.s32 $0x200, s5;
	s10 =	sshrl.u32 s6, $0x1;
	s9 =	sor.u32 s9, s7  }
0xe: {  	v5 =	vimm.s32 $0xE;
	v6 =	vimm.s32 $0xF;
	v7 =	vimm.s32 $0x10;
	s10 =	ssub.s32 s6, s10;
	s6 =	sadd.s32 s0, s9;
	s7 =	sadd.s32 s2, s9  }
0xf: {  	v8 =	vimm.s32 $0x11;
	v9 =	vimm.s32 $0x12;
	v10 =	vimm.s32 $0x13;
	s8 =	sadd.s32 s8, s9;
	s9 =	smax.u32 s10, $0x1;
	s10 =	simm.s32 $0x2  }
.LBB2_1:
0x10: {  	[tilespmem:s1], [sflag:$0x2] =	stream.linear.gather [hbm4b:s6+s1], $0x200, $0x38;
	[tilespmem:$0x7220] =	vst v63  }
0x11: {  	_ =	swait.ge [sflag:s10], $0x200  }
0x12: {  	[sflag:s10] =	ssyncset.done $0x0  }
0x13: {  	s29 =	simm.s32 $0x200;
	[sflag:s10] =	ssyncadd.s32 $0xFFFFFE00  }
0x14: {  	[tilespmem:s29], [sflag:$0x2] =	stream.linear.gather [hbm4b:s7+s1], $0x200, $0x38;
	[tilespmem:$0x7220] =	vst v63  }
0x15: {  	_ =	swait.ge [sflag:s10], $0x200  }
0x16: {  	[sflag:s10] =	ssyncset.done $0x0  }
0x17: {  	[sflag:s10] =	ssyncadd.s32 $0xFFFFFE00  }
0x18: {  	[tilespmem:s11], [sflag:$0x2] =	stream.linear.gather [hbm4b:s5+s1], $0x20, $0x38;
	[tilespmem:$0x7220] =	vst v63  }
0x19: {  	_ =	swait.ge [sflag:s10], $0x20  }
0x1a: {  	[sflag:s10] =	ssyncset.done $0x0  }
0x1b: {  	[sflag:s10] =	ssyncadd.s32 $0xFFFFFFE0  }
0x1c: {  	v0 =	vld [tilespmem:$0x0]  }
0x1d: {  	v20 =	vld [tilespmem:$0x200];
	_ =	sdelay $0x3  }
0x1e: {  	v0 =	vmul.u32 $0x5, v0  }
0x1f: {  	v21 =	vld [tilespmem:$0x10];
	v20 =	vmul.u32 $0x5, v20  }
0x20: {  	v0 =	vshrl.u32 v0, $0x1  }
0x21: {  	v24 =	vld [tilespmem:$0x210];
	v20 =	vshrl.u32 v20, $0x1;
	v23 =	vadd.s32 $0x1, v0  }
0x22: {  	v22 =	vmin.u32 v0, $0x2625A1;
	[tilespmem:$0xA00] =	vst v20;
	vm0 =	vlt.s32 v23, $0x2625A1  }
0x23: {  	v0 =	vadd.s32 $0x2, v0;
	[tilespmem:$0x400] =	vst v22;
	v22 =	vnsel vm0, $0x2625A1, v23  }
0x24: {  	v21 =	vmul.u32 $0x5, v21;
	vm12 =	vlt.s32 v0, $0x2625A1;
	[tilespmem:$0x480] =	vst v22;
	v22 =	vadd.s32 $0x1, v20  }
0x25: {  	v0 =	vnsel vm12, $0x2625A1, v0;
	[tilespmem:$0xA80] =	vst v22;
	v22 =	vld [tilespmem:$0x20]  }
0x26: {  	[tilespmem:$0x500] =	vst v0;
	v0 =	vadd.s32 $0x2, v20;
	v20 =	vshrl.u32 v21, $0x1;
	v21 =	vmul.u32 $0x5, v24  }
0x27: {  	v24 =	vld [tilespmem:$0x220];
	[tilespmem:$0xB00] =	vst v0;
	v0 =	vmin.u32 v20, $0x2625A1;
	v23 =	vadd.s32 $0x1, v20  }
0x28: {  	v21 =	vshrl.u32 v21, $0x1;
	[tilespmem:$0x410] =	vst v0;
	vm13 =	vlt.s32 v23, $0x2625A1  }
0x29: {  	v20 =	vadd.s32 $0x2, v20;
	[tilespmem:$0xA10] =	vst v21;
	v0 =	vnsel vm13, $0x2625A1, v23  }
0x2a: {  	vm14 =	vlt.s32 v20, $0x2625A1;
	[tilespmem:$0x490] =	vst v0;
	v0 =	vadd.s32 $0x1, v21;
	v22 =	vmul.u32 $0x5, v22  }
0x2b: {  	[tilespmem:$0xA90] =	vst v0;
	v0 =	vnsel vm14, $0x2625A1, v20;
	v20 =	vld [tilespmem:$0x30]  }
0x2c: {  	[tilespmem:$0x510] =	vst v0;
	v0 =	vadd.s32 $0x2, v21;
	v21 =	vshrl.u32 v22, $0x1;
	v22 =	vmul.u32 $0x5, v24  }
0x2d: {  	[tilespmem:$0xB10] =	vst v0;
	v24 =	vld [tilespmem:$0x230];
	v0 =	vmin.u32 v21, $0x2625A1;
	v23 =	vadd.s32 $0x1, v21  }
0x2e: {  	v22 =	vshrl.u32 v22, $0x1;
	[tilespmem:$0x420] =	vst v0;
	vm15 =	vlt.s32 v23, $0x2625A1  }
0x2f: {  	v21 =	vadd.s32 $0x2, v21;
	[tilespmem:$0xA20] =	vst v22;
	v0 =	vnsel vm15, $0x2625A1, v23  }
0x30: {  	vm4 =	vlt.s32 v21, $0x2625A1;
	v20 =	vmul.u32 $0x5, v20;
	[tilespmem:$0x4A0] =	vst v0;
	v0 =	vadd.s32 $0x1, v22  }
0x31: {  	[tilespmem:$0xAA0] =	vst v0;
	v0 =	vnsel vm4, $0x2625A1, v21;
	v21 =	vld [tilespmem:$0x40]  }
0x32: {  	v20 =	vshrl.u32 v20, $0x1;
	[tilespmem:$0x520] =	vst v0;
	v0 =	vadd.s32 $0x2, v22;
	v22 =	vmul.u32 $0x5, v24  }
0x33: {  	v23 =	vadd.s32 $0x1, v20;
	v24 =	vld [tilespmem:$0x240];
	[tilespmem:$0xB20] =	vst v0;
	v0 =	vmin.u32 v20, $0x2625A1  }
0x34: {  	vm5 =	vlt.s32 v23, $0x2625A1;
	v22 =	vshrl.u32 v22, $0x1;
	[tilespmem:$0x430] =	vst v0  }
0x35: {  	v20 =	vadd.s32 $0x2, v20;
	v0 =	vnsel vm5, $0x2625A1, v23;
	[tilespmem:$0xA30] =	vst v22  }
0x36: {  	vm6 =	vlt.s32 v20, $0x2625A1;
	[tilespmem:$0x4B0] =	vst v0;
	v0 =	vadd.s32 $0x1, v22;
	v21 =	vmul.u32 $0x5, v21  }
0x37: {  	[tilespmem:$0xAB0] =	vst v0;
	v0 =	vnsel vm6, $0x2625A1, v20;
	v20 =	vld [tilespmem:$0x50]  }
0x38: {  	[tilespmem:$0x530] =	vst v0;
	v0 =	vadd.s32 $0x2, v22;
	v22 =	vmul.u32 $0x5, v24;
	v21 =	vshrl.u32 v21, $0x1  }
0x39: {  	v24 =	vld [tilespmem:$0x250];
	[tilespmem:$0xB30] =	vst v0;
	v0 =	vmin.u32 v21, $0x2625A1;
	v23 =	vadd.s32 $0x1, v21  }
0x3a: {  	v22 =	vshrl.u32 v22, $0x1;
	[tilespmem:$0x440] =	vst v0;
	vm7 =	vlt.s32 v23, $0x2625A1  }
0x3b: {  	v21 =	vadd.s32 $0x2, v21;
	[tilespmem:$0xA40] =	vst v22;
	v0 =	vnsel vm7, $0x2625A1, v23  }
0x3c: {  	vm8 =	vlt.s32 v21, $0x2625A1;
	v20 =	vmul.u32 $0x5, v20;
	[tilespmem:$0x4C0] =	vst v0;
	v0 =	vadd.s32 $0x1, v22  }
0x3d: {  	[tilespmem:$0xAC0] =	vst v0;
	v0 =	vnsel vm8, $0x2625A1, v21;
	v21 =	vld [tilespmem:$0x60]  }
0x3e: {  	v20 =	vshrl.u32 v20, $0x1;
	[tilespmem:$0x540] =	vst v0;
	v0 =	vadd.s32 $0x2, v22;
	v22 =	vmul.u32 $0x5, v24  }
0x3f: {  	v23 =	vadd.s32 $0x1, v20;
	v24 =	vld [tilespmem:$0x260];
	[tilespmem:$0xB40] =	vst v0;
	v0 =	vmin.u32 v20, $0x2625A1  }
0x40: {  	vm9 =	vlt.s32 v23, $0x2625A1;
	v22 =	vshrl.u32 v22, $0x1;
	[tilespmem:$0x450] =	vst v0  }
0x41: {  	v20 =	vadd.s32 $0x2, v20;
	v0 =	vnsel vm9, $0x2625A1, v23;
	[tilespmem:$0xA50] =	vst v22  }
0x42: {  	vm10 =	vlt.s32 v20, $0x2625A1;
	[tilespmem:$0x4D0] =	vst v0;
	v0 =	vadd.s32 $0x1, v22;
	v21 =	vmul.u32 $0x5, v21  }
0x43: {  	[tilespmem:$0xAD0] =	vst v0;
	v0 =	vnsel vm10, $0x2625A1, v20;
	v20 =	vld [tilespmem:$0x70]  }
0x44: {  	[tilespmem:$0x550] =	vst v0;
	v0 =	vadd.s32 $0x2, v22;
	v22 =	vmul.u32 $0x5, v24;
	v21 =	vshrl.u32 v21, $0x1  }
0x45: {  	v24 =	vld [tilespmem:$0x270];
	[tilespmem:$0xB50] =	vst v0;
	v0 =	vmin.u32 v21, $0x2625A1;
	v23 =	vadd.s32 $0x1, v21  }
0x46: {  	v22 =	vshrl.u32 v22, $0x1;
	[tilespmem:$0x460] =	vst v0;
	vm11 =	vlt.s32 v23, $0x2625A1  }
0x47: {  	v21 =	vadd.s32 $0x2, v21;
	[tilespmem:$0xA60] =	vst v22;
	v0 =	vnsel vm11, $0x2625A1, v23  }
0x48: {  	vm12 =	vlt.s32 v21, $0x2625A1;
	v20 =	vmul.u32 $0x5, v20;
	[tilespmem:$0x4E0] =	vst v0;
	v0 =	vadd.s32 $0x1, v22  }
0x49: {  	[tilespmem:$0xAE0] =	vst v0;
	v0 =	vnsel vm12, $0x2625A1, v21;
	v21 =	vld [tilespmem:$0x80]  }
0x4a: {  	v20 =	vshrl.u32 v20, $0x1;
	[tilespmem:$0x560] =	vst v0;
	v0 =	vadd.s32 $0x2, v22;
	v22 =	vmul.u32 $0x5, v24  }
0x4b: {  	v23 =	vadd.s32 $0x1, v20;
	v24 =	vld [tilespmem:$0x280];
	[tilespmem:$0xB60] =	vst v0;
	v0 =	vmin.u32 v20, $0x2625A1  }
0x4c: {  	vm13 =	vlt.s32 v23, $0x2625A1;
	v22 =	vshrl.u32 v22, $0x1;
	[tilespmem:$0x470] =	vst v0  }
0x4d: {  	v20 =	vadd.s32 $0x2, v20;
	v0 =	vnsel vm13, $0x2625A1, v23;
	[tilespmem:$0xA70] =	vst v22  }
0x4e: {  	vm14 =	vlt.s32 v20, $0x2625A1;
	[tilespmem:$0x4F0] =	vst v0;
	v0 =	vadd.s32 $0x1, v22;
	v21 =	vmul.u32 $0x5, v21  }
0x4f: {  	[tilespmem:$0xAF0] =	vst v0;
	v0 =	vnsel vm14, $0x2625A1, v20;
	v20 =	vld [tilespmem:$0x90]  }
0x50: {  	[tilespmem:$0x570] =	vst v0;
	v0 =	vadd.s32 $0x2, v22;
	v22 =	vmul.u32 $0x5, v24;
	v21 =	vshrl.u32 v21, $0x1  }
0x51: {  	v24 =	vld [tilespmem:$0x290];
	[tilespmem:$0xB70] =	vst v0;
	v0 =	vmin.u32 v21, $0x2625A1;
	v23 =	vadd.s32 $0x1, v21  }
0x52: {  	v22 =	vshrl.u32 v22, $0x1;
	[tilespmem:$0x580] =	vst v0;
	vm15 =	vlt.s32 v23, $0x2625A1  }
0x53: {  	v21 =	vadd.s32 $0x2, v21;
	[tilespmem:$0xB80] =	vst v22;
	v0 =	vnsel vm15, $0x2625A1, v23  }
0x54: {  	vm4 =	vlt.s32 v21, $0x2625A1;
	v20 =	vmul.u32 $0x5, v20;
	[tilespmem:$0x600] =	vst v0;
	v0 =	vadd.s32 $0x1, v22  }
0x55: {  	[tilespmem:$0xC00] =	vst v0;
	v0 =	vnsel vm4, $0x2625A1, v21;
	v21 =	vld [tilespmem:$0xA0]  }
0x56: {  	v20 =	vshrl.u32 v20, $0x1;
	[tilespmem:$0x680] =	vst v0;
	v0 =	vadd.s32 $0x2, v22;
	v22 =	vmul.u32 $0x5, v24  }
0x57: {  	v23 =	vadd.s32 $0x1, v20;
	v24 =	vld [tilespmem:$0x2A0];
	[tilespmem:$0xC80] =	vst v0;
	v0 =	vmin.u32 v20, $0x2625A1  }
0x58: {  	vm5 =	vlt.s32 v23, $0x2625A1;
	v22 =	vshrl.u32 v22, $0x1;
	[tilespmem:$0x590] =	vst v0  }
0x59: {  	v20 =	vadd.s32 $0x2, v20;
	v0 =	vnsel vm5, $0x2625A1, v23;
	[tilespmem:$0xB90] =	vst v22  }
0x5a: {  	vm6 =	vlt.s32 v20, $0x2625A1;
	[tilespmem:$0x610] =	vst v0;
	v0 =	vadd.s32 $0x1, v22;
	v21 =	vmul.u32 $0x5, v21  }
0x5b: {  	[tilespmem:$0xC10] =	vst v0;
	v0 =	vnsel vm6, $0x2625A1, v20;
	v20 =	vld [tilespmem:$0xB0]  }
0x5c: {  	[tilespmem:$0x690] =	vst v0;
	v0 =	vadd.s32 $0x2, v22;
	v22 =	vmul.u32 $0x5, v24;
	v21 =	vshrl.u32 v21, $0x1  }
0x5d: {  	v24 =	vld [tilespmem:$0x2B0];
	[tilespmem:$0xC90] =	vst v0;
	v0 =	vmin.u32 v21, $0x2625A1;
	v23 =	vadd.s32 $0x1, v21  }
0x5e: {  	v22 =	vshrl.u32 v22, $0x1;
	[tilespmem:$0x5A0] =	vst v0;
	vm7 =	vlt.s32 v23, $0x2625A1  }
0x5f: {  	v21 =	vadd.s32 $0x2, v21;
	[tilespmem:$0xBA0] =	vst v22;
	v0 =	vnsel vm7, $0x2625A1, v23  }
0x60: {  	vm8 =	vlt.s32 v21, $0x2625A1;
	v20 =	vmul.u32 $0x5, v20;
	[tilespmem:$0x620] =	vst v0;
	v0 =	vadd.s32 $0x1, v22  }
0x61: {  	[tilespmem:$0xC20] =	vst v0;
	v0 =	vnsel vm8, $0x2625A1, v21;
	v21 =	vld [tilespmem:$0xC0]  }
0x62: {  	v20 =	vshrl.u32 v20, $0x1;
	[tilespmem:$0x6A0] =	vst v0;
	v0 =	vadd.s32 $0x2, v22;
	v22 =	vmul.u32 $0x5, v24  }
0x63: {  	v23 =	vadd.s32 $0x1, v20;
	v24 =	vld [tilespmem:$0x2C0];
	[tilespmem:$0xCA0] =	vst v0;
	v0 =	vmin.u32 v20, $0x2625A1  }
0x64: {  	vm9 =	vlt.s32 v23, $0x2625A1;
	v22 =	vshrl.u32 v22, $0x1;
	[tilespmem:$0x5B0] =	vst v0  }
0x65: {  	v20 =	vadd.s32 $0x2, v20;
	v0 =	vnsel vm9, $0x2625A1, v23;
	[tilespmem:$0xBB0] =	vst v22  }
0x66: {  	vm10 =	vlt.s32 v20, $0x2625A1;
	[tilespmem:$0x630] =	vst v0;
	v0 =	vadd.s32 $0x1, v22;
	v21 =	vmul.u32 $0x5, v21  }
0x67: {  	[tilespmem:$0xC30] =	vst v0;
	v0 =	vnsel vm10, $0x2625A1, v20;
	v20 =	vld [tilespmem:$0xD0]  }
0x68: {  	[tilespmem:$0x6B0] =	vst v0;
	v0 =	vadd.s32 $0x2, v22;
	v22 =	vmul.u32 $0x5, v24;
	v21 =	vshrl.u32 v21, $0x1  }
0x69: {  	v24 =	vld [tilespmem:$0x2D0];
	[tilespmem:$0xCB0] =	vst v0;
	v0 =	vmin.u32 v21, $0x2625A1;
	v23 =	vadd.s32 $0x1, v21  }
0x6a: {  	v22 =	vshrl.u32 v22, $0x1;
	[tilespmem:$0x5C0] =	vst v0;
	vm11 =	vlt.s32 v23, $0x2625A1  }
0x6b: {  	v21 =	vadd.s32 $0x2, v21;
	[tilespmem:$0xBC0] =	vst v22;
	v0 =	vnsel vm11, $0x2625A1, v23  }
0x6c: {  	vm12 =	vlt.s32 v21, $0x2625A1;
	v20 =	vmul.u32 $0x5, v20;
	[tilespmem:$0x640] =	vst v0;
	v0 =	vadd.s32 $0x1, v22  }
0x6d: {  	[tilespmem:$0xC40] =	vst v0;
	v0 =	vnsel vm12, $0x2625A1, v21;
	v21 =	vld [tilespmem:$0xE0]  }
0x6e: {  	v20 =	vshrl.u32 v20, $0x1;
	[tilespmem:$0x6C0] =	vst v0;
	v0 =	vadd.s32 $0x2, v22;
	v22 =	vmul.u32 $0x5, v24  }
0x6f: {  	v23 =	vadd.s32 $0x1, v20;
	v24 =	vld [tilespmem:$0x2E0];
	[tilespmem:$0xCC0] =	vst v0;
	v0 =	vmin.u32 v20, $0x2625A1  }
0x70: {  	vm13 =	vlt.s32 v23, $0x2625A1;
	v22 =	vshrl.u32 v22, $0x1;
	[tilespmem:$0x5D0] =	vst v0  }
0x71: {  	v20 =	vadd.s32 $0x2, v20;
	v0 =	vnsel vm13, $0x2625A1, v23;
	[tilespmem:$0xBD0] =	vst v22  }
0x72: {  	vm14 =	vlt.s32 v20, $0x2625A1;
	[tilespmem:$0x650] =	vst v0;
	v0 =	vadd.s32 $0x1, v22;
	v21 =	vmul.u32 $0x5, v21  }
0x73: {  	[tilespmem:$0xC50] =	vst v0;
	v0 =	vnsel vm14, $0x2625A1, v20;
	v20 =	vld [tilespmem:$0xF0]  }
0x74: {  	[tilespmem:$0x6D0] =	vst v0;
	v0 =	vadd.s32 $0x2, v22;
	v22 =	vmul.u32 $0x5, v24;
	v21 =	vshrl.u32 v21, $0x1  }
0x75: {  	v24 =	vld [tilespmem:$0x2F0];
	[tilespmem:$0xCD0] =	vst v0;
	v0 =	vmin.u32 v21, $0x2625A1;
	v23 =	vadd.s32 $0x1, v21  }
0x76: {  	v22 =	vshrl.u32 v22, $0x1;
	[tilespmem:$0x5E0] =	vst v0;
	vm15 =	vlt.s32 v23, $0x2625A1  }
0x77: {  	v21 =	vadd.s32 $0x2, v21;
	[tilespmem:$0xBE0] =	vst v22;
	v0 =	vnsel vm15, $0x2625A1, v23  }
0x78: {  	vm4 =	vlt.s32 v21, $0x2625A1;
	v20 =	vmul.u32 $0x5, v20;
	[tilespmem:$0x660] =	vst v0;
	v0 =	vadd.s32 $0x1, v22  }
0x79: {  	[tilespmem:$0xC60] =	vst v0;
	v0 =	vnsel vm4, $0x2625A1, v21;
	v21 =	vld [tilespmem:$0x100]  }
0x7a: {  	v20 =	vshrl.u32 v20, $0x1;
	[tilespmem:$0x6E0] =	vst v0;
	v0 =	vadd.s32 $0x2, v22;
	v22 =	vmul.u32 $0x5, v24  }
0x7b: {  	v23 =	vadd.s32 $0x1, v20;
	v24 =	vld [tilespmem:$0x300];
	[tilespmem:$0xCE0] =	vst v0;
	v0 =	vmin.u32 v20, $0x2625A1  }
0x7c: {  	vm5 =	vlt.s32 v23, $0x2625A1;
	v22 =	vshrl.u32 v22, $0x1;
	[tilespmem:$0x5F0] =	vst v0  }
0x7d: {  	v20 =	vadd.s32 $0x2, v20;
	v0 =	vnsel vm5, $0x2625A1, v23;
	[tilespmem:$0xBF0] =	vst v22  }
0x7e: {  	vm6 =	vlt.s32 v20, $0x2625A1;
	[tilespmem:$0x670] =	vst v0;
	v0 =	vadd.s32 $0x1, v22;
	v21 =	vmul.u32 $0x5, v21  }
0x7f: {  	[tilespmem:$0xC70] =	vst v0;
	v0 =	vnsel vm6, $0x2625A1, v20;
	v20 =	vld [tilespmem:$0x110]  }
0x80: {  	[tilespmem:$0x6F0] =	vst v0;
	v0 =	vadd.s32 $0x2, v22;
	v22 =	vmul.u32 $0x5, v24;
	v21 =	vshrl.u32 v21, $0x1  }
0x81: {  	v24 =	vld [tilespmem:$0x310];
	[tilespmem:$0xCF0] =	vst v0;
	v0 =	vmin.u32 v21, $0x2625A1;
	v23 =	vadd.s32 $0x1, v21  }
0x82: {  	v22 =	vshrl.u32 v22, $0x1;
	[tilespmem:$0x700] =	vst v0;
	vm7 =	vlt.s32 v23, $0x2625A1  }
0x83: {  	v21 =	vadd.s32 $0x2, v21;
	[tilespmem:$0xD00] =	vst v22;
	v0 =	vnsel vm7, $0x2625A1, v23  }
0x84: {  	vm8 =	vlt.s32 v21, $0x2625A1;
	v20 =	vmul.u32 $0x5, v20;
	[tilespmem:$0x780] =	vst v0;
	v0 =	vadd.s32 $0x1, v22  }
0x85: {  	[tilespmem:$0xD80] =	vst v0;
	v0 =	vnsel vm8, $0x2625A1, v21;
	v21 =	vld [tilespmem:$0x120]  }
0x86: {  	v20 =	vshrl.u32 v20, $0x1;
	[tilespmem:$0x800] =	vst v0;
	v0 =	vadd.s32 $0x2, v22;
	v22 =	vmul.u32 $0x5, v24  }
0x87: {  	v23 =	vadd.s32 $0x1, v20;
	v24 =	vld [tilespmem:$0x320];
	[tilespmem:$0xE00] =	vst v0;
	v0 =	vmin.u32 v20, $0x2625A1  }
0x88: {  	vm9 =	vlt.s32 v23, $0x2625A1;
	v22 =	vshrl.u32 v22, $0x1;
	[tilespmem:$0x710] =	vst v0  }
0x89: {  	v20 =	vadd.s32 $0x2, v20;
	v0 =	vnsel vm9, $0x2625A1, v23;
	[tilespmem:$0xD10] =	vst v22  }
0x8a: {  	vm10 =	vlt.s32 v20, $0x2625A1;
	[tilespmem:$0x790] =	vst v0;
	v0 =	vadd.s32 $0x1, v22;
	v21 =	vmul.u32 $0x5, v21  }
0x8b: {  	[tilespmem:$0xD90] =	vst v0;
	v0 =	vnsel vm10, $0x2625A1, v20;
	v20 =	vld [tilespmem:$0x130]  }
0x8c: {  	[tilespmem:$0x810] =	vst v0;
	v0 =	vadd.s32 $0x2, v22;
	v22 =	vmul.u32 $0x5, v24;
	v21 =	vshrl.u32 v21, $0x1  }
0x8d: {  	v24 =	vld [tilespmem:$0x330];
	[tilespmem:$0xE10] =	vst v0;
	v0 =	vmin.u32 v21, $0x2625A1;
	v23 =	vadd.s32 $0x1, v21  }
0x8e: {  	v22 =	vshrl.u32 v22, $0x1;
	[tilespmem:$0x720] =	vst v0;
	vm11 =	vlt.s32 v23, $0x2625A1  }
0x8f: {  	v21 =	vadd.s32 $0x2, v21;
	[tilespmem:$0xD20] =	vst v22;
	v0 =	vnsel vm11, $0x2625A1, v23  }
0x90: {  	vm12 =	vlt.s32 v21, $0x2625A1;
	v20 =	vmul.u32 $0x5, v20;
	[tilespmem:$0x7A0] =	vst v0;
	v0 =	vadd.s32 $0x1, v22  }
0x91: {  	[tilespmem:$0xDA0] =	vst v0;
	v0 =	vnsel vm12, $0x2625A1, v21;
	v21 =	vld [tilespmem:$0x140]  }
0x92: {  	v20 =	vshrl.u32 v20, $0x1;
	[tilespmem:$0x820] =	vst v0;
	v0 =	vadd.s32 $0x2, v22;
	v22 =	vmul.u32 $0x5, v24  }
0x93: {  	v23 =	vadd.s32 $0x1, v20;
	v24 =	vld [tilespmem:$0x340];
	[tilespmem:$0xE20] =	vst v0;
	v0 =	vmin.u32 v20, $0x2625A1  }
0x94: {  	vm13 =	vlt.s32 v23, $0x2625A1;
	v22 =	vshrl.u32 v22, $0x1;
	[tilespmem:$0x730] =	vst v0  }
0x95: {  	v20 =	vadd.s32 $0x2, v20;
	v0 =	vnsel vm13, $0x2625A1, v23;
	[tilespmem:$0xD30] =	vst v22  }
0x96: {  	vm14 =	vlt.s32 v20, $0x2625A1;
	[tilespmem:$0x7B0] =	vst v0;
	v0 =	vadd.s32 $0x1, v22;
	v21 =	vmul.u32 $0x5, v21  }
0x97: {  	[tilespmem:$0xDB0] =	vst v0;
	v0 =	vnsel vm14, $0x2625A1, v20;
	v20 =	vld [tilespmem:$0x150]  }
0x98: {  	[tilespmem:$0x830] =	vst v0;
	v0 =	vadd.s32 $0x2, v22;
	v22 =	vmul.u32 $0x5, v24;
	v21 =	vshrl.u32 v21, $0x1  }
0x99: {  	v24 =	vld [tilespmem:$0x350];
	[tilespmem:$0xE30] =	vst v0;
	v0 =	vmin.u32 v21, $0x2625A1;
	v23 =	vadd.s32 $0x1, v21  }
0x9a: {  	v22 =	vshrl.u32 v22, $0x1;
	[tilespmem:$0x740] =	vst v0;
	vm15 =	vlt.s32 v23, $0x2625A1  }
0x9b: {  	v21 =	vadd.s32 $0x2, v21;
	[tilespmem:$0xD40] =	vst v22;
	v0 =	vnsel vm15, $0x2625A1, v23  }
0x9c: {  	vm4 =	vlt.s32 v21, $0x2625A1;
	v20 =	vmul.u32 $0x5, v20;
	[tilespmem:$0x7C0] =	vst v0;
	v0 =	vadd.s32 $0x1, v22  }
0x9d: {  	[tilespmem:$0xDC0] =	vst v0;
	v0 =	vnsel vm4, $0x2625A1, v21;
	v21 =	vld [tilespmem:$0x160]  }
0x9e: {  	v20 =	vshrl.u32 v20, $0x1;
	[tilespmem:$0x840] =	vst v0;
	v0 =	vadd.s32 $0x2, v22;
	v22 =	vmul.u32 $0x5, v24  }
0x9f: {  	v23 =	vadd.s32 $0x1, v20;
	v24 =	vld [tilespmem:$0x360];
	[tilespmem:$0xE40] =	vst v0;
	v0 =	vmin.u32 v20, $0x2625A1  }
0xa0: {  	vm5 =	vlt.s32 v23, $0x2625A1;
	v22 =	vshrl.u32 v22, $0x1;
	[tilespmem:$0x750] =	vst v0  }
0xa1: {  	v20 =	vadd.s32 $0x2, v20;
	v0 =	vnsel vm5, $0x2625A1, v23;
	[tilespmem:$0xD50] =	vst v22  }
0xa2: {  	vm6 =	vlt.s32 v20, $0x2625A1;
	[tilespmem:$0x7D0] =	vst v0;
	v0 =	vadd.s32 $0x1, v22;
	v21 =	vmul.u32 $0x5, v21  }
0xa3: {  	[tilespmem:$0xDD0] =	vst v0;
	v0 =	vnsel vm6, $0x2625A1, v20;
	v20 =	vld [tilespmem:$0x170]  }
0xa4: {  	[tilespmem:$0x850] =	vst v0;
	v0 =	vadd.s32 $0x2, v22;
	v22 =	vmul.u32 $0x5, v24;
	v21 =	vshrl.u32 v21, $0x1  }
0xa5: {  	v24 =	vld [tilespmem:$0x370];
	[tilespmem:$0xE50] =	vst v0;
	v0 =	vmin.u32 v21, $0x2625A1;
	v23 =	vadd.s32 $0x1, v21  }
0xa6: {  	v22 =	vshrl.u32 v22, $0x1;
	[tilespmem:$0x760] =	vst v0;
	vm7 =	vlt.s32 v23, $0x2625A1  }
0xa7: {  	v21 =	vadd.s32 $0x2, v21;
	[tilespmem:$0xD60] =	vst v22;
	v0 =	vnsel vm7, $0x2625A1, v23  }
0xa8: {  	vm8 =	vlt.s32 v21, $0x2625A1;
	v20 =	vmul.u32 $0x5, v20;
	[tilespmem:$0x7E0] =	vst v0;
	v0 =	vadd.s32 $0x1, v22  }
0xa9: {  	[tilespmem:$0xDE0] =	vst v0;
	v0 =	vnsel vm8, $0x2625A1, v21;
	v21 =	vld [tilespmem:$0x180]  }
0xaa: {  	v20 =	vshrl.u32 v20, $0x1;
	[tilespmem:$0x860] =	vst v0;
	v0 =	vadd.s32 $0x2, v22;
	v22 =	vmul.u32 $0x5, v24  }
0xab: {  	v23 =	vadd.s32 $0x1, v20;
	v24 =	vld [tilespmem:$0x380];
	[tilespmem:$0xE60] =	vst v0;
	v0 =	vmin.u32 v20, $0x2625A1  }
0xac: {  	vm9 =	vlt.s32 v23, $0x2625A1;
	v22 =	vshrl.u32 v22, $0x1;
	[tilespmem:$0x770] =	vst v0  }
0xad: {  	v20 =	vadd.s32 $0x2, v20;
	v0 =	vnsel vm9, $0x2625A1, v23;
	[tilespmem:$0xD70] =	vst v22  }
0xae: {  	vm10 =	vlt.s32 v20, $0x2625A1;
	[tilespmem:$0x7F0] =	vst v0;
	v0 =	vadd.s32 $0x1, v22;
	v21 =	vmul.u32 $0x5, v21  }
0xaf: {  	[tilespmem:$0xDF0] =	vst v0;
	v0 =	vnsel vm10, $0x2625A1, v20;
	v20 =	vld [tilespmem:$0x190]  }
0xb0: {  	[tilespmem:$0x870] =	vst v0;
	v0 =	vadd.s32 $0x2, v22;
	v22 =	vmul.u32 $0x5, v24;
	v21 =	vshrl.u32 v21, $0x1  }
0xb1: {  	v24 =	vld [tilespmem:$0x390];
	[tilespmem:$0xE70] =	vst v0;
	v0 =	vmin.u32 v21, $0x2625A1;
	v23 =	vadd.s32 $0x1, v21  }
0xb2: {  	v22 =	vshrl.u32 v22, $0x1;
	[tilespmem:$0x880] =	vst v0;
	vm11 =	vlt.s32 v23, $0x2625A1  }
0xb3: {  	v21 =	vadd.s32 $0x2, v21;
	[tilespmem:$0xE80] =	vst v22;
	v0 =	vnsel vm11, $0x2625A1, v23  }
0xb4: {  	vm12 =	vlt.s32 v21, $0x2625A1;
	v20 =	vmul.u32 $0x5, v20;
	[tilespmem:$0x900] =	vst v0;
	v0 =	vadd.s32 $0x1, v22  }
0xb5: {  	[tilespmem:$0xF00] =	vst v0;
	v0 =	vnsel vm12, $0x2625A1, v21;
	v21 =	vld [tilespmem:$0x1A0]  }
0xb6: {  	v20 =	vshrl.u32 v20, $0x1;
	[tilespmem:$0x980] =	vst v0;
	v0 =	vadd.s32 $0x2, v22;
	v22 =	vmul.u32 $0x5, v24  }
0xb7: {  	v23 =	vadd.s32 $0x1, v20;
	v24 =	vld [tilespmem:$0x3A0];
	[tilespmem:$0xF80] =	vst v0;
	v0 =	vmin.u32 v20, $0x2625A1  }
0xb8: {  	vm13 =	vlt.s32 v23, $0x2625A1;
	v22 =	vshrl.u32 v22, $0x1;
	[tilespmem:$0x890] =	vst v0  }
0xb9: {  	v20 =	vadd.s32 $0x2, v20;
	v0 =	vnsel vm13, $0x2625A1, v23;
	[tilespmem:$0xE90] =	vst v22  }
0xba: {  	vm14 =	vlt.s32 v20, $0x2625A1;
	[tilespmem:$0x910] =	vst v0;
	v0 =	vadd.s32 $0x1, v22;
	v21 =	vmul.u32 $0x5, v21  }
0xbb: {  	[tilespmem:$0xF10] =	vst v0;
	v0 =	vnsel vm14, $0x2625A1, v20;
	v20 =	vld [tilespmem:$0x1B0]  }
0xbc: {  	[tilespmem:$0x990] =	vst v0;
	v0 =	vadd.s32 $0x2, v22;
	v22 =	vmul.u32 $0x5, v24;
	v21 =	vshrl.u32 v21, $0x1  }
0xbd: {  	v24 =	vld [tilespmem:$0x3B0];
	[tilespmem:$0xF90] =	vst v0;
	v0 =	vmin.u32 v21, $0x2625A1;
	v23 =	vadd.s32 $0x1, v21  }
0xbe: {  	v22 =	vshrl.u32 v22, $0x1;
	[tilespmem:$0x8A0] =	vst v0;
	vm15 =	vlt.s32 v23, $0x2625A1  }
0xbf: {  	v21 =	vadd.s32 $0x2, v21;
	[tilespmem:$0xEA0] =	vst v22;
	v0 =	vnsel vm15, $0x2625A1, v23  }
0xc0: {  	vm4 =	vlt.s32 v21, $0x2625A1;
	v20 =	vmul.u32 $0x5, v20;
	[tilespmem:$0x920] =	vst v0;
	v0 =	vadd.s32 $0x1, v22  }
0xc1: {  	[tilespmem:$0xF20] =	vst v0;
	v0 =	vnsel vm4, $0x2625A1, v21;
	v21 =	vld [tilespmem:$0x1C0]  }
0xc2: {  	v20 =	vshrl.u32 v20, $0x1;
	[tilespmem:$0x9A0] =	vst v0;
	v0 =	vadd.s32 $0x2, v22;
	v22 =	vmul.u32 $0x5, v24  }
0xc3: {  	v23 =	vadd.s32 $0x1, v20;
	v24 =	vld [tilespmem:$0x3C0];
	[tilespmem:$0xFA0] =	vst v0;
	v0 =	vmin.u32 v20, $0x2625A1  }
0xc4: {  	vm5 =	vlt.s32 v23, $0x2625A1;
	v22 =	vshrl.u32 v22, $0x1;
	[tilespmem:$0x8B0] =	vst v0  }
0xc5: {  	v20 =	vadd.s32 $0x2, v20;
	v0 =	vnsel vm5, $0x2625A1, v23;
	[tilespmem:$0xEB0] =	vst v22  }
0xc6: {  	vm6 =	vlt.s32 v20, $0x2625A1;
	[tilespmem:$0x930] =	vst v0;
	v0 =	vadd.s32 $0x1, v22;
	v21 =	vmul.u32 $0x5, v21  }
0xc7: {  	[tilespmem:$0xF30] =	vst v0;
	v0 =	vnsel vm6, $0x2625A1, v20;
	v20 =	vld [tilespmem:$0x1D0]  }
0xc8: {  	[tilespmem:$0x9B0] =	vst v0;
	v0 =	vadd.s32 $0x2, v22;
	v22 =	vmul.u32 $0x5, v24;
	v21 =	vshrl.u32 v21, $0x1  }
0xc9: {  	v24 =	vld [tilespmem:$0x3D0];
	[tilespmem:$0xFB0] =	vst v0;
	v0 =	vmin.u32 v21, $0x2625A1;
	v23 =	vadd.s32 $0x1, v21  }
0xca: {  	v22 =	vshrl.u32 v22, $0x1;
	[tilespmem:$0x8C0] =	vst v0;
	vm7 =	vlt.s32 v23, $0x2625A1  }
0xcb: {  	v21 =	vadd.s32 $0x2, v21;
	[tilespmem:$0xEC0] =	vst v22;
	v0 =	vnsel vm7, $0x2625A1, v23  }
0xcc: {  	vm8 =	vlt.s32 v21, $0x2625A1;
	v20 =	vmul.u32 $0x5, v20;
	[tilespmem:$0x940] =	vst v0;
	v0 =	vadd.s32 $0x1, v22  }
0xcd: {  	[tilespmem:$0xF40] =	vst v0;
	v0 =	vnsel vm8, $0x2625A1, v21;
	v21 =	vld [tilespmem:$0x1E0]  }
0xce: {  	v20 =	vshrl.u32 v20, $0x1;
	[tilespmem:$0x9C0] =	vst v0;
	v0 =	vadd.s32 $0x2, v22;
	v22 =	vmul.u32 $0x5, v24  }
0xcf: {  	v23 =	vadd.s32 $0x1, v20;
	v24 =	vld [tilespmem:$0x3E0];
	[tilespmem:$0xFC0] =	vst v0;
	v0 =	vmin.u32 v20, $0x2625A1  }
0xd0: {  	vm9 =	vlt.s32 v23, $0x2625A1;
	v22 =	vshrl.u32 v22, $0x1;
	[tilespmem:$0x8D0] =	vst v0  }
0xd1: {  	v20 =	vadd.s32 $0x2, v20;
	v0 =	vnsel vm9, $0x2625A1, v23;
	[tilespmem:$0xED0] =	vst v22  }
0xd2: {  	vm10 =	vlt.s32 v20, $0x2625A1;
	[tilespmem:$0x950] =	vst v0;
	v0 =	vadd.s32 $0x1, v22;
	v21 =	vmul.u32 $0x5, v21  }
0xd3: {  	[tilespmem:$0xF50] =	vst v0;
	v0 =	vnsel vm10, $0x2625A1, v20;
	v20 =	vld [tilespmem:$0x1F0]  }
0xd4: {  	[tilespmem:$0x9D0] =	vst v0;
	v0 =	vadd.s32 $0x2, v22;
	v22 =	vmul.u32 $0x5, v24;
	v21 =	vshrl.u32 v21, $0x1  }
0xd5: {  	v24 =	vld [tilespmem:$0x3F0];
	[tilespmem:$0xFD0] =	vst v0;
	v0 =	vmin.u32 v21, $0x2625A1;
	v23 =	vadd.s32 $0x1, v21  }
0xd6: {  	v22 =	vshrl.u32 v22, $0x1;
	[tilespmem:$0x8E0] =	vst v0;
	vm11 =	vlt.s32 v23, $0x2625A1  }
0xd7: {  	v21 =	vadd.s32 $0x2, v21;
	[tilespmem:$0xEE0] =	vst v22;
	v0 =	vnsel vm11, $0x2625A1, v23  }
0xd8: {  	vm12 =	vlt.s32 v21, $0x2625A1;
	v20 =	vmul.u32 $0x5, v20;
	[tilespmem:$0x960] =	vst v0;
	v0 =	vadd.s32 $0x1, v22  }
0xd9: {  	[tilespmem:$0xF60] =	vst v0;
	v0 =	vnsel vm12, $0x2625A1, v21  }
0xda: {  	v20 =	vshrl.u32 v20, $0x1;
	v21 =	vmul.u32 $0x5, v24;
	[tilespmem:$0x9E0] =	vst v0;
	v0 =	vadd.s32 $0x2, v22  }
0xdb: {  	v22 =	vadd.s32 $0x1, v20;
	[tilespmem:$0xFE0] =	vst v0;
	v0 =	vmin.u32 v20, $0x2625A1  }
0xdc: {  	v21 =	vshrl.u32 v21, $0x1;
	vm13 =	vlt.s32 v22, $0x2625A1;
	[tilespmem:$0x8F0] =	vst v0  }
0xdd: {  	v20 =	vadd.s32 $0x2, v20;
	[tilespmem:$0xEF0] =	vst v21;
	v0 =	vnsel vm13, $0x2625A1, v22  }
0xde: {  	vm14 =	vlt.s32 v20, $0x2625A1;
	[tilespmem:$0x970] =	vst v0;
	v0 =	vadd.s32 $0x1, v21  }
0xdf: {  	[tilespmem:$0xF70] =	vst v0;
	v0 =	vnsel vm14, $0x2625A1, v20  }
0xe0: {  	[tilespmem:$0x9F0] =	vst v0;
	v0 =	vadd.s32 $0x2, v21  }
0xe1: {  	s0 =	simm.s32 $0x400;
	[tilespmem:$0xFF0] =	vst v0  }
0xe2: {  	[tilespmem:s14], [sflag:$0x1] =	stream.indirect.gather [hbm4b:s3+s12], $0x8, s0, s12, $0xb8;
	[tilespmem:$0x7220] =	vst v63  }
0xe3: {  	s13 =	simm.s32 $0xA00  }
0xe4: {  	[tilespmem:s16], [sflag:$0x1] =	stream.indirect.gather [hbm4b:s4+s12], $0x8, s13, s12, $0xb8;
	[tilespmem:$0x7220] =	vst v63  }
0xe5: {  	s15 =	simm.s32 $0x480;
	s2 =	simm.s32 $0x1400  }
0xe6: {  	[tilespmem:s2], [sflag:$0x1] =	stream.indirect.gather [hbm4b:s3+s12], $0x8, s15, s12, $0xb8;
	[tilespmem:$0x7220] =	vst v63  }
0xe7: {  	s13 =	simm.s32 $0xA80;
	s15 =	simm.s32 $0x4400  }
0xe8: {  	[tilespmem:s15], [sflag:$0x1] =	stream.indirect.gather [hbm4b:s4+s12], $0x8, s13, s12, $0xb8;
	[tilespmem:$0x7220] =	vst v63  }
0xe9: {  	s13 =	simm.s32 $0x500;
	s15 =	simm.s32 $0x1800  }
0xea: {  	[tilespmem:s15], [sflag:$0x1] =	stream.indirect.gather [hbm4b:s3+s12], $0x8, s13, s12, $0xb8;
	[tilespmem:$0x7220] =	vst v63  }
0xeb: {  	s13 =	simm.s32 $0xB00;
	s15 =	simm.s32 $0x4800  }
0xec: {  	[tilespmem:s15], [sflag:$0x1] =	stream.indirect.gather [hbm4b:s4+s12], $0x8, s13, s12, $0xb8;
	[tilespmem:$0x7220] =	vst v63  }
0xed: {  	s13 =	simm.s32 $0x580;
	s15 =	simm.s32 $0x1C00  }
0xee: {  	[tilespmem:s15], [sflag:$0x1] =	stream.indirect.gather [hbm4b:s3+s12], $0x8, s13, s12, $0xb8;
	[tilespmem:$0x7220] =	vst v63  }
0xef: {  	s13 =	simm.s32 $0xB80;
	s15 =	simm.s32 $0x4C00  }
0xf0: {  	[tilespmem:s15], [sflag:$0x1] =	stream.indirect.gather [hbm4b:s4+s12], $0x8, s13, s12, $0xb8;
	[tilespmem:$0x7220] =	vst v63  }
0xf1: {  	s13 =	simm.s32 $0x600;
	s15 =	simm.s32 $0x2000  }
0xf2: {  	[tilespmem:s15], [sflag:$0x1] =	stream.indirect.gather [hbm4b:s3+s12], $0x8, s13, s12, $0xb8;
	[tilespmem:$0x7220] =	vst v63  }
0xf3: {  	s13 =	simm.s32 $0xC00;
	s15 =	simm.s32 $0x5000  }
0xf4: {  	[tilespmem:s15], [sflag:$0x1] =	stream.indirect.gather [hbm4b:s4+s12], $0x8, s13, s12, $0xb8;
	[tilespmem:$0x7220] =	vst v63  }
0xf5: {  	s13 =	simm.s32 $0x680;
	s15 =	simm.s32 $0x2400  }
0xf6: {  	[tilespmem:s15], [sflag:$0x1] =	stream.indirect.gather [hbm4b:s3+s12], $0x8, s13, s12, $0xb8;
	[tilespmem:$0x7220] =	vst v63  }
0xf7: {  	s13 =	simm.s32 $0xC80;
	s15 =	simm.s32 $0x5400  }
0xf8: {  	[tilespmem:s15], [sflag:$0x1] =	stream.indirect.gather [hbm4b:s4+s12], $0x8, s13, s12, $0xb8;
	[tilespmem:$0x7220] =	vst v63  }
0xf9: {  	s13 =	simm.s32 $0x700;
	s15 =	simm.s32 $0x2800  }
0xfa: {  	[tilespmem:s15], [sflag:$0x1] =	stream.indirect.gather [hbm4b:s3+s12], $0x8, s13, s12, $0xb8;
	[tilespmem:$0x7220] =	vst v63  }
0xfb: {  	s13 =	simm.s32 $0xD00;
	s15 =	simm.s32 $0x5800  }
0xfc: {  	[tilespmem:s15], [sflag:$0x1] =	stream.indirect.gather [hbm4b:s4+s12], $0x8, s13, s12, $0xb8;
	[tilespmem:$0x7220] =	vst v63  }
0xfd: {  	s13 =	simm.s32 $0x780;
	s15 =	simm.s32 $0x2C00  }
0xfe: {  	[tilespmem:s15], [sflag:$0x1] =	stream.indirect.gather [hbm4b:s3+s12], $0x8, s13, s12, $0xb8;
	[tilespmem:$0x7220] =	vst v63  }
0xff: {  	s13 =	simm.s32 $0xD80;
	s15 =	simm.s32 $0x5C00  }
0x100: {  	[tilespmem:s15], [sflag:$0x1] =	stream.indirect.gather [hbm4b:s4+s12], $0x8, s13, s12, $0xb8;
	[tilespmem:$0x7220] =	vst v63  }
0x101: {  	s13 =	simm.s32 $0x800;
	s15 =	simm.s32 $0x3000  }
0x102: {  	[tilespmem:s15], [sflag:$0x1] =	stream.indirect.gather [hbm4b:s3+s12], $0x8, s13, s12, $0xb8;
	[tilespmem:$0x7220] =	vst v63  }
0x103: {  	s13 =	simm.s32 $0xE00;
	s15 =	simm.s32 $0x6000  }
0x104: {  	[tilespmem:s15], [sflag:$0x1] =	stream.indirect.gather [hbm4b:s4+s12], $0x8, s13, s12, $0xb8;
	[tilespmem:$0x7220] =	vst v63  }
0x105: {  	s13 =	simm.s32 $0x880;
	s15 =	simm.s32 $0x3400  }
0x106: {  	[tilespmem:s15], [sflag:$0x1] =	stream.indirect.gather [hbm4b:s3+s12], $0x8, s13, s12, $0xb8;
	[tilespmem:$0x7220] =	vst v63  }
0x107: {  	s13 =	simm.s32 $0xE80;
	s15 =	simm.s32 $0x6400  }
0x108: {  	[tilespmem:s15], [sflag:$0x1] =	stream.indirect.gather [hbm4b:s4+s12], $0x8, s13, s12, $0xb8;
	[tilespmem:$0x7220] =	vst v63  }
0x109: {  	_ = 	snop  }
0x10a: {  	[tilespmem:s18], [sflag:$0x1] =	stream.indirect.gather [hbm4b:s3+s12], $0x8, s17, s12, $0xb8;
	[tilespmem:$0x7220] =	vst v63  }
0x10b: {  	_ = 	snop  }
0x10c: {  	[tilespmem:s20], [sflag:$0x1] =	stream.indirect.gather [hbm4b:s4+s12], $0x8, s19, s12, $0xb8;
	[tilespmem:$0x7220] =	vst v63  }
0x10d: {  	_ = 	snop  }
0x10e: {  	[tilespmem:s22], [sflag:$0x1] =	stream.indirect.gather [hbm4b:s3+s12], $0x8, s21, s12, $0xb8;
	[tilespmem:$0x7220] =	vst v63  }
0x10f: {  	_ = 	snop  }
0x110: {  	[tilespmem:s24], [sflag:$0x1] =	stream.indirect.gather [hbm4b:s4+s12], $0x8, s23, s12, $0xb8;
	[tilespmem:$0x7220] =	vst v63  }
0x111: {  	_ =	swait.ge [sflag:s25], $0x400  }
0x112: {  	[sflag:s25] =	ssyncset.done $0x0  }
0x113: {  	[sflag:s25] =	ssyncadd.s32 $0xFFFFFC00  }
0x114: {  	_ =	swait.ge [sflag:s25], $0x400  }
0x115: {  	[sflag:s25] =	ssyncset.done $0x0  }
0x116: {  	[sflag:s25] =	ssyncadd.s32 $0xFFFFFC00  }
0x117: {  	_ =	swait.ge [sflag:s25], $0x400  }
0x118: {  	[sflag:s25] =	ssyncset.done $0x0  }
0x119: {  	[sflag:s25] =	ssyncadd.s32 $0xFFFFFC00  }
0x11a: {  	_ =	swait.ge [sflag:s25], $0x400  }
0x11b: {  	[sflag:s25] =	ssyncset.done $0x0  }
0x11c: {  	[sflag:s25] =	ssyncadd.s32 $0xFFFFFC00  }
0x11d: {  	_ =	swait.ge [sflag:s25], $0x400  }
0x11e: {  	[sflag:s25] =	ssyncset.done $0x0  }
0x11f: {  	[sflag:s25] =	ssyncadd.s32 $0xFFFFFC00  }
0x120: {  	_ =	swait.ge [sflag:s25], $0x400  }
0x121: {  	[sflag:s25] =	ssyncset.done $0x0  }
0x122: {  	[sflag:s25] =	ssyncadd.s32 $0xFFFFFC00  }
0x123: {  	_ =	swait.ge [sflag:s25], $0x400  }
0x124: {  	[sflag:s25] =	ssyncset.done $0x0  }
0x125: {  	[sflag:s25] =	ssyncadd.s32 $0xFFFFFC00  }
0x126: {  	_ =	swait.ge [sflag:s25], $0x400  }
0x127: {  	[sflag:s25] =	ssyncset.done $0x0  }
0x128: {  	[sflag:s25] =	ssyncadd.s32 $0xFFFFFC00  }
0x129: {  	_ =	swait.ge [sflag:s25], $0x400  }
0x12a: {  	[sflag:s25] =	ssyncset.done $0x0  }
0x12b: {  	[sflag:s25] =	ssyncadd.s32 $0xFFFFFC00  }
0x12c: {  	_ =	swait.ge [sflag:s25], $0x400  }
0x12d: {  	[sflag:s25] =	ssyncset.done $0x0  }
0x12e: {  	[sflag:s25] =	ssyncadd.s32 $0xFFFFFC00  }
0x12f: {  	_ =	swait.ge [sflag:s25], $0x400  }
0x130: {  	[sflag:s25] =	ssyncset.done $0x0  }
0x131: {  	[sflag:s25] =	ssyncadd.s32 $0xFFFFFC00  }
0x132: {  	_ =	swait.ge [sflag:s25], $0x400  }
0x133: {  	[sflag:s25] =	ssyncset.done $0x0  }
0x134: {  	[sflag:s25] =	ssyncadd.s32 $0xFFFFFC00  }
0x135: {  	_ =	swait.ge [sflag:s25], $0x400  }
0x136: {  	[sflag:s25] =	ssyncset.done $0x0  }
0x137: {  	[sflag:s25] =	ssyncadd.s32 $0xFFFFFC00  }
0x138: {  	_ =	swait.ge [sflag:s25], $0x400  }
0x139: {  	[sflag:s25] =	ssyncset.done $0x0  }
0x13a: {  	[sflag:s25] =	ssyncadd.s32 $0xFFFFFC00  }
0x13b: {  	_ =	swait.ge [sflag:s25], $0x400  }
0x13c: {  	[sflag:s25] =	ssyncset.done $0x0  }
0x13d: {  	[sflag:s25] =	ssyncadd.s32 $0xFFFFFC00  }
0x13e: {  	_ =	swait.ge [sflag:s25], $0x400  }
0x13f: {  	[sflag:s25] =	ssyncset.done $0x0  }
0x140: {  	[sflag:s25] =	ssyncadd.s32 $0xFFFFFC00  }
0x141: {  	_ =	swait.ge [sflag:s25], $0x400  }
0x142: {  	[sflag:s25] =	ssyncset.done $0x0  }
0x143: {  	[sflag:s25] =	ssyncadd.s32 $0xFFFFFC00  }
0x144: {  	_ =	swait.ge [sflag:s25], $0x400  }
0x145: {  	[sflag:s25] =	ssyncset.done $0x0  }
0x146: {  	[sflag:s25] =	ssyncadd.s32 $0xFFFFFC00  }
0x147: {  	_ =	swait.ge [sflag:s25], $0x400  }
0x148: {  	[sflag:s25] =	ssyncset.done $0x0  }
0x149: {  	[sflag:s25] =	ssyncadd.s32 $0xFFFFFC00  }
0x14a: {  	_ =	swait.ge [sflag:s25], $0x400  }
0x14b: {  	[sflag:s25] =	ssyncset.done $0x0  }
0x14c: {  	[sflag:s25] =	ssyncadd.s32 $0xFFFFFC00  }
0x14d: {  	_ =	swait.ge [sflag:s25], $0x400  }
0x14e: {  	[sflag:s25] =	ssyncset.done $0x0  }
0x14f: {  	[sflag:s25] =	ssyncadd.s32 $0xFFFFFC00  }
0x150: {  	_ =	swait.ge [sflag:s25], $0x400  }
0x151: {  	[sflag:s25] =	ssyncset.done $0x0  }
0x152: {  	[sflag:s25] =	ssyncadd.s32 $0xFFFFFC00  }
0x153: {  	_ =	swait.ge [sflag:s25], $0x400  }
0x154: {  	[sflag:s25] =	ssyncset.done $0x0  }
0x155: {  	[sflag:s25] =	ssyncadd.s32 $0xFFFFFC00  }
0x156: {  	_ =	swait.ge [sflag:s25], $0x400  }
0x157: {  	[sflag:s25] =	ssyncset.done $0x0  }
0x158: {  	s13 =	simm.s32 $0x0;
	[sflag:s25] =	ssyncadd.s32 $0xFFFFFC00  }
0x159: {  	s0 =	smul.u32 $0x180, s13;
	v0 =	vld [tilespmem:s29+$0x0]  }
0x15a: {  	v21 =	vmul.u32 $0x8, v19;
	s15 =	sand.u32 $0x70, s1;
	v48 =	vld [tilespmem:s1+$0x0]  }
0x15b: {  	s0 =	sor.u32 s15, s0  }
0x15c: {  	v1 =	vimm.s32 $0x6;
	v11 =	vor.u32 $0x800, v21;
	v22 =	vmov s0  }
0x15d: {  	v12 =	vor.u32 $0x400, v21;
	v31 =	vor.u32 s0, v19;
	v28 =	vshll.u32 v22, $0x3  }
0x15e: {  	v34 =	vadd.s32 v12, v28;
	v28 =	vadd.s32 v11, v28;
	v0 =	vshll.u32 v0, $0x2  }
0x15f: {  	v53 =	vshll.u32 v48, $0x2;
	vm15 =	veq.s32 v48, $0xF4240;
	v26 =	vand.u32 $0x4, v0  }
0x160: {  	v25 =	vadd.s32 $0x7, v26;
	v32 =	vadd.s32 $0x6, v26;
	v33 =	vadd.s32 $0x4, v26  }
0x161: {  	v40 =	vand.u32 $0x6, v32;
	v36 =	vshll.u32 v25, $0x4;
	v62 =	vshll.u32 v33, $0x4  }
0x162: {  	v38 =	vand.u32 $0x7, v25;
	v25 =	vshll.u32 v32, $0x4;
	v32 =	vand.u32 $0x80, v62  }
0x163: {  	v0 =	vshll.u32 v31, $0x3;
	v23 =	vadd.s32 $0xE, v26;
	v49 =	vadd.s32 v31, v32  }
0x164: {  	v29 =	vadd.s32 $0xC, v26;
	v41 =	vand.u32 $0x4, v33;
	v49 =	vshll.u32 v49, $0x3  }
0x165: {  	v22 =	vor.u32 $0x3, v26;
	v48 =	vor.u32 v41, v49;
	v49 =	vld.idx.msk [tilespmem:v1+s11+$0x0], $0xffff;
	v1 =	vimm.s32 $0x3  }
0x166: {  	v30 =	vadd.s32 $0x5, v26;
	v27 =	vor.u32 $0x1, v26;
	v24 =	vor.u32 $0x2, v26  }
0x167: {  	v43 =	vor.u32 v0, v26;
	v35 =	vand.u32 $0x6, v23;
	v23 =	vshll.u32 v23, $0x4  }
0x168: {  	v37 =	vand.u32 $0x4, v29;
	v29 =	vshll.u32 v29, $0x4;
	v44 =	vand.u32 $0x5, v30  }
0x169: {  	v45 =	vor.u32 v0, v24;
	v46 =	vor.u32 v0, v22;
	v30 =	vshll.u32 v30, $0x4  }
0x16a: {  	v47 =	vor.u32 v0, v27;
	v39 =	vand.u32 $0x80, v25;
	v55 =	vld.idx.msk [tilespmem:v1+s11+$0x0], $0xffff;
	v1 =	vimm.s32 $0x1  }
0x16b: {  	v29 =	vand.u32 $0x180, v29;
	v63 =	vand.u32 $0x180, v23;
	v13 =	vadd.s32 v31, v39  }
0x16c: {  	v30 =	vand.u32 $0x80, v30;
	v39 =	vand.u32 $0x4, v53;
	v51 =	vshll.u32 v13, $0x3  }
0x16d: {  	v36 =	vand.u32 $0x80, v36;
	v51 =	vor.u32 v40, v51;
	v40 =	vor.u32 $0x1, v39  }
0x16e: {  	v59 =	vld.msk [tilespmem:s11+$0x0], $0xffff;
	v33 =	vadd.s32 v31, v63;
	v36 =	vadd.s32 v31, v36;
	v56 =	vor.u32 v0, v40  }
0x16f: {  	v42 =	vadd.s32 v31, v29;
	v50 =	vadd.s32 v31, v30;
	v62 =	vld.idx.msk [tilespmem:v1+s11+$0x0], $0xffff;
	v1 =	vimm.s32 $0x2  }
0x170: {  	v23 =	vld.idx.msk [tilespmem:v10+s11+$0x0], $0xffff;
	v14 =	vshll.u32 v33, $0x3;
	v52 =	vshll.u32 v36, $0x3;
	v42 =	vshll.u32 v42, $0x3  }
0x171: {  	v25 =	vld.idx.msk [tilespmem:v9+s11+$0x0], $0xffff;
	v50 =	vshll.u32 v50, $0x3;
	v15 =	vor.u32 v0, v39;
	v53 =	vadd.s32 $0x6, v39  }
0x172: {  	v29 =	vld.idx.msk [tilespmem:v8+s11+$0x0], $0xffff;
	v54 =	vadd.s32 $0x4, v39;
	v58 =	vadd.s32 $0x5, v39;
	v13 =	vadd.s32 $0x7, v39  }
0x173: {  	v36 =	vor.u32 v35, v14;
	v52 =	vor.u32 v38, v52;
	v42 =	vor.u32 v37, v42;
	v56 =	vld.idx.msk [tilespmem:v56+s14+$0x0], $0xffff  }
0x174: {  	v44 =	vor.u32 v44, v50;
	v37 =	vor.u32 $0x3, v39;
	v14 =	vld.idx.msk [tilespmem:v1+s11+$0x0], $0xffff;
	v1 =	vimm.s32 $0x5  }
0x175: {  	v30 =	vld.idx.msk [tilespmem:v7+s11+$0x0], $0xffff;
	v57 =	vshll.u32 v54, $0x4;
	v41 =	vor.u32 $0x2, v39;
	v61 =	vshll.u32 v58, $0x4  }
0x176: {  	v43 =	vld.idx.msk [tilespmem:v43+s16+$0x0], $0xffff;
	v54 =	vand.u32 $0x4, v54;
	v17 =	vshll.u32 v53, $0x4;
	v57 =	vand.u32 $0x80, v57  }
0x177: {  	v60 =	vor.u32 v0, v41;
	v61 =	vand.u32 $0x80, v61;
	v0 =	vor.u32 v0, v37;
	v47 =	vld.idx.msk [tilespmem:v47+s16+$0x0], $0xffff  }
0x178: {  	v57 =	vadd.s32 v31, v57;
	v16 =	vadd.s32 v31, v61;
	v61 =	vand.u32 $0x80, v17;
	v50 =	vld.idx.msk [tilespmem:v15+s14+$0x0], $0xffff  }
0x179: {  	v61 =	vadd.s32 v31, v61;
	v56 =	vsel vm15, v62, v56;
	v62 =	vld.idx.msk [tilespmem:v1+s11+$0x0], $0xffff;
	v1 =	vimm.s32 $0x4  }
0x17a: {  	v53 =	vand.u32 $0x6, v53;
	v45 =	vld.idx.msk [tilespmem:v45+s16+$0x0], $0xffff;
	v57 =	vshll.u32 v57, $0x3;
	v61 =	vshll.u32 v61, $0x3  }
0x17b: {  	v58 =	vand.u32 $0x5, v58;
	v46 =	vld.idx.msk [tilespmem:v46+s16+$0x0], $0xffff;
	v54 =	vor.u32 v54, v57;
	v53 =	vor.u32 v53, v61  }
0x17c: {  	v57 =	vshll.u32 v16, $0x3;
	v15 =	vshll.u32 v13, $0x4;
	v16 =	vadd.s32 $0xD, v26;
	v0 =	vld.idx.msk [tilespmem:v0+s14+$0x0], $0xffff  }
0x17d: {  	v57 =	vor.u32 v58, v57;
	v58 =	vand.u32 $0x7, v13;
	v61 =	vshll.u32 v16, $0x4;
	v60 =	vld.idx.msk [tilespmem:v60+s14+$0x0], $0xffff  }
0x17e: {  	v61 =	vand.u32 $0x180, v61;
	v50 =	vsel vm15, v59, v50;
	v13 =	vld.idx.msk [tilespmem:v1+s11+$0x0], $0xffff;
	v1 =	vimm.s32 $0x7  }
0x17f: {  	v44 =	vld.idx.msk [tilespmem:v44+s16+$0x0], $0xffff;
	v61 =	vadd.s32 v31, v61;
	v43 =	vmul.f32 v50, v43;
	v50 =	vand.u32 $0x80, v15  }
0x180: {  	v17 =	vadd.s32 $0xF, v26;
	v61 =	vshll.u32 v61, $0x3;
	v53 =	vld.idx.msk [tilespmem:v53+s14+$0x0], $0xffff;
	v50 =	vadd.s32 v31, v50  }
0x181: {  	v51 =	vld.idx.msk [tilespmem:v51+s16+$0x0], $0xffff;
	v0 =	vsel vm15, v55, v0;
	v55 =	vor.u32 v34, v22;
	v50 =	vshll.u32 v50, $0x3  }
0x182: {  	v57 =	vld.idx.msk [tilespmem:v57+s14+$0x0], $0xffff;
	v43 =	vadd.f32 $0.0e+00, v43;
	v59 =	vsel vm15, v14, v60;
	v14 =	vand.u32 $0x5, v16  }
0x183: {  	v45 =	vmul.f32 v59, v45;
	v59 =	vor.u32 v14, v61;
	v61 =	vld.idx.msk [tilespmem:v1+s11+$0x0], $0xffff;
	v1 =	vimm.s32 $0xA  }
0x184: {  	v32 =	vld.idx.msk [tilespmem:v6+s11+$0x0], $0xffff;
	v0 =	vmul.f32 v0, v46;
	v46 =	vor.u32 v34, v24;
	v50 =	vor.u32 v58, v50  }
0x185: {  	v33 =	vld.idx.msk [tilespmem:v5+s11+$0x0], $0xffff;
	v58 =	vor.u32 v34, v26;
	v49 =	vsel vm15, v49, v53;
	v47 =	vmul.f32 v56, v47  }
0x186: {  	v48 =	vld.idx.msk [tilespmem:v48+s16+$0x0], $0xffff;
	v53 =	vor.u32 v34, v40;
	v56 =	vshll.u32 v17, $0x4;
	v49 =	vmul.f32 v49, v51  }
0x187: {  	v54 =	vld.idx.msk [tilespmem:v54+s14+$0x0], $0xffff;
	v51 =	vor.u32 v34, v41;
	v43 =	vadd.f32 v47, v43;
	v57 =	vsel vm15, v62, v57  }
0x188: {  	v56 =	vand.u32 $0x180, v56;
	v44 =	vmul.f32 v57, v44;
	v57 =	vld.idx.msk [tilespmem:v1+s11+$0x0], $0xffff;
	v1 =	vimm.s32 $0x8  }
0x189: {  	v35 =	vld.idx.msk [tilespmem:v4+s11+$0x0], $0xffff;
	v60 =	vand.u32 $0x7, v17;
	v17 =	vadd.s32 $0xC, v39;
	v43 =	vadd.f32 v45, v43  }
0x18a: {  	v38 =	vld.idx.msk [tilespmem:v3+s11+$0x0], $0xffff;
	v56 =	vadd.s32 v31, v56;
	v16 =	vor.u32 v34, v39;
	v63 =	vshll.u32 v17, $0x4  }
0x18b: {  	v52 =	vld.idx.msk [tilespmem:v52+s16+$0x0], $0xffff;
	v45 =	vor.u32 v34, v27;
	v0 =	vadd.f32 v0, v43;
	v43 =	vand.u32 $0x180, v63  }
0x18c: {  	v50 =	vld.idx.msk [tilespmem:v50+s14+$0x0], $0xffff;
	v34 =	vor.u32 v34, v37;
	v43 =	vadd.s32 v31, v43;
	v47 =	vsel vm15, v13, v54  }
0x18d: {  	v54 =	vadd.s32 $0xD, v39;
	v15 =	vmul.f32 v47, v48;
	v13 =	vld.idx.msk [tilespmem:v1+s11+$0x0], $0xffff;
	v1 =	vimm.s32 $0x9  }
0x18e: {  	v46 =	vld.idx.msk [tilespmem:v46+s16+$0x0], $0xffff;
	v43 =	vshll.u32 v43, $0x3;
	v48 =	vand.u32 $0x4, v17;
	v14 =	vshll.u32 v54, $0x4  }
0x18f: {  	v58 =	vld.idx.msk [tilespmem:v58+s16+$0x0], $0xffff;
	v43 =	vor.u32 v48, v43;
	v48 =	vand.u32 $0x180, v14;
	v0 =	vadd.f32 v15, v0  }
0x190: {  	v63 =	vadd.s32 $0xF, v39;
	v47 =	vld.idx.msk [tilespmem:v16+s14+$0x0], $0xffff;
	v16 =	vadd.s32 $0xE, v39;
	v48 =	vadd.s32 v31, v48  }
0x191: {  	v53 =	vld.idx.msk [tilespmem:v53+s14+$0x0], $0xffff;
	v54 =	vand.u32 $0x5, v54;
	v48 =	vshll.u32 v48, $0x3;
	v0 =	vadd.f32 v44, v0  }
0x192: {  	v17 =	vshll.u32 v16, $0x4;
	v50 =	vsel vm15, v61, v50;
	v48 =	vor.u32 v54, v48;
	v15 =	vld.idx.msk [tilespmem:v1+s11+$0x0], $0xffff  }
0x193: {  	v45 =	vld.idx.msk [tilespmem:v45+s16+$0x0], $0xffff;
	v50 =	vmul.f32 v50, v52;
	v52 =	vand.u32 $0x180, v17;
	v0 =	vadd.f32 v49, v0  }
0x194: {  	v51 =	vld.idx.msk [tilespmem:v51+s14+$0x0], $0xffff;
	v52 =	vadd.s32 v31, v52;
	v49 =	vand.u32 $0x6, v16;
	v16 =	vand.u32 $0x7, v63  }
0x195: {  	v62 =	vld.idx.msk [tilespmem:v2+s11+$0x0], $0xffff;
	v52 =	vshll.u32 v52, $0x3;
	v44 =	vsel vm15, v13, v47;
	v13 =	vshll.u32 v63, $0x4  }
0x196: {  	v34 =	vld.idx.msk [tilespmem:v34+s14+$0x0], $0xffff;
	v0 =	vadd.f32 v50, v0;
	v47 =	vand.u32 $0x180, v13;
	v44 =	vmul.f32 v44, v58  }
0x197: {  	v14 =	vld.idx.msk [tilespmem:v55+s16+$0x0], $0xffff;
	v49 =	vor.u32 v49, v52;
	v31 =	vadd.s32 v31, v47;
	v15 =	vsel vm15, v15, v53  }
0x198: {  	v43 =	vld.idx.msk [tilespmem:v43+s14+$0x0], $0xffff;
	v31 =	vshll.u32 v31, $0x3;
	v0 =	vadd.f32 v44, v0;
	v17 =	vmul.f32 v15, v45  }
0x199: {  	v42 =	vld.idx.msk [tilespmem:v42+s16+$0x0], $0xffff;
	v56 =	vshll.u32 v56, $0x3;
	v31 =	vor.u32 v16, v31;
	v53 =	vsel vm15, v57, v51  }
0x19a: {  	v54 =	vor.u32 v60, v56;
	v48 =	vld.idx.msk [tilespmem:v48+s14+$0x0], $0xffff;
	v55 =	vmul.f32 v53, v46;
	v0 =	vadd.f32 v17, v0  }
0x19b: {  	v39 =	vor.u32 v28, v39;
	v34 =	vsel vm15, v62, v34;
	v56 =	vld.idx.msk [tilespmem:v59+s16+$0x0], $0xffff  }
0x19c: {  	v26 =	vor.u32 v28, v26;
	v34 =	vmul.f32 v34, v14;
	v57 =	vld.idx.msk [tilespmem:v49+s14+$0x0], $0xffff;
	v0 =	vadd.f32 v55, v0  }
0x19d: {  	v36 =	vld.idx.msk [tilespmem:v36+s16+$0x0], $0xffff;
	v40 =	vor.u32 v28, v40;
	v38 =	vsel vm15, v38, v43  }
0x19e: {  	v27 =	vor.u32 v28, v27;
	v58 =	vmul.f32 v38, v42;
	v31 =	vld.idx.msk [tilespmem:v31+s14+$0x0], $0xffff;
	v0 =	vadd.f32 v34, v0  }
0x19f: {  	v41 =	vor.u32 v28, v41;
	v59 =	vld.idx.msk [tilespmem:v54+s16+$0x0], $0xffff;
	v35 =	vsel vm15, v35, v48  }
0x1a0: {  	v24 =	vor.u32 v28, v24;
	v39 =	vld.idx.msk [tilespmem:v39+s14+$0x0], $0xffff;
	v60 =	vmul.f32 v35, v56;
	v0 =	vadd.f32 v58, v0  }
0x1a1: {  	v26 =	vld.idx.msk [tilespmem:v26+s16+$0x0], $0xffff;
	v61 =	vor.u32 v28, v37;
	v33 =	vsel vm15, v33, v57  }
0x1a2: {  	v22 =	vor.u32 v28, v22;
	v62 =	vld.idx.msk [tilespmem:v40+s14+$0x0], $0xffff;
	v28 =	vmul.f32 v33, v36;
	v0 =	vadd.f32 v60, v0  }
0x1a3: {  	v27 =	vld.idx.msk [tilespmem:v27+s16+$0x0], $0xffff;
	v31 =	vsel vm15, v32, v31  }
0x1a4: {  	v63 =	vld.idx.msk [tilespmem:v41+s14+$0x0], $0xffff;
	v0 =	vadd.f32 v28, v0;
	v28 =	vmul.f32 v31, v59  }
0x1a5: {  	v24 =	vld.idx.msk [tilespmem:v24+s16+$0x0], $0xffff;
	v30 =	vsel vm15, v30, v39  }
0x1a6: {  	v26 =	vmul.f32 v30, v26;
	v31 =	vld.idx.msk [tilespmem:v61+s14+$0x0], $0xffff;
	v0 =	vadd.f32 v28, v0  }
0x1a7: {  	v22 =	vld.idx.msk [tilespmem:v22+s16+$0x0], $0xffff;
	v28 =	vsel vm15, v29, v62  }
0x1a8: {  	v0 =	vadd.f32 v26, v0;
	v26 =	vmul.f32 v28, v27  }
0x1a9: {  	v25 =	vsel vm15, v25, v63  }
0x1aa: {  	v24 =	vmul.f32 v25, v24;
	v0 =	vadd.f32 v26, v0  }
0x1ab: {  	v23 =	vsel vm15, v23, v31  }
0x1ac: {  	v22 =	vmul.f32 v23, v22;
	v0 =	vadd.f32 v24, v0;
	_ =	sdelay $0x1  }
0x1ad: {  	v0 =	vadd.f32 v22, v0;
	_ =	sdelay $0x1  }
0x1ae: {  	s30 =	simm.s32 $0x210;
	[tilespmem:s26+$0x0] =	vst v0  }
0x1af: {  	s13 =	simm.s32 $0x0;
	v0 =	vld [tilespmem:s30+$0x0]  }
0x1b0: {  	s31 =	simm.s32 $0x10;
	s0 =	smul.u32 $0x180, s13  }
0x1b1: {  	s15 =	sand.u32 $0x70, s31  }
0x1b2: {  	s0 =	sor.u32 s15, s0  }
0x1b3: {  	v22 =	vmov s0  }
0x1b4: {  	v31 =	vor.u32 s0, v19;
	v29 =	vshll.u32 v22, $0x3;
	v0 =	vshll.u32 v0, $0x2  }
0x1b5: {  	v44 =	vshll.u32 v31, $0x3;
	v39 =	vadd.s32 v12, v29;
	v26 =	vand.u32 $0x4, v0  }
0x1b6: {  	v0 =	vadd.s32 $0xD, v26;
	v22 =	vadd.s32 $0xE, v26;
	v24 =	vadd.s32 $0xF, v26  }
0x1b7: {  	[tilespmem:$0x1FFE0] =	vst v11;
	v27 =	vadd.s32 $0x7, v26;
	v37 =	vor.u32 v39, v26;
	v30 =	vadd.s32 $0xC, v26  }
0x1b8: {  	[tilespmem:$0x1FFF0] =	vst v12;
	v23 =	vor.u32 $0x3, v26;
	v11 =	vadd.s32 $0x5, v26;
	v12 =	vadd.s32 $0x6, v26  }
0x1b9: {  	v28 =	vor.u32 $0x1, v26;
	v25 =	vor.u32 $0x2, v26;
	v13 =	vadd.s32 $0x4, v26  }
0x1ba: {  	v46 =	vor.u32 v44, v26;
	v55 =	vand.u32 $0x6, v22;
	v33 =	vand.u32 $0x7, v24  }
0x1bb: {  	v47 =	vand.u32 $0x5, v0;
	v14 =	vshll.u32 v22, $0x4;
	v15 =	vshll.u32 v24, $0x4  }
0x1bc: {  	v35 =	vor.u32 v39, v23;
	v49 =	vand.u32 $0x4, v30;
	v0 =	vshll.u32 v0, $0x4  }
0x1bd: {  	v41 =	vor.u32 v39, v28;
	v38 =	vor.u32 v39, v25;
	v16 =	vshll.u32 v30, $0x4  }
0x1be: {  	v20 =	vld.idx.msk [tilespmem:v10+s11+$0x0], $0xffff;
	v54 =	vand.u32 $0x6, v12;
	v17 =	vshll.u32 v27, $0x4;
	v53 =	vand.u32 $0x7, v27  }
0x1bf: {  	v32 =	vld.idx.msk [tilespmem:v5+s11+$0x0], $0xffff;
	v57 =	vand.u32 $0x4, v13;
	v59 =	vand.u32 $0x5, v11;
	v34 =	vshll.u32 v12, $0x4  }
0x1c0: {  	v63 =	vld [tilespmem:s31+$0x0];
	v48 =	vor.u32 v44, v25;
	v45 =	vor.u32 v44, v23;
	v11 =	vshll.u32 v11, $0x4  }
0x1c1: {  	v22 =	vld.idx.msk [tilespmem:v9+s11+$0x0], $0xffff;
	v52 =	vor.u32 v44, v28;
	v36 =	vshll.u32 v13, $0x4;
	v42 =	vand.u32 $0x180, v15  }
0x1c2: {  	v24 =	vld.idx.msk [tilespmem:v8+s11+$0x0], $0xffff;
	v12 =	vand.u32 $0x180, v16;
	v13 =	vand.u32 $0x180, v0;
	v40 =	vand.u32 $0x180, v14  }
0x1c3: {  	v27 =	vld.idx.msk [tilespmem:v7+s11+$0x0], $0xffff;
	v1 =	vand.u32 $0x80, v11;
	v14 =	vand.u32 $0x80, v34;
	v50 =	vand.u32 $0x80, v17  }
0x1c4: {  	v30 =	vld.idx.msk [tilespmem:v6+s11+$0x0], $0xffff;
	v15 =	vand.u32 $0x80, v36;
	v16 =	vadd.s32 v31, v40;
	v17 =	vadd.s32 v31, v42  }
0x1c5: {  	v34 =	vld.idx.msk [tilespmem:v4+s11+$0x0], $0xffff;
	v61 =	vadd.s32 v31, v50;
	v58 =	vadd.s32 v31, v12;
	v0 =	vadd.s32 v31, v13  }
0x1c6: {  	v36 =	vld.idx.msk [tilespmem:v3+s11+$0x0], $0xffff;
	v56 =	vadd.s32 v31, v15;
	v50 =	vadd.s32 v31, v1;
	v62 =	vadd.s32 v31, v14  }
0x1c7: {  	s2 =	simm.s32 $0x10;
	s29 =	simm.s32 $0x7020;
	s0 =	simm.s32 $0x2;
	v42 =	vld.idx.msk [tilespmem:v2+s11+$0x0], $0xffff;
	v60 =	vshll.u32 v0, $0x3;
	v0 =	vshll.u32 v16, $0x3;
	v43 =	vshll.u32 v17, $0x3  }
.LBB2_2:
0x1c8: {  	v62 =	vshll.u32 v62, $0x3;
	v1 =	vimm.s32 $0xA  }
0x1c9: {  	v61 =	vshll.u32 v61, $0x3;
	v3 =	vshll.u32 v56, $0x3;
	v2 =	vshll.u32 v50, $0x3  }
0x1ca: {  	v4 =	vimm.s32 $0x9;
	v0 =	vor.u32 v55, v0;
	v15 =	vimm.s32 $0x7  }
0x1cb: {  	v14 =	vimm.s32 $0x8;
	v47 =	vor.u32 v47, v60;
	v40 =	vimm.s32 $0x5  }
0x1cc: {  	v6 =	vimm.s32 $0x4;
	v9 =	vimm.s32 $0x3;
	v13 =	vimm.s32 $0x2;
	v18 =	vld.msk [tilespmem:s11+$0x0], $0xffff  }
0x1cd: {  	[tilespmem:$0x1FFB0] =	vst v0;
	v0 =	vor.u32 v53, v61;
	v2 =	vor.u32 v59, v2;
	v51 =	vld.idx.msk [tilespmem:v1+s11+$0x0], $0xffff;
	v1 =	vshll.u32 v58, $0x3  }
0x1ce: {  	v46 =	vld.idx.msk [tilespmem:v46+s16+$0x0], $0xffff;
	v61 =	vor.u32 v54, v62;
	v55 =	vor.u32 v49, v1;
	v1 =	vshll.u32 v63, $0x2  }
0x1cf: {  	vm0 =	veq.s32 v63, $0xF4240;
	v60 =	vld.idx.msk [tilespmem:v15+s11+$0x0], $0xffff;
	v15 =	vimm.s32 $0x1;
	v53 =	vand.u32 $0x4, v1  }
0x1d0: {  	v52 =	vld.idx.msk [tilespmem:v52+s16+$0x0], $0xffff;
	v1 =	vor.u32 v57, v3;
	v3 =	vimm.s32 $0x6;
	v63 =	vadd.s32 $0xD, v53  }
0x1d1: {  	v56 =	vld.idx.msk [tilespmem:v4+s11+$0x0], $0xffff;
	v4 =	vadd.s32 $0xE, v53;
	v59 =	vadd.s32 $0xF, v53;
	v5 =	vor.u32 v44, v53  }
0x1d2: {  	v58 =	vld.idx.msk [tilespmem:v14+s11+$0x0], $0xffff;
	v7 =	vor.u32 v39, v53;
	v8 =	vadd.s32 $0xC, v53;
	v54 =	vor.u32 $0x1, v53  }
0x1d3: {  	v62 =	vld.idx.msk [tilespmem:v40+s11+$0x0], $0xffff;
	v10 =	vadd.s32 $0x6, v53;
	v11 =	vadd.s32 $0x7, v53;
	v49 =	vor.u32 $0x3, v53  }
0x1d4: {  	v6 =	vld.idx.msk [tilespmem:v6+s11+$0x0], $0xffff;
	v14 =	vadd.s32 $0x5, v53;
	v57 =	vor.u32 $0x2, v53;
	v16 =	vadd.s32 $0x4, v53  }
0x1d5: {  	[tilespmem:$0x1FFD0] =	vst v20;
	v9 =	vld.idx.msk [tilespmem:v9+s11+$0x0], $0xffff;
	v12 =	vor.u32 v44, v54;
	v17 =	vand.u32 $0x6, v4;
	v19 =	vor.u32 v44, v57  }
0x1d6: {  	[tilespmem:$0x1FFC0] =	vst v22;
	v13 =	vld.idx.msk [tilespmem:v13+s11+$0x0], $0xffff;
	v20 =	vshll.u32 v16, $0x4;
	v21 =	vshll.u32 v59, $0x4;
	v22 =	vand.u32 $0x6, v10  }
0x1d7: {  	v50 =	vmovc v24;
	v40 =	vmovc v27;
	v2 =	vld.idx.msk [tilespmem:v2+s16+$0x0], $0xffff;
	v24 =	vand.u32 $0x5, v63;
	v44 =	vor.u32 v44, v49;
	v27 =	vshll.u32 v14, $0x4  }
0x1d8: {  	v16 =	vand.u32 $0x4, v16;
	v10 =	vshll.u32 v10, $0x4;
	v15 =	vld.idx.msk [tilespmem:v15+s11+$0x0], $0xffff;
	v20 =	vand.u32 $0x80, v20  }
0x1d9: {  	v14 =	vand.u32 $0x5, v14;
	v4 =	vshll.u32 v4, $0x4;
	v20 =	vadd.s32 v31, v20;
	v3 =	vld.idx.msk [tilespmem:v3+s11+$0x0], $0xffff  }
0x1da: {  	v27 =	vand.u32 $0x80, v27;
	v10 =	vand.u32 $0x80, v10;
	v20 =	vshll.u32 v20, $0x3;
	v5 =	vld.idx.msk [tilespmem:v5+s14+$0x0], $0xffff  }
0x1db: {  	v4 =	vand.u32 $0x180, v4;
	v16 =	vor.u32 v16, v20;
	v20 =	vadd.s32 v31, v27;
	v7 =	vld.idx.msk [tilespmem:v7+s14+$0x0], $0xffff  }
0x1dc: {  	v10 =	vadd.s32 v31, v10;
	v4 =	vadd.s32 v31, v4;
	v12 =	vld.idx.msk [tilespmem:v12+s14+$0x0], $0xffff;
	v20 =	vshll.u32 v20, $0x3  }
0x1dd: {  	v10 =	vshll.u32 v10, $0x3;
	v27 =	vld.idx.msk [tilespmem:v48+s16+$0x0], $0xffff;
	v14 =	vor.u32 v14, v20;
	v20 =	vshll.u32 v11, $0x4  }
0x1de: {  	v4 =	vshll.u32 v4, $0x3;
	v10 =	vor.u32 v22, v10;
	v19 =	vld.idx.msk [tilespmem:v19+s14+$0x0], $0xffff;
	v20 =	vand.u32 $0x80, v20  }
0x1df: {  	v4 =	vor.u32 v17, v4;
	v20 =	vadd.s32 v31, v20;
	v5 =	vsel vm0, v18, v5;
	v18 =	vld.idx.msk [tilespmem:v44+s14+$0x0], $0xffff  }
0x1e0: {  	v11 =	vand.u32 $0x7, v11;
	v48 =	vld.idx.msk [tilespmem:v16+s14+$0x0], $0xffff;
	v16 =	vshll.u32 v20, $0x3;
	v5 =	vmul.f32 v5, v46  }
0x1e1: {  	v44 =	vld.idx.msk [tilespmem:v45+s16+$0x0], $0xffff;
	v20 =	vor.u32 v39, v54;
	v7 =	vsel vm0, v58, v7;
	v12 =	vsel vm0, v15, v12  }
0x1e2: {  	v1 =	vld.idx.msk [tilespmem:v1+s16+$0x0], $0xffff;
	v11 =	vor.u32 v11, v16;
	v12 =	vmul.f32 v12, v52;
	v5 =	vadd.f32 $0.0e+00, v5  }
0x1e3: {  	v10 =	vld.idx.msk [tilespmem:v10+s14+$0x0], $0xffff;
	v13 =	vsel vm0, v13, v19;
	v16 =	vand.u32 $0x4, v8;
	v19 =	vshll.u32 v63, $0x4  }
0x1e4: {  	v8 =	vshll.u32 v8, $0x4;
	v14 =	vld.idx.msk [tilespmem:v14+s14+$0x0], $0xffff;
	v52 =	vmul.f32 v13, v27;
	v5 =	vadd.f32 v12, v5  }
0x1e5: {  	v0 =	vld.idx.msk [tilespmem:v0+s16+$0x0], $0xffff;
	v13 =	vor.u32 v39, v49;
	v9 =	vsel vm0, v9, v18;
	v18 =	vor.u32 v39, v57  }
0x1e6: {  	v63 =	vld.idx.msk [tilespmem:v61+s16+$0x0], $0xffff;
	v8 =	vand.u32 $0x180, v8;
	v9 =	vmul.f32 v9, v44;
	v5 =	vadd.f32 v52, v5  }
0x1e7: {  	v45 =	vand.u32 $0x180, v19;
	v6 =	vsel vm0, v6, v48;
	v39 =	vand.u32 $0x180, v21;
	v11 =	vld.idx.msk [tilespmem:v11+s14+$0x0], $0xffff  }
0x1e8: {  	v46 =	vld.idx.msk [tilespmem:v37+s16+$0x0], $0xffff;
	v48 =	vadd.s32 v31, v8;
	v1 =	vmul.f32 v6, v1;
	v5 =	vadd.f32 v9, v5  }
0x1e9: {  	v3 =	vsel vm0, v3, v10;
	v6 =	vshll.u32 v48, $0x3;
	v48 =	vld [tilespmem:$0x1FFE0];
	v44 =	vsel vm0, v62, v14  }
0x1ea: {  	v37 =	vadd.s32 v31, v39;
	v2 =	vmul.f32 v44, v2;
	v62 =	vld.idx.msk [tilespmem:v18+s14+$0x0], $0xffff;
	v1 =	vadd.f32 v1, v5  }
0x1eb: {  	v4 =	vld.idx.msk [tilespmem:v4+s14+$0x0], $0xffff;
	v6 =	vor.u32 v16, v6;
	v12 =	vshll.u32 v37, $0x3;
	v9 =	vadd.s32 v31, v45  }
0x1ec: {  	v52 =	vld.idx.msk [tilespmem:v20+s14+$0x0], $0xffff;
	v61 =	vsel vm0, v60, v11;
	v1 =	vadd.f32 v2, v1;
	v2 =	vmul.f32 v3, v63  }
0x1ed: {  	v9 =	vshll.u32 v9, $0x3;
	v0 =	vmul.f32 v61, v0;
	v3 =	vld.idx.msk [tilespmem:v41+s16+$0x0], $0xffff;
	v41 =	vand.u32 $0x7, v59  }
0x1ee: {  	v44 =	vor.u32 v41, v12;
	v12 =	vadd.s32 v48, v29;
	v1 =	vadd.f32 v2, v1;
	v2 =	vld.idx.msk [tilespmem:v38+s16+$0x0], $0xffff  }
0x1ef: {  	v9 =	vor.u32 v24, v9;
	v45 =	vsel vm0, v51, v62;
	v51 =	vor.u32 v12, v53;
	v53 =	vld [tilespmem:$0x1FFB0]  }
0x1f0: {  	v63 =	vld.idx.msk [tilespmem:v13+s14+$0x0], $0xffff;
	v0 =	vadd.f32 v0, v1;
	v1 =	vmul.f32 v7, v46  }
0x1f1: {  	v39 =	vsel vm0, v56, v52;
	v38 =	vld.idx.msk [tilespmem:v35+s16+$0x0], $0xffff  }
0x1f2: {  	v6 =	vld.idx.msk [tilespmem:v6+s14+$0x0], $0xffff;
	v0 =	vadd.f32 v1, v0;
	v1 =	vmul.f32 v39, v3  }
0x1f3: {  	v3 =	vld.idx.msk [tilespmem:v55+s16+$0x0], $0xffff  }
0x1f4: {  	v9 =	vld.idx.msk [tilespmem:v9+s14+$0x0], $0xffff;
	v46 =	vor.u32 v33, v43;
	v0 =	vadd.f32 v1, v0;
	v1 =	vmul.f32 v45, v2  }
0x1f5: {  	v10 =	vsel vm0, v42, v63;
	v2 =	vld.idx.msk [tilespmem:v47+s16+$0x0], $0xffff  }
0x1f6: {  	v11 =	vld [tilespmem:$0x1FFC0];
	v52 =	vor.u32 v12, v26;
	v0 =	vadd.f32 v1, v0;
	v1 =	vmul.f32 v10, v38  }
0x1f7: {  	v6 =	vsel vm0, v36, v6;
	v55 =	vor.u32 v12, v54;
	v5 =	vld.idx.msk [tilespmem:v53+s16+$0x0], $0xffff  }
0x1f8: {  	v56 =	vor.u32 v12, v28;
	v7 =	vld.idx.msk [tilespmem:v44+s14+$0x0], $0xffff;
	v0 =	vadd.f32 v1, v0;
	v1 =	vmul.f32 v6, v3  }
0x1f9: {  	v58 =	vor.u32 v12, v57;
	v9 =	vsel vm0, v34, v9;
	v3 =	vld.idx.msk [tilespmem:v46+s16+$0x0], $0xffff  }
0x1fa: {  	v59 =	vor.u32 v12, v25;
	v8 =	vld.idx.msk [tilespmem:v51+s14+$0x0], $0xffff;
	v0 =	vadd.f32 v1, v0;
	v1 =	vmul.f32 v9, v2  }
0x1fb: {  	v4 =	vsel vm0, v32, v4;
	v2 =	vld.idx.msk [tilespmem:v52+s16+$0x0], $0xffff  }
0x1fc: {  	v10 =	vld.idx.msk [tilespmem:v55+s14+$0x0], $0xffff;
	v0 =	vadd.f32 v1, v0;
	v1 =	vmul.f32 v4, v5  }
0x1fd: {  	v61 =	vld.idx.msk [tilespmem:v56+s16+$0x0], $0xffff;
	v62 =	vsel vm0, v30, v7  }
0x1fe: {  	v60 =	vor.u32 v12, v49;
	v6 =	vld.idx.msk [tilespmem:v58+s14+$0x0], $0xffff;
	v0 =	vadd.f32 v1, v0;
	v1 =	vmul.f32 v62, v3  }
0x1ff: {  	v63 =	vsel vm0, v40, v8;
	v3 =	vld.idx.msk [tilespmem:v59+s16+$0x0], $0xffff  }
0x200: {  	v12 =	vor.u32 v12, v23;
	v0 =	vadd.f32 v1, v0;
	v1 =	vmul.f32 v63, v2  }
0x201: {  	v10 =	vsel vm0, v50, v10  }
0x202: {  	v0 =	vadd.f32 v1, v0;
	v1 =	vmul.f32 v10, v61  }
0x203: {  	v9 =	vld.idx.msk [tilespmem:v60+s14+$0x0], $0xffff;
	v4 =	vsel vm0, v11, v6  }
0x204: {  	v0 =	vadd.f32 v1, v0;
	v1 =	vmul.f32 v4, v3;
	v3 =	vld [tilespmem:$0x1FFD0]  }
0x205: {  	v2 =	vld.idx.msk [tilespmem:v12+s16+$0x0], $0xffff;
	_ =	sdelay $0x3  }
0x206: {  	v3 =	vsel vm0, v3, v9  }
0x207: {  	v0 =	vadd.f32 v1, v0;
	v1 =	vmul.f32 v3, v2;
	_ =	sdelay $0x1  }
0x208: {  	v0 =	vadd.f32 v1, v0  }
0x209: {  	s29 =	sadd.s32 $0x10, s29;
	s13 =	sshrl.u32 s0, $0x3  }
0x20a: {  	s30 =	sadd.s32 $0x10, s30;
	s31 =	sadd.s32 $0x10, s31;
	s13 =	smul.u32 $0x180, s13;
	[tilespmem:s29+$0x0] =	vst v0  }
0x20b: {  	s15 =	sand.u32 $0x70, s31;
	v0 =	vld [tilespmem:s30+$0x0]  }
0x20c: {  	s13 =	sor.u32 s15, s13;
	v19 =	vlaneseq.u32  }
0x20d: {  	v31 =	vor.u32 s13, v19  }
0x20e: {  	v48 =	vimm.s32 $0x12;
	v44 =	vshll.u32 v31, $0x3;
	v56 =	vimm.s32 $0x10  }
0x20f: {  	v58 =	vimm.s32 $0xF;
	v50 =	vimm.s32 $0x11;
	v62 =	vimm.s32 $0xD  }
0x210: {  	v63 =	vimm.s32 $0xC;
	v1 =	vmov s13;
	v0 =	vshll.u32 v0, $0x2  }
0x211: {  	v61 =	vimm.s32 $0xE;
	v29 =	vshll.u32 v1, $0x3;
	v26 =	vand.u32 $0x4, v0  }
0x212: {  	v1 =	vadd.s32 $0xE, v26;
	v2 =	vadd.s32 $0xF, v26;
	v3 =	vadd.s32 $0x7, v26  }
0x213: {  	v12 =	vadd.s32 $0xC, v26;
	v23 =	vor.u32 $0x3, v26;
	v13 =	vadd.s32 $0x5, v26  }
0x214: {  	v14 =	vadd.s32 $0x6, v26;
	v28 =	vor.u32 $0x1, v26;
	v25 =	vor.u32 $0x2, v26  }
0x215: {  	v15 =	vadd.s32 $0x4, v26;
	v46 =	vor.u32 v44, v26;
	v55 =	vand.u32 $0x6, v1  }
0x216: {  	v33 =	vand.u32 $0x7, v2;
	v1 =	vshll.u32 v1, $0x4;
	v2 =	vshll.u32 v2, $0x4  }
0x217: {  	v49 =	vand.u32 $0x4, v12;
	v4 =	vshll.u32 v12, $0x4;
	v54 =	vand.u32 $0x6, v14  }
0x218: {  	v43 =	vshll.u32 v3, $0x4;
	v53 =	vand.u32 $0x7, v3;
	v3 =	vimm.s32 $0x13  }
0x219: {  	v22 =	vld.idx.msk [tilespmem:v48+s11+$0x0], $0xffff;
	v57 =	vand.u32 $0x4, v15;
	v59 =	vand.u32 $0x5, v13;
	v48 =	vor.u32 v44, v25  }
0x21a: {  	v45 =	vor.u32 v44, v23;
	v5 =	vshll.u32 v13, $0x4;
	v52 =	vor.u32 v44, v28  }
0x21b: {  	v0 =	vld [tilespmem:$0x1FFF0];
	v51 =	vshll.u32 v15, $0x4;
	v2 =	vand.u32 $0x180, v2;
	v4 =	vand.u32 $0x180, v4  }
0x21c: {  	v30 =	vld.idx.msk [tilespmem:v58+s11+$0x0], $0xffff;
	v1 =	vand.u32 $0x180, v1;
	v5 =	vand.u32 $0x80, v5;
	v60 =	vand.u32 $0x80, v43  }
0x21d: {  	v6 =	vand.u32 $0x80, v51;
	v1 =	vadd.s32 v31, v1;
	v20 =	vld.idx.msk [tilespmem:v3+s11+$0x0], $0xffff;
	v3 =	vshll.u32 v14, $0x4  }
0x21e: {  	v32 =	vld.idx.msk [tilespmem:v61+s11+$0x0], $0xffff;
	v2 =	vadd.s32 v31, v2;
	v61 =	vadd.s32 v31, v60;
	v3 =	vand.u32 $0x80, v3  }
0x21f: {  	p0 =	sne.s32 s0, $0x1F;
	v34 =	vld.idx.msk [tilespmem:v62+s11+$0x0], $0xffff;
	v58 =	vadd.s32 v31, v4;
	v62 =	vadd.s32 v31, v3;
	v3 =	vimm.s32 $0xB  }
.Ltmp0:
0x220: {  	v27 =	vld.idx.msk [tilespmem:v56+s11+$0x0], $0xffff;
	v56 =	vadd.s32 v31, v6;
	v39 =	vadd.s32 v0, v29;
	v0 =	vadd.s32 $0xD, v26;
	(pc) =	sbr.rel @p0 .LBB2_2-.Ltmp0, $4  }
0x221: {  	v24 =	vld.idx.msk [tilespmem:v50+s11+$0x0], $0xffff;
	v50 =	vadd.s32 v31, v5;
	v47 =	vand.u32 $0x5, v0;
	v0 =	vshll.u32 v0, $0x4  }
0x222: {  	s2 =	sadd.s32 $0x10, s2;
	v36 =	vld.idx.msk [tilespmem:v63+s11+$0x0], $0xffff;
	v43 =	vshll.u32 v2, $0x3;
	v37 =	vor.u32 v39, v26;
	v0 =	vand.u32 $0x180, v0  }
0x223: {  	v63 =	vld [tilespmem:s2+$0x0];
	v35 =	vor.u32 v39, v23;
	v41 =	vor.u32 v39, v28;
	v0 =	vadd.s32 v31, v0  }
0x224: {  	s0 =	sadd.s32 $0x1, s0;
	v38 =	vor.u32 v39, v25;
	v60 =	vshll.u32 v0, $0x3;
	v0 =	vshll.u32 v1, $0x3;
	v42 =	vld.idx.msk [tilespmem:v3+s11+$0x0], $0xffff  }
0x225: {  	_ =	sdelay $0x2  }
0x226: {  	v2 =	vimm.s32 $0x6;
	v1 =	vshll.u32 v63, $0x2  }
0x227: {  	v3 =	vshll.u32 v56, $0x3;
	v4 =	vshll.u32 v50, $0x3;
	v21 =	vand.u32 $0x4, v1  }
0x228: {  	v50 =	vor.u32 v55, v0;
	v1 =	vor.u32 v44, v21;
	v7 =	vadd.s32 $0x4, v21  }
0x229: {  	v8 =	vld.msk [tilespmem:s11+$0x0], $0xffff;
	v11 =	vimm.s32 $0x2;
	v14 =	vimm.s32 $0x1;
	v9 =	vshll.u32 v7, $0x4  }
0x22a: {  	v15 =	vld.idx.msk [tilespmem:v46+s16+$0x0], $0xffff;
	v0 =	vor.u32 v59, v4;
	v4 =	vimm.s32 $0x4;
	v9 =	vand.u32 $0x80, v9  }
0x22b: {  	v18 =	vld.idx.msk [tilespmem:v48+s16+$0x0], $0xffff;
	v56 =	vor.u32 $0x1, v21;
	v10 =	vadd.s32 $0x6, v21;
	v9 =	vadd.s32 v31, v9  }
0x22c: {  	v2 =	vld.idx.msk [tilespmem:v2+s11+$0x0], $0xffff;
	v6 =	vor.u32 v44, v56;
	v7 =	vand.u32 $0x4, v7;
	v9 =	vshll.u32 v9, $0x3  }
0x22d: {  	v40 =	vor.u32 $0x2, v21;
	v1 =	vld.idx.msk [tilespmem:v1+s14+$0x0], $0xffff;
	v7 =	vor.u32 v7, v9;
	v9 =	vshll.u32 v10, $0x4  }
0x22e: {  	v11 =	vld.idx.msk [tilespmem:v11+s11+$0x0], $0xffff;
	v51 =	vor.u32 $0x3, v21;
	v12 =	vor.u32 v44, v40;
	v9 =	vand.u32 $0x80, v9  }
0x22f: {  	vm0 =	veq.s32 v63, $0xF4240;
	v14 =	vld.idx.msk [tilespmem:v14+s11+$0x0], $0xffff;
	v16 =	vor.u32 v44, v51;
	v9 =	vadd.s32 v31, v9  }
0x230: {  	v13 =	vadd.s32 $0x5, v21;
	v4 =	vld.idx.msk [tilespmem:v4+s11+$0x0], $0xffff;
	v10 =	vand.u32 $0x6, v10;
	v9 =	vshll.u32 v9, $0x3  }
0x231: {  	v17 =	vshll.u32 v13, $0x4;
	v6 =	vld.idx.msk [tilespmem:v6+s14+$0x0], $0xffff;
	v9 =	vor.u32 v10, v9;
	v10 =	vimm.s32 $0x3  }
0x232: {  	v1 =	vsel vm0, v8, v1;
	v8 =	vand.u32 $0x80, v17;
	v17 =	vld.idx.msk [tilespmem:v52+s16+$0x0], $0xffff  }
0x233: {  	v3 =	vor.u32 v57, v3;
	v12 =	vld.idx.msk [tilespmem:v12+s14+$0x0], $0xffff;
	v8 =	vadd.s32 v31, v8  }
0x234: {  	v5 =	vimm.s32 $0x5;
	v13 =	vand.u32 $0x5, v13;
	v48 =	vld.idx.msk [tilespmem:v16+s14+$0x0], $0xffff;
	v8 =	vshll.u32 v8, $0x3  }
0x235: {  	v7 =	vld.idx.msk [tilespmem:v7+s14+$0x0], $0xffff;
	v8 =	vor.u32 v13, v8  }
0x236: {  	v1 =	vmul.f32 v1, v15;
	v6 =	vsel vm0, v14, v6;
	v10 =	vld.idx.msk [tilespmem:v10+s11+$0x0], $0xffff  }
0x237: {  	v44 =	vshll.u32 v62, $0x3;
	v6 =	vmul.f32 v6, v17;
	v17 =	vld.idx.msk [tilespmem:v45+s16+$0x0], $0xffff  }
0x238: {  	v46 =	vadd.s32 $0x7, v21;
	v3 =	vld.idx.msk [tilespmem:v3+s16+$0x0], $0xffff;
	v1 =	vadd.f32 $0.0e+00, v1;
	v13 =	vor.u32 v54, v44  }
0x239: {  	v5 =	vld.idx.msk [tilespmem:v5+s11+$0x0], $0xffff;
	v16 =	vshll.u32 v46, $0x4;
	v11 =	vsel vm0, v11, v12  }
0x23a: {  	v52 =	vand.u32 $0x80, v16;
	v1 =	vadd.f32 v6, v1;
	v6 =	vmul.f32 v11, v18;
	v8 =	vld.idx.msk [tilespmem:v8+s14+$0x0], $0xffff  }
0x23b: {  	v0 =	vld.idx.msk [tilespmem:v0+s16+$0x0], $0xffff;
	v14 =	vand.u32 $0x7, v46;
	v4 =	vsel vm0, v4, v7;
	v10 =	vsel vm0, v10, v48  }
0x23c: {  	v9 =	vld.idx.msk [tilespmem:v9+s14+$0x0], $0xffff;
	v11 =	vadd.s32 v31, v52;
	v1 =	vadd.f32 v6, v1;
	v6 =	vmul.f32 v10, v17  }
0x23d: {  	v3 =	vmul.f32 v4, v3;
	v4 =	vimm.s32 $0x7;
	v11 =	vshll.u32 v11, $0x3;
	v13 =	vld.idx.msk [tilespmem:v13+s16+$0x0], $0xffff  }
0x23e: {  	v54 =	vshll.u32 v61, $0x3;
	v11 =	vor.u32 v14, v11;
	v1 =	vadd.f32 v6, v1  }
0x23f: {  	v12 =	vor.u32 v53, v54;
	v5 =	vsel vm0, v5, v8  }
0x240: {  	v7 =	vor.u32 v39, v21;
	v1 =	vadd.f32 v3, v1;
	v0 =	vmul.f32 v5, v0  }
0x241: {  	v2 =	vsel vm0, v2, v9;
	v9 =	vor.u32 v39, v56;
	v8 =	vadd.s32 $0xC, v21  }
0x242: {  	v4 =	vld.idx.msk [tilespmem:v4+s11+$0x0], $0xffff;
	v2 =	vmul.f32 v2, v13;
	v5 =	vimm.s32 $0x8;
	v0 =	vadd.f32 v0, v1  }
0x243: {  	v11 =	vld.idx.msk [tilespmem:v11+s14+$0x0], $0xffff;
	v3 =	vshll.u32 v8, $0x4  }
0x244: {  	v12 =	vld.idx.msk [tilespmem:v12+s16+$0x0], $0xffff;
	v3 =	vand.u32 $0x180, v3;
	v0 =	vadd.f32 v2, v0;
	v2 =	vimm.s32 $0x9  }
0x245: {  	v10 =	vshll.u32 v58, $0x3;
	v7 =	vld.idx.msk [tilespmem:v7+s14+$0x0], $0xffff;
	v3 =	vadd.s32 v31, v3  }
0x246: {  	v58 =	vimm.s32 $0xA;
	v8 =	vand.u32 $0x4, v8;
	v9 =	vld.idx.msk [tilespmem:v9+s14+$0x0], $0xffff;
	v3 =	vshll.u32 v3, $0x3  }
0x247: {  	v3 =	vor.u32 v8, v3;
	v8 =	vor.u32 v39, v40;
	v5 =	vld.idx.msk [tilespmem:v5+s11+$0x0], $0xffff  }
0x248: {  	v6 =	vadd.s32 $0xD, v21;
	v4 =	vsel vm0, v4, v11;
	v11 =	vld.idx.msk [tilespmem:v37+s16+$0x0], $0xffff  }
0x249: {  	v10 =	vor.u32 v49, v10;
	v1 =	vshll.u32 v6, $0x4;
	v2 =	vld.idx.msk [tilespmem:v2+s11+$0x0], $0xffff  }
0x24a: {  	v57 =	vor.u32 v47, v60;
	v60 =	vadd.s32 $0xE, v21;
	v16 =	vld.idx.msk [tilespmem:v41+s16+$0x0], $0xffff;
	v1 =	vand.u32 $0x180, v1  }
0x24b: {  	v59 =	vor.u32 v39, v51;
	v13 =	vld.idx.msk [tilespmem:v58+s11+$0x0], $0xffff;
	v6 =	vand.u32 $0x5, v6;
	v1 =	vadd.s32 v31, v1  }
0x24c: {  	v1 =	vshll.u32 v1, $0x3;
	v4 =	vmul.f32 v4, v12;
	v8 =	vld.idx.msk [tilespmem:v8+s14+$0x0], $0xffff;
	v5 =	vsel vm0, v5, v7  }
0x24d: {  	v1 =	vor.u32 v6, v1;
	v7 =	vshll.u32 v60, $0x4;
	v5 =	vmul.f32 v5, v11;
	v11 =	vld.idx.msk [tilespmem:v38+s16+$0x0], $0xffff  }
0x24e: {  	v6 =	vadd.s32 $0xF, v21;
	v7 =	vand.u32 $0x180, v7;
	v2 =	vsel vm0, v2, v9;
	v9 =	vld.idx.msk [tilespmem:v10+s16+$0x0], $0xffff  }
0x24f: {  	v0 =	vadd.f32 v4, v0;
	v4 =	vshll.u32 v6, $0x4;
	v7 =	vadd.s32 v31, v7;
	v10 =	vld [tilespmem:$0x1FFE0]  }
0x250: {  	v15 =	vld.idx.msk [tilespmem:v59+s14+$0x0], $0xffff;
	v12 =	vand.u32 $0x6, v60;
	v4 =	vand.u32 $0x180, v4;
	v7 =	vshll.u32 v7, $0x3  }
0x251: {  	v4 =	vadd.s32 v31, v4;
	v0 =	vadd.f32 v5, v0;
	v5 =	vld.idx.msk [tilespmem:v35+s16+$0x0], $0xffff;
	v7 =	vor.u32 v12, v7  }
0x252: {  	v6 =	vand.u32 $0x7, v6;
	v3 =	vld.idx.msk [tilespmem:v3+s14+$0x0], $0xffff;
	v4 =	vshll.u32 v4, $0x3;
	v2 =	vmul.f32 v2, v16  }
0x253: {  	v4 =	vor.u32 v6, v4;
	v6 =	vsel vm0, v13, v8;
	v8 =	vor.u32 v33, v43  }
0x254: {  	v1 =	vld.idx.msk [tilespmem:v1+s14+$0x0], $0xffff;
	v0 =	vadd.f32 v2, v0;
	v2 =	vmul.f32 v6, v11;
	v10 =	vadd.s32 v10, v29  }
0x255: {  	v6 =	vsel vm0, v42, v15;
	v11 =	vld.idx.msk [tilespmem:v57+s16+$0x0], $0xffff;
	v61 =	vor.u32 v10, v21  }
0x256: {  	v0 =	vadd.f32 v2, v0;
	v2 =	vmul.f32 v6, v5;
	v5 =	vld.idx.msk [tilespmem:v7+s14+$0x0], $0xffff;
	v6 =	vor.u32 v10, v26  }
0x257: {  	v3 =	vsel vm0, v36, v3;
	v7 =	vld.idx.msk [tilespmem:v50+s16+$0x0], $0xffff;
	v62 =	vor.u32 v10, v56  }
0x258: {  	v0 =	vadd.f32 v2, v0;
	v2 =	vmul.f32 v3, v9;
	v3 =	vld.idx.msk [tilespmem:v4+s14+$0x0], $0xffff;
	v4 =	vor.u32 v10, v28  }
0x259: {  	v1 =	vsel vm0, v34, v1;
	v8 =	vld.idx.msk [tilespmem:v8+s16+$0x0], $0xffff;
	v9 =	vor.u32 v10, v40  }
0x25a: {  	v1 =	vmul.f32 v1, v11;
	v11 =	vor.u32 v10, v25;
	v0 =	vadd.f32 v2, v0;
	v2 =	vld.idx.msk [tilespmem:v61+s14+$0x0], $0xffff  }
0x25b: {  	v63 =	vor.u32 v10, v51;
	v5 =	vsel vm0, v32, v5;
	v6 =	vld.idx.msk [tilespmem:v6+s16+$0x0], $0xffff  }
0x25c: {  	v10 =	vor.u32 v10, v23;
	v0 =	vadd.f32 v1, v0;
	v1 =	vmul.f32 v5, v7;
	v5 =	vld.idx.msk [tilespmem:v62+s14+$0x0], $0xffff  }
0x25d: {  	v3 =	vsel vm0, v30, v3;
	v4 =	vld.idx.msk [tilespmem:v4+s16+$0x0], $0xffff  }
0x25e: {  	v0 =	vadd.f32 v1, v0;
	v1 =	vmul.f32 v3, v8;
	v3 =	vld.idx.msk [tilespmem:v9+s14+$0x0], $0xffff  }
0x25f: {  	v7 =	vld.idx.msk [tilespmem:v11+s16+$0x0], $0xffff;
	v2 =	vsel vm0, v27, v2  }
0x260: {  	v0 =	vadd.f32 v1, v0;
	v1 =	vmul.f32 v2, v6;
	v2 =	vld.idx.msk [tilespmem:v63+s14+$0x0], $0xffff  }
0x261: {  	v5 =	vsel vm0, v24, v5;
	v6 =	vld.idx.msk [tilespmem:v10+s16+$0x0], $0xffff  }
0x262: {  	v0 =	vadd.f32 v1, v0;
	v1 =	vmul.f32 v5, v4  }
0x263: {  	v3 =	vsel vm0, v22, v3  }
0x264: {  	v0 =	vadd.f32 v1, v0;
	v1 =	vmul.f32 v3, v7  }
0x265: {  	v2 =	vsel vm0, v20, v2  }
0x266: {  	v0 =	vadd.f32 v1, v0;
	v1 =	vmul.f32 v2, v6;
	_ =	sdelay $0x1  }
0x267: {  	s28 =	sadd.s32 $0x1, s28;
	v0 =	vadd.f32 v1, v0  }
0x268: {  	s0 =	sadd.s32 $0x10, s29;
	p0 =	sne.s32 s28, s9  }
.Ltmp1:
0x269: {  	[tilespmem:s0+$0x0] =	vst v0;
	(pc) =	sbr.rel @p0 .LBB2_1-.Ltmp1, $4  }
0x26a: {  	[hbm4b:s8+s1] =	stream.linear.scatter [tilespmem:s26], [sflag:$0x2], $0x200, $0x38;
	[tilespmem:$0x7220] =	vst v63  }
0x26b: {  	v8 =	vimm.s32 $0x11;
	v9 =	vimm.s32 $0x12;
	v10 =	vimm.s32 $0x13;
	_ =	swait.ge [sflag:s10], $0x200  }
0x26c: {  	v4 =	vimm.s32 $0xD;
	v5 =	vimm.s32 $0xE;
	v3 =	vimm.s32 $0xC;
	[sflag:s10] =	ssyncset.done $0x0  }
0x26d: {  	v7 =	vimm.s32 $0x10;
	v2 =	vimm.s32 $0xB;
	v6 =	vimm.s32 $0xF;
	[sflag:s10] =	ssyncadd.s32 $0xFFFFFE00  }
0x26e: {  	_ =	sfence.sel $0x180000  }
0x26f: {  	[bflag:$0x0] =	sbarrier.arrive $0xFFFF  }
0x270: {  	_ =	strace $0x90000047  }
0x271: {  	s0 =	stileid.u32;
	[bflag:$0x2] =	sbarrier.arrive $0xFFFF  }
0x272: {  	p0 =	sne.s32 s0, $0x0;
	s0 =	rddreg [dreg:$0x4]  }
0x273: {  	s0 =	sadd.s32 @!p0 $0x100000, s0  }
0x274: {  	[sflag:s0] =	ssyncadd.tile.s32 @!p0 $0x1;
	_ =	shalt  }
.Lfunc_end2:
_tile_overlayer_lowered:
.L_overlay_start_2:
0x275: {  	(tag) =	ssettag $0x2  }
0x276: {  	s0 =	rddreg [dreg:$0x0];
	s2 =	stileid.u32  }
0x277: {  	s1 =	rddreg [dreg:$0x1];
	p0 =	sne.s32 s2, $0x0  }
0x278: {  	s3 =	rddreg [dreg:$0x2];
	[bflag:$0x3] =	sbarrier.arrive $0xFFFF;
	s2 =	simm.s32 @!p0 $0x1C02  }
0x279: {  	[timem:s3], [sflag:s2] =	dma.local @!p0 [hbm:s0], s1  }
0x27a: {  	s0 =	simm.s32 @!p0 $0x2  }
0x27b: {  	_ =	swait.ge @!p0 [sflag:s0], s1  }
0x27c: {  	s1 =	ssub.s32 @!p0 $0x0, s1;
	[sflag:s0] =	ssyncset.done @!p0 $0x0  }
0x27d: {  	[sflag:s0] =	ssyncadd.s32 @!p0 s1  }
0x27e: {  	[bflag:$0x3] =	sbarrier.arrive $0xFFFF  }
0x27f: {  	_ =	shalt  }

</sc_bundles>
